<compile_context>
chip_gen: v7x
topology: tpu7x:2x2x1
jax: 0.10.2.dev20260603
libtpu: 0.0.44.dev20260713+nightly
codegen_flags: <defaults>
</compile_context>

<pallas_src>
import jax
import jax.numpy as jnp
from jax import lax
from jax.experimental import pallas as pl
from jax.experimental.pallas import tpu as pltpu
from jax.experimental.pallas import tpu_sc as plsc

N = 4_000_000
BINS = 5
CHUNK = 16_000
NCHUNKS = N // CHUNK
TCC = 160
SCC = NCHUNKS - TCC
TC_RB = 200
TC_STEPS = TCC * 125 // TC_RB
NC, NS = 2, 16
NW = NC * NS
VPC = CHUNK // 16

_BASE = SCC // NW
_EXTRA = SCC % NW

_LT = (
    0.2876902085936771, -1.333342676597351, 0.8865566226237033,
    -0.7874456068595445, 0.8869645527936711, -0.9538804877894336,
)


BPC = CHUNK // 128


def _sc_body(x_hbm, y_hbm, out_hbm,
             xb0, yb0, xb1, yb1, acc_s, acc_c, sx0, sy0, sx1, sy1):
    cid = lax.axis_index("c")
    sid = lax.axis_index("s")
    wid = sid * NC + cid
    nch = jnp.where(wid < _EXTRA, _BASE + 1, _BASE)
    start = TCC + wid * _BASE + jnp.minimum(wid, _EXTRA)

    zeros16 = jnp.zeros((16,), jnp.float32)
    for k in range(BINS):
        acc_s[pl.ds(k * 16, 16)] = zeros16
        acc_c[pl.ds(k * 16, 16)] = zeros16

    iota = lax.iota(jnp.int32, 16)
    ones16 = jnp.ones((16,), jnp.float32)

    def start_dma(c, xb, yb, sx, sy):
        pltpu.async_copy(x_hbm.at[pl.ds(c * BPC, BPC), 1, :], xb, sx)
        pltpu.async_copy(y_hbm.at[pl.ds(c * CHUNK, CHUNK)], yb, sy)

    def wait_dma(c, xb, yb, sx, sy):
        pltpu.make_async_copy(x_hbm.at[pl.ds(c * BPC, BPC), 1, :], xb, sx).wait()
        pltpu.make_async_copy(y_hbm.at[pl.ds(c * CHUNK, CHUNK)], yb, sy).wait()

    def process(xb, yb):
        @plsc.parallel_loop(0, BPC, unroll=1)
        def _(blk):
            for k in range(8):
                y = yb[pl.ds(blk * 128 + k * 16, 16)]
                x = xb[blk, pl.ds(k * 16, 16)]
                e = jnp.exp(-x)
                r = 1.0 / (1.0 + e)
                g = jnp.abs(r - y)
                u = jnp.maximum(r, 1.0 - r) - 0.75
                p = jnp.float32(_LT[5])
                for j in (4, 3, 2, 1, 0):
                    p = p * u + _LT[j]
                pe = jnp.maximum(x, 0.0) - x * y + p
                b = jnp.minimum((g * 5.0).astype(jnp.int32), 4)
                idx = b * 16 + iota
                plsc.addupdate_scatter(acc_s, [idx], pe)
                plsc.addupdate_scatter(acc_c, [idx], ones16)

    start_dma(start, xb0, yb0, sx0, sy0)

    def chunk_body(j, carry):
        c = start + j
        even = (j % 2) == 0

        @pl.when(even)
        def _():
            @pl.when(j + 1 < nch)
            def _():
                start_dma(c + 1, xb1, yb1, sx1, sy1)
            wait_dma(c, xb0, yb0, sx0, sy0)
            process(xb0, yb0)

        @pl.when(jnp.logical_not(even))
        def _():
            @pl.when(j + 1 < nch)
            def _():
                start_dma(c + 1, xb0, yb0, sx0, sy0)
            wait_dma(c, xb1, yb1, sx1, sy1)
            process(xb1, yb1)

        return carry

    lax.fori_loop(0, nch, chunk_body, 0)
    pltpu.sync_copy(acc_s, out_hbm.at[pl.ds(wid * 160, 80)])
    pltpu.sync_copy(acc_c, out_hbm.at[pl.ds(wid * 160 + 80, 80)])


@jax.jit
def _ghm_sc(x, targets):
    mesh = plsc.VectorSubcoreMesh(
        core_axis_name="c", subcore_axis_name="s", num_cores=NC, num_subcores=NS
    )
    run = pl.kernel(
        _sc_body,
        out_type=jax.ShapeDtypeStruct((NW * 160,), jnp.float32),
        mesh=mesh,
        scratch_types=[
            pltpu.VMEM((BPC, 128), jnp.float32),
            pltpu.VMEM((CHUNK,), jnp.float32),
            pltpu.VMEM((BPC, 128), jnp.float32),
            pltpu.VMEM((CHUNK,), jnp.float32),
            pltpu.VMEM((80,), jnp.float32),
            pltpu.VMEM((80,), jnp.float32),
            pltpu.SemaphoreType.DMA,
            pltpu.SemaphoreType.DMA,
            pltpu.SemaphoreType.DMA,
            pltpu.SemaphoreType.DMA,
        ],
        compiler_params=pltpu.CompilerParams(needs_layout_passes=False),
    )
    return run(x, targets)


RTC = TCC * 125
TC_PH = 4
HR = RTC // TC_PH


def _tc_body(x3_ref, y_ref, out_ref, xb, yb, sx, sy):
    def start(h):
        s = h % 2
        pltpu.make_async_copy(
            x3_ref.at[pl.ds(h * HR, HR), 1, :], xb.at[s], sx.at[s]).start()
        pltpu.make_async_copy(
            y_ref.at[pl.ds(h * HR, HR), :], yb.at[s], sy.at[s]).start()

    def wait(h):
        s = h % 2
        pltpu.make_async_copy(
            x3_ref.at[pl.ds(h * HR, HR), 1, :], xb.at[s], sx.at[s]).wait()
        pltpu.make_async_copy(
            y_ref.at[pl.ds(h * HR, HR), :], yb.at[s], sy.at[s]).wait()

    def strip_fn(xh, yh):
        def strip(s, acc):
            x = xh[pl.ds(8 * s, 8), :]
            y = yh[pl.ds(8 * s, 8), :]
            e = jnp.exp(-x)
            r = 1.0 / (1.0 + e)
            g = jnp.abs(r - y)
            pe = jnp.maximum(x, 0.0) - x * y - jnp.log(jnp.maximum(r, 1.0 - r))
            new = [acc[0] + pe]
            for k in (1, 2, 3, 4):
                m = g >= (k / 5.0)
                new.append(acc[k] + jnp.where(m, pe, 0.0))
            for k in (1, 2, 3, 4):
                m = g >= (k / 5.0)
                new.append(acc[4 + k] + jnp.where(m, 1.0, 0.0))
            return tuple(new)
        return strip

    z8 = jnp.zeros((8, 128), jnp.float32)
    acc = (z8,) * 9
    start(0)
    for h in range(TC_PH):
        if h + 1 < TC_PH:
            start(h + 1)
        wait(h)
        s = h % 2
        acc = lax.fori_loop(0, HR // 8, strip_fn(xb.at[s], yb.at[s]), acc,
                            unroll=4)
    for k in range(9):
        out_ref[8 * k:8 * k + 8, :] = acc[k]


@jax.jit
def _ghm_tc(x3, y2):
    return pl.pallas_call(
        _tc_body,
        in_specs=[
            pl.BlockSpec(memory_space=pl.ANY),
            pl.BlockSpec(memory_space=pl.ANY),
        ],
        out_specs=pl.BlockSpec(memory_space=pltpu.MemorySpace.VMEM),
        out_shape=jax.ShapeDtypeStruct((72, 128), jnp.float32),
        scratch_shapes=[
            pltpu.VMEM((2, HR, 128), jnp.float32),
            pltpu.VMEM((2, HR, 128), jnp.float32),
            pltpu.SemaphoreType.DMA((2,)),
            pltpu.SemaphoreType.DMA((2,)),
        ],
    )(x3, y2)


def kernel(logits, targets):
    x3 = logits.reshape(N // 128, 128, 2).transpose(0, 2, 1)
    part = _ghm_sc(x3, targets)
    y2 = targets.reshape(N // 128, 128)
    tcp = _ghm_tc(x3, y2)
    p = part.reshape(NW, 2, BINS, 16)
    s_b = jnp.sum(p[:, 0], axis=(0, 2))
    c_b = jnp.sum(p[:, 1], axis=(0, 2))
    q = jnp.sum(tcp.reshape(9, 8, 128), axis=(1, 2))
    ntc = float(TCC * CHUNK)
    qs = q[0:5]
    qc = jnp.concatenate([jnp.full((1,), ntc, jnp.float32), q[5:9]])
    z1 = jnp.zeros((1,), jnp.float32)
    s_b = s_b + qs - jnp.concatenate([qs[1:], z1])
    c_b = c_b + qc - jnp.concatenate([qc[1:], z1])
    total = float(logits.size)
    w_b = jnp.where(c_b > 0, total / ((1.0 - 0.5) * c_b), 0.0)
    return jnp.sum(w_b * s_b) / targets.shape[0]

# --- scband reference (transcript-rebuilt; emitter-appended) ---
"""Pipeline reference for scband-ghmloss-28707561407305 (READ-ONLY COPY).

The authoritative reference and input builder live on the scoring server;
editing this copy changes nothing except your own understanding.
"""

import jax, jax.numpy as jnp
import numpy as np

BINS = 5
MOMENTUM = 0.5
N = 4000000


def setup_inputs(seed: int = 0) -> dict:
    key = jax.random.key(seed)
    k1, k2 = jax.random.split(key)
    logits = jax.random.normal(k1, (N, 2), dtype=jnp.float32)
    targets = jax.random.uniform(k2, (N,), dtype=jnp.float32)
    return {"logits": logits, "targets": targets}


def _ghm_loss(logits, targets, bins=BINS, momentum=MOMENTUM):
    # edges = arange(0, 1.001, 1/bins); edges[-1] += 1e-6  (static, like torch buffer)
    edges = np.arange(0.0, 1.001, 1.0 / bins)
    edges[-1] += 1e-6

    sig1 = jax.nn.sigmoid(logits)[:, 1]
    # g uses detached sigmoid in torch; masks/counts are non-differentiable anyway
    g = jnp.abs(jax.lax.stop_gradient(sig1) - jax.lax.stop_gradient(targets)).reshape(-1)
    total = float(logits.size)  # logits.numel() in torch (= N*2)

    weights = jnp.zeros_like(sig1)
    # acc_sum starts at zeros -> acc_sum[i] = momentum*0 + (1-momentum)*num_in_bin
    for i in range(bins):
        inds = (g >= edges[i]) & (g < edges[i + 1])
        num_in_bin = jnp.sum(inds).astype(jnp.float32)
        acc = momentum * 0.0 + (1.0 - momentum) * num_in_bin
        weights = jnp.where(inds, total / acc, weights)
    weights = jax.lax.stop_gradient(weights)  # weight is a constant in BCEWithLogitsLoss

    # BCEWithLogitsLoss(weight=weights) on (logits[:,1], targets), reduction='mean'
    x = logits[:, 1]
    y = targets
    per_elem = jnp.maximum(x, 0.0) - x * y + jnp.log1p(jnp.exp(-jnp.abs(x)))
    loss = jnp.mean(weights * per_elem)
    return loss


def reference(logits, targets):
    return _ghm_loss(logits, targets)

if __name__ == "__main__":
    import jax
    _d = setup_inputs()
    print(jax.jit(kernel)(*tuple(_d.values())))

</pallas_src>

<mosaic_0001>
#map = affine_map<(d0, d1) -> (0, 0, 0)>
#map1 = affine_map<(d0, d1) -> (0)>
module attributes {stable_mosaic.version = 14 : i64} {
  func.func @_sc_body(%arg0: i32, %arg1: i32, %arg2: memref<31250x2x128xf32, #tpu.memory_space<hbm>>, %arg3: memref<4000000xf32, #tpu.memory_space<hbm>>, %arg4: memref<5120xf32, #tpu.memory_space<hbm>>, %arg5: memref<125x128xf32, #tpu.memory_space<vmem>>, %arg6: memref<16000xf32, #tpu.memory_space<vmem>>, %arg7: memref<125x128xf32, #tpu.memory_space<vmem>>, %arg8: memref<16000xf32, #tpu.memory_space<vmem>>, %arg9: memref<80xf32, #tpu.memory_space<vmem>>, %arg10: memref<80xf32, #tpu.memory_space<vmem>>, %arg11: memref<!tpu.dma_semaphore, #tpu.memory_space<semaphore_mem>>, %arg12: memref<!tpu.dma_semaphore, #tpu.memory_space<semaphore_mem>>, %arg13: memref<!tpu.dma_semaphore, #tpu.memory_space<semaphore_mem>>, %arg14: memref<!tpu.dma_semaphore, #tpu.memory_space<semaphore_mem>>) attributes {dimension_semantics = [#tpu.dimension_semantics<core_parallel>, #tpu.dimension_semantics<subcore_parallel>], iteration_bounds = array<i64: 2, 16>, scalar_prefetch = 0 : i64, scratch_operands = 10 : i64, tpu.core_type = #tpu.core_type<sc_vector_subcore>, window_params = [{transform_indices = #map}, {transform_indices = #map1}, {transform_indices = #map1}]} {
    %mul3A = arith.constant 2 : i32
    %mul3A_0 = arith.muli %arg1, %mul3A : i32
    %add3A = arith.addi %mul3A_0, %arg0 : i32
    %lt3A = arith.constant 26 : i32
    %lt3A_1 = arith.cmpi slt, %add3A, %lt3A : i32
    %jit3A = arith.constant 3 : i32
    %jit3A_2 = arith.constant 2 : i32
    %select_n3A = arith.select %lt3A_1, %jit3A, %jit3A_2 : i32
    %mul3A_3 = arith.constant 2 : i32
    %mul3A_4 = arith.muli %add3A, %mul3A_3 : i32
    %add3A_5 = arith.constant 160 : i32
    %add3A_6 = arith.addi %add3A_5, %mul3A_4 : i32
    %min3A = arith.constant 26 : i32
    %min3A_7 = arith.minsi %add3A, %min3A : i32
    %add3A_8 = arith.addi %add3A_6, %min3A_7 : i32
    %broadcast_in_dim3A = arith.constant 0.000000e+00 : f32
    %broadcast_in_dim3A_9 = vector.broadcast %broadcast_in_dim3A : f32 to vector<16xf32>
    %swap3A = arith.constant 0 : index
    %swap3A_10 = tpu.vector_load %arg9[%swap3A] {strides = array<i32>} : memref<80xf32, #tpu.memory_space<vmem>>, vector<16xf32>,
    tpu.vector_store %arg9[%swap3A], %broadcast_in_dim3A_9 {strides = array<i32>} : memref<80xf32, #tpu.memory_space<vmem>>, vector<16xf32>,
    %swap3A_11 = arith.constant 0 : index
    %swap3A_12 = tpu.vector_load %arg10[%swap3A_11] {strides = array<i32>} : memref<80xf32, #tpu.memory_space<vmem>>, vector<16xf32>,
    tpu.vector_store %arg10[%swap3A_11], %broadcast_in_dim3A_9 {strides = array<i32>} : memref<80xf32, #tpu.memory_space<vmem>>, vector<16xf32>,
    %swap3A_13 = arith.constant 16 : index
    %swap3A_14 = tpu.vector_load %arg9[%swap3A_13] {strides = array<i32>} : memref<80xf32, #tpu.memory_space<vmem>>, vector<16xf32>,
    tpu.vector_store %arg9[%swap3A_13], %broadcast_in_dim3A_9 {strides = array<i32>} : memref<80xf32, #tpu.memory_space<vmem>>, vector<16xf32>,
    %swap3A_15 = arith.constant 16 : index
    %swap3A_16 = tpu.vector_load %arg10[%swap3A_15] {strides = array<i32>} : memref<80xf32, #tpu.memory_space<vmem>>, vector<16xf32>,
    tpu.vector_store %arg10[%swap3A_15], %broadcast_in_dim3A_9 {strides = array<i32>} : memref<80xf32, #tpu.memory_space<vmem>>, vector<16xf32>,
    %swap3A_17 = arith.constant 32 : index
    %swap3A_18 = tpu.vector_load %arg9[%swap3A_17] {strides = array<i32>} : memref<80xf32, #tpu.memory_space<vmem>>, vector<16xf32>,
    tpu.vector_store %arg9[%swap3A_17], %broadcast_in_dim3A_9 {strides = array<i32>} : memref<80xf32, #tpu.memory_space<vmem>>, vector<16xf32>,
    %swap3A_19 = arith.constant 32 : index
    %swap3A_20 = tpu.vector_load %arg10[%swap3A_19] {strides = array<i32>} : memref<80xf32, #tpu.memory_space<vmem>>, vector<16xf32>,
    tpu.vector_store %arg10[%swap3A_19], %broadcast_in_dim3A_9 {strides = array<i32>} : memref<80xf32, #tpu.memory_space<vmem>>, vector<16xf32>,
    %swap3A_21 = arith.constant 48 : index
    %swap3A_22 = tpu.vector_load %arg9[%swap3A_21] {strides = array<i32>} : memref<80xf32, #tpu.memory_space<vmem>>, vector<16xf32>,
    tpu.vector_store %arg9[%swap3A_21], %broadcast_in_dim3A_9 {strides = array<i32>} : memref<80xf32, #tpu.memory_space<vmem>>, vector<16xf32>,
    %swap3A_23 = arith.constant 48 : index
    %swap3A_24 = tpu.vector_load %arg10[%swap3A_23] {strides = array<i32>} : memref<80xf32, #tpu.memory_space<vmem>>, vector<16xf32>,
    tpu.vector_store %arg10[%swap3A_23], %broadcast_in_dim3A_9 {strides = array<i32>} : memref<80xf32, #tpu.memory_space<vmem>>, vector<16xf32>,
    %swap3A_25 = arith.constant 64 : index
    %swap3A_26 = tpu.vector_load %arg9[%swap3A_25] {strides = array<i32>} : memref<80xf32, #tpu.memory_space<vmem>>, vector<16xf32>,
    tpu.vector_store %arg9[%swap3A_25], %broadcast_in_dim3A_9 {strides = array<i32>} : memref<80xf32, #tpu.memory_space<vmem>>, vector<16xf32>,
    %swap3A_27 = arith.constant 64 : index
    %swap3A_28 = tpu.vector_load %arg10[%swap3A_27] {strides = array<i32>} : memref<80xf32, #tpu.memory_space<vmem>>, vector<16xf32>,
    tpu.vector_store %arg10[%swap3A_27], %broadcast_in_dim3A_9 {strides = array<i32>} : memref<80xf32, #tpu.memory_space<vmem>>, vector<16xf32>,
    %iota3A = tpu.iota {dimensions = array<i32: 0>} : vector<16xi32>
    %broadcast_in_dim3A_29 = arith.constant 1.000000e+00 : f32
    %broadcast_in_dim3A_30 = vector.broadcast %broadcast_in_dim3A_29 : f32 to vector<16xf32>
    %mul3A_31 = arith.constant 125 : i32
    %mul3A_32 = arith.muli %add3A_8, %mul3A_31 : i32
    %dma_start3A = arith.constant 1 : i32
    %dma_start3A_33 = arith.constant 0 : i32
    %dma_start3A_34 = tpu.memref_slice %arg2[%mul3A_32, %dma_start3A, %dma_start3A_33] : memref<31250x2x128xf32, #tpu.memory_space<hbm>> -> memref<125x1x128xf32, #tpu.memory_space<hbm>>
    %dma_start3A_35 = tpu.memref_squeeze %dma_start3A_34 : memref<125x1x128xf32, #tpu.memory_space<hbm>> -> memref<125x128xf32, #tpu.memory_space<hbm>>
    %dma_start3A_36 = arith.constant 0 : i32
    %dma_start3A_37 = tpu.memref_slice %arg2[%mul3A_32, %dma_start3A, %dma_start3A_36] : memref<31250x2x128xf32, #tpu.memory_space<hbm>> -> memref<125x1x128xf32, #tpu.memory_space<hbm>>
    %dma_start3A_38 = tpu.memref_squeeze %dma_start3A_37 : memref<125x1x128xf32, #tpu.memory_space<hbm>> -> memref<125x128xf32, #tpu.memory_space<hbm>>
    tpu.enqueue_dma source(%dma_start3A_38 : memref<125x128xf32, #tpu.memory_space<hbm>>) target(%arg5 : memref<125x128xf32, #tpu.memory_space<vmem>>) target_semaphore(%arg11 : memref<!tpu.dma_semaphore, #tpu.memory_space<semaphore_mem>>)
    %mul3A_39 = arith.constant 16000 : i32
    %mul3A_40 = arith.muli %add3A_8, %mul3A_39 : i32
    %dma_start3A_41 = tpu.memref_slice %arg3[%mul3A_40] : memref<4000000xf32, #tpu.memory_space<hbm>> -> memref<16000xf32, #tpu.memory_space<hbm>>
    %dma_start3A_42 = tpu.memref_slice %arg3[%mul3A_40] : memref<4000000xf32, #tpu.memory_space<hbm>> -> memref<16000xf32, #tpu.memory_space<hbm>>
    tpu.enqueue_dma source(%dma_start3A_42 : memref<16000xf32, #tpu.memory_space<hbm>>) target(%arg6 : memref<16000xf32, #tpu.memory_space<vmem>>) target_semaphore(%arg12 : memref<!tpu.dma_semaphore, #tpu.memory_space<semaphore_mem>>)
    %while3A = arith.constant 0 : i32
    %while3A_43 = arith.constant 0 : i32
    %while3A_44 = arith.subi %select_n3A, %while3A_43 : i32
    %while3A_45 = arith.addi %while3A_43, %while3A_44 : i32
    %while3A_46 = arith.constant 1 : i32
    %while3A_47 = arith.divsi %while3A_44, %while3A_46 : i32
    %while3A_48 = arith.muli %while3A_47, %while3A_46 : i32
    %while3A_49 = arith.addi %while3A_43, %while3A_48 : i32
    %while3A_50 = arith.constant 1 : i32
    scf.for %while3A_58 = %while3A_43 to %while3A_49 step %while3A_50  : i32 {
      %add3A_59 = arith.addi %add3A_8, %while3A_58 : i32
      %jit3A_60 = arith.constant 2 : i32
      %eq3A = arith.constant 0 : i32
      %eq3A_61 = arith.cmpi eq, %jit3A_60, %eq3A : i32
      %jit3A_62 = arith.constant 1 : i32
      %select_n3A_63 = arith.select %eq3A_61, %jit3A_62, %jit3A_60 : i32
      %rem3A = arith.remsi %while3A_58, %select_n3A_63 : i32
      %ne3A = arith.constant 0 : i32
      %ne3A_64 = arith.cmpi ne, %rem3A, %ne3A : i32
      %lt3A_65 = arith.constant 0 : i32
      %lt3A_66 = arith.cmpi slt, %rem3A, %lt3A_65 : i32
      %lt3A_67 = arith.constant 0 : i32
      %lt3A_68 = arith.cmpi slt, %select_n3A_63, %lt3A_67 : i32
      %ne3A_69 = arith.xori %lt3A_66, %lt3A_68 : i1
      %and3A = arith.andi %ne3A_69, %ne3A_64 : i1
      %add3A_70 = arith.addi %rem3A, %select_n3A_63 : i32
      %select_n3A_71 = arith.select %and3A, %add3A_70, %rem3A : i32
      %eq3A_72 = arith.constant 0 : i32
      %eq3A_73 = arith.cmpi eq, %select_n3A_71, %eq3A_72 : i32
      %convert_element_type3A = arith.extui %eq3A_73 : i1 to i32
      %cond3A = arith.constant 0 : i32
      %cond3A_74 = arith.cmpi ne, %convert_element_type3A, %cond3A : i32
      scf.if %cond3A_74 {
        %add3A_79 = arith.constant 1 : i32
        %add3A_80 = arith.addi %while3A_58, %add3A_79 : i32
        %lt3A_81 = arith.cmpi slt, %add3A_80, %select_n3A : i32
        %convert_element_type3A_82 = arith.extui %lt3A_81 : i1 to i32
        %cond3A_83 = arith.constant 0 : i32
        %cond3A_84 = arith.cmpi ne, %convert_element_type3A_82, %cond3A_83 : i32
        scf.if %cond3A_84 {
          %add3A_99 = arith.constant 1 : i32
          %add3A_100 = arith.addi %add3A_59, %add3A_99 : i32
          %mul3A_101 = arith.constant 125 : i32
          %mul3A_102 = arith.muli %add3A_100, %mul3A_101 : i32
          %dma_start3A_103 = arith.constant 1 : i32
          %dma_start3A_104 = arith.constant 0 : i32
          %dma_start3A_105 = tpu.memref_slice %arg2[%mul3A_102, %dma_start3A_103, %dma_start3A_104] : memref<31250x2x128xf32, #tpu.memory_space<hbm>> -> memref<125x1x128xf32, #tpu.memory_space<hbm>>
          %dma_start3A_106 = tpu.memref_squeeze %dma_start3A_105 : memref<125x1x128xf32, #tpu.memory_space<hbm>> -> memref<125x128xf32, #tpu.memory_space<hbm>>
          %dma_start3A_107 = arith.constant 0 : i32
          %dma_start3A_108 = tpu.memref_slice %arg2[%mul3A_102, %dma_start3A_103, %dma_start3A_107] : memref<31250x2x128xf32, #tpu.memory_space<hbm>> -> memref<125x1x128xf32, #tpu.memory_space<hbm>>
          %dma_start3A_109 = tpu.memref_squeeze %dma_start3A_108 : memref<125x1x128xf32, #tpu.memory_space<hbm>> -> memref<125x128xf32, #tpu.memory_space<hbm>>
          tpu.enqueue_dma source(%dma_start3A_109 : memref<125x128xf32, #tpu.memory_space<hbm>>) target(%arg7 : memref<125x128xf32, #tpu.memory_space<vmem>>) target_semaphore(%arg13 : memref<!tpu.dma_semaphore, #tpu.memory_space<semaphore_mem>>)
          %mul3A_110 = arith.constant 16000 : i32
          %mul3A_111 = arith.muli %add3A_100, %mul3A_110 : i32
          %dma_start3A_112 = tpu.memref_slice %arg3[%mul3A_111] : memref<4000000xf32, #tpu.memory_space<hbm>> -> memref<16000xf32, #tpu.memory_space<hbm>>
          %dma_start3A_113 = tpu.memref_slice %arg3[%mul3A_111] : memref<4000000xf32, #tpu.memory_space<hbm>> -> memref<16000xf32, #tpu.memory_space<hbm>>
          tpu.enqueue_dma source(%dma_start3A_113 : memref<16000xf32, #tpu.memory_space<hbm>>) target(%arg8 : memref<16000xf32, #tpu.memory_space<vmem>>) target_semaphore(%arg14 : memref<!tpu.dma_semaphore, #tpu.memory_space<semaphore_mem>>)
        } else {
        }
        %mul3A_85 = arith.constant 125 : i32
        %mul3A_86 = arith.muli %add3A_59, %mul3A_85 : i32
        %dma_wait3A = arith.constant 1 : i32
        %dma_wait3A_87 = arith.constant 0 : i32
        %dma_wait3A_88 = tpu.memref_slice %arg2[%mul3A_86, %dma_wait3A, %dma_wait3A_87] : memref<31250x2x128xf32, #tpu.memory_space<hbm>> -> memref<125x1x128xf32, #tpu.memory_space<hbm>>
        %dma_wait3A_89 = tpu.memref_squeeze %dma_wait3A_88 : memref<125x1x128xf32, #tpu.memory_space<hbm>> -> memref<125x128xf32, #tpu.memory_space<hbm>>
        %dma_wait3A_90 = arith.constant 0 : i32
        %dma_wait3A_91 = tpu.memref_slice %arg2[%mul3A_86, %dma_wait3A, %dma_wait3A_90] : memref<31250x2x128xf32, #tpu.memory_space<hbm>> -> memref<125x1x128xf32, #tpu.memory_space<hbm>>
        %dma_wait3A_92 = tpu.memref_squeeze %dma_wait3A_91 : memref<125x1x128xf32, #tpu.memory_space<hbm>> -> memref<125x128xf32, #tpu.memory_space<hbm>>
        tpu.wait_dma2 semaphore(%arg11 : memref<!tpu.dma_semaphore, #tpu.memory_space<semaphore_mem>>) src(%dma_wait3A_92 : memref<125x128xf32, #tpu.memory_space<hbm>>) dst(%arg5 : memref<125x128xf32, #tpu.memory_space<vmem>>)
        %mul3A_93 = arith.constant 16000 : i32
        %mul3A_94 = arith.muli %add3A_59, %mul3A_93 : i32
        %dma_wait3A_95 = tpu.memref_slice %arg3[%mul3A_94] : memref<4000000xf32, #tpu.memory_space<hbm>> -> memref<16000xf32, #tpu.memory_space<hbm>>
        %dma_wait3A_96 = tpu.memref_slice %arg3[%mul3A_94] : memref<4000000xf32, #tpu.memory_space<hbm>> -> memref<16000xf32, #tpu.memory_space<hbm>>
        tpu.wait_dma2 semaphore(%arg12 : memref<!tpu.dma_semaphore, #tpu.memory_space<semaphore_mem>>) src(%dma_wait3A_96 : memref<16000xf32, #tpu.memory_space<hbm>>) dst(%arg6 : memref<16000xf32, #tpu.memory_space<vmem>>)
        %parallel_loop3A = arith.constant 0 : i32
        %parallel_loop3A_97 = arith.constant 125 : i32
        %parallel_loop3A_98 = arith.constant 1 : i32
        scf.for %parallel_loop3A_99 = %parallel_loop3A to %parallel_loop3A_97 step %parallel_loop3A_98  : i32 {
          %parallel_loop3A_100 = arith.constant 128 : i32
          %parallel_loop3A_101 = arith.muli %parallel_loop3A_99, %parallel_loop3A_100 : i32
          %parallel_loop3A_102 = arith.constant 0 : i32
          %parallel_loop3A_103 = arith.addi %parallel_loop3A_101, %parallel_loop3A_102 : i32
          %parallel_loop3A_104 = arith.index_cast %parallel_loop3A_103 : i32 to index
          %parallel_loop3A_105 = tpu.vector_load %arg6[%parallel_loop3A_104] {strides = array<i32>} : memref<16000xf32, #tpu.memory_space<vmem>>, vector<16xf32>,
          %parallel_loop3A_106 = arith.index_cast %parallel_loop3A_99 : i32 to index
          %parallel_loop3A_107 = arith.constant 0 : index
          %parallel_loop3A_108 = tpu.vector_load %arg5[%parallel_loop3A_106, %parallel_loop3A_107] {strides = array<i32>} : memref<125x128xf32, #tpu.memory_space<vmem>>, vector<16xf32>,
          %parallel_loop3A_109 = arith.constant 0.000000e+00 : f32
          %parallel_loop3A_110 = vector.broadcast %parallel_loop3A_109 : f32 to vector<16xf32>
          %parallel_loop3A_111 = arith.subf %parallel_loop3A_110, %parallel_loop3A_108 : vector<16xf32>
          %parallel_loop3A_112 = math.exp %parallel_loop3A_111 : vector<16xf32>
          %parallel_loop3A_113 = arith.constant 1.000000e+00 : f32
          %parallel_loop3A_114 = vector.broadcast %parallel_loop3A_113 : f32 to vector<16xf32>
          %parallel_loop3A_115 = arith.addf %parallel_loop3A_114, %parallel_loop3A_112 : vector<16xf32>
          %parallel_loop3A_116 = arith.constant 1.000000e+00 : f32
          %parallel_loop3A_117 = vector.broadcast %parallel_loop3A_116 : f32 to vector<16xf32>
          %parallel_loop3A_118 = arith.divf %parallel_loop3A_117, %parallel_loop3A_115 : vector<16xf32>
          %parallel_loop3A_119 = arith.subf %parallel_loop3A_118, %parallel_loop3A_105 : vector<16xf32>
          %parallel_loop3A_120 = math.absf %parallel_loop3A_119 : vector<16xf32>
          %parallel_loop3A_121 = arith.constant 1.000000e+00 : f32
          %parallel_loop3A_122 = vector.broadcast %parallel_loop3A_121 : f32 to vector<16xf32>
          %parallel_loop3A_123 = arith.subf %parallel_loop3A_122, %parallel_loop3A_118 : vector<16xf32>
          %parallel_loop3A_124 = arith.maximumf %parallel_loop3A_118, %parallel_loop3A_123 : vector<16xf32>
          %parallel_loop3A_125 = arith.constant 7.500000e-01 : f32
          %parallel_loop3A_126 = vector.broadcast %parallel_loop3A_125 : f32 to vector<16xf32>
          %parallel_loop3A_127 = arith.subf %parallel_loop3A_124, %parallel_loop3A_126 : vector<16xf32>
          %parallel_loop3A_128 = arith.constant -0.953880488 : f32
          %parallel_loop3A_129 = vector.broadcast %parallel_loop3A_128 : f32 to vector<16xf32>
          %parallel_loop3A_130 = arith.mulf %parallel_loop3A_129, %parallel_loop3A_127 : vector<16xf32>
          %parallel_loop3A_131 = arith.constant 0.88696456 : f32
          %parallel_loop3A_132 = vector.broadcast %parallel_loop3A_131 : f32 to vector<16xf32>
          %parallel_loop3A_133 = arith.addf %parallel_loop3A_130, %parallel_loop3A_132 : vector<16xf32>
          %parallel_loop3A_134 = arith.mulf %parallel_loop3A_133, %parallel_loop3A_127 : vector<16xf32>
          %parallel_loop3A_135 = arith.constant -0.787445604 : f32
          %parallel_loop3A_136 = vector.broadcast %parallel_loop3A_135 : f32 to vector<16xf32>
          %parallel_loop3A_137 = arith.addf %parallel_loop3A_134, %parallel_loop3A_136 : vector<16xf32>
          %parallel_loop3A_138 = arith.mulf %parallel_loop3A_137, %parallel_loop3A_127 : vector<16xf32>
          %parallel_loop3A_139 = arith.constant 0.886556625 : f32
          %parallel_loop3A_140 = vector.broadcast %parallel_loop3A_139 : f32 to vector<16xf32>
          %parallel_loop3A_141 = arith.addf %parallel_loop3A_138, %parallel_loop3A_140 : vector<16xf32>
          %parallel_loop3A_142 = arith.mulf %parallel_loop3A_141, %parallel_loop3A_127 : vector<16xf32>
          %parallel_loop3A_143 = arith.constant -1.33334267 : f32
          %parallel_loop3A_144 = vector.broadcast %parallel_loop3A_143 : f32 to vector<16xf32>
          %parallel_loop3A_145 = arith.addf %parallel_loop3A_142, %parallel_loop3A_144 : vector<16xf32>
          %parallel_loop3A_146 = arith.mulf %parallel_loop3A_145, %parallel_loop3A_127 : vector<16xf32>
          %parallel_loop3A_147 = arith.constant 0.287690222 : f32
          %parallel_loop3A_148 = vector.broadcast %parallel_loop3A_147 : f32 to vector<16xf32>
          %parallel_loop3A_149 = arith.addf %parallel_loop3A_146, %parallel_loop3A_148 : vector<16xf32>
          %parallel_loop3A_150 = arith.constant 0.000000e+00 : f32
          %parallel_loop3A_151 = vector.broadcast %parallel_loop3A_150 : f32 to vector<16xf32>
          %parallel_loop3A_152 = arith.maximumf %parallel_loop3A_108, %parallel_loop3A_151 : vector<16xf32>
          %parallel_loop3A_153 = arith.mulf %parallel_loop3A_108, %parallel_loop3A_105 : vector<16xf32>
          %parallel_loop3A_154 = arith.subf %parallel_loop3A_152, %parallel_loop3A_153 : vector<16xf32>
          %parallel_loop3A_155 = arith.addf %parallel_loop3A_154, %parallel_loop3A_149 : vector<16xf32>
          %parallel_loop3A_156 = arith.constant 5.000000e+00 : f32
          %parallel_loop3A_157 = vector.broadcast %parallel_loop3A_156 : f32 to vector<16xf32>
          %parallel_loop3A_158 = arith.mulf %parallel_loop3A_120, %parallel_loop3A_157 : vector<16xf32>
          %parallel_loop3A_159 = arith.fptosi %parallel_loop3A_158 : vector<16xf32> to vector<16xi32>
          %parallel_loop3A_160 = arith.constant 4 : i32
          %parallel_loop3A_161 = vector.broadcast %parallel_loop3A_160 : i32 to vector<16xi32>
          %parallel_loop3A_162 = arith.minsi %parallel_loop3A_159, %parallel_loop3A_161 : vector<16xi32>
          %parallel_loop3A_163 = arith.constant 16 : i32
          %parallel_loop3A_164 = vector.broadcast %parallel_loop3A_163 : i32 to vector<16xi32>
          %parallel_loop3A_165 = arith.muli %parallel_loop3A_162, %parallel_loop3A_164 : vector<16xi32>
          %parallel_loop3A_166 = arith.addi %parallel_loop3A_165, %iota3A : vector<16xi32>
          tpu.vector_store_idx %arg9[%parallel_loop3A_166], %parallel_loop3A_155 {add = true} : memref<80xf32, #tpu.memory_space<vmem>>[vector<16xi32>], vector<16xf32>,
          tpu.vector_store_idx %arg10[%parallel_loop3A_166], %broadcast_in_dim3A_30 {add = true} : memref<80xf32, #tpu.memory_space<vmem>>[vector<16xi32>], vector<16xf32>,
          %parallel_loop3A_167 = arith.constant 128 : i32
          %parallel_loop3A_168 = arith.muli %parallel_loop3A_99, %parallel_loop3A_167 : i32
          %parallel_loop3A_169 = arith.constant 16 : i32
          %parallel_loop3A_170 = arith.addi %parallel_loop3A_168, %parallel_loop3A_169 : i32
          %parallel_loop3A_171 = arith.index_cast %parallel_loop3A_170 : i32 to index
          %parallel_loop3A_172 = tpu.vector_load %arg6[%parallel_loop3A_171] {strides = array<i32>} : memref<16000xf32, #tpu.memory_space<vmem>>, vector<16xf32>,
          %parallel_loop3A_173 = arith.index_cast %parallel_loop3A_99 : i32 to index
          %parallel_loop3A_174 = arith.constant 16 : index
          %parallel_loop3A_175 = tpu.vector_load %arg5[%parallel_loop3A_173, %parallel_loop3A_174] {strides = array<i32>} : memref<125x128xf32, #tpu.memory_space<vmem>>, vector<16xf32>,
          %parallel_loop3A_176 = arith.constant 0.000000e+00 : f32
          %parallel_loop3A_177 = vector.broadcast %parallel_loop3A_176 : f32 to vector<16xf32>
          %parallel_loop3A_178 = arith.subf %parallel_loop3A_177, %parallel_loop3A_175 : vector<16xf32>
          %parallel_loop3A_179 = math.exp %parallel_loop3A_178 : vector<16xf32>
          %parallel_loop3A_180 = arith.constant 1.000000e+00 : f32
          %parallel_loop3A_181 = vector.broadcast %parallel_loop3A_180 : f32 to vector<16xf32>
          %parallel_loop3A_182 = arith.addf %parallel_loop3A_181, %parallel_loop3A_179 : vector<16xf32>
          %parallel_loop3A_183 = arith.constant 1.000000e+00 : f32
          %parallel_loop3A_184 = vector.broadcast %parallel_loop3A_183 : f32 to vector<16xf32>
          %parallel_loop3A_185 = arith.divf %parallel_loop3A_184, %parallel_loop3A_182 : vector<16xf32>
          %parallel_loop3A_186 = arith.subf %parallel_loop3A_185, %parallel_loop3A_172 : vector<16xf32>
          %parallel_loop3A_187 = math.absf %parallel_loop3A_186 : vector<16xf32>
          %parallel_loop3A_188 = arith.constant 1.000000e+00 : f32
          %parallel_loop3A_189 = vector.broadcast %parallel_loop3A_188 : f32 to vector<16xf32>
          %parallel_loop3A_190 = arith.subf %parallel_loop3A_189, %parallel_loop3A_185 : vector<16xf32>
          %parallel_loop3A_191 = arith.maximumf %parallel_loop3A_185, %parallel_loop3A_190 : vector<16xf32>
          %parallel_loop3A_192 = arith.constant 7.500000e-01 : f32
          %parallel_loop3A_193 = vector.broadcast %parallel_loop3A_192 : f32 to vector<16xf32>
          %parallel_loop3A_194 = arith.subf %parallel_loop3A_191, %parallel_loop3A_193 : vector<16xf32>
          %parallel_loop3A_195 = arith.constant -0.953880488 : f32
          %parallel_loop3A_196 = vector.broadcast %parallel_loop3A_195 : f32 to vector<16xf32>
          %parallel_loop3A_197 = arith.mulf %parallel_loop3A_196, %parallel_loop3A_194 : vector<16xf32>
          %parallel_loop3A_198 = arith.constant 0.88696456 : f32
          %parallel_loop3A_199 = vector.broadcast %parallel_loop3A_198 : f32 to vector<16xf32>
          %parallel_loop3A_200 = arith.addf %parallel_loop3A_197, %parallel_loop3A_199 : vector<16xf32>
          %parallel_loop3A_201 = arith.mulf %parallel_loop3A_200, %parallel_loop3A_194 : vector<16xf32>
          %parallel_loop3A_202 = arith.constant -0.787445604 : f32
          %parallel_loop3A_203 = vector.broadcast %parallel_loop3A_202 : f32 to vector<16xf32>
          %parallel_loop3A_204 = arith.addf %parallel_loop3A_201, %parallel_loop3A_203 : vector<16xf32>
          %parallel_loop3A_205 = arith.mulf %parallel_loop3A_204, %parallel_loop3A_194 : vector<16xf32>
          %parallel_loop3A_206 = arith.constant 0.886556625 : f32
          %parallel_loop3A_207 = vector.broadcast %parallel_loop3A_206 : f32 to vector<16xf32>
          %parallel_loop3A_208 = arith.addf %parallel_loop3A_205, %parallel_loop3A_207 : vector<16xf32>
          %parallel_loop3A_209 = arith.mulf %parallel_loop3A_208, %parallel_loop3A_194 : vector<16xf32>
          %parallel_loop3A_210 = arith.constant -1.33334267 : f32
          %parallel_loop3A_211 = vector.broadcast %parallel_loop3A_210 : f32 to vector<16xf32>
          %parallel_loop3A_212 = arith.addf %parallel_loop3A_209, %parallel_loop3A_211 : vector<16xf32>
          %parallel_loop3A_213 = arith.mulf %parallel_loop3A_212, %parallel_loop3A_194 : vector<16xf32>
          %parallel_loop3A_214 = arith.constant 0.287690222 : f32
          %parallel_loop3A_215 = vector.broadcast %parallel_loop3A_214 : f32 to vector<16xf32>
          %parallel_loop3A_216 = arith.addf %parallel_loop3A_213, %parallel_loop3A_215 : vector<16xf32>
          %parallel_loop3A_217 = arith.constant 0.000000e+00 : f32
          %parallel_loop3A_218 = vector.broadcast %parallel_loop3A_217 : f32 to vector<16xf32>
          %parallel_loop3A_219 = arith.maximumf %parallel_loop3A_175, %parallel_loop3A_218 : vector<16xf32>
          %parallel_loop3A_220 = arith.mulf %parallel_loop3A_175, %parallel_loop3A_172 : vector<16xf32>
          %parallel_loop3A_221 = arith.subf %parallel_loop3A_219, %parallel_loop3A_220 : vector<16xf32>
          %parallel_loop3A_222 = arith.addf %parallel_loop3A_221, %parallel_loop3A_216 : vector<16xf32>
          %parallel_loop3A_223 = arith.constant 5.000000e+00 : f32
          %parallel_loop3A_224 = vector.broadcast %parallel_loop3A_223 : f32 to vector<16xf32>
          %parallel_loop3A_225 = arith.mulf %parallel_loop3A_187, %parallel_loop3A_224 : vector<16xf32>
          %parallel_loop3A_226 = arith.fptosi %parallel_loop3A_225 : vector<16xf32> to vector<16xi32>
          %parallel_loop3A_227 = arith.constant 4 : i32
          %parallel_loop3A_228 = vector.broadcast %parallel_loop3A_227 : i32 to vector<16xi32>
          %parallel_loop3A_229 = arith.minsi %parallel_loop3A_226, %parallel_loop3A_228 : vector<16xi32>
          %parallel_loop3A_230 = arith.constant 16 : i32
          %parallel_loop3A_231 = vector.broadcast %parallel_loop3A_230 : i32 to vector<16xi32>
          %parallel_loop3A_232 = arith.muli %parallel_loop3A_229, %parallel_loop3A_231 : vector<16xi32>
          %parallel_loop3A_233 = arith.addi %parallel_loop3A_232, %iota3A : vector<16xi32>
          tpu.vector_store_idx %arg9[%parallel_loop3A_233], %parallel_loop3A_222 {add = true} : memref<80xf32, #tpu.memory_space<vmem>>[vector<16xi32>], vector<16xf32>,
          tpu.vector_store_idx %arg10[%parallel_loop3A_233], %broadcast_in_dim3A_30 {add = true} : memref<80xf32, #tpu.memory_space<vmem>>[vector<16xi32>], vector<16xf32>,
          %parallel_loop3A_234 = arith.constant 128 : i32
          %parallel_loop3A_235 = arith.muli %parallel_loop3A_99, %parallel_loop3A_234 : i32
          %parallel_loop3A_236 = arith.constant 32 : i32
          %parallel_loop3A_237 = arith.addi %parallel_loop3A_235, %parallel_loop3A_236 : i32
          %parallel_loop3A_238 = arith.index_cast %parallel_loop3A_237 : i32 to index
          %parallel_loop3A_239 = tpu.vector_load %arg6[%parallel_loop3A_238] {strides = array<i32>} : memref<16000xf32, #tpu.memory_space<vmem>>, vector<16xf32>,
          %parallel_loop3A_240 = arith.index_cast %parallel_loop3A_99 : i32 to index
          %parallel_loop3A_241 = arith.constant 32 : index
          %parallel_loop3A_242 = tpu.vector_load %arg5[%parallel_loop3A_240, %parallel_loop3A_241] {strides = array<i32>} : memref<125x128xf32, #tpu.memory_space<vmem>>, vector<16xf32>,
          %parallel_loop3A_243 = arith.constant 0.000000e+00 : f32
          %parallel_loop3A_244 = vector.broadcast %parallel_loop3A_243 : f32 to vector<16xf32>
          %parallel_loop3A_245 = arith.subf %parallel_loop3A_244, %parallel_loop3A_242 : vector<16xf32>
          %parallel_loop3A_246 = math.exp %parallel_loop3A_245 : vector<16xf32>
          %parallel_loop3A_247 = arith.constant 1.000000e+00 : f32
          %parallel_loop3A_248 = vector.broadcast %parallel_loop3A_247 : f32 to vector<16xf32>
          %parallel_loop3A_249 = arith.addf %parallel_loop3A_248, %parallel_loop3A_246 : vector<16xf32>
          %parallel_loop3A_250 = arith.constant 1.000000e+00 : f32
          %parallel_loop3A_251 = vector.broadcast %parallel_loop3A_250 : f32 to vector<16xf32>
          %parallel_loop3A_252 = arith.divf %parallel_loop3A_251, %parallel_loop3A_249 : vector<16xf32>
          %parallel_loop3A_253 = arith.subf %parallel_loop3A_252, %parallel_loop3A_239 : vector<16xf32>
          %parallel_loop3A_254 = math.absf %parallel_loop3A_253 : vector<16xf32>
          %parallel_loop3A_255 = arith.constant 1.000000e+00 : f32
          %parallel_loop3A_256 = vector.broadcast %parallel_loop3A_255 : f32 to vector<16xf32>
          %parallel_loop3A_257 = arith.subf %parallel_loop3A_256, %parallel_loop3A_252 : vector<16xf32>
          %parallel_loop3A_258 = arith.maximumf %parallel_loop3A_252, %parallel_loop3A_257 : vector<16xf32>
          %parallel_loop3A_259 = arith.constant 7.500000e-01 : f32
          %parallel_loop3A_260 = vector.broadcast %parallel_loop3A_259 : f32 to vector<16xf32>
          %parallel_loop3A_261 = arith.subf %parallel_loop3A_258, %parallel_loop3A_260 : vector<16xf32>
          %parallel_loop3A_262 = arith.constant -0.953880488 : f32
          %parallel_loop3A_263 = vector.broadcast %parallel_loop3A_262 : f32 to vector<16xf32>
          %parallel_loop3A_264 = arith.mulf %parallel_loop3A_263, %parallel_loop3A_261 : vector<16xf32>
          %parallel_loop3A_265 = arith.constant 0.88696456 : f32
          %parallel_loop3A_266 = vector.broadcast %parallel_loop3A_265 : f32 to vector<16xf32>
          %parallel_loop3A_267 = arith.addf %parallel_loop3A_264, %parallel_loop3A_266 : vector<16xf32>
          %parallel_loop3A_268 = arith.mulf %parallel_loop3A_267, %parallel_loop3A_261 : vector<16xf32>
          %parallel_loop3A_269 = arith.constant -0.787445604 : f32
          %parallel_loop3A_270 = vector.broadcast %parallel_loop3A_269 : f32 to vector<16xf32>
          %parallel_loop3A_271 = arith.addf %parallel_loop3A_268, %parallel_loop3A_270 : vector<16xf32>
          %parallel_loop3A_272 = arith.mulf %parallel_loop3A_271, %parallel_loop3A_261 : vector<16xf32>
          %parallel_loop3A_273 = arith.constant 0.886556625 : f32
          %parallel_loop3A_274 = vector.broadcast %parallel_loop3A_273 : f32 to vector<16xf32>
          %parallel_loop3A_275 = arith.addf %parallel_loop3A_272, %parallel_loop3A_274 : vector<16xf32>
          %parallel_loop3A_276 = arith.mulf %parallel_loop3A_275, %parallel_loop3A_261 : vector<16xf32>
          %parallel_loop3A_277 = arith.constant -1.33334267 : f32
          %parallel_loop3A_278 = vector.broadcast %parallel_loop3A_277 : f32 to vector<16xf32>
          %parallel_loop3A_279 = arith.addf %parallel_loop3A_276, %parallel_loop3A_278 : vector<16xf32>
          %parallel_loop3A_280 = arith.mulf %parallel_loop3A_279, %parallel_loop3A_261 : vector<16xf32>
          %parallel_loop3A_281 = arith.constant 0.287690222 : f32
          %parallel_loop3A_282 = vector.broadcast %parallel_loop3A_281 : f32 to vector<16xf32>
          %parallel_loop3A_283 = arith.addf %parallel_loop3A_280, %parallel_loop3A_282 : vector<16xf32>
          %parallel_loop3A_284 = arith.constant 0.000000e+00 : f32
          %parallel_loop3A_285 = vector.broadcast %parallel_loop3A_284 : f32 to vector<16xf32>
          %parallel_loop3A_286 = arith.maximumf %parallel_loop3A_242, %parallel_loop3A_285 : vector<16xf32>
          %parallel_loop3A_287 = arith.mulf %parallel_loop3A_242, %parallel_loop3A_239 : vector<16xf32>
          %parallel_loop3A_288 = arith.subf %parallel_loop3A_286, %parallel_loop3A_287 : vector<16xf32>
          %parallel_loop3A_289 = arith.addf %parallel_loop3A_288, %parallel_loop3A_283 : vector<16xf32>
          %parallel_loop3A_290 = arith.constant 5.000000e+00 : f32
          %parallel_loop3A_291 = vector.broadcast %parallel_loop3A_290 : f32 to vector<16xf32>
          %parallel_loop3A_292 = arith.mulf %parallel_loop3A_254, %parallel_loop3A_291 : vector<16xf32>
          %parallel_loop3A_293 = arith.fptosi %parallel_loop3A_292 : vector<16xf32> to vector<16xi32>
          %parallel_loop3A_294 = arith.constant 4 : i32
          %parallel_loop3A_295 = vector.broadcast %parallel_loop3A_294 : i32 to vector<16xi32>
          %parallel_loop3A_296 = arith.minsi %parallel_loop3A_293, %parallel_loop3A_295 : vector<16xi32>
          %parallel_loop3A_297 = arith.constant 16 : i32
          %parallel_loop3A_298 = vector.broadcast %parallel_loop3A_297 : i32 to vector<16xi32>
          %parallel_loop3A_299 = arith.muli %parallel_loop3A_296, %parallel_loop3A_298 : vector<16xi32>
          %parallel_loop3A_300 = arith.addi %parallel_loop3A_299, %iota3A : vector<16xi32>
          tpu.vector_store_idx %arg9[%parallel_loop3A_300], %parallel_loop3A_289 {add = true} : memref<80xf32, #tpu.memory_space<vmem>>[vector<16xi32>], vector<16xf32>,
          tpu.vector_store_idx %arg10[%parallel_loop3A_300], %broadcast_in_dim3A_30 {add = true} : memref<80xf32, #tpu.memory_space<vmem>>[vector<16xi32>], vector<16xf32>,
          %parallel_loop3A_301 = arith.constant 128 : i32
          %parallel_loop3A_302 = arith.muli %parallel_loop3A_99, %parallel_loop3A_301 : i32
          %parallel_loop3A_303 = arith.constant 48 : i32
          %parallel_loop3A_304 = arith.addi %parallel_loop3A_302, %parallel_loop3A_303 : i32
          %parallel_loop3A_305 = arith.index_cast %parallel_loop3A_304 : i32 to index
          %parallel_loop3A_306 = tpu.vector_load %arg6[%parallel_loop3A_305] {strides = array<i32>} : memref<16000xf32, #tpu.memory_space<vmem>>, vector<16xf32>,
          %parallel_loop3A_307 = arith.index_cast %parallel_loop3A_99 : i32 to index
          %parallel_loop3A_308 = arith.constant 48 : index
          %parallel_loop3A_309 = tpu.vector_load %arg5[%parallel_loop3A_307, %parallel_loop3A_308] {strides = array<i32>} : memref<125x128xf32, #tpu.memory_space<vmem>>, vector<16xf32>,
          %parallel_loop3A_310 = arith.constant 0.000000e+00 : f32
          %parallel_loop3A_311 = vector.broadcast %parallel_loop3A_310 : f32 to vector<16xf32>
          %parallel_loop3A_312 = arith.subf %parallel_loop3A_311, %parallel_loop3A_309 : vector<16xf32>
          %parallel_loop3A_313 = math.exp %parallel_loop3A_312 : vector<16xf32>
          %parallel_loop3A_314 = arith.constant 1.000000e+00 : f32
          %parallel_loop3A_315 = vector.broadcast %parallel_loop3A_314 : f32 to vector<16xf32>
          %parallel_loop3A_316 = arith.addf %parallel_loop3A_315, %parallel_loop3A_313 : vector<16xf32>
          %parallel_loop3A_317 = arith.constant 1.000000e+00 : f32
          %parallel_loop3A_318 = vector.broadcast %parallel_loop3A_317 : f32 to vector<16xf32>
          %parallel_loop3A_319 = arith.divf %parallel_loop3A_318, %parallel_loop3A_316 : vector<16xf32>
          %parallel_loop3A_320 = arith.subf %parallel_loop3A_319, %parallel_loop3A_306 : vector<16xf32>
          %parallel_loop3A_321 = math.absf %parallel_loop3A_320 : vector<16xf32>
          %parallel_loop3A_322 = arith.constant 1.000000e+00 : f32
          %parallel_loop3A_323 = vector.broadcast %parallel_loop3A_322 : f32 to vector<16xf32>
          %parallel_loop3A_324 = arith.subf %parallel_loop3A_323, %parallel_loop3A_319 : vector<16xf32>
          %parallel_loop3A_325 = arith.maximumf %parallel_loop3A_319, %parallel_loop3A_324 : vector<16xf32>
          %parallel_loop3A_326 = arith.constant 7.500000e-01 : f32
          %parallel_loop3A_327 = vector.broadcast %parallel_loop3A_326 : f32 to vector<16xf32>
          %parallel_loop3A_328 = arith.subf %parallel_loop3A_325, %parallel_loop3A_327 : vector<16xf32>
          %parallel_loop3A_329 = arith.constant -0.953880488 : f32
          %parallel_loop3A_330 = vector.broadcast %parallel_loop3A_329 : f32 to vector<16xf32>
          %parallel_loop3A_331 = arith.mulf %parallel_loop3A_330, %parallel_loop3A_328 : vector<16xf32>
          %parallel_loop3A_332 = arith.constant 0.88696456 : f32
          %parallel_loop3A_333 = vector.broadcast %parallel_loop3A_332 : f32 to vector<16xf32>
          %parallel_loop3A_334 = arith.addf %parallel_loop3A_331, %parallel_loop3A_333 : vector<16xf32>
          %parallel_loop3A_335 = arith.mulf %parallel_loop3A_334, %parallel_loop3A_328 : vector<16xf32>
          %parallel_loop3A_336 = arith.constant -0.787445604 : f32
          %parallel_loop3A_337 = vector.broadcast %parallel_loop3A_336 : f32 to vector<16xf32>
          %parallel_loop3A_338 = arith.addf %parallel_loop3A_335, %parallel_loop3A_337 : vector<16xf32>
          %parallel_loop3A_339 = arith.mulf %parallel_loop3A_338, %parallel_loop3A_328 : vector<16xf32>
          %parallel_loop3A_340 = arith.constant 0.886556625 : f32
          %parallel_loop3A_341 = vector.broadcast %parallel_loop3A_340 : f32 to vector<16xf32>
          %parallel_loop3A_342 = arith.addf %parallel_loop3A_339, %parallel_loop3A_341 : vector<16xf32>
          %parallel_loop3A_343 = arith.mulf %parallel_loop3A_342, %parallel_loop3A_328 : vector<16xf32>
          %parallel_loop3A_344 = arith.constant -1.33334267 : f32
          %parallel_loop3A_345 = vector.broadcast %parallel_loop3A_344 : f32 to vector<16xf32>
          %parallel_loop3A_346 = arith.addf %parallel_loop3A_343, %parallel_loop3A_345 : vector<16xf32>
          %parallel_loop3A_347 = arith.mulf %parallel_loop3A_346, %parallel_loop3A_328 : vector<16xf32>
          %parallel_loop3A_348 = arith.constant 0.287690222 : f32
          %parallel_loop3A_349 = vector.broadcast %parallel_loop3A_348 : f32 to vector<16xf32>
          %parallel_loop3A_350 = arith.addf %parallel_loop3A_347, %parallel_loop3A_349 : vector<16xf32>
          %parallel_loop3A_351 = arith.constant 0.000000e+00 : f32
          %parallel_loop3A_352 = vector.broadcast %parallel_loop3A_351 : f32 to vector<16xf32>
          %parallel_loop3A_353 = arith.maximumf %parallel_loop3A_309, %parallel_loop3A_352 : vector<16xf32>
          %parallel_loop3A_354 = arith.mulf %parallel_loop3A_309, %parallel_loop3A_306 : vector<16xf32>
          %parallel_loop3A_355 = arith.subf %parallel_loop3A_353, %parallel_loop3A_354 : vector<16xf32>
          %parallel_loop3A_356 = arith.addf %parallel_loop3A_355, %parallel_loop3A_350 : vector<16xf32>
          %parallel_loop3A_357 = arith.constant 5.000000e+00 : f32
          %parallel_loop3A_358 = vector.broadcast %parallel_loop3A_357 : f32 to vector<16xf32>
          %parallel_loop3A_359 = arith.mulf %parallel_loop3A_321, %parallel_loop3A_358 : vector<16xf32>
          %parallel_loop3A_360 = arith.fptosi %parallel_loop3A_359 : vector<16xf32> to vector<16xi32>
          %parallel_loop3A_361 = arith.constant 4 : i32
          %parallel_loop3A_362 = vector.broadcast %parallel_loop3A_361 : i32 to vector<16xi32>
          %parallel_loop3A_363 = arith.minsi %parallel_loop3A_360, %parallel_loop3A_362 : vector<16xi32>
          %parallel_loop3A_364 = arith.constant 16 : i32
          %parallel_loop3A_365 = vector.broadcast %parallel_loop3A_364 : i32 to vector<16xi32>
          %parallel_loop3A_366 = arith.muli %parallel_loop3A_363, %parallel_loop3A_365 : vector<16xi32>
          %parallel_loop3A_367 = arith.addi %parallel_loop3A_366, %iota3A : vector<16xi32>
          tpu.vector_store_idx %arg9[%parallel_loop3A_367], %parallel_loop3A_356 {add = true} : memref<80xf32, #tpu.memory_space<vmem>>[vector<16xi32>], vector<16xf32>,
          tpu.vector_store_idx %arg10[%parallel_loop3A_367], %broadcast_in_dim3A_30 {add = true} : memref<80xf32, #tpu.memory_space<vmem>>[vector<16xi32>], vector<16xf32>,
          %parallel_loop3A_368 = arith.constant 128 : i32
          %parallel_loop3A_369 = arith.muli %parallel_loop3A_99, %parallel_loop3A_368 : i32
          %parallel_loop3A_370 = arith.constant 64 : i32
          %parallel_loop3A_371 = arith.addi %parallel_loop3A_369, %parallel_loop3A_370 : i32
          %parallel_loop3A_372 = arith.index_cast %parallel_loop3A_371 : i32 to index
          %parallel_loop3A_373 = tpu.vector_load %arg6[%parallel_loop3A_372] {strides = array<i32>} : memref<16000xf32, #tpu.memory_space<vmem>>, vector<16xf32>,
          %parallel_loop3A_374 = arith.index_cast %parallel_loop3A_99 : i32 to index
          %parallel_loop3A_375 = arith.constant 64 : index
          %parallel_loop3A_376 = tpu.vector_load %arg5[%parallel_loop3A_374, %parallel_loop3A_375] {strides = array<i32>} : memref<125x128xf32, #tpu.memory_space<vmem>>, vector<16xf32>,
          %parallel_loop3A_377 = arith.constant 0.000000e+00 : f32
          %parallel_loop3A_378 = vector.broadcast %parallel_loop3A_377 : f32 to vector<16xf32>
          %parallel_loop3A_379 = arith.subf %parallel_loop3A_378, %parallel_loop3A_376 : vector<16xf32>
          %parallel_loop3A_380 = math.exp %parallel_loop3A_379 : vector<16xf32>
          %parallel_loop3A_381 = arith.constant 1.000000e+00 : f32
          %parallel_loop3A_382 = vector.broadcast %parallel_loop3A_381 : f32 to vector<16xf32>
          %parallel_loop3A_383 = arith.addf %parallel_loop3A_382, %parallel_loop3A_380 : vector<16xf32>
          %parallel_loop3A_384 = arith.constant 1.000000e+00 : f32
          %parallel_loop3A_385 = vector.broadcast %parallel_loop3A_384 : f32 to vector<16xf32>
          %parallel_loop3A_386 = arith.divf %parallel_loop3A_385, %parallel_loop3A_383 : vector<16xf32>
          %parallel_loop3A_387 = arith.subf %parallel_loop3A_386, %parallel_loop3A_373 : vector<16xf32>
          %parallel_loop3A_388 = math.absf %parallel_loop3A_387 : vector<16xf32>
          %parallel_loop3A_389 = arith.constant 1.000000e+00 : f32
          %parallel_loop3A_390 = vector.broadcast %parallel_loop3A_389 : f32 to vector<16xf32>
          %parallel_loop3A_391 = arith.subf %parallel_loop3A_390, %parallel_loop3A_386 : vector<16xf32>
          %parallel_loop3A_392 = arith.maximumf %parallel_loop3A_386, %parallel_loop3A_391 : vector<16xf32>
          %parallel_loop3A_393 = arith.constant 7.500000e-01 : f32
          %parallel_loop3A_394 = vector.broadcast %parallel_loop3A_393 : f32 to vector<16xf32>
          %parallel_loop3A_395 = arith.subf %parallel_loop3A_392, %parallel_loop3A_394 : vector<16xf32>
          %parallel_loop3A_396 = arith.constant -0.953880488 : f32
          %parallel_loop3A_397 = vector.broadcast %parallel_loop3A_396 : f32 to vector<16xf32>
          %parallel_loop3A_398 = arith.mulf %parallel_loop3A_397, %parallel_loop3A_395 : vector<16xf32>
          %parallel_loop3A_399 = arith.constant 0.88696456 : f32
          %parallel_loop3A_400 = vector.broadcast %parallel_loop3A_399 : f32 to vector<16xf32>
          %parallel_loop3A_401 = arith.addf %parallel_loop3A_398, %parallel_loop3A_400 : vector<16xf32>
          %parallel_loop3A_402 = arith.mulf %parallel_loop3A_401, %parallel_loop3A_395 : vector<16xf32>
          %parallel_loop3A_403 = arith.constant -0.787445604 : f32
          %parallel_loop3A_404 = vector.broadcast %parallel_loop3A_403 : f32 to vector<16xf32>
          %parallel_loop3A_405 = arith.addf %parallel_loop3A_402, %parallel_loop3A_404 : vector<16xf32>
          %parallel_loop3A_406 = arith.mulf %parallel_loop3A_405, %parallel_loop3A_395 : vector<16xf32>
          %parallel_loop3A_407 = arith.constant 0.886556625 : f32
          %parallel_loop3A_408 = vector.broadcast %parallel_loop3A_407 : f32 to vector<16xf32>
          %parallel_loop3A_409 = arith.addf %parallel_loop3A_406, %parallel_loop3A_408 : vector<16xf32>
          %parallel_loop3A_410 = arith.mulf %parallel_loop3A_409, %parallel_loop3A_395 : vector<16xf32>
          %parallel_loop3A_411 = arith.constant -1.33334267 : f32
          %parallel_loop3A_412 = vector.broadcast %parallel_loop3A_411 : f32 to vector<16xf32>
          %parallel_loop3A_413 = arith.addf %parallel_loop3A_410, %parallel_loop3A_412 : vector<16xf32>
          %parallel_loop3A_414 = arith.mulf %parallel_loop3A_413, %parallel_loop3A_395 : vector<16xf32>
          %parallel_loop3A_415 = arith.constant 0.287690222 : f32
          %parallel_loop3A_416 = vector.broadcast %parallel_loop3A_415 : f32 to vector<16xf32>
          %parallel_loop3A_417 = arith.addf %parallel_loop3A_414, %parallel_loop3A_416 : vector<16xf32>
          %parallel_loop3A_418 = arith.constant 0.000000e+00 : f32
          %parallel_loop3A_419 = vector.broadcast %parallel_loop3A_418 : f32 to vector<16xf32>
          %parallel_loop3A_420 = arith.maximumf %parallel_loop3A_376, %parallel_loop3A_419 : vector<16xf32>
          %parallel_loop3A_421 = arith.mulf %parallel_loop3A_376, %parallel_loop3A_373 : vector<16xf32>
          %parallel_loop3A_422 = arith.subf %parallel_loop3A_420, %parallel_loop3A_421 : vector<16xf32>
          %parallel_loop3A_423 = arith.addf %parallel_loop3A_422, %parallel_loop3A_417 : vector<16xf32>
          %parallel_loop3A_424 = arith.constant 5.000000e+00 : f32
          %parallel_loop3A_425 = vector.broadcast %parallel_loop3A_424 : f32 to vector<16xf32>
          %parallel_loop3A_426 = arith.mulf %parallel_loop3A_388, %parallel_loop3A_425 : vector<16xf32>
          %parallel_loop3A_427 = arith.fptosi %parallel_loop3A_426 : vector<16xf32> to vector<16xi32>
          %parallel_loop3A_428 = arith.constant 4 : i32
          %parallel_loop3A_429 = vector.broadcast %parallel_loop3A_428 : i32 to vector<16xi32>
          %parallel_loop3A_430 = arith.minsi %parallel_loop3A_427, %parallel_loop3A_429 : vector<16xi32>
          %parallel_loop3A_431 = arith.constant 16 : i32
          %parallel_loop3A_432 = vector.broadcast %parallel_loop3A_431 : i32 to vector<16xi32>
          %parallel_loop3A_433 = arith.muli %parallel_loop3A_430, %parallel_loop3A_432 : vector<16xi32>
          %parallel_loop3A_434 = arith.addi %parallel_loop3A_433, %iota3A : vector<16xi32>
          tpu.vector_store_idx %arg9[%parallel_loop3A_434], %parallel_loop3A_423 {add = true} : memref<80xf32, #tpu.memory_space<vmem>>[vector<16xi32>], vector<16xf32>,
          tpu.vector_store_idx %arg10[%parallel_loop3A_434], %broadcast_in_dim3A_30 {add = true} : memref<80xf32, #tpu.memory_space<vmem>>[vector<16xi32>], vector<16xf32>,
          %parallel_loop3A_435 = arith.constant 128 : i32
          %parallel_loop3A_436 = arith.muli %parallel_loop3A_99, %parallel_loop3A_435 : i32
          %parallel_loop3A_437 = arith.constant 80 : i32
          %parallel_loop3A_438 = arith.addi %parallel_loop3A_436, %parallel_loop3A_437 : i32
          %parallel_loop3A_439 = arith.index_cast %parallel_loop3A_438 : i32 to index
          %parallel_loop3A_440 = tpu.vector_load %arg6[%parallel_loop3A_439] {strides = array<i32>} : memref<16000xf32, #tpu.memory_space<vmem>>, vector<16xf32>,
          %parallel_loop3A_441 = arith.index_cast %parallel_loop3A_99 : i32 to index
          %parallel_loop3A_442 = arith.constant 80 : index
          %parallel_loop3A_443 = tpu.vector_load %arg5[%parallel_loop3A_441, %parallel_loop3A_442] {strides = array<i32>} : memref<125x128xf32, #tpu.memory_space<vmem>>, vector<16xf32>,
          %parallel_loop3A_444 = arith.constant 0.000000e+00 : f32
          %parallel_loop3A_445 = vector.broadcast %parallel_loop3A_444 : f32 to vector<16xf32>
          %parallel_loop3A_446 = arith.subf %parallel_loop3A_445, %parallel_loop3A_443 : vector<16xf32>
          %parallel_loop3A_447 = math.exp %parallel_loop3A_446 : vector<16xf32>
          %parallel_loop3A_448 = arith.constant 1.000000e+00 : f32
          %parallel_loop3A_449 = vector.broadcast %parallel_loop3A_448 : f32 to vector<16xf32>
          %parallel_loop3A_450 = arith.addf %parallel_loop3A_449, %parallel_loop3A_447 : vector<16xf32>
          %parallel_loop3A_451 = arith.constant 1.000000e+00 : f32
          %parallel_loop3A_452 = vector.broadcast %parallel_loop3A_451 : f32 to vector<16xf32>
          %parallel_loop3A_453 = arith.divf %parallel_loop3A_452, %parallel_loop3A_450 : vector<16xf32>
          %parallel_loop3A_454 = arith.subf %parallel_loop3A_453, %parallel_loop3A_440 : vector<16xf32>
          %parallel_loop3A_455 = math.absf %parallel_loop3A_454 : vector<16xf32>
          %parallel_loop3A_456 = arith.constant 1.000000e+00 : f32
          %parallel_loop3A_457 = vector.broadcast %parallel_loop3A_456 : f32 to vector<16xf32>
          %parallel_loop3A_458 = arith.subf %parallel_loop3A_457, %parallel_loop3A_453 : vector<16xf32>
          %parallel_loop3A_459 = arith.maximumf %parallel_loop3A_453, %parallel_loop3A_458 : vector<16xf32>
          %parallel_loop3A_460 = arith.constant 7.500000e-01 : f32
          %parallel_loop3A_461 = vector.broadcast %parallel_loop3A_460 : f32 to vector<16xf32>
          %parallel_loop3A_462 = arith.subf %parallel_loop3A_459, %parallel_loop3A_461 : vector<16xf32>
          %parallel_loop3A_463 = arith.constant -0.953880488 : f32
          %parallel_loop3A_464 = vector.broadcast %parallel_loop3A_463 : f32 to vector<16xf32>
          %parallel_loop3A_465 = arith.mulf %parallel_loop3A_464, %parallel_loop3A_462 : vector<16xf32>
          %parallel_loop3A_466 = arith.constant 0.88696456 : f32
          %parallel_loop3A_467 = vector.broadcast %parallel_loop3A_466 : f32 to vector<16xf32>
          %parallel_loop3A_468 = arith.addf %parallel_loop3A_465, %parallel_loop3A_467 : vector<16xf32>
          %parallel_loop3A_469 = arith.mulf %parallel_loop3A_468, %parallel_loop3A_462 : vector<16xf32>
          %parallel_loop3A_470 = arith.constant -0.787445604 : f32
          %parallel_loop3A_471 = vector.broadcast %parallel_loop3A_470 : f32 to vector<16xf32>
          %parallel_loop3A_472 = arith.addf %parallel_loop3A_469, %parallel_loop3A_471 : vector<16xf32>
          %parallel_loop3A_473 = arith.mulf %parallel_loop3A_472, %parallel_loop3A_462 : vector<16xf32>
          %parallel_loop3A_474 = arith.constant 0.886556625 : f32
          %parallel_loop3A_475 = vector.broadcast %parallel_loop3A_474 : f32 to vector<16xf32>
          %parallel_loop3A_476 = arith.addf %parallel_loop3A_473, %parallel_loop3A_475 : vector<16xf32>
          %parallel_loop3A_477 = arith.mulf %parallel_loop3A_476, %parallel_loop3A_462 : vector<16xf32>
          %parallel_loop3A_478 = arith.constant -1.33334267 : f32
          %parallel_loop3A_479 = vector.broadcast %parallel_loop3A_478 : f32 to vector<16xf32>
          %parallel_loop3A_480 = arith.addf %parallel_loop3A_477, %parallel_loop3A_479 : vector<16xf32>
          %parallel_loop3A_481 = arith.mulf %parallel_loop3A_480, %parallel_loop3A_462 : vector<16xf32>
          %parallel_loop3A_482 = arith.constant 0.287690222 : f32
          %parallel_loop3A_483 = vector.broadcast %parallel_loop3A_482 : f32 to vector<16xf32>
          %parallel_loop3A_484 = arith.addf %parallel_loop3A_481, %parallel_loop3A_483 : vector<16xf32>
          %parallel_loop3A_485 = arith.constant 0.000000e+00 : f32
          %parallel_loop3A_486 = vector.broadcast %parallel_loop3A_485 : f32 to vector<16xf32>
          %parallel_loop3A_487 = arith.maximumf %parallel_loop3A_443, %parallel_loop3A_486 : vector<16xf32>
          %parallel_loop3A_488 = arith.mulf %parallel_loop3A_443, %parallel_loop3A_440 : vector<16xf32>
          %parallel_loop3A_489 = arith.subf %parallel_loop3A_487, %parallel_loop3A_488 : vector<16xf32>
          %parallel_loop3A_490 = arith.addf %parallel_loop3A_489, %parallel_loop3A_484 : vector<16xf32>
          %parallel_loop3A_491 = arith.constant 5.000000e+00 : f32
          %parallel_loop3A_492 = vector.broadcast %parallel_loop3A_491 : f32 to vector<16xf32>
          %parallel_loop3A_493 = arith.mulf %parallel_loop3A_455, %parallel_loop3A_492 : vector<16xf32>
          %parallel_loop3A_494 = arith.fptosi %parallel_loop3A_493 : vector<16xf32> to vector<16xi32>
          %parallel_loop3A_495 = arith.constant 4 : i32
          %parallel_loop3A_496 = vector.broadcast %parallel_loop3A_495 : i32 to vector<16xi32>
          %parallel_loop3A_497 = arith.minsi %parallel_loop3A_494, %parallel_loop3A_496 : vector<16xi32>
          %parallel_loop3A_498 = arith.constant 16 : i32
          %parallel_loop3A_499 = vector.broadcast %parallel_loop3A_498 : i32 to vector<16xi32>
          %parallel_loop3A_500 = arith.muli %parallel_loop3A_497, %parallel_loop3A_499 : vector<16xi32>
          %parallel_loop3A_501 = arith.addi %parallel_loop3A_500, %iota3A : vector<16xi32>
          tpu.vector_store_idx %arg9[%parallel_loop3A_501], %parallel_loop3A_490 {add = true} : memref<80xf32, #tpu.memory_space<vmem>>[vector<16xi32>], vector<16xf32>,
          tpu.vector_store_idx %arg10[%parallel_loop3A_501], %broadcast_in_dim3A_30 {add = true} : memref<80xf32, #tpu.memory_space<vmem>>[vector<16xi32>], vector<16xf32>,
          %parallel_loop3A_502 = arith.constant 128 : i32
          %parallel_loop3A_503 = arith.muli %parallel_loop3A_99, %parallel_loop3A_502 : i32
          %parallel_loop3A_504 = arith.constant 96 : i32
          %parallel_loop3A_505 = arith.addi %parallel_loop3A_503, %parallel_loop3A_504 : i32
          %parallel_loop3A_506 = arith.index_cast %parallel_loop3A_505 : i32 to index
          %parallel_loop3A_507 = tpu.vector_load %arg6[%parallel_loop3A_506] {strides = array<i32>} : memref<16000xf32, #tpu.memory_space<vmem>>, vector<16xf32>,
          %parallel_loop3A_508 = arith.index_cast %parallel_loop3A_99 : i32 to index
          %parallel_loop3A_509 = arith.constant 96 : index
          %parallel_loop3A_510 = tpu.vector_load %arg5[%parallel_loop3A_508, %parallel_loop3A_509] {strides = array<i32>} : memref<125x128xf32, #tpu.memory_space<vmem>>, vector<16xf32>,
          %parallel_loop3A_511 = arith.constant 0.000000e+00 : f32
          %parallel_loop3A_512 = vector.broadcast %parallel_loop3A_511 : f32 to vector<16xf32>
          %parallel_loop3A_513 = arith.subf %parallel_loop3A_512, %parallel_loop3A_510 : vector<16xf32>
          %parallel_loop3A_514 = math.exp %parallel_loop3A_513 : vector<16xf32>
          %parallel_loop3A_515 = arith.constant 1.000000e+00 : f32
          %parallel_loop3A_516 = vector.broadcast %parallel_loop3A_515 : f32 to vector<16xf32>
          %parallel_loop3A_517 = arith.addf %parallel_loop3A_516, %parallel_loop3A_514 : vector<16xf32>
          %parallel_loop3A_518 = arith.constant 1.000000e+00 : f32
          %parallel_loop3A_519 = vector.broadcast %parallel_loop3A_518 : f32 to vector<16xf32>
          %parallel_loop3A_520 = arith.divf %parallel_loop3A_519, %parallel_loop3A_517 : vector<16xf32>
          %parallel_loop3A_521 = arith.subf %parallel_loop3A_520, %parallel_loop3A_507 : vector<16xf32>
          %parallel_loop3A_522 = math.absf %parallel_loop3A_521 : vector<16xf32>
          %parallel_loop3A_523 = arith.constant 1.000000e+00 : f32
          %parallel_loop3A_524 = vector.broadcast %parallel_loop3A_523 : f32 to vector<16xf32>
          %parallel_loop3A_525 = arith.subf %parallel_loop3A_524, %parallel_loop3A_520 : vector<16xf32>
          %parallel_loop3A_526 = arith.maximumf %parallel_loop3A_520, %parallel_loop3A_525 : vector<16xf32>
          %parallel_loop3A_527 = arith.constant 7.500000e-01 : f32
          %parallel_loop3A_528 = vector.broadcast %parallel_loop3A_527 : f32 to vector<16xf32>
          %parallel_loop3A_529 = arith.subf %parallel_loop3A_526, %parallel_loop3A_528 : vector<16xf32>
          %parallel_loop3A_530 = arith.constant -0.953880488 : f32
          %parallel_loop3A_531 = vector.broadcast %parallel_loop3A_530 : f32 to vector<16xf32>
          %parallel_loop3A_532 = arith.mulf %parallel_loop3A_531, %parallel_loop3A_529 : vector<16xf32>
          %parallel_loop3A_533 = arith.constant 0.88696456 : f32
          %parallel_loop3A_534 = vector.broadcast %parallel_loop3A_533 : f32 to vector<16xf32>
          %parallel_loop3A_535 = arith.addf %parallel_loop3A_532, %parallel_loop3A_534 : vector<16xf32>
          %parallel_loop3A_536 = arith.mulf %parallel_loop3A_535, %parallel_loop3A_529 : vector<16xf32>
          %parallel_loop3A_537 = arith.constant -0.787445604 : f32
          %parallel_loop3A_538 = vector.broadcast %parallel_loop3A_537 : f32 to vector<16xf32>
          %parallel_loop3A_539 = arith.addf %parallel_loop3A_536, %parallel_loop3A_538 : vector<16xf32>
          %parallel_loop3A_540 = arith.mulf %parallel_loop3A_539, %parallel_loop3A_529 : vector<16xf32>
          %parallel_loop3A_541 = arith.constant 0.886556625 : f32
          %parallel_loop3A_542 = vector.broadcast %parallel_loop3A_541 : f32 to vector<16xf32>
          %parallel_loop3A_543 = arith.addf %parallel_loop3A_540, %parallel_loop3A_542 : vector<16xf32>
          %parallel_loop3A_544 = arith.mulf %parallel_loop3A_543, %parallel_loop3A_529 : vector<16xf32>
          %parallel_loop3A_545 = arith.constant -1.33334267 : f32
          %parallel_loop3A_546 = vector.broadcast %parallel_loop3A_545 : f32 to vector<16xf32>
          %parallel_loop3A_547 = arith.addf %parallel_loop3A_544, %parallel_loop3A_546 : vector<16xf32>
          %parallel_loop3A_548 = arith.mulf %parallel_loop3A_547, %parallel_loop3A_529 : vector<16xf32>
          %parallel_loop3A_549 = arith.constant 0.287690222 : f32
          %parallel_loop3A_550 = vector.broadcast %parallel_loop3A_549 : f32 to vector<16xf32>
          %parallel_loop3A_551 = arith.addf %parallel_loop3A_548, %parallel_loop3A_550 : vector<16xf32>
          %parallel_loop3A_552 = arith.constant 0.000000e+00 : f32
          %parallel_loop3A_553 = vector.broadcast %parallel_loop3A_552 : f32 to vector<16xf32>
          %parallel_loop3A_554 = arith.maximumf %parallel_loop3A_510, %parallel_loop3A_553 : vector<16xf32>
          %parallel_loop3A_555 = arith.mulf %parallel_loop3A_510, %parallel_loop3A_507 : vector<16xf32>
          %parallel_loop3A_556 = arith.subf %parallel_loop3A_554, %parallel_loop3A_555 : vector<16xf32>
          %parallel_loop3A_557 = arith.addf %parallel_loop3A_556, %parallel_loop3A_551 : vector<16xf32>
          %parallel_loop3A_558 = arith.constant 5.000000e+00 : f32
          %parallel_loop3A_559 = vector.broadcast %parallel_loop3A_558 : f32 to vector<16xf32>
          %parallel_loop3A_560 = arith.mulf %parallel_loop3A_522, %parallel_loop3A_559 : vector<16xf32>
          %parallel_loop3A_561 = arith.fptosi %parallel_loop3A_560 : vector<16xf32> to vector<16xi32>
          %parallel_loop3A_562 = arith.constant 4 : i32
          %parallel_loop3A_563 = vector.broadcast %parallel_loop3A_562 : i32 to vector<16xi32>
          %parallel_loop3A_564 = arith.minsi %parallel_loop3A_561, %parallel_loop3A_563 : vector<16xi32>
          %parallel_loop3A_565 = arith.constant 16 : i32
          %parallel_loop3A_566 = vector.broadcast %parallel_loop3A_565 : i32 to vector<16xi32>
          %parallel_loop3A_567 = arith.muli %parallel_loop3A_564, %parallel_loop3A_566 : vector<16xi32>
          %parallel_loop3A_568 = arith.addi %parallel_loop3A_567, %iota3A : vector<16xi32>
          tpu.vector_store_idx %arg9[%parallel_loop3A_568], %parallel_loop3A_557 {add = true} : memref<80xf32, #tpu.memory_space<vmem>>[vector<16xi32>], vector<16xf32>,
          tpu.vector_store_idx %arg10[%parallel_loop3A_568], %broadcast_in_dim3A_30 {add = true} : memref<80xf32, #tpu.memory_space<vmem>>[vector<16xi32>], vector<16xf32>,
          %parallel_loop3A_569 = arith.constant 128 : i32
          %parallel_loop3A_570 = arith.muli %parallel_loop3A_99, %parallel_loop3A_569 : i32
          %parallel_loop3A_571 = arith.constant 112 : i32
          %parallel_loop3A_572 = arith.addi %parallel_loop3A_570, %parallel_loop3A_571 : i32
          %parallel_loop3A_573 = arith.index_cast %parallel_loop3A_572 : i32 to index
          %parallel_loop3A_574 = tpu.vector_load %arg6[%parallel_loop3A_573] {strides = array<i32>} : memref<16000xf32, #tpu.memory_space<vmem>>, vector<16xf32>,
          %parallel_loop3A_575 = arith.index_cast %parallel_loop3A_99 : i32 to index
          %parallel_loop3A_576 = arith.constant 112 : index
          %parallel_loop3A_577 = tpu.vector_load %arg5[%parallel_loop3A_575, %parallel_loop3A_576] {strides = array<i32>} : memref<125x128xf32, #tpu.memory_space<vmem>>, vector<16xf32>,
          %parallel_loop3A_578 = arith.constant 0.000000e+00 : f32
          %parallel_loop3A_579 = vector.broadcast %parallel_loop3A_578 : f32 to vector<16xf32>
          %parallel_loop3A_580 = arith.subf %parallel_loop3A_579, %parallel_loop3A_577 : vector<16xf32>
          %parallel_loop3A_581 = math.exp %parallel_loop3A_580 : vector<16xf32>
          %parallel_loop3A_582 = arith.constant 1.000000e+00 : f32
          %parallel_loop3A_583 = vector.broadcast %parallel_loop3A_582 : f32 to vector<16xf32>
          %parallel_loop3A_584 = arith.addf %parallel_loop3A_583, %parallel_loop3A_581 : vector<16xf32>
          %parallel_loop3A_585 = arith.constant 1.000000e+00 : f32
          %parallel_loop3A_586 = vector.broadcast %parallel_loop3A_585 : f32 to vector<16xf32>
          %parallel_loop3A_587 = arith.divf %parallel_loop3A_586, %parallel_loop3A_584 : vector<16xf32>
          %parallel_loop3A_588 = arith.subf %parallel_loop3A_587, %parallel_loop3A_574 : vector<16xf32>
          %parallel_loop3A_589 = math.absf %parallel_loop3A_588 : vector<16xf32>
          %parallel_loop3A_590 = arith.constant 1.000000e+00 : f32
          %parallel_loop3A_591 = vector.broadcast %parallel_loop3A_590 : f32 to vector<16xf32>
          %parallel_loop3A_592 = arith.subf %parallel_loop3A_591, %parallel_loop3A_587 : vector<16xf32>
          %parallel_loop3A_593 = arith.maximumf %parallel_loop3A_587, %parallel_loop3A_592 : vector<16xf32>
          %parallel_loop3A_594 = arith.constant 7.500000e-01 : f32
          %parallel_loop3A_595 = vector.broadcast %parallel_loop3A_594 : f32 to vector<16xf32>
          %parallel_loop3A_596 = arith.subf %parallel_loop3A_593, %parallel_loop3A_595 : vector<16xf32>
          %parallel_loop3A_597 = arith.constant -0.953880488 : f32
          %parallel_loop3A_598 = vector.broadcast %parallel_loop3A_597 : f32 to vector<16xf32>
          %parallel_loop3A_599 = arith.mulf %parallel_loop3A_598, %parallel_loop3A_596 : vector<16xf32>
          %parallel_loop3A_600 = arith.constant 0.88696456 : f32
          %parallel_loop3A_601 = vector.broadcast %parallel_loop3A_600 : f32 to vector<16xf32>
          %parallel_loop3A_602 = arith.addf %parallel_loop3A_599, %parallel_loop3A_601 : vector<16xf32>
          %parallel_loop3A_603 = arith.mulf %parallel_loop3A_602, %parallel_loop3A_596 : vector<16xf32>
          %parallel_loop3A_604 = arith.constant -0.787445604 : f32
          %parallel_loop3A_605 = vector.broadcast %parallel_loop3A_604 : f32 to vector<16xf32>
          %parallel_loop3A_606 = arith.addf %parallel_loop3A_603, %parallel_loop3A_605 : vector<16xf32>
          %parallel_loop3A_607 = arith.mulf %parallel_loop3A_606, %parallel_loop3A_596 : vector<16xf32>
          %parallel_loop3A_608 = arith.constant 0.886556625 : f32
          %parallel_loop3A_609 = vector.broadcast %parallel_loop3A_608 : f32 to vector<16xf32>
          %parallel_loop3A_610 = arith.addf %parallel_loop3A_607, %parallel_loop3A_609 : vector<16xf32>
          %parallel_loop3A_611 = arith.mulf %parallel_loop3A_610, %parallel_loop3A_596 : vector<16xf32>
          %parallel_loop3A_612 = arith.constant -1.33334267 : f32
          %parallel_loop3A_613 = vector.broadcast %parallel_loop3A_612 : f32 to vector<16xf32>
          %parallel_loop3A_614 = arith.addf %parallel_loop3A_611, %parallel_loop3A_613 : vector<16xf32>
          %parallel_loop3A_615 = arith.mulf %parallel_loop3A_614, %parallel_loop3A_596 : vector<16xf32>
          %parallel_loop3A_616 = arith.constant 0.287690222 : f32
          %parallel_loop3A_617 = vector.broadcast %parallel_loop3A_616 : f32 to vector<16xf32>
          %parallel_loop3A_618 = arith.addf %parallel_loop3A_615, %parallel_loop3A_617 : vector<16xf32>
          %parallel_loop3A_619 = arith.constant 0.000000e+00 : f32
          %parallel_loop3A_620 = vector.broadcast %parallel_loop3A_619 : f32 to vector<16xf32>
          %parallel_loop3A_621 = arith.maximumf %parallel_loop3A_577, %parallel_loop3A_620 : vector<16xf32>
          %parallel_loop3A_622 = arith.mulf %parallel_loop3A_577, %parallel_loop3A_574 : vector<16xf32>
          %parallel_loop3A_623 = arith.subf %parallel_loop3A_621, %parallel_loop3A_622 : vector<16xf32>
          %parallel_loop3A_624 = arith.addf %parallel_loop3A_623, %parallel_loop3A_618 : vector<16xf32>
          %parallel_loop3A_625 = arith.constant 5.000000e+00 : f32
          %parallel_loop3A_626 = vector.broadcast %parallel_loop3A_625 : f32 to vector<16xf32>
          %parallel_loop3A_627 = arith.mulf %parallel_loop3A_589, %parallel_loop3A_626 : vector<16xf32>
          %parallel_loop3A_628 = arith.fptosi %parallel_loop3A_627 : vector<16xf32> to vector<16xi32>
          %parallel_loop3A_629 = arith.constant 4 : i32
          %parallel_loop3A_630 = vector.broadcast %parallel_loop3A_629 : i32 to vector<16xi32>
          %parallel_loop3A_631 = arith.minsi %parallel_loop3A_628, %parallel_loop3A_630 : vector<16xi32>
          %parallel_loop3A_632 = arith.constant 16 : i32
          %parallel_loop3A_633 = vector.broadcast %parallel_loop3A_632 : i32 to vector<16xi32>
          %parallel_loop3A_634 = arith.muli %parallel_loop3A_631, %parallel_loop3A_633 : vector<16xi32>
          %parallel_loop3A_635 = arith.addi %parallel_loop3A_634, %iota3A : vector<16xi32>
          tpu.vector_store_idx %arg9[%parallel_loop3A_635], %parallel_loop3A_624 {add = true} : memref<80xf32, #tpu.memory_space<vmem>>[vector<16xi32>], vector<16xf32>,
          tpu.vector_store_idx %arg10[%parallel_loop3A_635], %broadcast_in_dim3A_30 {add = true} : memref<80xf32, #tpu.memory_space<vmem>>[vector<16xi32>], vector<16xf32>,
        } {sc.loop_unroll_factor = 1 : i64, sc.parallel_access}
      } else {
      }
      %not3A = arith.constant true
      %not3A_75 = arith.xori %eq3A_73, %not3A : i1
      %convert_element_type3A_76 = arith.extui %not3A_75 : i1 to i32
      %cond3A_77 = arith.constant 0 : i32
      %cond3A_78 = arith.cmpi ne, %convert_element_type3A_76, %cond3A_77 : i32
      scf.if %cond3A_78 {
        %add3A_79 = arith.constant 1 : i32
        %add3A_80 = arith.addi %while3A_58, %add3A_79 : i32
        %lt3A_81 = arith.cmpi slt, %add3A_80, %select_n3A : i32
        %convert_element_type3A_82 = arith.extui %lt3A_81 : i1 to i32
        %cond3A_83 = arith.constant 0 : i32
        %cond3A_84 = arith.cmpi ne, %convert_element_type3A_82, %cond3A_83 : i32
        scf.if %cond3A_84 {
          %add3A_99 = arith.constant 1 : i32
          %add3A_100 = arith.addi %add3A_59, %add3A_99 : i32
          %mul3A_101 = arith.constant 125 : i32
          %mul3A_102 = arith.muli %add3A_100, %mul3A_101 : i32
          %dma_start3A_103 = arith.constant 1 : i32
          %dma_start3A_104 = arith.constant 0 : i32
          %dma_start3A_105 = tpu.memref_slice %arg2[%mul3A_102, %dma_start3A_103, %dma_start3A_104] : memref<31250x2x128xf32, #tpu.memory_space<hbm>> -> memref<125x1x128xf32, #tpu.memory_space<hbm>>
          %dma_start3A_106 = tpu.memref_squeeze %dma_start3A_105 : memref<125x1x128xf32, #tpu.memory_space<hbm>> -> memref<125x128xf32, #tpu.memory_space<hbm>>
          %dma_start3A_107 = arith.constant 0 : i32
          %dma_start3A_108 = tpu.memref_slice %arg2[%mul3A_102, %dma_start3A_103, %dma_start3A_107] : memref<31250x2x128xf32, #tpu.memory_space<hbm>> -> memref<125x1x128xf32, #tpu.memory_space<hbm>>
          %dma_start3A_109 = tpu.memref_squeeze %dma_start3A_108 : memref<125x1x128xf32, #tpu.memory_space<hbm>> -> memref<125x128xf32, #tpu.memory_space<hbm>>
          tpu.enqueue_dma source(%dma_start3A_109 : memref<125x128xf32, #tpu.memory_space<hbm>>) target(%arg5 : memref<125x128xf32, #tpu.memory_space<vmem>>) target_semaphore(%arg11 : memref<!tpu.dma_semaphore, #tpu.memory_space<semaphore_mem>>)
          %mul3A_110 = arith.constant 16000 : i32
          %mul3A_111 = arith.muli %add3A_100, %mul3A_110 : i32
          %dma_start3A_112 = tpu.memref_slice %arg3[%mul3A_111] : memref<4000000xf32, #tpu.memory_space<hbm>> -> memref<16000xf32, #tpu.memory_space<hbm>>
          %dma_start3A_113 = tpu.memref_slice %arg3[%mul3A_111] : memref<4000000xf32, #tpu.memory_space<hbm>> -> memref<16000xf32, #tpu.memory_space<hbm>>
          tpu.enqueue_dma source(%dma_start3A_113 : memref<16000xf32, #tpu.memory_space<hbm>>) target(%arg6 : memref<16000xf32, #tpu.memory_space<vmem>>) target_semaphore(%arg12 : memref<!tpu.dma_semaphore, #tpu.memory_space<semaphore_mem>>)
        } else {
        }
        %mul3A_85 = arith.constant 125 : i32
        %mul3A_86 = arith.muli %add3A_59, %mul3A_85 : i32
        %dma_wait3A = arith.constant 1 : i32
        %dma_wait3A_87 = arith.constant 0 : i32
        %dma_wait3A_88 = tpu.memref_slice %arg2[%mul3A_86, %dma_wait3A, %dma_wait3A_87] : memref<31250x2x128xf32, #tpu.memory_space<hbm>> -> memref<125x1x128xf32, #tpu.memory_space<hbm>>
        %dma_wait3A_89 = tpu.memref_squeeze %dma_wait3A_88 : memref<125x1x128xf32, #tpu.memory_space<hbm>> -> memref<125x128xf32, #tpu.memory_space<hbm>>
        %dma_wait3A_90 = arith.constant 0 : i32
        %dma_wait3A_91 = tpu.memref_slice %arg2[%mul3A_86, %dma_wait3A, %dma_wait3A_90] : memref<31250x2x128xf32, #tpu.memory_space<hbm>> -> memref<125x1x128xf32, #tpu.memory_space<hbm>>
        %dma_wait3A_92 = tpu.memref_squeeze %dma_wait3A_91 : memref<125x1x128xf32, #tpu.memory_space<hbm>> -> memref<125x128xf32, #tpu.memory_space<hbm>>
        tpu.wait_dma2 semaphore(%arg13 : memref<!tpu.dma_semaphore, #tpu.memory_space<semaphore_mem>>) src(%dma_wait3A_92 : memref<125x128xf32, #tpu.memory_space<hbm>>) dst(%arg7 : memref<125x128xf32, #tpu.memory_space<vmem>>)
        %mul3A_93 = arith.constant 16000 : i32
        %mul3A_94 = arith.muli %add3A_59, %mul3A_93 : i32
        %dma_wait3A_95 = tpu.memref_slice %arg3[%mul3A_94] : memref<4000000xf32, #tpu.memory_space<hbm>> -> memref<16000xf32, #tpu.memory_space<hbm>>
        %dma_wait3A_96 = tpu.memref_slice %arg3[%mul3A_94] : memref<4000000xf32, #tpu.memory_space<hbm>> -> memref<16000xf32, #tpu.memory_space<hbm>>
        tpu.wait_dma2 semaphore(%arg14 : memref<!tpu.dma_semaphore, #tpu.memory_space<semaphore_mem>>) src(%dma_wait3A_96 : memref<16000xf32, #tpu.memory_space<hbm>>) dst(%arg8 : memref<16000xf32, #tpu.memory_space<vmem>>)
        %parallel_loop3A = arith.constant 0 : i32
        %parallel_loop3A_97 = arith.constant 125 : i32
        %parallel_loop3A_98 = arith.constant 1 : i32
        scf.for %parallel_loop3A_99 = %parallel_loop3A to %parallel_loop3A_97 step %parallel_loop3A_98  : i32 {
          %parallel_loop3A_100 = arith.constant 128 : i32
          %parallel_loop3A_101 = arith.muli %parallel_loop3A_99, %parallel_loop3A_100 : i32
          %parallel_loop3A_102 = arith.constant 0 : i32
          %parallel_loop3A_103 = arith.addi %parallel_loop3A_101, %parallel_loop3A_102 : i32
          %parallel_loop3A_104 = arith.index_cast %parallel_loop3A_103 : i32 to index
          %parallel_loop3A_105 = tpu.vector_load %arg8[%parallel_loop3A_104] {strides = array<i32>} : memref<16000xf32, #tpu.memory_space<vmem>>, vector<16xf32>,
          %parallel_loop3A_106 = arith.index_cast %parallel_loop3A_99 : i32 to index
          %parallel_loop3A_107 = arith.constant 0 : index
          %parallel_loop3A_108 = tpu.vector_load %arg7[%parallel_loop3A_106, %parallel_loop3A_107] {strides = array<i32>} : memref<125x128xf32, #tpu.memory_space<vmem>>, vector<16xf32>,
          %parallel_loop3A_109 = arith.constant 0.000000e+00 : f32
          %parallel_loop3A_110 = vector.broadcast %parallel_loop3A_109 : f32 to vector<16xf32>
          %parallel_loop3A_111 = arith.subf %parallel_loop3A_110, %parallel_loop3A_108 : vector<16xf32>
          %parallel_loop3A_112 = math.exp %parallel_loop3A_111 : vector<16xf32>
          %parallel_loop3A_113 = arith.constant 1.000000e+00 : f32
          %parallel_loop3A_114 = vector.broadcast %parallel_loop3A_113 : f32 to vector<16xf32>
          %parallel_loop3A_115 = arith.addf %parallel_loop3A_114, %parallel_loop3A_112 : vector<16xf32>
          %parallel_loop3A_116 = arith.constant 1.000000e+00 : f32
          %parallel_loop3A_117 = vector.broadcast %parallel_loop3A_116 : f32 to vector<16xf32>
          %parallel_loop3A_118 = arith.divf %parallel_loop3A_117, %parallel_loop3A_115 : vector<16xf32>
          %parallel_loop3A_119 = arith.subf %parallel_loop3A_118, %parallel_loop3A_105 : vector<16xf32>
          %parallel_loop3A_120 = math.absf %parallel_loop3A_119 : vector<16xf32>
          %parallel_loop3A_121 = arith.constant 1.000000e+00 : f32
          %parallel_loop3A_122 = vector.broadcast %parallel_loop3A_121 : f32 to vector<16xf32>
          %parallel_loop3A_123 = arith.subf %parallel_loop3A_122, %parallel_loop3A_118 : vector<16xf32>
          %parallel_loop3A_124 = arith.maximumf %parallel_loop3A_118, %parallel_loop3A_123 : vector<16xf32>
          %parallel_loop3A_125 = arith.constant 7.500000e-01 : f32
          %parallel_loop3A_126 = vector.broadcast %parallel_loop3A_125 : f32 to vector<16xf32>
          %parallel_loop3A_127 = arith.subf %parallel_loop3A_124, %parallel_loop3A_126 : vector<16xf32>
          %parallel_loop3A_128 = arith.constant -0.953880488 : f32
          %parallel_loop3A_129 = vector.broadcast %parallel_loop3A_128 : f32 to vector<16xf32>
          %parallel_loop3A_130 = arith.mulf %parallel_loop3A_129, %parallel_loop3A_127 : vector<16xf32>
          %parallel_loop3A_131 = arith.constant 0.88696456 : f32
          %parallel_loop3A_132 = vector.broadcast %parallel_loop3A_131 : f32 to vector<16xf32>
          %parallel_loop3A_133 = arith.addf %parallel_loop3A_130, %parallel_loop3A_132 : vector<16xf32>
          %parallel_loop3A_134 = arith.mulf %parallel_loop3A_133, %parallel_loop3A_127 : vector<16xf32>
          %parallel_loop3A_135 = arith.constant -0.787445604 : f32
          %parallel_loop3A_136 = vector.broadcast %parallel_loop3A_135 : f32 to vector<16xf32>
          %parallel_loop3A_137 = arith.addf %parallel_loop3A_134, %parallel_loop3A_136 : vector<16xf32>
          %parallel_loop3A_138 = arith.mulf %parallel_loop3A_137, %parallel_loop3A_127 : vector<16xf32>
          %parallel_loop3A_139 = arith.constant 0.886556625 : f32
          %parallel_loop3A_140 = vector.broadcast %parallel_loop3A_139 : f32 to vector<16xf32>
          %parallel_loop3A_141 = arith.addf %parallel_loop3A_138, %parallel_loop3A_140 : vector<16xf32>
          %parallel_loop3A_142 = arith.mulf %parallel_loop3A_141, %parallel_loop3A_127 : vector<16xf32>
          %parallel_loop3A_143 = arith.constant -1.33334267 : f32
          %parallel_loop3A_144 = vector.broadcast %parallel_loop3A_143 : f32 to vector<16xf32>
          %parallel_loop3A_145 = arith.addf %parallel_loop3A_142, %parallel_loop3A_144 : vector<16xf32>
          %parallel_loop3A_146 = arith.mulf %parallel_loop3A_145, %parallel_loop3A_127 : vector<16xf32>
          %parallel_loop3A_147 = arith.constant 0.287690222 : f32
          %parallel_loop3A_148 = vector.broadcast %parallel_loop3A_147 : f32 to vector<16xf32>
          %parallel_loop3A_149 = arith.addf %parallel_loop3A_146, %parallel_loop3A_148 : vector<16xf32>
          %parallel_loop3A_150 = arith.constant 0.000000e+00 : f32
          %parallel_loop3A_151 = vector.broadcast %parallel_loop3A_150 : f32 to vector<16xf32>
          %parallel_loop3A_152 = arith.maximumf %parallel_loop3A_108, %parallel_loop3A_151 : vector<16xf32>
          %parallel_loop3A_153 = arith.mulf %parallel_loop3A_108, %parallel_loop3A_105 : vector<16xf32>
          %parallel_loop3A_154 = arith.subf %parallel_loop3A_152, %parallel_loop3A_153 : vector<16xf32>
          %parallel_loop3A_155 = arith.addf %parallel_loop3A_154, %parallel_loop3A_149 : vector<16xf32>
          %parallel_loop3A_156 = arith.constant 5.000000e+00 : f32
          %parallel_loop3A_157 = vector.broadcast %parallel_loop3A_156 : f32 to vector<16xf32>
          %parallel_loop3A_158 = arith.mulf %parallel_loop3A_120, %parallel_loop3A_157 : vector<16xf32>
          %parallel_loop3A_159 = arith.fptosi %parallel_loop3A_158 : vector<16xf32> to vector<16xi32>
          %parallel_loop3A_160 = arith.constant 4 : i32
          %parallel_loop3A_161 = vector.broadcast %parallel_loop3A_160 : i32 to vector<16xi32>
          %parallel_loop3A_162 = arith.minsi %parallel_loop3A_159, %parallel_loop3A_161 : vector<16xi32>
          %parallel_loop3A_163 = arith.constant 16 : i32
          %parallel_loop3A_164 = vector.broadcast %parallel_loop3A_163 : i32 to vector<16xi32>
          %parallel_loop3A_165 = arith.muli %parallel_loop3A_162, %parallel_loop3A_164 : vector<16xi32>
          %parallel_loop3A_166 = arith.addi %parallel_loop3A_165, %iota3A : vector<16xi32>
          tpu.vector_store_idx %arg9[%parallel_loop3A_166], %parallel_loop3A_155 {add = true} : memref<80xf32, #tpu.memory_space<vmem>>[vector<16xi32>], vector<16xf32>,
          tpu.vector_store_idx %arg10[%parallel_loop3A_166], %broadcast_in_dim3A_30 {add = true} : memref<80xf32, #tpu.memory_space<vmem>>[vector<16xi32>], vector<16xf32>,
          %parallel_loop3A_167 = arith.constant 128 : i32
          %parallel_loop3A_168 = arith.muli %parallel_loop3A_99, %parallel_loop3A_167 : i32
          %parallel_loop3A_169 = arith.constant 16 : i32
          %parallel_loop3A_170 = arith.addi %parallel_loop3A_168, %parallel_loop3A_169 : i32
          %parallel_loop3A_171 = arith.index_cast %parallel_loop3A_170 : i32 to index
          %parallel_loop3A_172 = tpu.vector_load %arg8[%parallel_loop3A_171] {strides = array<i32>} : memref<16000xf32, #tpu.memory_space<vmem>>, vector<16xf32>,
          %parallel_loop3A_173 = arith.index_cast %parallel_loop3A_99 : i32 to index
          %parallel_loop3A_174 = arith.constant 16 : index
          %parallel_loop3A_175 = tpu.vector_load %arg7[%parallel_loop3A_173, %parallel_loop3A_174] {strides = array<i32>} : memref<125x128xf32, #tpu.memory_space<vmem>>, vector<16xf32>,
          %parallel_loop3A_176 = arith.constant 0.000000e+00 : f32
          %parallel_loop3A_177 = vector.broadcast %parallel_loop3A_176 : f32 to vector<16xf32>
          %parallel_loop3A_178 = arith.subf %parallel_loop3A_177, %parallel_loop3A_175 : vector<16xf32>
          %parallel_loop3A_179 = math.exp %parallel_loop3A_178 : vector<16xf32>
          %parallel_loop3A_180 = arith.constant 1.000000e+00 : f32
          %parallel_loop3A_181 = vector.broadcast %parallel_loop3A_180 : f32 to vector<16xf32>
          %parallel_loop3A_182 = arith.addf %parallel_loop3A_181, %parallel_loop3A_179 : vector<16xf32>
          %parallel_loop3A_183 = arith.constant 1.000000e+00 : f32
          %parallel_loop3A_184 = vector.broadcast %parallel_loop3A_183 : f32 to vector<16xf32>
          %parallel_loop3A_185 = arith.divf %parallel_loop3A_184, %parallel_loop3A_182 : vector<16xf32>
          %parallel_loop3A_186 = arith.subf %parallel_loop3A_185, %parallel_loop3A_172 : vector<16xf32>
          %parallel_loop3A_187 = math.absf %parallel_loop3A_186 : vector<16xf32>
          %parallel_loop3A_188 = arith.constant 1.000000e+00 : f32
          %parallel_loop3A_189 = vector.broadcast %parallel_loop3A_188 : f32 to vector<16xf32>
          %parallel_loop3A_190 = arith.subf %parallel_loop3A_189, %parallel_loop3A_185 : vector<16xf32>
          %parallel_loop3A_191 = arith.maximumf %parallel_loop3A_185, %parallel_loop3A_190 : vector<16xf32>
          %parallel_loop3A_192 = arith.constant 7.500000e-01 : f32
          %parallel_loop3A_193 = vector.broadcast %parallel_loop3A_192 : f32 to vector<16xf32>
          %parallel_loop3A_194 = arith.subf %parallel_loop3A_191, %parallel_loop3A_193 : vector<16xf32>
          %parallel_loop3A_195 = arith.constant -0.953880488 : f32
          %parallel_loop3A_196 = vector.broadcast %parallel_loop3A_195 : f32 to vector<16xf32>
          %parallel_loop3A_197 = arith.mulf %parallel_loop3A_196, %parallel_loop3A_194 : vector<16xf32>
          %parallel_loop3A_198 = arith.constant 0.88696456 : f32
          %parallel_loop3A_199 = vector.broadcast %parallel_loop3A_198 : f32 to vector<16xf32>
          %parallel_loop3A_200 = arith.addf %parallel_loop3A_197, %parallel_loop3A_199 : vector<16xf32>
          %parallel_loop3A_201 = arith.mulf %parallel_loop3A_200, %parallel_loop3A_194 : vector<16xf32>
          %parallel_loop3A_202 = arith.constant -0.787445604 : f32
          %parallel_loop3A_203 = vector.broadcast %parallel_loop3A_202 : f32 to vector<16xf32>
          %parallel_loop3A_204 = arith.addf %parallel_loop3A_201, %parallel_loop3A_203 : vector<16xf32>
          %parallel_loop3A_205 = arith.mulf %parallel_loop3A_204, %parallel_loop3A_194 : vector<16xf32>
          %parallel_loop3A_206 = arith.constant 0.886556625 : f32
          %parallel_loop3A_207 = vector.broadcast %parallel_loop3A_206 : f32 to vector<16xf32>
          %parallel_loop3A_208 = arith.addf %parallel_loop3A_205, %parallel_loop3A_207 : vector<16xf32>
          %parallel_loop3A_209 = arith.mulf %parallel_loop3A_208, %parallel_loop3A_194 : vector<16xf32>
          %parallel_loop3A_210 = arith.constant -1.33334267 : f32
          %parallel_loop3A_211 = vector.broadcast %parallel_loop3A_210 : f32 to vector<16xf32>
          %parallel_loop3A_212 = arith.addf %parallel_loop3A_209, %parallel_loop3A_211 : vector<16xf32>
          %parallel_loop3A_213 = arith.mulf %parallel_loop3A_212, %parallel_loop3A_194 : vector<16xf32>
          %parallel_loop3A_214 = arith.constant 0.287690222 : f32
          %parallel_loop3A_215 = vector.broadcast %parallel_loop3A_214 : f32 to vector<16xf32>
          %parallel_loop3A_216 = arith.addf %parallel_loop3A_213, %parallel_loop3A_215 : vector<16xf32>
          %parallel_loop3A_217 = arith.constant 0.000000e+00 : f32
          %parallel_loop3A_218 = vector.broadcast %parallel_loop3A_217 : f32 to vector<16xf32>
          %parallel_loop3A_219 = arith.maximumf %parallel_loop3A_175, %parallel_loop3A_218 : vector<16xf32>
          %parallel_loop3A_220 = arith.mulf %parallel_loop3A_175, %parallel_loop3A_172 : vector<16xf32>
          %parallel_loop3A_221 = arith.subf %parallel_loop3A_219, %parallel_loop3A_220 : vector<16xf32>
          %parallel_loop3A_222 = arith.addf %parallel_loop3A_221, %parallel_loop3A_216 : vector<16xf32>
          %parallel_loop3A_223 = arith.constant 5.000000e+00 : f32
          %parallel_loop3A_224 = vector.broadcast %parallel_loop3A_223 : f32 to vector<16xf32>
          %parallel_loop3A_225 = arith.mulf %parallel_loop3A_187, %parallel_loop3A_224 : vector<16xf32>
          %parallel_loop3A_226 = arith.fptosi %parallel_loop3A_225 : vector<16xf32> to vector<16xi32>
          %parallel_loop3A_227 = arith.constant 4 : i32
          %parallel_loop3A_228 = vector.broadcast %parallel_loop3A_227 : i32 to vector<16xi32>
          %parallel_loop3A_229 = arith.minsi %parallel_loop3A_226, %parallel_loop3A_228 : vector<16xi32>
          %parallel_loop3A_230 = arith.constant 16 : i32
          %parallel_loop3A_231 = vector.broadcast %parallel_loop3A_230 : i32 to vector<16xi32>
          %parallel_loop3A_232 = arith.muli %parallel_loop3A_229, %parallel_loop3A_231 : vector<16xi32>
          %parallel_loop3A_233 = arith.addi %parallel_loop3A_232, %iota3A : vector<16xi32>
          tpu.vector_store_idx %arg9[%parallel_loop3A_233], %parallel_loop3A_222 {add = true} : memref<80xf32, #tpu.memory_space<vmem>>[vector<16xi32>], vector<16xf32>,
          tpu.vector_store_idx %arg10[%parallel_loop3A_233], %broadcast_in_dim3A_30 {add = true} : memref<80xf32, #tpu.memory_space<vmem>>[vector<16xi32>], vector<16xf32>,
          %parallel_loop3A_234 = arith.constant 128 : i32
          %parallel_loop3A_235 = arith.muli %parallel_loop3A_99, %parallel_loop3A_234 : i32
          %parallel_loop3A_236 = arith.constant 32 : i32
          %parallel_loop3A_237 = arith.addi %parallel_loop3A_235, %parallel_loop3A_236 : i32
          %parallel_loop3A_238 = arith.index_cast %parallel_loop3A_237 : i32 to index
          %parallel_loop3A_239 = tpu.vector_load %arg8[%parallel_loop3A_238] {strides = array<i32>} : memref<16000xf32, #tpu.memory_space<vmem>>, vector<16xf32>,
          %parallel_loop3A_240 = arith.index_cast %parallel_loop3A_99 : i32 to index
          %parallel_loop3A_241 = arith.constant 32 : index
          %parallel_loop3A_242 = tpu.vector_load %arg7[%parallel_loop3A_240, %parallel_loop3A_241] {strides = array<i32>} : memref<125x128xf32, #tpu.memory_space<vmem>>, vector<16xf32>,
          %parallel_loop3A_243 = arith.constant 0.000000e+00 : f32
          %parallel_loop3A_244 = vector.broadcast %parallel_loop3A_243 : f32 to vector<16xf32>
          %parallel_loop3A_245 = arith.subf %parallel_loop3A_244, %parallel_loop3A_242 : vector<16xf32>
          %parallel_loop3A_246 = math.exp %parallel_loop3A_245 : vector<16xf32>
          %parallel_loop3A_247 = arith.constant 1.000000e+00 : f32
          %parallel_loop3A_248 = vector.broadcast %parallel_loop3A_247 : f32 to vector<16xf32>
          %parallel_loop3A_249 = arith.addf %parallel_loop3A_248, %parallel_loop3A_246 : vector<16xf32>
          %parallel_loop3A_250 = arith.constant 1.000000e+00 : f32
          %parallel_loop3A_251 = vector.broadcast %parallel_loop3A_250 : f32 to vector<16xf32>
          %parallel_loop3A_252 = arith.divf %parallel_loop3A_251, %parallel_loop3A_249 : vector<16xf32>
          %parallel_loop3A_253 = arith.subf %parallel_loop3A_252, %parallel_loop3A_239 : vector<16xf32>
          %parallel_loop3A_254 = math.absf %parallel_loop3A_253 : vector<16xf32>
          %parallel_loop3A_255 = arith.constant 1.000000e+00 : f32
          %parallel_loop3A_256 = vector.broadcast %parallel_loop3A_255 : f32 to vector<16xf32>
          %parallel_loop3A_257 = arith.subf %parallel_loop3A_256, %parallel_loop3A_252 : vector<16xf32>
          %parallel_loop3A_258 = arith.maximumf %parallel_loop3A_252, %parallel_loop3A_257 : vector<16xf32>
          %parallel_loop3A_259 = arith.constant 7.500000e-01 : f32
          %parallel_loop3A_260 = vector.broadcast %parallel_loop3A_259 : f32 to vector<16xf32>
          %parallel_loop3A_261 = arith.subf %parallel_loop3A_258, %parallel_loop3A_260 : vector<16xf32>
          %parallel_loop3A_262 = arith.constant -0.953880488 : f32
          %parallel_loop3A_263 = vector.broadcast %parallel_loop3A_262 : f32 to vector<16xf32>
          %parallel_loop3A_264 = arith.mulf %parallel_loop3A_263, %parallel_loop3A_261 : vector<16xf32>
          %parallel_loop3A_265 = arith.constant 0.88696456 : f32
          %parallel_loop3A_266 = vector.broadcast %parallel_loop3A_265 : f32 to vector<16xf32>
          %parallel_loop3A_267 = arith.addf %parallel_loop3A_264, %parallel_loop3A_266 : vector<16xf32>
          %parallel_loop3A_268 = arith.mulf %parallel_loop3A_267, %parallel_loop3A_261 : vector<16xf32>
          %parallel_loop3A_269 = arith.constant -0.787445604 : f32
          %parallel_loop3A_270 = vector.broadcast %parallel_loop3A_269 : f32 to vector<16xf32>
          %parallel_loop3A_271 = arith.addf %parallel_loop3A_268, %parallel_loop3A_270 : vector<16xf32>
          %parallel_loop3A_272 = arith.mulf %parallel_loop3A_271, %parallel_loop3A_261 : vector<16xf32>
          %parallel_loop3A_273 = arith.constant 0.886556625 : f32
          %parallel_loop3A_274 = vector.broadcast %parallel_loop3A_273 : f32 to vector<16xf32>
          %parallel_loop3A_275 = arith.addf %parallel_loop3A_272, %parallel_loop3A_274 : vector<16xf32>
          %parallel_loop3A_276 = arith.mulf %parallel_loop3A_275, %parallel_loop3A_261 : vector<16xf32>
          %parallel_loop3A_277 = arith.constant -1.33334267 : f32
          %parallel_loop3A_278 = vector.broadcast %parallel_loop3A_277 : f32 to vector<16xf32>
          %parallel_loop3A_279 = arith.addf %parallel_loop3A_276, %parallel_loop3A_278 : vector<16xf32>
          %parallel_loop3A_280 = arith.mulf %parallel_loop3A_279, %parallel_loop3A_261 : vector<16xf32>
          %parallel_loop3A_281 = arith.constant 0.287690222 : f32
          %parallel_loop3A_282 = vector.broadcast %parallel_loop3A_281 : f32 to vector<16xf32>
          %parallel_loop3A_283 = arith.addf %parallel_loop3A_280, %parallel_loop3A_282 : vector<16xf32>
          %parallel_loop3A_284 = arith.constant 0.000000e+00 : f32
          %parallel_loop3A_285 = vector.broadcast %parallel_loop3A_284 : f32 to vector<16xf32>
          %parallel_loop3A_286 = arith.maximumf %parallel_loop3A_242, %parallel_loop3A_285 : vector<16xf32>
          %parallel_loop3A_287 = arith.mulf %parallel_loop3A_242, %parallel_loop3A_239 : vector<16xf32>
          %parallel_loop3A_288 = arith.subf %parallel_loop3A_286, %parallel_loop3A_287 : vector<16xf32>
          %parallel_loop3A_289 = arith.addf %parallel_loop3A_288, %parallel_loop3A_283 : vector<16xf32>
          %parallel_loop3A_290 = arith.constant 5.000000e+00 : f32
          %parallel_loop3A_291 = vector.broadcast %parallel_loop3A_290 : f32 to vector<16xf32>
          %parallel_loop3A_292 = arith.mulf %parallel_loop3A_254, %parallel_loop3A_291 : vector<16xf32>
          %parallel_loop3A_293 = arith.fptosi %parallel_loop3A_292 : vector<16xf32> to vector<16xi32>
          %parallel_loop3A_294 = arith.constant 4 : i32
          %parallel_loop3A_295 = vector.broadcast %parallel_loop3A_294 : i32 to vector<16xi32>
          %parallel_loop3A_296 = arith.minsi %parallel_loop3A_293, %parallel_loop3A_295 : vector<16xi32>
          %parallel_loop3A_297 = arith.constant 16 : i32
          %parallel_loop3A_298 = vector.broadcast %parallel_loop3A_297 : i32 to vector<16xi32>
          %parallel_loop3A_299 = arith.muli %parallel_loop3A_296, %parallel_loop3A_298 : vector<16xi32>
          %parallel_loop3A_300 = arith.addi %parallel_loop3A_299, %iota3A : vector<16xi32>
          tpu.vector_store_idx %arg9[%parallel_loop3A_300], %parallel_loop3A_289 {add = true} : memref<80xf32, #tpu.memory_space<vmem>>[vector<16xi32>], vector<16xf32>,
          tpu.vector_store_idx %arg10[%parallel_loop3A_300], %broadcast_in_dim3A_30 {add = true} : memref<80xf32, #tpu.memory_space<vmem>>[vector<16xi32>], vector<16xf32>,
          %parallel_loop3A_301 = arith.constant 128 : i32
          %parallel_loop3A_302 = arith.muli %parallel_loop3A_99, %parallel_loop3A_301 : i32
          %parallel_loop3A_303 = arith.constant 48 : i32
          %parallel_loop3A_304 = arith.addi %parallel_loop3A_302, %parallel_loop3A_303 : i32
          %parallel_loop3A_305 = arith.index_cast %parallel_loop3A_304 : i32 to index
          %parallel_loop3A_306 = tpu.vector_load %arg8[%parallel_loop3A_305] {strides = array<i32>} : memref<16000xf32, #tpu.memory_space<vmem>>, vector<16xf32>,
          %parallel_loop3A_307 = arith.index_cast %parallel_loop3A_99 : i32 to index
          %parallel_loop3A_308 = arith.constant 48 : index
          %parallel_loop3A_309 = tpu.vector_load %arg7[%parallel_loop3A_307, %parallel_loop3A_308] {strides = array<i32>} : memref<125x128xf32, #tpu.memory_space<vmem>>, vector<16xf32>,
          %parallel_loop3A_310 = arith.constant 0.000000e+00 : f32
          %parallel_loop3A_311 = vector.broadcast %parallel_loop3A_310 : f32 to vector<16xf32>
          %parallel_loop3A_312 = arith.subf %parallel_loop3A_311, %parallel_loop3A_309 : vector<16xf32>
          %parallel_loop3A_313 = math.exp %parallel_loop3A_312 : vector<16xf32>
          %parallel_loop3A_314 = arith.constant 1.000000e+00 : f32
          %parallel_loop3A_315 = vector.broadcast %parallel_loop3A_314 : f32 to vector<16xf32>
          %parallel_loop3A_316 = arith.addf %parallel_loop3A_315, %parallel_loop3A_313 : vector<16xf32>
          %parallel_loop3A_317 = arith.constant 1.000000e+00 : f32
          %parallel_loop3A_318 = vector.broadcast %parallel_loop3A_317 : f32 to vector<16xf32>
          %parallel_loop3A_319 = arith.divf %parallel_loop3A_318, %parallel_loop3A_316 : vector<16xf32>
          %parallel_loop3A_320 = arith.subf %parallel_loop3A_319, %parallel_loop3A_306 : vector<16xf32>
          %parallel_loop3A_321 = math.absf %parallel_loop3A_320 : vector<16xf32>
          %parallel_loop3A_322 = arith.constant 1.000000e+00 : f32
          %parallel_loop3A_323 = vector.broadcast %parallel_loop3A_322 : f32 to vector<16xf32>
          %parallel_loop3A_324 = arith.subf %parallel_loop3A_323, %parallel_loop3A_319 : vector<16xf32>
          %parallel_loop3A_325 = arith.maximumf %parallel_loop3A_319, %parallel_loop3A_324 : vector<16xf32>
          %parallel_loop3A_326 = arith.constant 7.500000e-01 : f32
          %parallel_loop3A_327 = vector.broadcast %parallel_loop3A_326 : f32 to vector<16xf32>
          %parallel_loop3A_328 = arith.subf %parallel_loop3A_325, %parallel_loop3A_327 : vector<16xf32>
          %parallel_loop3A_329 = arith.constant -0.953880488 : f32
          %parallel_loop3A_330 = vector.broadcast %parallel_loop3A_329 : f32 to vector<16xf32>
          %parallel_loop3A_331 = arith.mulf %parallel_loop3A_330, %parallel_loop3A_328 : vector<16xf32>
          %parallel_loop3A_332 = arith.constant 0.88696456 : f32
          %parallel_loop3A_333 = vector.broadcast %parallel_loop3A_332 : f32 to vector<16xf32>
          %parallel_loop3A_334 = arith.addf %parallel_loop3A_331, %parallel_loop3A_333 : vector<16xf32>
          %parallel_loop3A_335 = arith.mulf %parallel_loop3A_334, %parallel_loop3A_328 : vector<16xf32>
          %parallel_loop3A_336 = arith.constant -0.787445604 : f32
          %parallel_loop3A_337 = vector.broadcast %parallel_loop3A_336 : f32 to vector<16xf32>
          %parallel_loop3A_338 = arith.addf %parallel_loop3A_335, %parallel_loop3A_337 : vector<16xf32>
          %parallel_loop3A_339 = arith.mulf %parallel_loop3A_338, %parallel_loop3A_328 : vector<16xf32>
          %parallel_loop3A_340 = arith.constant 0.886556625 : f32
          %parallel_loop3A_341 = vector.broadcast %parallel_loop3A_340 : f32 to vector<16xf32>
          %parallel_loop3A_342 = arith.addf %parallel_loop3A_339, %parallel_loop3A_341 : vector<16xf32>
          %parallel_loop3A_343 = arith.mulf %parallel_loop3A_342, %parallel_loop3A_328 : vector<16xf32>
          %parallel_loop3A_344 = arith.constant -1.33334267 : f32
          %parallel_loop3A_345 = vector.broadcast %parallel_loop3A_344 : f32 to vector<16xf32>
          %parallel_loop3A_346 = arith.addf %parallel_loop3A_343, %parallel_loop3A_345 : vector<16xf32>
          %parallel_loop3A_347 = arith.mulf %parallel_loop3A_346, %parallel_loop3A_328 : vector<16xf32>
          %parallel_loop3A_348 = arith.constant 0.287690222 : f32
          %parallel_loop3A_349 = vector.broadcast %parallel_loop3A_348 : f32 to vector<16xf32>
          %parallel_loop3A_350 = arith.addf %parallel_loop3A_347, %parallel_loop3A_349 : vector<16xf32>
          %parallel_loop3A_351 = arith.constant 0.000000e+00 : f32
          %parallel_loop3A_352 = vector.broadcast %parallel_loop3A_351 : f32 to vector<16xf32>
          %parallel_loop3A_353 = arith.maximumf %parallel_loop3A_309, %parallel_loop3A_352 : vector<16xf32>
          %parallel_loop3A_354 = arith.mulf %parallel_loop3A_309, %parallel_loop3A_306 : vector<16xf32>
          %parallel_loop3A_355 = arith.subf %parallel_loop3A_353, %parallel_loop3A_354 : vector<16xf32>
          %parallel_loop3A_356 = arith.addf %parallel_loop3A_355, %parallel_loop3A_350 : vector<16xf32>
          %parallel_loop3A_357 = arith.constant 5.000000e+00 : f32
          %parallel_loop3A_358 = vector.broadcast %parallel_loop3A_357 : f32 to vector<16xf32>
          %parallel_loop3A_359 = arith.mulf %parallel_loop3A_321, %parallel_loop3A_358 : vector<16xf32>
          %parallel_loop3A_360 = arith.fptosi %parallel_loop3A_359 : vector<16xf32> to vector<16xi32>
          %parallel_loop3A_361 = arith.constant 4 : i32
          %parallel_loop3A_362 = vector.broadcast %parallel_loop3A_361 : i32 to vector<16xi32>
          %parallel_loop3A_363 = arith.minsi %parallel_loop3A_360, %parallel_loop3A_362 : vector<16xi32>
          %parallel_loop3A_364 = arith.constant 16 : i32
          %parallel_loop3A_365 = vector.broadcast %parallel_loop3A_364 : i32 to vector<16xi32>
          %parallel_loop3A_366 = arith.muli %parallel_loop3A_363, %parallel_loop3A_365 : vector<16xi32>
          %parallel_loop3A_367 = arith.addi %parallel_loop3A_366, %iota3A : vector<16xi32>
          tpu.vector_store_idx %arg9[%parallel_loop3A_367], %parallel_loop3A_356 {add = true} : memref<80xf32, #tpu.memory_space<vmem>>[vector<16xi32>], vector<16xf32>,
          tpu.vector_store_idx %arg10[%parallel_loop3A_367], %broadcast_in_dim3A_30 {add = true} : memref<80xf32, #tpu.memory_space<vmem>>[vector<16xi32>], vector<16xf32>,
          %parallel_loop3A_368 = arith.constant 128 : i32
          %parallel_loop3A_369 = arith.muli %parallel_loop3A_99, %parallel_loop3A_368 : i32
          %parallel_loop3A_370 = arith.constant 64 : i32
          %parallel_loop3A_371 = arith.addi %parallel_loop3A_369, %parallel_loop3A_370 : i32
          %parallel_loop3A_372 = arith.index_cast %parallel_loop3A_371 : i32 to index
          %parallel_loop3A_373 = tpu.vector_load %arg8[%parallel_loop3A_372] {strides = array<i32>} : memref<16000xf32, #tpu.memory_space<vmem>>, vector<16xf32>,
          %parallel_loop3A_374 = arith.index_cast %parallel_loop3A_99 : i32 to index
          %parallel_loop3A_375 = arith.constant 64 : index
          %parallel_loop3A_376 = tpu.vector_load %arg7[%parallel_loop3A_374, %parallel_loop3A_375] {strides = array<i32>} : memref<125x128xf32, #tpu.memory_space<vmem>>, vector<16xf32>,
          %parallel_loop3A_377 = arith.constant 0.000000e+00 : f32
          %parallel_loop3A_378 = vector.broadcast %parallel_loop3A_377 : f32 to vector<16xf32>
          %parallel_loop3A_379 = arith.subf %parallel_loop3A_378, %parallel_loop3A_376 : vector<16xf32>
          %parallel_loop3A_380 = math.exp %parallel_loop3A_379 : vector<16xf32>
          %parallel_loop3A_381 = arith.constant 1.000000e+00 : f32
          %parallel_loop3A_382 = vector.broadcast %parallel_loop3A_381 : f32 to vector<16xf32>
          %parallel_loop3A_383 = arith.addf %parallel_loop3A_382, %parallel_loop3A_380 : vector<16xf32>
          %parallel_loop3A_384 = arith.constant 1.000000e+00 : f32
          %parallel_loop3A_385 = vector.broadcast %parallel_loop3A_384 : f32 to vector<16xf32>
          %parallel_loop3A_386 = arith.divf %parallel_loop3A_385, %parallel_loop3A_383 : vector<16xf32>
          %parallel_loop3A_387 = arith.subf %parallel_loop3A_386, %parallel_loop3A_373 : vector<16xf32>
          %parallel_loop3A_388 = math.absf %parallel_loop3A_387 : vector<16xf32>
          %parallel_loop3A_389 = arith.constant 1.000000e+00 : f32
          %parallel_loop3A_390 = vector.broadcast %parallel_loop3A_389 : f32 to vector<16xf32>
          %parallel_loop3A_391 = arith.subf %parallel_loop3A_390, %parallel_loop3A_386 : vector<16xf32>
          %parallel_loop3A_392 = arith.maximumf %parallel_loop3A_386, %parallel_loop3A_391 : vector<16xf32>
          %parallel_loop3A_393 = arith.constant 7.500000e-01 : f32
          %parallel_loop3A_394 = vector.broadcast %parallel_loop3A_393 : f32 to vector<16xf32>
          %parallel_loop3A_395 = arith.subf %parallel_loop3A_392, %parallel_loop3A_394 : vector<16xf32>
          %parallel_loop3A_396 = arith.constant -0.953880488 : f32
          %parallel_loop3A_397 = vector.broadcast %parallel_loop3A_396 : f32 to vector<16xf32>
          %parallel_loop3A_398 = arith.mulf %parallel_loop3A_397, %parallel_loop3A_395 : vector<16xf32>
          %parallel_loop3A_399 = arith.constant 0.88696456 : f32
          %parallel_loop3A_400 = vector.broadcast %parallel_loop3A_399 : f32 to vector<16xf32>
          %parallel_loop3A_401 = arith.addf %parallel_loop3A_398, %parallel_loop3A_400 : vector<16xf32>
          %parallel_loop3A_402 = arith.mulf %parallel_loop3A_401, %parallel_loop3A_395 : vector<16xf32>
          %parallel_loop3A_403 = arith.constant -0.787445604 : f32
          %parallel_loop3A_404 = vector.broadcast %parallel_loop3A_403 : f32 to vector<16xf32>
          %parallel_loop3A_405 = arith.addf %parallel_loop3A_402, %parallel_loop3A_404 : vector<16xf32>
          %parallel_loop3A_406 = arith.mulf %parallel_loop3A_405, %parallel_loop3A_395 : vector<16xf32>
          %parallel_loop3A_407 = arith.constant 0.886556625 : f32
          %parallel_loop3A_408 = vector.broadcast %parallel_loop3A_407 : f32 to vector<16xf32>
          %parallel_loop3A_409 = arith.addf %parallel_loop3A_406, %parallel_loop3A_408 : vector<16xf32>
          %parallel_loop3A_410 = arith.mulf %parallel_loop3A_409, %parallel_loop3A_395 : vector<16xf32>
          %parallel_loop3A_411 = arith.constant -1.33334267 : f32
          %parallel_loop3A_412 = vector.broadcast %parallel_loop3A_411 : f32 to vector<16xf32>
          %parallel_loop3A_413 = arith.addf %parallel_loop3A_410, %parallel_loop3A_412 : vector<16xf32>
          %parallel_loop3A_414 = arith.mulf %parallel_loop3A_413, %parallel_loop3A_395 : vector<16xf32>
          %parallel_loop3A_415 = arith.constant 0.287690222 : f32
          %parallel_loop3A_416 = vector.broadcast %parallel_loop3A_415 : f32 to vector<16xf32>
          %parallel_loop3A_417 = arith.addf %parallel_loop3A_414, %parallel_loop3A_416 : vector<16xf32>
          %parallel_loop3A_418 = arith.constant 0.000000e+00 : f32
          %parallel_loop3A_419 = vector.broadcast %parallel_loop3A_418 : f32 to vector<16xf32>
          %parallel_loop3A_420 = arith.maximumf %parallel_loop3A_376, %parallel_loop3A_419 : vector<16xf32>
          %parallel_loop3A_421 = arith.mulf %parallel_loop3A_376, %parallel_loop3A_373 : vector<16xf32>
          %parallel_loop3A_422 = arith.subf %parallel_loop3A_420, %parallel_loop3A_421 : vector<16xf32>
          %parallel_loop3A_423 = arith.addf %parallel_loop3A_422, %parallel_loop3A_417 : vector<16xf32>
          %parallel_loop3A_424 = arith.constant 5.000000e+00 : f32
          %parallel_loop3A_425 = vector.broadcast %parallel_loop3A_424 : f32 to vector<16xf32>
          %parallel_loop3A_426 = arith.mulf %parallel_loop3A_388, %parallel_loop3A_425 : vector<16xf32>
          %parallel_loop3A_427 = arith.fptosi %parallel_loop3A_426 : vector<16xf32> to vector<16xi32>
          %parallel_loop3A_428 = arith.constant 4 : i32
          %parallel_loop3A_429 = vector.broadcast %parallel_loop3A_428 : i32 to vector<16xi32>
          %parallel_loop3A_430 = arith.minsi %parallel_loop3A_427, %parallel_loop3A_429 : vector<16xi32>
          %parallel_loop3A_431 = arith.constant 16 : i32
          %parallel_loop3A_432 = vector.broadcast %parallel_loop3A_431 : i32 to vector<16xi32>
          %parallel_loop3A_433 = arith.muli %parallel_loop3A_430, %parallel_loop3A_432 : vector<16xi32>
          %parallel_loop3A_434 = arith.addi %parallel_loop3A_433, %iota3A : vector<16xi32>
          tpu.vector_store_idx %arg9[%parallel_loop3A_434], %parallel_loop3A_423 {add = true} : memref<80xf32, #tpu.memory_space<vmem>>[vector<16xi32>], vector<16xf32>,
          tpu.vector_store_idx %arg10[%parallel_loop3A_434], %broadcast_in_dim3A_30 {add = true} : memref<80xf32, #tpu.memory_space<vmem>>[vector<16xi32>], vector<16xf32>,
          %parallel_loop3A_435 = arith.constant 128 : i32
          %parallel_loop3A_436 = arith.muli %parallel_loop3A_99, %parallel_loop3A_435 : i32
          %parallel_loop3A_437 = arith.constant 80 : i32
          %parallel_loop3A_438 = arith.addi %parallel_loop3A_436, %parallel_loop3A_437 : i32
          %parallel_loop3A_439 = arith.index_cast %parallel_loop3A_438 : i32 to index
          %parallel_loop3A_440 = tpu.vector_load %arg8[%parallel_loop3A_439] {strides = array<i32>} : memref<16000xf32, #tpu.memory_space<vmem>>, vector<16xf32>,
          %parallel_loop3A_441 = arith.index_cast %parallel_loop3A_99 : i32 to index
          %parallel_loop3A_442 = arith.constant 80 : index
          %parallel_loop3A_443 = tpu.vector_load %arg7[%parallel_loop3A_441, %parallel_loop3A_442] {strides = array<i32>} : memref<125x128xf32, #tpu.memory_space<vmem>>, vector<16xf32>,
          %parallel_loop3A_444 = arith.constant 0.000000e+00 : f32
          %parallel_loop3A_445 = vector.broadcast %parallel_loop3A_444 : f32 to vector<16xf32>
          %parallel_loop3A_446 = arith.subf %parallel_loop3A_445, %parallel_loop3A_443 : vector<16xf32>
          %parallel_loop3A_447 = math.exp %parallel_loop3A_446 : vector<16xf32>
          %parallel_loop3A_448 = arith.constant 1.000000e+00 : f32
          %parallel_loop3A_449 = vector.broadcast %parallel_loop3A_448 : f32 to vector<16xf32>
          %parallel_loop3A_450 = arith.addf %parallel_loop3A_449, %parallel_loop3A_447 : vector<16xf32>
          %parallel_loop3A_451 = arith.constant 1.000000e+00 : f32
          %parallel_loop3A_452 = vector.broadcast %parallel_loop3A_451 : f32 to vector<16xf32>
          %parallel_loop3A_453 = arith.divf %parallel_loop3A_452, %parallel_loop3A_450 : vector<16xf32>
          %parallel_loop3A_454 = arith.subf %parallel_loop3A_453, %parallel_loop3A_440 : vector<16xf32>
          %parallel_loop3A_455 = math.absf %parallel_loop3A_454 : vector<16xf32>
          %parallel_loop3A_456 = arith.constant 1.000000e+00 : f32
          %parallel_loop3A_457 = vector.broadcast %parallel_loop3A_456 : f32 to vector<16xf32>
          %parallel_loop3A_458 = arith.subf %parallel_loop3A_457, %parallel_loop3A_453 : vector<16xf32>
          %parallel_loop3A_459 = arith.maximumf %parallel_loop3A_453, %parallel_loop3A_458 : vector<16xf32>
          %parallel_loop3A_460 = arith.constant 7.500000e-01 : f32
          %parallel_loop3A_461 = vector.broadcast %parallel_loop3A_460 : f32 to vector<16xf32>
          %parallel_loop3A_462 = arith.subf %parallel_loop3A_459, %parallel_loop3A_461 : vector<16xf32>
          %parallel_loop3A_463 = arith.constant -0.953880488 : f32
          %parallel_loop3A_464 = vector.broadcast %parallel_loop3A_463 : f32 to vector<16xf32>
          %parallel_loop3A_465 = arith.mulf %parallel_loop3A_464, %parallel_loop3A_462 : vector<16xf32>
          %parallel_loop3A_466 = arith.constant 0.88696456 : f32
          %parallel_loop3A_467 = vector.broadcast %parallel_loop3A_466 : f32 to vector<16xf32>
          %parallel_loop3A_468 = arith.addf %parallel_loop3A_465, %parallel_loop3A_467 : vector<16xf32>
          %parallel_loop3A_469 = arith.mulf %parallel_loop3A_468, %parallel_loop3A_462 : vector<16xf32>
          %parallel_loop3A_470 = arith.constant -0.787445604 : f32
          %parallel_loop3A_471 = vector.broadcast %parallel_loop3A_470 : f32 to vector<16xf32>
          %parallel_loop3A_472 = arith.addf %parallel_loop3A_469, %parallel_loop3A_471 : vector<16xf32>
          %parallel_loop3A_473 = arith.mulf %parallel_loop3A_472, %parallel_loop3A_462 : vector<16xf32>
          %parallel_loop3A_474 = arith.constant 0.886556625 : f32
          %parallel_loop3A_475 = vector.broadcast %parallel_loop3A_474 : f32 to vector<16xf32>
          %parallel_loop3A_476 = arith.addf %parallel_loop3A_473, %parallel_loop3A_475 : vector<16xf32>
          %parallel_loop3A_477 = arith.mulf %parallel_loop3A_476, %parallel_loop3A_462 : vector<16xf32>
          %parallel_loop3A_478 = arith.constant -1.33334267 : f32
          %parallel_loop3A_479 = vector.broadcast %parallel_loop3A_478 : f32 to vector<16xf32>
          %parallel_loop3A_480 = arith.addf %parallel_loop3A_477, %parallel_loop3A_479 : vector<16xf32>
          %parallel_loop3A_481 = arith.mulf %parallel_loop3A_480, %parallel_loop3A_462 : vector<16xf32>
          %parallel_loop3A_482 = arith.constant 0.287690222 : f32
          %parallel_loop3A_483 = vector.broadcast %parallel_loop3A_482 : f32 to vector<16xf32>
          %parallel_loop3A_484 = arith.addf %parallel_loop3A_481, %parallel_loop3A_483 : vector<16xf32>
          %parallel_loop3A_485 = arith.constant 0.000000e+00 : f32
          %parallel_loop3A_486 = vector.broadcast %parallel_loop3A_485 : f32 to vector<16xf32>
          %parallel_loop3A_487 = arith.maximumf %parallel_loop3A_443, %parallel_loop3A_486 : vector<16xf32>
          %parallel_loop3A_488 = arith.mulf %parallel_loop3A_443, %parallel_loop3A_440 : vector<16xf32>
          %parallel_loop3A_489 = arith.subf %parallel_loop3A_487, %parallel_loop3A_488 : vector<16xf32>
          %parallel_loop3A_490 = arith.addf %parallel_loop3A_489, %parallel_loop3A_484 : vector<16xf32>
          %parallel_loop3A_491 = arith.constant 5.000000e+00 : f32
          %parallel_loop3A_492 = vector.broadcast %parallel_loop3A_491 : f32 to vector<16xf32>
          %parallel_loop3A_493 = arith.mulf %parallel_loop3A_455, %parallel_loop3A_492 : vector<16xf32>
          %parallel_loop3A_494 = arith.fptosi %parallel_loop3A_493 : vector<16xf32> to vector<16xi32>
          %parallel_loop3A_495 = arith.constant 4 : i32
          %parallel_loop3A_496 = vector.broadcast %parallel_loop3A_495 : i32 to vector<16xi32>
          %parallel_loop3A_497 = arith.minsi %parallel_loop3A_494, %parallel_loop3A_496 : vector<16xi32>
          %parallel_loop3A_498 = arith.constant 16 : i32
          %parallel_loop3A_499 = vector.broadcast %parallel_loop3A_498 : i32 to vector<16xi32>
          %parallel_loop3A_500 = arith.muli %parallel_loop3A_497, %parallel_loop3A_499 : vector<16xi32>
          %parallel_loop3A_501 = arith.addi %parallel_loop3A_500, %iota3A : vector<16xi32>
          tpu.vector_store_idx %arg9[%parallel_loop3A_501], %parallel_loop3A_490 {add = true} : memref<80xf32, #tpu.memory_space<vmem>>[vector<16xi32>], vector<16xf32>,
          tpu.vector_store_idx %arg10[%parallel_loop3A_501], %broadcast_in_dim3A_30 {add = true} : memref<80xf32, #tpu.memory_space<vmem>>[vector<16xi32>], vector<16xf32>,
          %parallel_loop3A_502 = arith.constant 128 : i32
          %parallel_loop3A_503 = arith.muli %parallel_loop3A_99, %parallel_loop3A_502 : i32
          %parallel_loop3A_504 = arith.constant 96 : i32
          %parallel_loop3A_505 = arith.addi %parallel_loop3A_503, %parallel_loop3A_504 : i32
          %parallel_loop3A_506 = arith.index_cast %parallel_loop3A_505 : i32 to index
          %parallel_loop3A_507 = tpu.vector_load %arg8[%parallel_loop3A_506] {strides = array<i32>} : memref<16000xf32, #tpu.memory_space<vmem>>, vector<16xf32>,
          %parallel_loop3A_508 = arith.index_cast %parallel_loop3A_99 : i32 to index
          %parallel_loop3A_509 = arith.constant 96 : index
          %parallel_loop3A_510 = tpu.vector_load %arg7[%parallel_loop3A_508, %parallel_loop3A_509] {strides = array<i32>} : memref<125x128xf32, #tpu.memory_space<vmem>>, vector<16xf32>,
          %parallel_loop3A_511 = arith.constant 0.000000e+00 : f32
          %parallel_loop3A_512 = vector.broadcast %parallel_loop3A_511 : f32 to vector<16xf32>
          %parallel_loop3A_513 = arith.subf %parallel_loop3A_512, %parallel_loop3A_510 : vector<16xf32>
          %parallel_loop3A_514 = math.exp %parallel_loop3A_513 : vector<16xf32>
          %parallel_loop3A_515 = arith.constant 1.000000e+00 : f32
          %parallel_loop3A_516 = vector.broadcast %parallel_loop3A_515 : f32 to vector<16xf32>
          %parallel_loop3A_517 = arith.addf %parallel_loop3A_516, %parallel_loop3A_514 : vector<16xf32>
          %parallel_loop3A_518 = arith.constant 1.000000e+00 : f32
          %parallel_loop3A_519 = vector.broadcast %parallel_loop3A_518 : f32 to vector<16xf32>
          %parallel_loop3A_520 = arith.divf %parallel_loop3A_519, %parallel_loop3A_517 : vector<16xf32>
          %parallel_loop3A_521 = arith.subf %parallel_loop3A_520, %parallel_loop3A_507 : vector<16xf32>
          %parallel_loop3A_522 = math.absf %parallel_loop3A_521 : vector<16xf32>
          %parallel_loop3A_523 = arith.constant 1.000000e+00 : f32
          %parallel_loop3A_524 = vector.broadcast %parallel_loop3A_523 : f32 to vector<16xf32>
          %parallel_loop3A_525 = arith.subf %parallel_loop3A_524, %parallel_loop3A_520 : vector<16xf32>
          %parallel_loop3A_526 = arith.maximumf %parallel_loop3A_520, %parallel_loop3A_525 : vector<16xf32>
          %parallel_loop3A_527 = arith.constant 7.500000e-01 : f32
          %parallel_loop3A_528 = vector.broadcast %parallel_loop3A_527 : f32 to vector<16xf32>
          %parallel_loop3A_529 = arith.subf %parallel_loop3A_526, %parallel_loop3A_528 : vector<16xf32>
          %parallel_loop3A_530 = arith.constant -0.953880488 : f32
          %parallel_loop3A_531 = vector.broadcast %parallel_loop3A_530 : f32 to vector<16xf32>
          %parallel_loop3A_532 = arith.mulf %parallel_loop3A_531, %parallel_loop3A_529 : vector<16xf32>
          %parallel_loop3A_533 = arith.constant 0.88696456 : f32
          %parallel_loop3A_534 = vector.broadcast %parallel_loop3A_533 : f32 to vector<16xf32>
          %parallel_loop3A_535 = arith.addf %parallel_loop3A_532, %parallel_loop3A_534 : vector<16xf32>
          %parallel_loop3A_536 = arith.mulf %parallel_loop3A_535, %parallel_loop3A_529 : vector<16xf32>
          %parallel_loop3A_537 = arith.constant -0.787445604 : f32
          %parallel_loop3A_538 = vector.broadcast %parallel_loop3A_537 : f32 to vector<16xf32>
          %parallel_loop3A_539 = arith.addf %parallel_loop3A_536, %parallel_loop3A_538 : vector<16xf32>
          %parallel_loop3A_540 = arith.mulf %parallel_loop3A_539, %parallel_loop3A_529 : vector<16xf32>
          %parallel_loop3A_541 = arith.constant 0.886556625 : f32
          %parallel_loop3A_542 = vector.broadcast %parallel_loop3A_541 : f32 to vector<16xf32>
          %parallel_loop3A_543 = arith.addf %parallel_loop3A_540, %parallel_loop3A_542 : vector<16xf32>
          %parallel_loop3A_544 = arith.mulf %parallel_loop3A_543, %parallel_loop3A_529 : vector<16xf32>
          %parallel_loop3A_545 = arith.constant -1.33334267 : f32
          %parallel_loop3A_546 = vector.broadcast %parallel_loop3A_545 : f32 to vector<16xf32>
          %parallel_loop3A_547 = arith.addf %parallel_loop3A_544, %parallel_loop3A_546 : vector<16xf32>
          %parallel_loop3A_548 = arith.mulf %parallel_loop3A_547, %parallel_loop3A_529 : vector<16xf32>
          %parallel_loop3A_549 = arith.constant 0.287690222 : f32
          %parallel_loop3A_550 = vector.broadcast %parallel_loop3A_549 : f32 to vector<16xf32>
          %parallel_loop3A_551 = arith.addf %parallel_loop3A_548, %parallel_loop3A_550 : vector<16xf32>
          %parallel_loop3A_552 = arith.constant 0.000000e+00 : f32
          %parallel_loop3A_553 = vector.broadcast %parallel_loop3A_552 : f32 to vector<16xf32>
          %parallel_loop3A_554 = arith.maximumf %parallel_loop3A_510, %parallel_loop3A_553 : vector<16xf32>
          %parallel_loop3A_555 = arith.mulf %parallel_loop3A_510, %parallel_loop3A_507 : vector<16xf32>
          %parallel_loop3A_556 = arith.subf %parallel_loop3A_554, %parallel_loop3A_555 : vector<16xf32>
          %parallel_loop3A_557 = arith.addf %parallel_loop3A_556, %parallel_loop3A_551 : vector<16xf32>
          %parallel_loop3A_558 = arith.constant 5.000000e+00 : f32
          %parallel_loop3A_559 = vector.broadcast %parallel_loop3A_558 : f32 to vector<16xf32>
          %parallel_loop3A_560 = arith.mulf %parallel_loop3A_522, %parallel_loop3A_559 : vector<16xf32>
          %parallel_loop3A_561 = arith.fptosi %parallel_loop3A_560 : vector<16xf32> to vector<16xi32>
          %parallel_loop3A_562 = arith.constant 4 : i32
          %parallel_loop3A_563 = vector.broadcast %parallel_loop3A_562 : i32 to vector<16xi32>
          %parallel_loop3A_564 = arith.minsi %parallel_loop3A_561, %parallel_loop3A_563 : vector<16xi32>
          %parallel_loop3A_565 = arith.constant 16 : i32
          %parallel_loop3A_566 = vector.broadcast %parallel_loop3A_565 : i32 to vector<16xi32>
          %parallel_loop3A_567 = arith.muli %parallel_loop3A_564, %parallel_loop3A_566 : vector<16xi32>
          %parallel_loop3A_568 = arith.addi %parallel_loop3A_567, %iota3A : vector<16xi32>
          tpu.vector_store_idx %arg9[%parallel_loop3A_568], %parallel_loop3A_557 {add = true} : memref<80xf32, #tpu.memory_space<vmem>>[vector<16xi32>], vector<16xf32>,
          tpu.vector_store_idx %arg10[%parallel_loop3A_568], %broadcast_in_dim3A_30 {add = true} : memref<80xf32, #tpu.memory_space<vmem>>[vector<16xi32>], vector<16xf32>,
          %parallel_loop3A_569 = arith.constant 128 : i32
          %parallel_loop3A_570 = arith.muli %parallel_loop3A_99, %parallel_loop3A_569 : i32
          %parallel_loop3A_571 = arith.constant 112 : i32
          %parallel_loop3A_572 = arith.addi %parallel_loop3A_570, %parallel_loop3A_571 : i32
          %parallel_loop3A_573 = arith.index_cast %parallel_loop3A_572 : i32 to index
          %parallel_loop3A_574 = tpu.vector_load %arg8[%parallel_loop3A_573] {strides = array<i32>} : memref<16000xf32, #tpu.memory_space<vmem>>, vector<16xf32>,
          %parallel_loop3A_575 = arith.index_cast %parallel_loop3A_99 : i32 to index
          %parallel_loop3A_576 = arith.constant 112 : index
          %parallel_loop3A_577 = tpu.vector_load %arg7[%parallel_loop3A_575, %parallel_loop3A_576] {strides = array<i32>} : memref<125x128xf32, #tpu.memory_space<vmem>>, vector<16xf32>,
          %parallel_loop3A_578 = arith.constant 0.000000e+00 : f32
          %parallel_loop3A_579 = vector.broadcast %parallel_loop3A_578 : f32 to vector<16xf32>
          %parallel_loop3A_580 = arith.subf %parallel_loop3A_579, %parallel_loop3A_577 : vector<16xf32>
          %parallel_loop3A_581 = math.exp %parallel_loop3A_580 : vector<16xf32>
          %parallel_loop3A_582 = arith.constant 1.000000e+00 : f32
          %parallel_loop3A_583 = vector.broadcast %parallel_loop3A_582 : f32 to vector<16xf32>
          %parallel_loop3A_584 = arith.addf %parallel_loop3A_583, %parallel_loop3A_581 : vector<16xf32>
          %parallel_loop3A_585 = arith.constant 1.000000e+00 : f32
          %parallel_loop3A_586 = vector.broadcast %parallel_loop3A_585 : f32 to vector<16xf32>
          %parallel_loop3A_587 = arith.divf %parallel_loop3A_586, %parallel_loop3A_584 : vector<16xf32>
          %parallel_loop3A_588 = arith.subf %parallel_loop3A_587, %parallel_loop3A_574 : vector<16xf32>
          %parallel_loop3A_589 = math.absf %parallel_loop3A_588 : vector<16xf32>
          %parallel_loop3A_590 = arith.constant 1.000000e+00 : f32
          %parallel_loop3A_591 = vector.broadcast %parallel_loop3A_590 : f32 to vector<16xf32>
          %parallel_loop3A_592 = arith.subf %parallel_loop3A_591, %parallel_loop3A_587 : vector<16xf32>
          %parallel_loop3A_593 = arith.maximumf %parallel_loop3A_587, %parallel_loop3A_592 : vector<16xf32>
          %parallel_loop3A_594 = arith.constant 7.500000e-01 : f32
          %parallel_loop3A_595 = vector.broadcast %parallel_loop3A_594 : f32 to vector<16xf32>
          %parallel_loop3A_596 = arith.subf %parallel_loop3A_593, %parallel_loop3A_595 : vector<16xf32>
          %parallel_loop3A_597 = arith.constant -0.953880488 : f32
          %parallel_loop3A_598 = vector.broadcast %parallel_loop3A_597 : f32 to vector<16xf32>
          %parallel_loop3A_599 = arith.mulf %parallel_loop3A_598, %parallel_loop3A_596 : vector<16xf32>
          %parallel_loop3A_600 = arith.constant 0.88696456 : f32
          %parallel_loop3A_601 = vector.broadcast %parallel_loop3A_600 : f32 to vector<16xf32>
          %parallel_loop3A_602 = arith.addf %parallel_loop3A_599, %parallel_loop3A_601 : vector<16xf32>
          %parallel_loop3A_603 = arith.mulf %parallel_loop3A_602, %parallel_loop3A_596 : vector<16xf32>
          %parallel_loop3A_604 = arith.constant -0.787445604 : f32
          %parallel_loop3A_605 = vector.broadcast %parallel_loop3A_604 : f32 to vector<16xf32>
          %parallel_loop3A_606 = arith.addf %parallel_loop3A_603, %parallel_loop3A_605 : vector<16xf32>
          %parallel_loop3A_607 = arith.mulf %parallel_loop3A_606, %parallel_loop3A_596 : vector<16xf32>
          %parallel_loop3A_608 = arith.constant 0.886556625 : f32
          %parallel_loop3A_609 = vector.broadcast %parallel_loop3A_608 : f32 to vector<16xf32>
          %parallel_loop3A_610 = arith.addf %parallel_loop3A_607, %parallel_loop3A_609 : vector<16xf32>
          %parallel_loop3A_611 = arith.mulf %parallel_loop3A_610, %parallel_loop3A_596 : vector<16xf32>
          %parallel_loop3A_612 = arith.constant -1.33334267 : f32
          %parallel_loop3A_613 = vector.broadcast %parallel_loop3A_612 : f32 to vector<16xf32>
          %parallel_loop3A_614 = arith.addf %parallel_loop3A_611, %parallel_loop3A_613 : vector<16xf32>
          %parallel_loop3A_615 = arith.mulf %parallel_loop3A_614, %parallel_loop3A_596 : vector<16xf32>
          %parallel_loop3A_616 = arith.constant 0.287690222 : f32
          %parallel_loop3A_617 = vector.broadcast %parallel_loop3A_616 : f32 to vector<16xf32>
          %parallel_loop3A_618 = arith.addf %parallel_loop3A_615, %parallel_loop3A_617 : vector<16xf32>
          %parallel_loop3A_619 = arith.constant 0.000000e+00 : f32
          %parallel_loop3A_620 = vector.broadcast %parallel_loop3A_619 : f32 to vector<16xf32>
          %parallel_loop3A_621 = arith.maximumf %parallel_loop3A_577, %parallel_loop3A_620 : vector<16xf32>
          %parallel_loop3A_622 = arith.mulf %parallel_loop3A_577, %parallel_loop3A_574 : vector<16xf32>
          %parallel_loop3A_623 = arith.subf %parallel_loop3A_621, %parallel_loop3A_622 : vector<16xf32>
          %parallel_loop3A_624 = arith.addf %parallel_loop3A_623, %parallel_loop3A_618 : vector<16xf32>
          %parallel_loop3A_625 = arith.constant 5.000000e+00 : f32
          %parallel_loop3A_626 = vector.broadcast %parallel_loop3A_625 : f32 to vector<16xf32>
          %parallel_loop3A_627 = arith.mulf %parallel_loop3A_589, %parallel_loop3A_626 : vector<16xf32>
          %parallel_loop3A_628 = arith.fptosi %parallel_loop3A_627 : vector<16xf32> to vector<16xi32>
          %parallel_loop3A_629 = arith.constant 4 : i32
          %parallel_loop3A_630 = vector.broadcast %parallel_loop3A_629 : i32 to vector<16xi32>
          %parallel_loop3A_631 = arith.minsi %parallel_loop3A_628, %parallel_loop3A_630 : vector<16xi32>
          %parallel_loop3A_632 = arith.constant 16 : i32
          %parallel_loop3A_633 = vector.broadcast %parallel_loop3A_632 : i32 to vector<16xi32>
          %parallel_loop3A_634 = arith.muli %parallel_loop3A_631, %parallel_loop3A_633 : vector<16xi32>
          %parallel_loop3A_635 = arith.addi %parallel_loop3A_634, %iota3A : vector<16xi32>
          tpu.vector_store_idx %arg9[%parallel_loop3A_635], %parallel_loop3A_624 {add = true} : memref<80xf32, #tpu.memory_space<vmem>>[vector<16xi32>], vector<16xf32>,
          tpu.vector_store_idx %arg10[%parallel_loop3A_635], %broadcast_in_dim3A_30 {add = true} : memref<80xf32, #tpu.memory_space<vmem>>[vector<16xi32>], vector<16xf32>,
        } {sc.loop_unroll_factor = 1 : i64, sc.parallel_access}
      } else {
      }
    }
    %while3A_51 = arith.constant 1 : i32
    scf.for %while3A_58 = %while3A_49 to %while3A_45 step %while3A_51  : i32 {
      %add3A_59 = arith.addi %add3A_8, %while3A_58 : i32
      %jit3A_60 = arith.constant 2 : i32
      %eq3A = arith.constant 0 : i32
      %eq3A_61 = arith.cmpi eq, %jit3A_60, %eq3A : i32
      %jit3A_62 = arith.constant 1 : i32
      %select_n3A_63 = arith.select %eq3A_61, %jit3A_62, %jit3A_60 : i32
      %rem3A = arith.remsi %while3A_58, %select_n3A_63 : i32
      %ne3A = arith.constant 0 : i32
      %ne3A_64 = arith.cmpi ne, %rem3A, %ne3A : i32
      %lt3A_65 = arith.constant 0 : i32
      %lt3A_66 = arith.cmpi slt, %rem3A, %lt3A_65 : i32
      %lt3A_67 = arith.constant 0 : i32
      %lt3A_68 = arith.cmpi slt, %select_n3A_63, %lt3A_67 : i32
      %ne3A_69 = arith.xori %lt3A_66, %lt3A_68 : i1
      %and3A = arith.andi %ne3A_69, %ne3A_64 : i1
      %add3A_70 = arith.addi %rem3A, %select_n3A_63 : i32
      %select_n3A_71 = arith.select %and3A, %add3A_70, %rem3A : i32
      %eq3A_72 = arith.constant 0 : i32
      %eq3A_73 = arith.cmpi eq, %select_n3A_71, %eq3A_72 : i32
      %convert_element_type3A = arith.extui %eq3A_73 : i1 to i32
      %cond3A = arith.constant 0 : i32
      %cond3A_74 = arith.cmpi ne, %convert_element_type3A, %cond3A : i32
      scf.if %cond3A_74 {
        %add3A_79 = arith.constant 1 : i32
        %add3A_80 = arith.addi %while3A_58, %add3A_79 : i32
        %lt3A_81 = arith.cmpi slt, %add3A_80, %select_n3A : i32
        %convert_element_type3A_82 = arith.extui %lt3A_81 : i1 to i32
        %cond3A_83 = arith.constant 0 : i32
        %cond3A_84 = arith.cmpi ne, %convert_element_type3A_82, %cond3A_83 : i32
        scf.if %cond3A_84 {
          %add3A_99 = arith.constant 1 : i32
          %add3A_100 = arith.addi %add3A_59, %add3A_99 : i32
          %mul3A_101 = arith.constant 125 : i32
          %mul3A_102 = arith.muli %add3A_100, %mul3A_101 : i32
          %dma_start3A_103 = arith.constant 1 : i32
          %dma_start3A_104 = arith.constant 0 : i32
          %dma_start3A_105 = tpu.memref_slice %arg2[%mul3A_102, %dma_start3A_103, %dma_start3A_104] : memref<31250x2x128xf32, #tpu.memory_space<hbm>> -> memref<125x1x128xf32, #tpu.memory_space<hbm>>
          %dma_start3A_106 = tpu.memref_squeeze %dma_start3A_105 : memref<125x1x128xf32, #tpu.memory_space<hbm>> -> memref<125x128xf32, #tpu.memory_space<hbm>>
          %dma_start3A_107 = arith.constant 0 : i32
          %dma_start3A_108 = tpu.memref_slice %arg2[%mul3A_102, %dma_start3A_103, %dma_start3A_107] : memref<31250x2x128xf32, #tpu.memory_space<hbm>> -> memref<125x1x128xf32, #tpu.memory_space<hbm>>
          %dma_start3A_109 = tpu.memref_squeeze %dma_start3A_108 : memref<125x1x128xf32, #tpu.memory_space<hbm>> -> memref<125x128xf32, #tpu.memory_space<hbm>>
          tpu.enqueue_dma source(%dma_start3A_109 : memref<125x128xf32, #tpu.memory_space<hbm>>) target(%arg7 : memref<125x128xf32, #tpu.memory_space<vmem>>) target_semaphore(%arg13 : memref<!tpu.dma_semaphore, #tpu.memory_space<semaphore_mem>>)
          %mul3A_110 = arith.constant 16000 : i32
          %mul3A_111 = arith.muli %add3A_100, %mul3A_110 : i32
          %dma_start3A_112 = tpu.memref_slice %arg3[%mul3A_111] : memref<4000000xf32, #tpu.memory_space<hbm>> -> memref<16000xf32, #tpu.memory_space<hbm>>
          %dma_start3A_113 = tpu.memref_slice %arg3[%mul3A_111] : memref<4000000xf32, #tpu.memory_space<hbm>> -> memref<16000xf32, #tpu.memory_space<hbm>>
          tpu.enqueue_dma source(%dma_start3A_113 : memref<16000xf32, #tpu.memory_space<hbm>>) target(%arg8 : memref<16000xf32, #tpu.memory_space<vmem>>) target_semaphore(%arg14 : memref<!tpu.dma_semaphore, #tpu.memory_space<semaphore_mem>>)
        } else {
        }
        %mul3A_85 = arith.constant 125 : i32
        %mul3A_86 = arith.muli %add3A_59, %mul3A_85 : i32
        %dma_wait3A = arith.constant 1 : i32
        %dma_wait3A_87 = arith.constant 0 : i32
        %dma_wait3A_88 = tpu.memref_slice %arg2[%mul3A_86, %dma_wait3A, %dma_wait3A_87] : memref<31250x2x128xf32, #tpu.memory_space<hbm>> -> memref<125x1x128xf32, #tpu.memory_space<hbm>>
        %dma_wait3A_89 = tpu.memref_squeeze %dma_wait3A_88 : memref<125x1x128xf32, #tpu.memory_space<hbm>> -> memref<125x128xf32, #tpu.memory_space<hbm>>
        %dma_wait3A_90 = arith.constant 0 : i32
        %dma_wait3A_91 = tpu.memref_slice %arg2[%mul3A_86, %dma_wait3A, %dma_wait3A_90] : memref<31250x2x128xf32, #tpu.memory_space<hbm>> -> memref<125x1x128xf32, #tpu.memory_space<hbm>>
        %dma_wait3A_92 = tpu.memref_squeeze %dma_wait3A_91 : memref<125x1x128xf32, #tpu.memory_space<hbm>> -> memref<125x128xf32, #tpu.memory_space<hbm>>
        tpu.wait_dma2 semaphore(%arg11 : memref<!tpu.dma_semaphore, #tpu.memory_space<semaphore_mem>>) src(%dma_wait3A_92 : memref<125x128xf32, #tpu.memory_space<hbm>>) dst(%arg5 : memref<125x128xf32, #tpu.memory_space<vmem>>)
        %mul3A_93 = arith.constant 16000 : i32
        %mul3A_94 = arith.muli %add3A_59, %mul3A_93 : i32
        %dma_wait3A_95 = tpu.memref_slice %arg3[%mul3A_94] : memref<4000000xf32, #tpu.memory_space<hbm>> -> memref<16000xf32, #tpu.memory_space<hbm>>
        %dma_wait3A_96 = tpu.memref_slice %arg3[%mul3A_94] : memref<4000000xf32, #tpu.memory_space<hbm>> -> memref<16000xf32, #tpu.memory_space<hbm>>
        tpu.wait_dma2 semaphore(%arg12 : memref<!tpu.dma_semaphore, #tpu.memory_space<semaphore_mem>>) src(%dma_wait3A_96 : memref<16000xf32, #tpu.memory_space<hbm>>) dst(%arg6 : memref<16000xf32, #tpu.memory_space<vmem>>)
        %parallel_loop3A = arith.constant 0 : i32
        %parallel_loop3A_97 = arith.constant 125 : i32
        %parallel_loop3A_98 = arith.constant 1 : i32
        scf.for %parallel_loop3A_99 = %parallel_loop3A to %parallel_loop3A_97 step %parallel_loop3A_98  : i32 {
          %parallel_loop3A_100 = arith.constant 128 : i32
          %parallel_loop3A_101 = arith.muli %parallel_loop3A_99, %parallel_loop3A_100 : i32
          %parallel_loop3A_102 = arith.constant 0 : i32
          %parallel_loop3A_103 = arith.addi %parallel_loop3A_101, %parallel_loop3A_102 : i32
          %parallel_loop3A_104 = arith.index_cast %parallel_loop3A_103 : i32 to index
          %parallel_loop3A_105 = tpu.vector_load %arg6[%parallel_loop3A_104] {strides = array<i32>} : memref<16000xf32, #tpu.memory_space<vmem>>, vector<16xf32>,
          %parallel_loop3A_106 = arith.index_cast %parallel_loop3A_99 : i32 to index
          %parallel_loop3A_107 = arith.constant 0 : index
          %parallel_loop3A_108 = tpu.vector_load %arg5[%parallel_loop3A_106, %parallel_loop3A_107] {strides = array<i32>} : memref<125x128xf32, #tpu.memory_space<vmem>>, vector<16xf32>,
          %parallel_loop3A_109 = arith.constant 0.000000e+00 : f32
          %parallel_loop3A_110 = vector.broadcast %parallel_loop3A_109 : f32 to vector<16xf32>
          %parallel_loop3A_111 = arith.subf %parallel_loop3A_110, %parallel_loop3A_108 : vector<16xf32>
          %parallel_loop3A_112 = math.exp %parallel_loop3A_111 : vector<16xf32>
          %parallel_loop3A_113 = arith.constant 1.000000e+00 : f32
          %parallel_loop3A_114 = vector.broadcast %parallel_loop3A_113 : f32 to vector<16xf32>
          %parallel_loop3A_115 = arith.addf %parallel_loop3A_114, %parallel_loop3A_112 : vector<16xf32>
          %parallel_loop3A_116 = arith.constant 1.000000e+00 : f32
          %parallel_loop3A_117 = vector.broadcast %parallel_loop3A_116 : f32 to vector<16xf32>
          %parallel_loop3A_118 = arith.divf %parallel_loop3A_117, %parallel_loop3A_115 : vector<16xf32>
          %parallel_loop3A_119 = arith.subf %parallel_loop3A_118, %parallel_loop3A_105 : vector<16xf32>
          %parallel_loop3A_120 = math.absf %parallel_loop3A_119 : vector<16xf32>
          %parallel_loop3A_121 = arith.constant 1.000000e+00 : f32
          %parallel_loop3A_122 = vector.broadcast %parallel_loop3A_121 : f32 to vector<16xf32>
          %parallel_loop3A_123 = arith.subf %parallel_loop3A_122, %parallel_loop3A_118 : vector<16xf32>
          %parallel_loop3A_124 = arith.maximumf %parallel_loop3A_118, %parallel_loop3A_123 : vector<16xf32>
          %parallel_loop3A_125 = arith.constant 7.500000e-01 : f32
          %parallel_loop3A_126 = vector.broadcast %parallel_loop3A_125 : f32 to vector<16xf32>
          %parallel_loop3A_127 = arith.subf %parallel_loop3A_124, %parallel_loop3A_126 : vector<16xf32>
          %parallel_loop3A_128 = arith.constant -0.953880488 : f32
          %parallel_loop3A_129 = vector.broadcast %parallel_loop3A_128 : f32 to vector<16xf32>
          %parallel_loop3A_130 = arith.mulf %parallel_loop3A_129, %parallel_loop3A_127 : vector<16xf32>
          %parallel_loop3A_131 = arith.constant 0.88696456 : f32
          %parallel_loop3A_132 = vector.broadcast %parallel_loop3A_131 : f32 to vector<16xf32>
          %parallel_loop3A_133 = arith.addf %parallel_loop3A_130, %parallel_loop3A_132 : vector<16xf32>
          %parallel_loop3A_134 = arith.mulf %parallel_loop3A_133, %parallel_loop3A_127 : vector<16xf32>
          %parallel_loop3A_135 = arith.constant -0.787445604 : f32
          %parallel_loop3A_136 = vector.broadcast %parallel_loop3A_135 : f32 to vector<16xf32>
          %parallel_loop3A_137 = arith.addf %parallel_loop3A_134, %parallel_loop3A_136 : vector<16xf32>
          %parallel_loop3A_138 = arith.mulf %parallel_loop3A_137, %parallel_loop3A_127 : vector<16xf32>
          %parallel_loop3A_139 = arith.constant 0.886556625 : f32
          %parallel_loop3A_140 = vector.broadcast %parallel_loop3A_139 : f32 to vector<16xf32>
          %parallel_loop3A_141 = arith.addf %parallel_loop3A_138, %parallel_loop3A_140 : vector<16xf32>
          %parallel_loop3A_142 = arith.mulf %parallel_loop3A_141, %parallel_loop3A_127 : vector<16xf32>
          %parallel_loop3A_143 = arith.constant -1.33334267 : f32
          %parallel_loop3A_144 = vector.broadcast %parallel_loop3A_143 : f32 to vector<16xf32>
          %parallel_loop3A_145 = arith.addf %parallel_loop3A_142, %parallel_loop3A_144 : vector<16xf32>
          %parallel_loop3A_146 = arith.mulf %parallel_loop3A_145, %parallel_loop3A_127 : vector<16xf32>
          %parallel_loop3A_147 = arith.constant 0.287690222 : f32
          %parallel_loop3A_148 = vector.broadcast %parallel_loop3A_147 : f32 to vector<16xf32>
          %parallel_loop3A_149 = arith.addf %parallel_loop3A_146, %parallel_loop3A_148 : vector<16xf32>
          %parallel_loop3A_150 = arith.constant 0.000000e+00 : f32
          %parallel_loop3A_151 = vector.broadcast %parallel_loop3A_150 : f32 to vector<16xf32>
          %parallel_loop3A_152 = arith.maximumf %parallel_loop3A_108, %parallel_loop3A_151 : vector<16xf32>
          %parallel_loop3A_153 = arith.mulf %parallel_loop3A_108, %parallel_loop3A_105 : vector<16xf32>
          %parallel_loop3A_154 = arith.subf %parallel_loop3A_152, %parallel_loop3A_153 : vector<16xf32>
          %parallel_loop3A_155 = arith.addf %parallel_loop3A_154, %parallel_loop3A_149 : vector<16xf32>
          %parallel_loop3A_156 = arith.constant 5.000000e+00 : f32
          %parallel_loop3A_157 = vector.broadcast %parallel_loop3A_156 : f32 to vector<16xf32>
          %parallel_loop3A_158 = arith.mulf %parallel_loop3A_120, %parallel_loop3A_157 : vector<16xf32>
          %parallel_loop3A_159 = arith.fptosi %parallel_loop3A_158 : vector<16xf32> to vector<16xi32>
          %parallel_loop3A_160 = arith.constant 4 : i32
          %parallel_loop3A_161 = vector.broadcast %parallel_loop3A_160 : i32 to vector<16xi32>
          %parallel_loop3A_162 = arith.minsi %parallel_loop3A_159, %parallel_loop3A_161 : vector<16xi32>
          %parallel_loop3A_163 = arith.constant 16 : i32
          %parallel_loop3A_164 = vector.broadcast %parallel_loop3A_163 : i32 to vector<16xi32>
          %parallel_loop3A_165 = arith.muli %parallel_loop3A_162, %parallel_loop3A_164 : vector<16xi32>
          %parallel_loop3A_166 = arith.addi %parallel_loop3A_165, %iota3A : vector<16xi32>
          tpu.vector_store_idx %arg9[%parallel_loop3A_166], %parallel_loop3A_155 {add = true} : memref<80xf32, #tpu.memory_space<vmem>>[vector<16xi32>], vector<16xf32>,
          tpu.vector_store_idx %arg10[%parallel_loop3A_166], %broadcast_in_dim3A_30 {add = true} : memref<80xf32, #tpu.memory_space<vmem>>[vector<16xi32>], vector<16xf32>,
          %parallel_loop3A_167 = arith.constant 128 : i32
          %parallel_loop3A_168 = arith.muli %parallel_loop3A_99, %parallel_loop3A_167 : i32
          %parallel_loop3A_169 = arith.constant 16 : i32
          %parallel_loop3A_170 = arith.addi %parallel_loop3A_168, %parallel_loop3A_169 : i32
          %parallel_loop3A_171 = arith.index_cast %parallel_loop3A_170 : i32 to index
          %parallel_loop3A_172 = tpu.vector_load %arg6[%parallel_loop3A_171] {strides = array<i32>} : memref<16000xf32, #tpu.memory_space<vmem>>, vector<16xf32>,
          %parallel_loop3A_173 = arith.index_cast %parallel_loop3A_99 : i32 to index
          %parallel_loop3A_174 = arith.constant 16 : index
          %parallel_loop3A_175 = tpu.vector_load %arg5[%parallel_loop3A_173, %parallel_loop3A_174] {strides = array<i32>} : memref<125x128xf32, #tpu.memory_space<vmem>>, vector<16xf32>,
          %parallel_loop3A_176 = arith.constant 0.000000e+00 : f32
          %parallel_loop3A_177 = vector.broadcast %parallel_loop3A_176 : f32 to vector<16xf32>
          %parallel_loop3A_178 = arith.subf %parallel_loop3A_177, %parallel_loop3A_175 : vector<16xf32>
          %parallel_loop3A_179 = math.exp %parallel_loop3A_178 : vector<16xf32>
          %parallel_loop3A_180 = arith.constant 1.000000e+00 : f32
          %parallel_loop3A_181 = vector.broadcast %parallel_loop3A_180 : f32 to vector<16xf32>
          %parallel_loop3A_182 = arith.addf %parallel_loop3A_181, %parallel_loop3A_179 : vector<16xf32>
          %parallel_loop3A_183 = arith.constant 1.000000e+00 : f32
          %parallel_loop3A_184 = vector.broadcast %parallel_loop3A_183 : f32 to vector<16xf32>
          %parallel_loop3A_185 = arith.divf %parallel_loop3A_184, %parallel_loop3A_182 : vector<16xf32>
          %parallel_loop3A_186 = arith.subf %parallel_loop3A_185, %parallel_loop3A_172 : vector<16xf32>
          %parallel_loop3A_187 = math.absf %parallel_loop3A_186 : vector<16xf32>
          %parallel_loop3A_188 = arith.constant 1.000000e+00 : f32
          %parallel_loop3A_189 = vector.broadcast %parallel_loop3A_188 : f32 to vector<16xf32>
          %parallel_loop3A_190 = arith.subf %parallel_loop3A_189, %parallel_loop3A_185 : vector<16xf32>
          %parallel_loop3A_191 = arith.maximumf %parallel_loop3A_185, %parallel_loop3A_190 : vector<16xf32>
          %parallel_loop3A_192 = arith.constant 7.500000e-01 : f32
          %parallel_loop3A_193 = vector.broadcast %parallel_loop3A_192 : f32 to vector<16xf32>
          %parallel_loop3A_194 = arith.subf %parallel_loop3A_191, %parallel_loop3A_193 : vector<16xf32>
          %parallel_loop3A_195 = arith.constant -0.953880488 : f32
          %parallel_loop3A_196 = vector.broadcast %parallel_loop3A_195 : f32 to vector<16xf32>
          %parallel_loop3A_197 = arith.mulf %parallel_loop3A_196, %parallel_loop3A_194 : vector<16xf32>
          %parallel_loop3A_198 = arith.constant 0.88696456 : f32
          %parallel_loop3A_199 = vector.broadcast %parallel_loop3A_198 : f32 to vector<16xf32>
          %parallel_loop3A_200 = arith.addf %parallel_loop3A_197, %parallel_loop3A_199 : vector<16xf32>
          %parallel_loop3A_201 = arith.mulf %parallel_loop3A_200, %parallel_loop3A_194 : vector<16xf32>
          %parallel_loop3A_202 = arith.constant -0.787445604 : f32
          %parallel_loop3A_203 = vector.broadcast %parallel_loop3A_202 : f32 to vector<16xf32>
          %parallel_loop3A_204 = arith.addf %parallel_loop3A_201, %parallel_loop3A_203 : vector<16xf32>
          %parallel_loop3A_205 = arith.mulf %parallel_loop3A_204, %parallel_loop3A_194 : vector<16xf32>
          %parallel_loop3A_206 = arith.constant 0.886556625 : f32
          %parallel_loop3A_207 = vector.broadcast %parallel_loop3A_206 : f32 to vector<16xf32>
          %parallel_loop3A_208 = arith.addf %parallel_loop3A_205, %parallel_loop3A_207 : vector<16xf32>
          %parallel_loop3A_209 = arith.mulf %parallel_loop3A_208, %parallel_loop3A_194 : vector<16xf32>
          %parallel_loop3A_210 = arith.constant -1.33334267 : f32
          %parallel_loop3A_211 = vector.broadcast %parallel_loop3A_210 : f32 to vector<16xf32>
          %parallel_loop3A_212 = arith.addf %parallel_loop3A_209, %parallel_loop3A_211 : vector<16xf32>
          %parallel_loop3A_213 = arith.mulf %parallel_loop3A_212, %parallel_loop3A_194 : vector<16xf32>
          %parallel_loop3A_214 = arith.constant 0.287690222 : f32
          %parallel_loop3A_215 = vector.broadcast %parallel_loop3A_214 : f32 to vector<16xf32>
          %parallel_loop3A_216 = arith.addf %parallel_loop3A_213, %parallel_loop3A_215 : vector<16xf32>
          %parallel_loop3A_217 = arith.constant 0.000000e+00 : f32
          %parallel_loop3A_218 = vector.broadcast %parallel_loop3A_217 : f32 to vector<16xf32>
          %parallel_loop3A_219 = arith.maximumf %parallel_loop3A_175, %parallel_loop3A_218 : vector<16xf32>
          %parallel_loop3A_220 = arith.mulf %parallel_loop3A_175, %parallel_loop3A_172 : vector<16xf32>
          %parallel_loop3A_221 = arith.subf %parallel_loop3A_219, %parallel_loop3A_220 : vector<16xf32>
          %parallel_loop3A_222 = arith.addf %parallel_loop3A_221, %parallel_loop3A_216 : vector<16xf32>
          %parallel_loop3A_223 = arith.constant 5.000000e+00 : f32
          %parallel_loop3A_224 = vector.broadcast %parallel_loop3A_223 : f32 to vector<16xf32>
          %parallel_loop3A_225 = arith.mulf %parallel_loop3A_187, %parallel_loop3A_224 : vector<16xf32>
          %parallel_loop3A_226 = arith.fptosi %parallel_loop3A_225 : vector<16xf32> to vector<16xi32>
          %parallel_loop3A_227 = arith.constant 4 : i32
          %parallel_loop3A_228 = vector.broadcast %parallel_loop3A_227 : i32 to vector<16xi32>
          %parallel_loop3A_229 = arith.minsi %parallel_loop3A_226, %parallel_loop3A_228 : vector<16xi32>
          %parallel_loop3A_230 = arith.constant 16 : i32
          %parallel_loop3A_231 = vector.broadcast %parallel_loop3A_230 : i32 to vector<16xi32>
          %parallel_loop3A_232 = arith.muli %parallel_loop3A_229, %parallel_loop3A_231 : vector<16xi32>
          %parallel_loop3A_233 = arith.addi %parallel_loop3A_232, %iota3A : vector<16xi32>
          tpu.vector_store_idx %arg9[%parallel_loop3A_233], %parallel_loop3A_222 {add = true} : memref<80xf32, #tpu.memory_space<vmem>>[vector<16xi32>], vector<16xf32>,
          tpu.vector_store_idx %arg10[%parallel_loop3A_233], %broadcast_in_dim3A_30 {add = true} : memref<80xf32, #tpu.memory_space<vmem>>[vector<16xi32>], vector<16xf32>,
          %parallel_loop3A_234 = arith.constant 128 : i32
          %parallel_loop3A_235 = arith.muli %parallel_loop3A_99, %parallel_loop3A_234 : i32
          %parallel_loop3A_236 = arith.constant 32 : i32
          %parallel_loop3A_237 = arith.addi %parallel_loop3A_235, %parallel_loop3A_236 : i32
          %parallel_loop3A_238 = arith.index_cast %parallel_loop3A_237 : i32 to index
          %parallel_loop3A_239 = tpu.vector_load %arg6[%parallel_loop3A_238] {strides = array<i32>} : memref<16000xf32, #tpu.memory_space<vmem>>, vector<16xf32>,
          %parallel_loop3A_240 = arith.index_cast %parallel_loop3A_99 : i32 to index
          %parallel_loop3A_241 = arith.constant 32 : index
          %parallel_loop3A_242 = tpu.vector_load %arg5[%parallel_loop3A_240, %parallel_loop3A_241] {strides = array<i32>} : memref<125x128xf32, #tpu.memory_space<vmem>>, vector<16xf32>,
          %parallel_loop3A_243 = arith.constant 0.000000e+00 : f32
          %parallel_loop3A_244 = vector.broadcast %parallel_loop3A_243 : f32 to vector<16xf32>
          %parallel_loop3A_245 = arith.subf %parallel_loop3A_244, %parallel_loop3A_242 : vector<16xf32>
          %parallel_loop3A_246 = math.exp %parallel_loop3A_245 : vector<16xf32>
          %parallel_loop3A_247 = arith.constant 1.000000e+00 : f32
          %parallel_loop3A_248 = vector.broadcast %parallel_loop3A_247 : f32 to vector<16xf32>
          %parallel_loop3A_249 = arith.addf %parallel_loop3A_248, %parallel_loop3A_246 : vector<16xf32>
          %parallel_loop3A_250 = arith.constant 1.000000e+00 : f32
          %parallel_loop3A_251 = vector.broadcast %parallel_loop3A_250 : f32 to vector<16xf32>
          %parallel_loop3A_252 = arith.divf %parallel_loop3A_251, %parallel_loop3A_249 : vector<16xf32>
          %parallel_loop3A_253 = arith.subf %parallel_loop3A_252, %parallel_loop3A_239 : vector<16xf32>
          %parallel_loop3A_254 = math.absf %parallel_loop3A_253 : vector<16xf32>
          %parallel_loop3A_255 = arith.constant 1.000000e+00 : f32
          %parallel_loop3A_256 = vector.broadcast %parallel_loop3A_255 : f32 to vector<16xf32>
          %parallel_loop3A_257 = arith.subf %parallel_loop3A_256, %parallel_loop3A_252 : vector<16xf32>
          %parallel_loop3A_258 = arith.maximumf %parallel_loop3A_252, %parallel_loop3A_257 : vector<16xf32>
          %parallel_loop3A_259 = arith.constant 7.500000e-01 : f32
          %parallel_loop3A_260 = vector.broadcast %parallel_loop3A_259 : f32 to vector<16xf32>
          %parallel_loop3A_261 = arith.subf %parallel_loop3A_258, %parallel_loop3A_260 : vector<16xf32>
          %parallel_loop3A_262 = arith.constant -0.953880488 : f32
          %parallel_loop3A_263 = vector.broadcast %parallel_loop3A_262 : f32 to vector<16xf32>
          %parallel_loop3A_264 = arith.mulf %parallel_loop3A_263, %parallel_loop3A_261 : vector<16xf32>
          %parallel_loop3A_265 = arith.constant 0.88696456 : f32
          %parallel_loop3A_266 = vector.broadcast %parallel_loop3A_265 : f32 to vector<16xf32>
          %parallel_loop3A_267 = arith.addf %parallel_loop3A_264, %parallel_loop3A_266 : vector<16xf32>
          %parallel_loop3A_268 = arith.mulf %parallel_loop3A_267, %parallel_loop3A_261 : vector<16xf32>
          %parallel_loop3A_269 = arith.constant -0.787445604 : f32
          %parallel_loop3A_270 = vector.broadcast %parallel_loop3A_269 : f32 to vector<16xf32>
          %parallel_loop3A_271 = arith.addf %parallel_loop3A_268, %parallel_loop3A_270 : vector<16xf32>
          %parallel_loop3A_272 = arith.mulf %parallel_loop3A_271, %parallel_loop3A_261 : vector<16xf32>
          %parallel_loop3A_273 = arith.constant 0.886556625 : f32
          %parallel_loop3A_274 = vector.broadcast %parallel_loop3A_273 : f32 to vector<16xf32>
          %parallel_loop3A_275 = arith.addf %parallel_loop3A_272, %parallel_loop3A_274 : vector<16xf32>
          %parallel_loop3A_276 = arith.mulf %parallel_loop3A_275, %parallel_loop3A_261 : vector<16xf32>
          %parallel_loop3A_277 = arith.constant -1.33334267 : f32
          %parallel_loop3A_278 = vector.broadcast %parallel_loop3A_277 : f32 to vector<16xf32>
          %parallel_loop3A_279 = arith.addf %parallel_loop3A_276, %parallel_loop3A_278 : vector<16xf32>
          %parallel_loop3A_280 = arith.mulf %parallel_loop3A_279, %parallel_loop3A_261 : vector<16xf32>
          %parallel_loop3A_281 = arith.constant 0.287690222 : f32
          %parallel_loop3A_282 = vector.broadcast %parallel_loop3A_281 : f32 to vector<16xf32>
          %parallel_loop3A_283 = arith.addf %parallel_loop3A_280, %parallel_loop3A_282 : vector<16xf32>
          %parallel_loop3A_284 = arith.constant 0.000000e+00 : f32
          %parallel_loop3A_285 = vector.broadcast %parallel_loop3A_284 : f32 to vector<16xf32>
          %parallel_loop3A_286 = arith.maximumf %parallel_loop3A_242, %parallel_loop3A_285 : vector<16xf32>
          %parallel_loop3A_287 = arith.mulf %parallel_loop3A_242, %parallel_loop3A_239 : vector<16xf32>
          %parallel_loop3A_288 = arith.subf %parallel_loop3A_286, %parallel_loop3A_287 : vector<16xf32>
          %parallel_loop3A_289 = arith.addf %parallel_loop3A_288, %parallel_loop3A_283 : vector<16xf32>
          %parallel_loop3A_290 = arith.constant 5.000000e+00 : f32
          %parallel_loop3A_291 = vector.broadcast %parallel_loop3A_290 : f32 to vector<16xf32>
          %parallel_loop3A_292 = arith.mulf %parallel_loop3A_254, %parallel_loop3A_291 : vector<16xf32>
          %parallel_loop3A_293 = arith.fptosi %parallel_loop3A_292 : vector<16xf32> to vector<16xi32>
          %parallel_loop3A_294 = arith.constant 4 : i32
          %parallel_loop3A_295 = vector.broadcast %parallel_loop3A_294 : i32 to vector<16xi32>
          %parallel_loop3A_296 = arith.minsi %parallel_loop3A_293, %parallel_loop3A_295 : vector<16xi32>
          %parallel_loop3A_297 = arith.constant 16 : i32
          %parallel_loop3A_298 = vector.broadcast %parallel_loop3A_297 : i32 to vector<16xi32>
          %parallel_loop3A_299 = arith.muli %parallel_loop3A_296, %parallel_loop3A_298 : vector<16xi32>
          %parallel_loop3A_300 = arith.addi %parallel_loop3A_299, %iota3A : vector<16xi32>
          tpu.vector_store_idx %arg9[%parallel_loop3A_300], %parallel_loop3A_289 {add = true} : memref<80xf32, #tpu.memory_space<vmem>>[vector<16xi32>], vector<16xf32>,
          tpu.vector_store_idx %arg10[%parallel_loop3A_300], %broadcast_in_dim3A_30 {add = true} : memref<80xf32, #tpu.memory_space<vmem>>[vector<16xi32>], vector<16xf32>,
          %parallel_loop3A_301 = arith.constant 128 : i32
          %parallel_loop3A_302 = arith.muli %parallel_loop3A_99, %parallel_loop3A_301 : i32
          %parallel_loop3A_303 = arith.constant 48 : i32
          %parallel_loop3A_304 = arith.addi %parallel_loop3A_302, %parallel_loop3A_303 : i32
          %parallel_loop3A_305 = arith.index_cast %parallel_loop3A_304 : i32 to index
          %parallel_loop3A_306 = tpu.vector_load %arg6[%parallel_loop3A_305] {strides = array<i32>} : memref<16000xf32, #tpu.memory_space<vmem>>, vector<16xf32>,
          %parallel_loop3A_307 = arith.index_cast %parallel_loop3A_99 : i32 to index
          %parallel_loop3A_308 = arith.constant 48 : index
          %parallel_loop3A_309 = tpu.vector_load %arg5[%parallel_loop3A_307, %parallel_loop3A_308] {strides = array<i32>} : memref<125x128xf32, #tpu.memory_space<vmem>>, vector<16xf32>,
          %parallel_loop3A_310 = arith.constant 0.000000e+00 : f32
          %parallel_loop3A_311 = vector.broadcast %parallel_loop3A_310 : f32 to vector<16xf32>
          %parallel_loop3A_312 = arith.subf %parallel_loop3A_311, %parallel_loop3A_309 : vector<16xf32>
          %parallel_loop3A_313 = math.exp %parallel_loop3A_312 : vector<16xf32>
          %parallel_loop3A_314 = arith.constant 1.000000e+00 : f32
          %parallel_loop3A_315 = vector.broadcast %parallel_loop3A_314 : f32 to vector<16xf32>
          %parallel_loop3A_316 = arith.addf %parallel_loop3A_315, %parallel_loop3A_313 : vector<16xf32>
          %parallel_loop3A_317 = arith.constant 1.000000e+00 : f32
          %parallel_loop3A_318 = vector.broadcast %parallel_loop3A_317 : f32 to vector<16xf32>
          %parallel_loop3A_319 = arith.divf %parallel_loop3A_318, %parallel_loop3A_316 : vector<16xf32>
          %parallel_loop3A_320 = arith.subf %parallel_loop3A_319, %parallel_loop3A_306 : vector<16xf32>
          %parallel_loop3A_321 = math.absf %parallel_loop3A_320 : vector<16xf32>
          %parallel_loop3A_322 = arith.constant 1.000000e+00 : f32
          %parallel_loop3A_323 = vector.broadcast %parallel_loop3A_322 : f32 to vector<16xf32>
          %parallel_loop3A_324 = arith.subf %parallel_loop3A_323, %parallel_loop3A_319 : vector<16xf32>
          %parallel_loop3A_325 = arith.maximumf %parallel_loop3A_319, %parallel_loop3A_324 : vector<16xf32>
          %parallel_loop3A_326 = arith.constant 7.500000e-01 : f32
          %parallel_loop3A_327 = vector.broadcast %parallel_loop3A_326 : f32 to vector<16xf32>
          %parallel_loop3A_328 = arith.subf %parallel_loop3A_325, %parallel_loop3A_327 : vector<16xf32>
          %parallel_loop3A_329 = arith.constant -0.953880488 : f32
          %parallel_loop3A_330 = vector.broadcast %parallel_loop3A_329 : f32 to vector<16xf32>
          %parallel_loop3A_331 = arith.mulf %parallel_loop3A_330, %parallel_loop3A_328 : vector<16xf32>
          %parallel_loop3A_332 = arith.constant 0.88696456 : f32
          %parallel_loop3A_333 = vector.broadcast %parallel_loop3A_332 : f32 to vector<16xf32>
          %parallel_loop3A_334 = arith.addf %parallel_loop3A_331, %parallel_loop3A_333 : vector<16xf32>
          %parallel_loop3A_335 = arith.mulf %parallel_loop3A_334, %parallel_loop3A_328 : vector<16xf32>
          %parallel_loop3A_336 = arith.constant -0.787445604 : f32
          %parallel_loop3A_337 = vector.broadcast %parallel_loop3A_336 : f32 to vector<16xf32>
          %parallel_loop3A_338 = arith.addf %parallel_loop3A_335, %parallel_loop3A_337 : vector<16xf32>
          %parallel_loop3A_339 = arith.mulf %parallel_loop3A_338, %parallel_loop3A_328 : vector<16xf32>
          %parallel_loop3A_340 = arith.constant 0.886556625 : f32
          %parallel_loop3A_341 = vector.broadcast %parallel_loop3A_340 : f32 to vector<16xf32>
          %parallel_loop3A_342 = arith.addf %parallel_loop3A_339, %parallel_loop3A_341 : vector<16xf32>
          %parallel_loop3A_343 = arith.mulf %parallel_loop3A_342, %parallel_loop3A_328 : vector<16xf32>
          %parallel_loop3A_344 = arith.constant -1.33334267 : f32
          %parallel_loop3A_345 = vector.broadcast %parallel_loop3A_344 : f32 to vector<16xf32>
          %parallel_loop3A_346 = arith.addf %parallel_loop3A_343, %parallel_loop3A_345 : vector<16xf32>
          %parallel_loop3A_347 = arith.mulf %parallel_loop3A_346, %parallel_loop3A_328 : vector<16xf32>
          %parallel_loop3A_348 = arith.constant 0.287690222 : f32
          %parallel_loop3A_349 = vector.broadcast %parallel_loop3A_348 : f32 to vector<16xf32>
          %parallel_loop3A_350 = arith.addf %parallel_loop3A_347, %parallel_loop3A_349 : vector<16xf32>
          %parallel_loop3A_351 = arith.constant 0.000000e+00 : f32
          %parallel_loop3A_352 = vector.broadcast %parallel_loop3A_351 : f32 to vector<16xf32>
          %parallel_loop3A_353 = arith.maximumf %parallel_loop3A_309, %parallel_loop3A_352 : vector<16xf32>
          %parallel_loop3A_354 = arith.mulf %parallel_loop3A_309, %parallel_loop3A_306 : vector<16xf32>
          %parallel_loop3A_355 = arith.subf %parallel_loop3A_353, %parallel_loop3A_354 : vector<16xf32>
          %parallel_loop3A_356 = arith.addf %parallel_loop3A_355, %parallel_loop3A_350 : vector<16xf32>
          %parallel_loop3A_357 = arith.constant 5.000000e+00 : f32
          %parallel_loop3A_358 = vector.broadcast %parallel_loop3A_357 : f32 to vector<16xf32>
          %parallel_loop3A_359 = arith.mulf %parallel_loop3A_321, %parallel_loop3A_358 : vector<16xf32>
          %parallel_loop3A_360 = arith.fptosi %parallel_loop3A_359 : vector<16xf32> to vector<16xi32>
          %parallel_loop3A_361 = arith.constant 4 : i32
          %parallel_loop3A_362 = vector.broadcast %parallel_loop3A_361 : i32 to vector<16xi32>
          %parallel_loop3A_363 = arith.minsi %parallel_loop3A_360, %parallel_loop3A_362 : vector<16xi32>
          %parallel_loop3A_364 = arith.constant 16 : i32
          %parallel_loop3A_365 = vector.broadcast %parallel_loop3A_364 : i32 to vector<16xi32>
          %parallel_loop3A_366 = arith.muli %parallel_loop3A_363, %parallel_loop3A_365 : vector<16xi32>
          %parallel_loop3A_367 = arith.addi %parallel_loop3A_366, %iota3A : vector<16xi32>
          tpu.vector_store_idx %arg9[%parallel_loop3A_367], %parallel_loop3A_356 {add = true} : memref<80xf32, #tpu.memory_space<vmem>>[vector<16xi32>], vector<16xf32>,
          tpu.vector_store_idx %arg10[%parallel_loop3A_367], %broadcast_in_dim3A_30 {add = true} : memref<80xf32, #tpu.memory_space<vmem>>[vector<16xi32>], vector<16xf32>,
          %parallel_loop3A_368 = arith.constant 128 : i32
          %parallel_loop3A_369 = arith.muli %parallel_loop3A_99, %parallel_loop3A_368 : i32
          %parallel_loop3A_370 = arith.constant 64 : i32
          %parallel_loop3A_371 = arith.addi %parallel_loop3A_369, %parallel_loop3A_370 : i32
          %parallel_loop3A_372 = arith.index_cast %parallel_loop3A_371 : i32 to index
          %parallel_loop3A_373 = tpu.vector_load %arg6[%parallel_loop3A_372] {strides = array<i32>} : memref<16000xf32, #tpu.memory_space<vmem>>, vector<16xf32>,
          %parallel_loop3A_374 = arith.index_cast %parallel_loop3A_99 : i32 to index
          %parallel_loop3A_375 = arith.constant 64 : index
          %parallel_loop3A_376 = tpu.vector_load %arg5[%parallel_loop3A_374, %parallel_loop3A_375] {strides = array<i32>} : memref<125x128xf32, #tpu.memory_space<vmem>>, vector<16xf32>,
          %parallel_loop3A_377 = arith.constant 0.000000e+00 : f32
          %parallel_loop3A_378 = vector.broadcast %parallel_loop3A_377 : f32 to vector<16xf32>
          %parallel_loop3A_379 = arith.subf %parallel_loop3A_378, %parallel_loop3A_376 : vector<16xf32>
          %parallel_loop3A_380 = math.exp %parallel_loop3A_379 : vector<16xf32>
          %parallel_loop3A_381 = arith.constant 1.000000e+00 : f32
          %parallel_loop3A_382 = vector.broadcast %parallel_loop3A_381 : f32 to vector<16xf32>
          %parallel_loop3A_383 = arith.addf %parallel_loop3A_382, %parallel_loop3A_380 : vector<16xf32>
          %parallel_loop3A_384 = arith.constant 1.000000e+00 : f32
          %parallel_loop3A_385 = vector.broadcast %parallel_loop3A_384 : f32 to vector<16xf32>
          %parallel_loop3A_386 = arith.divf %parallel_loop3A_385, %parallel_loop3A_383 : vector<16xf32>
          %parallel_loop3A_387 = arith.subf %parallel_loop3A_386, %parallel_loop3A_373 : vector<16xf32>
          %parallel_loop3A_388 = math.absf %parallel_loop3A_387 : vector<16xf32>
          %parallel_loop3A_389 = arith.constant 1.000000e+00 : f32
          %parallel_loop3A_390 = vector.broadcast %parallel_loop3A_389 : f32 to vector<16xf32>
          %parallel_loop3A_391 = arith.subf %parallel_loop3A_390, %parallel_loop3A_386 : vector<16xf32>
          %parallel_loop3A_392 = arith.maximumf %parallel_loop3A_386, %parallel_loop3A_391 : vector<16xf32>
          %parallel_loop3A_393 = arith.constant 7.500000e-01 : f32
          %parallel_loop3A_394 = vector.broadcast %parallel_loop3A_393 : f32 to vector<16xf32>
          %parallel_loop3A_395 = arith.subf %parallel_loop3A_392, %parallel_loop3A_394 : vector<16xf32>
          %parallel_loop3A_396 = arith.constant -0.953880488 : f32
          %parallel_loop3A_397 = vector.broadcast %parallel_loop3A_396 : f32 to vector<16xf32>
          %parallel_loop3A_398 = arith.mulf %parallel_loop3A_397, %parallel_loop3A_395 : vector<16xf32>
          %parallel_loop3A_399 = arith.constant 0.88696456 : f32
          %parallel_loop3A_400 = vector.broadcast %parallel_loop3A_399 : f32 to vector<16xf32>
          %parallel_loop3A_401 = arith.addf %parallel_loop3A_398, %parallel_loop3A_400 : vector<16xf32>
          %parallel_loop3A_402 = arith.mulf %parallel_loop3A_401, %parallel_loop3A_395 : vector<16xf32>
          %parallel_loop3A_403 = arith.constant -0.787445604 : f32
          %parallel_loop3A_404 = vector.broadcast %parallel_loop3A_403 : f32 to vector<16xf32>
          %parallel_loop3A_405 = arith.addf %parallel_loop3A_402, %parallel_loop3A_404 : vector<16xf32>
          %parallel_loop3A_406 = arith.mulf %parallel_loop3A_405, %parallel_loop3A_395 : vector<16xf32>
          %parallel_loop3A_407 = arith.constant 0.886556625 : f32
          %parallel_loop3A_408 = vector.broadcast %parallel_loop3A_407 : f32 to vector<16xf32>
          %parallel_loop3A_409 = arith.addf %parallel_loop3A_406, %parallel_loop3A_408 : vector<16xf32>
          %parallel_loop3A_410 = arith.mulf %parallel_loop3A_409, %parallel_loop3A_395 : vector<16xf32>
          %parallel_loop3A_411 = arith.constant -1.33334267 : f32
          %parallel_loop3A_412 = vector.broadcast %parallel_loop3A_411 : f32 to vector<16xf32>
          %parallel_loop3A_413 = arith.addf %parallel_loop3A_410, %parallel_loop3A_412 : vector<16xf32>
          %parallel_loop3A_414 = arith.mulf %parallel_loop3A_413, %parallel_loop3A_395 : vector<16xf32>
          %parallel_loop3A_415 = arith.constant 0.287690222 : f32
          %parallel_loop3A_416 = vector.broadcast %parallel_loop3A_415 : f32 to vector<16xf32>
          %parallel_loop3A_417 = arith.addf %parallel_loop3A_414, %parallel_loop3A_416 : vector<16xf32>
          %parallel_loop3A_418 = arith.constant 0.000000e+00 : f32
          %parallel_loop3A_419 = vector.broadcast %parallel_loop3A_418 : f32 to vector<16xf32>
          %parallel_loop3A_420 = arith.maximumf %parallel_loop3A_376, %parallel_loop3A_419 : vector<16xf32>
          %parallel_loop3A_421 = arith.mulf %parallel_loop3A_376, %parallel_loop3A_373 : vector<16xf32>
          %parallel_loop3A_422 = arith.subf %parallel_loop3A_420, %parallel_loop3A_421 : vector<16xf32>
          %parallel_loop3A_423 = arith.addf %parallel_loop3A_422, %parallel_loop3A_417 : vector<16xf32>
          %parallel_loop3A_424 = arith.constant 5.000000e+00 : f32
          %parallel_loop3A_425 = vector.broadcast %parallel_loop3A_424 : f32 to vector<16xf32>
          %parallel_loop3A_426 = arith.mulf %parallel_loop3A_388, %parallel_loop3A_425 : vector<16xf32>
          %parallel_loop3A_427 = arith.fptosi %parallel_loop3A_426 : vector<16xf32> to vector<16xi32>
          %parallel_loop3A_428 = arith.constant 4 : i32
          %parallel_loop3A_429 = vector.broadcast %parallel_loop3A_428 : i32 to vector<16xi32>
          %parallel_loop3A_430 = arith.minsi %parallel_loop3A_427, %parallel_loop3A_429 : vector<16xi32>
          %parallel_loop3A_431 = arith.constant 16 : i32
          %parallel_loop3A_432 = vector.broadcast %parallel_loop3A_431 : i32 to vector<16xi32>
          %parallel_loop3A_433 = arith.muli %parallel_loop3A_430, %parallel_loop3A_432 : vector<16xi32>
          %parallel_loop3A_434 = arith.addi %parallel_loop3A_433, %iota3A : vector<16xi32>
          tpu.vector_store_idx %arg9[%parallel_loop3A_434], %parallel_loop3A_423 {add = true} : memref<80xf32, #tpu.memory_space<vmem>>[vector<16xi32>], vector<16xf32>,
          tpu.vector_store_idx %arg10[%parallel_loop3A_434], %broadcast_in_dim3A_30 {add = true} : memref<80xf32, #tpu.memory_space<vmem>>[vector<16xi32>], vector<16xf32>,
          %parallel_loop3A_435 = arith.constant 128 : i32
          %parallel_loop3A_436 = arith.muli %parallel_loop3A_99, %parallel_loop3A_435 : i32
          %parallel_loop3A_437 = arith.constant 80 : i32
          %parallel_loop3A_438 = arith.addi %parallel_loop3A_436, %parallel_loop3A_437 : i32
          %parallel_loop3A_439 = arith.index_cast %parallel_loop3A_438 : i32 to index
          %parallel_loop3A_440 = tpu.vector_load %arg6[%parallel_loop3A_439] {strides = array<i32>} : memref<16000xf32, #tpu.memory_space<vmem>>, vector<16xf32>,
          %parallel_loop3A_441 = arith.index_cast %parallel_loop3A_99 : i32 to index
          %parallel_loop3A_442 = arith.constant 80 : index
          %parallel_loop3A_443 = tpu.vector_load %arg5[%parallel_loop3A_441, %parallel_loop3A_442] {strides = array<i32>} : memref<125x128xf32, #tpu.memory_space<vmem>>, vector<16xf32>,
          %parallel_loop3A_444 = arith.constant 0.000000e+00 : f32
          %parallel_loop3A_445 = vector.broadcast %parallel_loop3A_444 : f32 to vector<16xf32>
          %parallel_loop3A_446 = arith.subf %parallel_loop3A_445, %parallel_loop3A_443 : vector<16xf32>
          %parallel_loop3A_447 = math.exp %parallel_loop3A_446 : vector<16xf32>
          %parallel_loop3A_448 = arith.constant 1.000000e+00 : f32
          %parallel_loop3A_449 = vector.broadcast %parallel_loop3A_448 : f32 to vector<16xf32>
          %parallel_loop3A_450 = arith.addf %parallel_loop3A_449, %parallel_loop3A_447 : vector<16xf32>
          %parallel_loop3A_451 = arith.constant 1.000000e+00 : f32
          %parallel_loop3A_452 = vector.broadcast %parallel_loop3A_451 : f32 to vector<16xf32>
          %parallel_loop3A_453 = arith.divf %parallel_loop3A_452, %parallel_loop3A_450 : vector<16xf32>
          %parallel_loop3A_454 = arith.subf %parallel_loop3A_453, %parallel_loop3A_440 : vector<16xf32>
          %parallel_loop3A_455 = math.absf %parallel_loop3A_454 : vector<16xf32>
          %parallel_loop3A_456 = arith.constant 1.000000e+00 : f32
          %parallel_loop3A_457 = vector.broadcast %parallel_loop3A_456 : f32 to vector<16xf32>
          %parallel_loop3A_458 = arith.subf %parallel_loop3A_457, %parallel_loop3A_453 : vector<16xf32>
          %parallel_loop3A_459 = arith.maximumf %parallel_loop3A_453, %parallel_loop3A_458 : vector<16xf32>
          %parallel_loop3A_460 = arith.constant 7.500000e-01 : f32
          %parallel_loop3A_461 = vector.broadcast %parallel_loop3A_460 : f32 to vector<16xf32>
          %parallel_loop3A_462 = arith.subf %parallel_loop3A_459, %parallel_loop3A_461 : vector<16xf32>
          %parallel_loop3A_463 = arith.constant -0.953880488 : f32
          %parallel_loop3A_464 = vector.broadcast %parallel_loop3A_463 : f32 to vector<16xf32>
          %parallel_loop3A_465 = arith.mulf %parallel_loop3A_464, %parallel_loop3A_462 : vector<16xf32>
          %parallel_loop3A_466 = arith.constant 0.88696456 : f32
          %parallel_loop3A_467 = vector.broadcast %parallel_loop3A_466 : f32 to vector<16xf32>
          %parallel_loop3A_468 = arith.addf %parallel_loop3A_465, %parallel_loop3A_467 : vector<16xf32>
          %parallel_loop3A_469 = arith.mulf %parallel_loop3A_468, %parallel_loop3A_462 : vector<16xf32>
          %parallel_loop3A_470 = arith.constant -0.787445604 : f32
          %parallel_loop3A_471 = vector.broadcast %parallel_loop3A_470 : f32 to vector<16xf32>
          %parallel_loop3A_472 = arith.addf %parallel_loop3A_469, %parallel_loop3A_471 : vector<16xf32>
          %parallel_loop3A_473 = arith.mulf %parallel_loop3A_472, %parallel_loop3A_462 : vector<16xf32>
          %parallel_loop3A_474 = arith.constant 0.886556625 : f32
          %parallel_loop3A_475 = vector.broadcast %parallel_loop3A_474 : f32 to vector<16xf32>
          %parallel_loop3A_476 = arith.addf %parallel_loop3A_473, %parallel_loop3A_475 : vector<16xf32>
          %parallel_loop3A_477 = arith.mulf %parallel_loop3A_476, %parallel_loop3A_462 : vector<16xf32>
          %parallel_loop3A_478 = arith.constant -1.33334267 : f32
          %parallel_loop3A_479 = vector.broadcast %parallel_loop3A_478 : f32 to vector<16xf32>
          %parallel_loop3A_480 = arith.addf %parallel_loop3A_477, %parallel_loop3A_479 : vector<16xf32>
          %parallel_loop3A_481 = arith.mulf %parallel_loop3A_480, %parallel_loop3A_462 : vector<16xf32>
          %parallel_loop3A_482 = arith.constant 0.287690222 : f32
          %parallel_loop3A_483 = vector.broadcast %parallel_loop3A_482 : f32 to vector<16xf32>
          %parallel_loop3A_484 = arith.addf %parallel_loop3A_481, %parallel_loop3A_483 : vector<16xf32>
          %parallel_loop3A_485 = arith.constant 0.000000e+00 : f32
          %parallel_loop3A_486 = vector.broadcast %parallel_loop3A_485 : f32 to vector<16xf32>
          %parallel_loop3A_487 = arith.maximumf %parallel_loop3A_443, %parallel_loop3A_486 : vector<16xf32>
          %parallel_loop3A_488 = arith.mulf %parallel_loop3A_443, %parallel_loop3A_440 : vector<16xf32>
          %parallel_loop3A_489 = arith.subf %parallel_loop3A_487, %parallel_loop3A_488 : vector<16xf32>
          %parallel_loop3A_490 = arith.addf %parallel_loop3A_489, %parallel_loop3A_484 : vector<16xf32>
          %parallel_loop3A_491 = arith.constant 5.000000e+00 : f32
          %parallel_loop3A_492 = vector.broadcast %parallel_loop3A_491 : f32 to vector<16xf32>
          %parallel_loop3A_493 = arith.mulf %parallel_loop3A_455, %parallel_loop3A_492 : vector<16xf32>
          %parallel_loop3A_494 = arith.fptosi %parallel_loop3A_493 : vector<16xf32> to vector<16xi32>
          %parallel_loop3A_495 = arith.constant 4 : i32
          %parallel_loop3A_496 = vector.broadcast %parallel_loop3A_495 : i32 to vector<16xi32>
          %parallel_loop3A_497 = arith.minsi %parallel_loop3A_494, %parallel_loop3A_496 : vector<16xi32>
          %parallel_loop3A_498 = arith.constant 16 : i32
          %parallel_loop3A_499 = vector.broadcast %parallel_loop3A_498 : i32 to vector<16xi32>
          %parallel_loop3A_500 = arith.muli %parallel_loop3A_497, %parallel_loop3A_499 : vector<16xi32>
          %parallel_loop3A_501 = arith.addi %parallel_loop3A_500, %iota3A : vector<16xi32>
          tpu.vector_store_idx %arg9[%parallel_loop3A_501], %parallel_loop3A_490 {add = true} : memref<80xf32, #tpu.memory_space<vmem>>[vector<16xi32>], vector<16xf32>,
          tpu.vector_store_idx %arg10[%parallel_loop3A_501], %broadcast_in_dim3A_30 {add = true} : memref<80xf32, #tpu.memory_space<vmem>>[vector<16xi32>], vector<16xf32>,
          %parallel_loop3A_502 = arith.constant 128 : i32
          %parallel_loop3A_503 = arith.muli %parallel_loop3A_99, %parallel_loop3A_502 : i32
          %parallel_loop3A_504 = arith.constant 96 : i32
          %parallel_loop3A_505 = arith.addi %parallel_loop3A_503, %parallel_loop3A_504 : i32
          %parallel_loop3A_506 = arith.index_cast %parallel_loop3A_505 : i32 to index
          %parallel_loop3A_507 = tpu.vector_load %arg6[%parallel_loop3A_506] {strides = array<i32>} : memref<16000xf32, #tpu.memory_space<vmem>>, vector<16xf32>,
          %parallel_loop3A_508 = arith.index_cast %parallel_loop3A_99 : i32 to index
          %parallel_loop3A_509 = arith.constant 96 : index
          %parallel_loop3A_510 = tpu.vector_load %arg5[%parallel_loop3A_508, %parallel_loop3A_509] {strides = array<i32>} : memref<125x128xf32, #tpu.memory_space<vmem>>, vector<16xf32>,
          %parallel_loop3A_511 = arith.constant 0.000000e+00 : f32
          %parallel_loop3A_512 = vector.broadcast %parallel_loop3A_511 : f32 to vector<16xf32>
          %parallel_loop3A_513 = arith.subf %parallel_loop3A_512, %parallel_loop3A_510 : vector<16xf32>
          %parallel_loop3A_514 = math.exp %parallel_loop3A_513 : vector<16xf32>
          %parallel_loop3A_515 = arith.constant 1.000000e+00 : f32
          %parallel_loop3A_516 = vector.broadcast %parallel_loop3A_515 : f32 to vector<16xf32>
          %parallel_loop3A_517 = arith.addf %parallel_loop3A_516, %parallel_loop3A_514 : vector<16xf32>
          %parallel_loop3A_518 = arith.constant 1.000000e+00 : f32
          %parallel_loop3A_519 = vector.broadcast %parallel_loop3A_518 : f32 to vector<16xf32>
          %parallel_loop3A_520 = arith.divf %parallel_loop3A_519, %parallel_loop3A_517 : vector<16xf32>
          %parallel_loop3A_521 = arith.subf %parallel_loop3A_520, %parallel_loop3A_507 : vector<16xf32>
          %parallel_loop3A_522 = math.absf %parallel_loop3A_521 : vector<16xf32>
          %parallel_loop3A_523 = arith.constant 1.000000e+00 : f32
          %parallel_loop3A_524 = vector.broadcast %parallel_loop3A_523 : f32 to vector<16xf32>
          %parallel_loop3A_525 = arith.subf %parallel_loop3A_524, %parallel_loop3A_520 : vector<16xf32>
          %parallel_loop3A_526 = arith.maximumf %parallel_loop3A_520, %parallel_loop3A_525 : vector<16xf32>
          %parallel_loop3A_527 = arith.constant 7.500000e-01 : f32
          %parallel_loop3A_528 = vector.broadcast %parallel_loop3A_527 : f32 to vector<16xf32>
          %parallel_loop3A_529 = arith.subf %parallel_loop3A_526, %parallel_loop3A_528 : vector<16xf32>
          %parallel_loop3A_530 = arith.constant -0.953880488 : f32
          %parallel_loop3A_531 = vector.broadcast %parallel_loop3A_530 : f32 to vector<16xf32>
          %parallel_loop3A_532 = arith.mulf %parallel_loop3A_531, %parallel_loop3A_529 : vector<16xf32>
          %parallel_loop3A_533 = arith.constant 0.88696456 : f32
          %parallel_loop3A_534 = vector.broadcast %parallel_loop3A_533 : f32 to vector<16xf32>
          %parallel_loop3A_535 = arith.addf %parallel_loop3A_532, %parallel_loop3A_534 : vector<16xf32>
          %parallel_loop3A_536 = arith.mulf %parallel_loop3A_535, %parallel_loop3A_529 : vector<16xf32>
          %parallel_loop3A_537 = arith.constant -0.787445604 : f32
          %parallel_loop3A_538 = vector.broadcast %parallel_loop3A_537 : f32 to vector<16xf32>
          %parallel_loop3A_539 = arith.addf %parallel_loop3A_536, %parallel_loop3A_538 : vector<16xf32>
          %parallel_loop3A_540 = arith.mulf %parallel_loop3A_539, %parallel_loop3A_529 : vector<16xf32>
          %parallel_loop3A_541 = arith.constant 0.886556625 : f32
          %parallel_loop3A_542 = vector.broadcast %parallel_loop3A_541 : f32 to vector<16xf32>
          %parallel_loop3A_543 = arith.addf %parallel_loop3A_540, %parallel_loop3A_542 : vector<16xf32>
          %parallel_loop3A_544 = arith.mulf %parallel_loop3A_543, %parallel_loop3A_529 : vector<16xf32>
          %parallel_loop3A_545 = arith.constant -1.33334267 : f32
          %parallel_loop3A_546 = vector.broadcast %parallel_loop3A_545 : f32 to vector<16xf32>
          %parallel_loop3A_547 = arith.addf %parallel_loop3A_544, %parallel_loop3A_546 : vector<16xf32>
          %parallel_loop3A_548 = arith.mulf %parallel_loop3A_547, %parallel_loop3A_529 : vector<16xf32>
          %parallel_loop3A_549 = arith.constant 0.287690222 : f32
          %parallel_loop3A_550 = vector.broadcast %parallel_loop3A_549 : f32 to vector<16xf32>
          %parallel_loop3A_551 = arith.addf %parallel_loop3A_548, %parallel_loop3A_550 : vector<16xf32>
          %parallel_loop3A_552 = arith.constant 0.000000e+00 : f32
          %parallel_loop3A_553 = vector.broadcast %parallel_loop3A_552 : f32 to vector<16xf32>
          %parallel_loop3A_554 = arith.maximumf %parallel_loop3A_510, %parallel_loop3A_553 : vector<16xf32>
          %parallel_loop3A_555 = arith.mulf %parallel_loop3A_510, %parallel_loop3A_507 : vector<16xf32>
          %parallel_loop3A_556 = arith.subf %parallel_loop3A_554, %parallel_loop3A_555 : vector<16xf32>
          %parallel_loop3A_557 = arith.addf %parallel_loop3A_556, %parallel_loop3A_551 : vector<16xf32>
          %parallel_loop3A_558 = arith.constant 5.000000e+00 : f32
          %parallel_loop3A_559 = vector.broadcast %parallel_loop3A_558 : f32 to vector<16xf32>
          %parallel_loop3A_560 = arith.mulf %parallel_loop3A_522, %parallel_loop3A_559 : vector<16xf32>
          %parallel_loop3A_561 = arith.fptosi %parallel_loop3A_560 : vector<16xf32> to vector<16xi32>
          %parallel_loop3A_562 = arith.constant 4 : i32
          %parallel_loop3A_563 = vector.broadcast %parallel_loop3A_562 : i32 to vector<16xi32>
          %parallel_loop3A_564 = arith.minsi %parallel_loop3A_561, %parallel_loop3A_563 : vector<16xi32>
          %parallel_loop3A_565 = arith.constant 16 : i32
          %parallel_loop3A_566 = vector.broadcast %parallel_loop3A_565 : i32 to vector<16xi32>
          %parallel_loop3A_567 = arith.muli %parallel_loop3A_564, %parallel_loop3A_566 : vector<16xi32>
          %parallel_loop3A_568 = arith.addi %parallel_loop3A_567, %iota3A : vector<16xi32>
          tpu.vector_store_idx %arg9[%parallel_loop3A_568], %parallel_loop3A_557 {add = true} : memref<80xf32, #tpu.memory_space<vmem>>[vector<16xi32>], vector<16xf32>,
          tpu.vector_store_idx %arg10[%parallel_loop3A_568], %broadcast_in_dim3A_30 {add = true} : memref<80xf32, #tpu.memory_space<vmem>>[vector<16xi32>], vector<16xf32>,
          %parallel_loop3A_569 = arith.constant 128 : i32
          %parallel_loop3A_570 = arith.muli %parallel_loop3A_99, %parallel_loop3A_569 : i32
          %parallel_loop3A_571 = arith.constant 112 : i32
          %parallel_loop3A_572 = arith.addi %parallel_loop3A_570, %parallel_loop3A_571 : i32
          %parallel_loop3A_573 = arith.index_cast %parallel_loop3A_572 : i32 to index
          %parallel_loop3A_574 = tpu.vector_load %arg6[%parallel_loop3A_573] {strides = array<i32>} : memref<16000xf32, #tpu.memory_space<vmem>>, vector<16xf32>,
          %parallel_loop3A_575 = arith.index_cast %parallel_loop3A_99 : i32 to index
          %parallel_loop3A_576 = arith.constant 112 : index
          %parallel_loop3A_577 = tpu.vector_load %arg5[%parallel_loop3A_575, %parallel_loop3A_576] {strides = array<i32>} : memref<125x128xf32, #tpu.memory_space<vmem>>, vector<16xf32>,
          %parallel_loop3A_578 = arith.constant 0.000000e+00 : f32
          %parallel_loop3A_579 = vector.broadcast %parallel_loop3A_578 : f32 to vector<16xf32>
          %parallel_loop3A_580 = arith.subf %parallel_loop3A_579, %parallel_loop3A_577 : vector<16xf32>
          %parallel_loop3A_581 = math.exp %parallel_loop3A_580 : vector<16xf32>
          %parallel_loop3A_582 = arith.constant 1.000000e+00 : f32
          %parallel_loop3A_583 = vector.broadcast %parallel_loop3A_582 : f32 to vector<16xf32>
          %parallel_loop3A_584 = arith.addf %parallel_loop3A_583, %parallel_loop3A_581 : vector<16xf32>
          %parallel_loop3A_585 = arith.constant 1.000000e+00 : f32
          %parallel_loop3A_586 = vector.broadcast %parallel_loop3A_585 : f32 to vector<16xf32>
          %parallel_loop3A_587 = arith.divf %parallel_loop3A_586, %parallel_loop3A_584 : vector<16xf32>
          %parallel_loop3A_588 = arith.subf %parallel_loop3A_587, %parallel_loop3A_574 : vector<16xf32>
          %parallel_loop3A_589 = math.absf %parallel_loop3A_588 : vector<16xf32>
          %parallel_loop3A_590 = arith.constant 1.000000e+00 : f32
          %parallel_loop3A_591 = vector.broadcast %parallel_loop3A_590 : f32 to vector<16xf32>
          %parallel_loop3A_592 = arith.subf %parallel_loop3A_591, %parallel_loop3A_587 : vector<16xf32>
          %parallel_loop3A_593 = arith.maximumf %parallel_loop3A_587, %parallel_loop3A_592 : vector<16xf32>
          %parallel_loop3A_594 = arith.constant 7.500000e-01 : f32
          %parallel_loop3A_595 = vector.broadcast %parallel_loop3A_594 : f32 to vector<16xf32>
          %parallel_loop3A_596 = arith.subf %parallel_loop3A_593, %parallel_loop3A_595 : vector<16xf32>
          %parallel_loop3A_597 = arith.constant -0.953880488 : f32
          %parallel_loop3A_598 = vector.broadcast %parallel_loop3A_597 : f32 to vector<16xf32>
          %parallel_loop3A_599 = arith.mulf %parallel_loop3A_598, %parallel_loop3A_596 : vector<16xf32>
          %parallel_loop3A_600 = arith.constant 0.88696456 : f32
          %parallel_loop3A_601 = vector.broadcast %parallel_loop3A_600 : f32 to vector<16xf32>
          %parallel_loop3A_602 = arith.addf %parallel_loop3A_599, %parallel_loop3A_601 : vector<16xf32>
          %parallel_loop3A_603 = arith.mulf %parallel_loop3A_602, %parallel_loop3A_596 : vector<16xf32>
          %parallel_loop3A_604 = arith.constant -0.787445604 : f32
          %parallel_loop3A_605 = vector.broadcast %parallel_loop3A_604 : f32 to vector<16xf32>
          %parallel_loop3A_606 = arith.addf %parallel_loop3A_603, %parallel_loop3A_605 : vector<16xf32>
          %parallel_loop3A_607 = arith.mulf %parallel_loop3A_606, %parallel_loop3A_596 : vector<16xf32>
          %parallel_loop3A_608 = arith.constant 0.886556625 : f32
          %parallel_loop3A_609 = vector.broadcast %parallel_loop3A_608 : f32 to vector<16xf32>
          %parallel_loop3A_610 = arith.addf %parallel_loop3A_607, %parallel_loop3A_609 : vector<16xf32>
          %parallel_loop3A_611 = arith.mulf %parallel_loop3A_610, %parallel_loop3A_596 : vector<16xf32>
          %parallel_loop3A_612 = arith.constant -1.33334267 : f32
          %parallel_loop3A_613 = vector.broadcast %parallel_loop3A_612 : f32 to vector<16xf32>
          %parallel_loop3A_614 = arith.addf %parallel_loop3A_611, %parallel_loop3A_613 : vector<16xf32>
          %parallel_loop3A_615 = arith.mulf %parallel_loop3A_614, %parallel_loop3A_596 : vector<16xf32>
          %parallel_loop3A_616 = arith.constant 0.287690222 : f32
          %parallel_loop3A_617 = vector.broadcast %parallel_loop3A_616 : f32 to vector<16xf32>
          %parallel_loop3A_618 = arith.addf %parallel_loop3A_615, %parallel_loop3A_617 : vector<16xf32>
          %parallel_loop3A_619 = arith.constant 0.000000e+00 : f32
          %parallel_loop3A_620 = vector.broadcast %parallel_loop3A_619 : f32 to vector<16xf32>
          %parallel_loop3A_621 = arith.maximumf %parallel_loop3A_577, %parallel_loop3A_620 : vector<16xf32>
          %parallel_loop3A_622 = arith.mulf %parallel_loop3A_577, %parallel_loop3A_574 : vector<16xf32>
          %parallel_loop3A_623 = arith.subf %parallel_loop3A_621, %parallel_loop3A_622 : vector<16xf32>
          %parallel_loop3A_624 = arith.addf %parallel_loop3A_623, %parallel_loop3A_618 : vector<16xf32>
          %parallel_loop3A_625 = arith.constant 5.000000e+00 : f32
          %parallel_loop3A_626 = vector.broadcast %parallel_loop3A_625 : f32 to vector<16xf32>
          %parallel_loop3A_627 = arith.mulf %parallel_loop3A_589, %parallel_loop3A_626 : vector<16xf32>
          %parallel_loop3A_628 = arith.fptosi %parallel_loop3A_627 : vector<16xf32> to vector<16xi32>
          %parallel_loop3A_629 = arith.constant 4 : i32
          %parallel_loop3A_630 = vector.broadcast %parallel_loop3A_629 : i32 to vector<16xi32>
          %parallel_loop3A_631 = arith.minsi %parallel_loop3A_628, %parallel_loop3A_630 : vector<16xi32>
          %parallel_loop3A_632 = arith.constant 16 : i32
          %parallel_loop3A_633 = vector.broadcast %parallel_loop3A_632 : i32 to vector<16xi32>
          %parallel_loop3A_634 = arith.muli %parallel_loop3A_631, %parallel_loop3A_633 : vector<16xi32>
          %parallel_loop3A_635 = arith.addi %parallel_loop3A_634, %iota3A : vector<16xi32>
          tpu.vector_store_idx %arg9[%parallel_loop3A_635], %parallel_loop3A_624 {add = true} : memref<80xf32, #tpu.memory_space<vmem>>[vector<16xi32>], vector<16xf32>,
          tpu.vector_store_idx %arg10[%parallel_loop3A_635], %broadcast_in_dim3A_30 {add = true} : memref<80xf32, #tpu.memory_space<vmem>>[vector<16xi32>], vector<16xf32>,
        } {sc.loop_unroll_factor = 1 : i64, sc.parallel_access}
      } else {
      }
      %not3A = arith.constant true
      %not3A_75 = arith.xori %eq3A_73, %not3A : i1
      %convert_element_type3A_76 = arith.extui %not3A_75 : i1 to i32
      %cond3A_77 = arith.constant 0 : i32
      %cond3A_78 = arith.cmpi ne, %convert_element_type3A_76, %cond3A_77 : i32
      scf.if %cond3A_78 {
        %add3A_79 = arith.constant 1 : i32
        %add3A_80 = arith.addi %while3A_58, %add3A_79 : i32
        %lt3A_81 = arith.cmpi slt, %add3A_80, %select_n3A : i32
        %convert_element_type3A_82 = arith.extui %lt3A_81 : i1 to i32
        %cond3A_83 = arith.constant 0 : i32
        %cond3A_84 = arith.cmpi ne, %convert_element_type3A_82, %cond3A_83 : i32
        scf.if %cond3A_84 {
          %add3A_99 = arith.constant 1 : i32
          %add3A_100 = arith.addi %add3A_59, %add3A_99 : i32
          %mul3A_101 = arith.constant 125 : i32
          %mul3A_102 = arith.muli %add3A_100, %mul3A_101 : i32
          %dma_start3A_103 = arith.constant 1 : i32
          %dma_start3A_104 = arith.constant 0 : i32
          %dma_start3A_105 = tpu.memref_slice %arg2[%mul3A_102, %dma_start3A_103, %dma_start3A_104] : memref<31250x2x128xf32, #tpu.memory_space<hbm>> -> memref<125x1x128xf32, #tpu.memory_space<hbm>>
          %dma_start3A_106 = tpu.memref_squeeze %dma_start3A_105 : memref<125x1x128xf32, #tpu.memory_space<hbm>> -> memref<125x128xf32, #tpu.memory_space<hbm>>
          %dma_start3A_107 = arith.constant 0 : i32
          %dma_start3A_108 = tpu.memref_slice %arg2[%mul3A_102, %dma_start3A_103, %dma_start3A_107] : memref<31250x2x128xf32, #tpu.memory_space<hbm>> -> memref<125x1x128xf32, #tpu.memory_space<hbm>>
          %dma_start3A_109 = tpu.memref_squeeze %dma_start3A_108 : memref<125x1x128xf32, #tpu.memory_space<hbm>> -> memref<125x128xf32, #tpu.memory_space<hbm>>
          tpu.enqueue_dma source(%dma_start3A_109 : memref<125x128xf32, #tpu.memory_space<hbm>>) target(%arg5 : memref<125x128xf32, #tpu.memory_space<vmem>>) target_semaphore(%arg11 : memref<!tpu.dma_semaphore, #tpu.memory_space<semaphore_mem>>)
          %mul3A_110 = arith.constant 16000 : i32
          %mul3A_111 = arith.muli %add3A_100, %mul3A_110 : i32
          %dma_start3A_112 = tpu.memref_slice %arg3[%mul3A_111] : memref<4000000xf32, #tpu.memory_space<hbm>> -> memref<16000xf32, #tpu.memory_space<hbm>>
          %dma_start3A_113 = tpu.memref_slice %arg3[%mul3A_111] : memref<4000000xf32, #tpu.memory_space<hbm>> -> memref<16000xf32, #tpu.memory_space<hbm>>
          tpu.enqueue_dma source(%dma_start3A_113 : memref<16000xf32, #tpu.memory_space<hbm>>) target(%arg6 : memref<16000xf32, #tpu.memory_space<vmem>>) target_semaphore(%arg12 : memref<!tpu.dma_semaphore, #tpu.memory_space<semaphore_mem>>)
        } else {
        }
        %mul3A_85 = arith.constant 125 : i32
        %mul3A_86 = arith.muli %add3A_59, %mul3A_85 : i32
        %dma_wait3A = arith.constant 1 : i32
        %dma_wait3A_87 = arith.constant 0 : i32
        %dma_wait3A_88 = tpu.memref_slice %arg2[%mul3A_86, %dma_wait3A, %dma_wait3A_87] : memref<31250x2x128xf32, #tpu.memory_space<hbm>> -> memref<125x1x128xf32, #tpu.memory_space<hbm>>
        %dma_wait3A_89 = tpu.memref_squeeze %dma_wait3A_88 : memref<125x1x128xf32, #tpu.memory_space<hbm>> -> memref<125x128xf32, #tpu.memory_space<hbm>>
        %dma_wait3A_90 = arith.constant 0 : i32
        %dma_wait3A_91 = tpu.memref_slice %arg2[%mul3A_86, %dma_wait3A, %dma_wait3A_90] : memref<31250x2x128xf32, #tpu.memory_space<hbm>> -> memref<125x1x128xf32, #tpu.memory_space<hbm>>
        %dma_wait3A_92 = tpu.memref_squeeze %dma_wait3A_91 : memref<125x1x128xf32, #tpu.memory_space<hbm>> -> memref<125x128xf32, #tpu.memory_space<hbm>>
        tpu.wait_dma2 semaphore(%arg13 : memref<!tpu.dma_semaphore, #tpu.memory_space<semaphore_mem>>) src(%dma_wait3A_92 : memref<125x128xf32, #tpu.memory_space<hbm>>) dst(%arg7 : memref<125x128xf32, #tpu.memory_space<vmem>>)
        %mul3A_93 = arith.constant 16000 : i32
        %mul3A_94 = arith.muli %add3A_59, %mul3A_93 : i32
        %dma_wait3A_95 = tpu.memref_slice %arg3[%mul3A_94] : memref<4000000xf32, #tpu.memory_space<hbm>> -> memref<16000xf32, #tpu.memory_space<hbm>>
        %dma_wait3A_96 = tpu.memref_slice %arg3[%mul3A_94] : memref<4000000xf32, #tpu.memory_space<hbm>> -> memref<16000xf32, #tpu.memory_space<hbm>>
        tpu.wait_dma2 semaphore(%arg14 : memref<!tpu.dma_semaphore, #tpu.memory_space<semaphore_mem>>) src(%dma_wait3A_96 : memref<16000xf32, #tpu.memory_space<hbm>>) dst(%arg8 : memref<16000xf32, #tpu.memory_space<vmem>>)
        %parallel_loop3A = arith.constant 0 : i32
        %parallel_loop3A_97 = arith.constant 125 : i32
        %parallel_loop3A_98 = arith.constant 1 : i32
        scf.for %parallel_loop3A_99 = %parallel_loop3A to %parallel_loop3A_97 step %parallel_loop3A_98  : i32 {
          %parallel_loop3A_100 = arith.constant 128 : i32
          %parallel_loop3A_101 = arith.muli %parallel_loop3A_99, %parallel_loop3A_100 : i32
          %parallel_loop3A_102 = arith.constant 0 : i32
          %parallel_loop3A_103 = arith.addi %parallel_loop3A_101, %parallel_loop3A_102 : i32
          %parallel_loop3A_104 = arith.index_cast %parallel_loop3A_103 : i32 to index
          %parallel_loop3A_105 = tpu.vector_load %arg8[%parallel_loop3A_104] {strides = array<i32>} : memref<16000xf32, #tpu.memory_space<vmem>>, vector<16xf32>,
          %parallel_loop3A_106 = arith.index_cast %parallel_loop3A_99 : i32 to index
          %parallel_loop3A_107 = arith.constant 0 : index
          %parallel_loop3A_108 = tpu.vector_load %arg7[%parallel_loop3A_106, %parallel_loop3A_107] {strides = array<i32>} : memref<125x128xf32, #tpu.memory_space<vmem>>, vector<16xf32>,
          %parallel_loop3A_109 = arith.constant 0.000000e+00 : f32
          %parallel_loop3A_110 = vector.broadcast %parallel_loop3A_109 : f32 to vector<16xf32>
          %parallel_loop3A_111 = arith.subf %parallel_loop3A_110, %parallel_loop3A_108 : vector<16xf32>
          %parallel_loop3A_112 = math.exp %parallel_loop3A_111 : vector<16xf32>
          %parallel_loop3A_113 = arith.constant 1.000000e+00 : f32
          %parallel_loop3A_114 = vector.broadcast %parallel_loop3A_113 : f32 to vector<16xf32>
          %parallel_loop3A_115 = arith.addf %parallel_loop3A_114, %parallel_loop3A_112 : vector<16xf32>
          %parallel_loop3A_116 = arith.constant 1.000000e+00 : f32
          %parallel_loop3A_117 = vector.broadcast %parallel_loop3A_116 : f32 to vector<16xf32>
          %parallel_loop3A_118 = arith.divf %parallel_loop3A_117, %parallel_loop3A_115 : vector<16xf32>
          %parallel_loop3A_119 = arith.subf %parallel_loop3A_118, %parallel_loop3A_105 : vector<16xf32>
          %parallel_loop3A_120 = math.absf %parallel_loop3A_119 : vector<16xf32>
          %parallel_loop3A_121 = arith.constant 1.000000e+00 : f32
          %parallel_loop3A_122 = vector.broadcast %parallel_loop3A_121 : f32 to vector<16xf32>
          %parallel_loop3A_123 = arith.subf %parallel_loop3A_122, %parallel_loop3A_118 : vector<16xf32>
          %parallel_loop3A_124 = arith.maximumf %parallel_loop3A_118, %parallel_loop3A_123 : vector<16xf32>
          %parallel_loop3A_125 = arith.constant 7.500000e-01 : f32
          %parallel_loop3A_126 = vector.broadcast %parallel_loop3A_125 : f32 to vector<16xf32>
          %parallel_loop3A_127 = arith.subf %parallel_loop3A_124, %parallel_loop3A_126 : vector<16xf32>
          %parallel_loop3A_128 = arith.constant -0.953880488 : f32
          %parallel_loop3A_129 = vector.broadcast %parallel_loop3A_128 : f32 to vector<16xf32>
          %parallel_loop3A_130 = arith.mulf %parallel_loop3A_129, %parallel_loop3A_127 : vector<16xf32>
          %parallel_loop3A_131 = arith.constant 0.88696456 : f32
          %parallel_loop3A_132 = vector.broadcast %parallel_loop3A_131 : f32 to vector<16xf32>
          %parallel_loop3A_133 = arith.addf %parallel_loop3A_130, %parallel_loop3A_132 : vector<16xf32>
          %parallel_loop3A_134 = arith.mulf %parallel_loop3A_133, %parallel_loop3A_127 : vector<16xf32>
          %parallel_loop3A_135 = arith.constant -0.787445604 : f32
          %parallel_loop3A_136 = vector.broadcast %parallel_loop3A_135 : f32 to vector<16xf32>
          %parallel_loop3A_137 = arith.addf %parallel_loop3A_134, %parallel_loop3A_136 : vector<16xf32>
          %parallel_loop3A_138 = arith.mulf %parallel_loop3A_137, %parallel_loop3A_127 : vector<16xf32>
          %parallel_loop3A_139 = arith.constant 0.886556625 : f32
          %parallel_loop3A_140 = vector.broadcast %parallel_loop3A_139 : f32 to vector<16xf32>
          %parallel_loop3A_141 = arith.addf %parallel_loop3A_138, %parallel_loop3A_140 : vector<16xf32>
          %parallel_loop3A_142 = arith.mulf %parallel_loop3A_141, %parallel_loop3A_127 : vector<16xf32>
          %parallel_loop3A_143 = arith.constant -1.33334267 : f32
          %parallel_loop3A_144 = vector.broadcast %parallel_loop3A_143 : f32 to vector<16xf32>
          %parallel_loop3A_145 = arith.addf %parallel_loop3A_142, %parallel_loop3A_144 : vector<16xf32>
          %parallel_loop3A_146 = arith.mulf %parallel_loop3A_145, %parallel_loop3A_127 : vector<16xf32>
          %parallel_loop3A_147 = arith.constant 0.287690222 : f32
          %parallel_loop3A_148 = vector.broadcast %parallel_loop3A_147 : f32 to vector<16xf32>
          %parallel_loop3A_149 = arith.addf %parallel_loop3A_146, %parallel_loop3A_148 : vector<16xf32>
          %parallel_loop3A_150 = arith.constant 0.000000e+00 : f32
          %parallel_loop3A_151 = vector.broadcast %parallel_loop3A_150 : f32 to vector<16xf32>
          %parallel_loop3A_152 = arith.maximumf %parallel_loop3A_108, %parallel_loop3A_151 : vector<16xf32>
          %parallel_loop3A_153 = arith.mulf %parallel_loop3A_108, %parallel_loop3A_105 : vector<16xf32>
          %parallel_loop3A_154 = arith.subf %parallel_loop3A_152, %parallel_loop3A_153 : vector<16xf32>
          %parallel_loop3A_155 = arith.addf %parallel_loop3A_154, %parallel_loop3A_149 : vector<16xf32>
          %parallel_loop3A_156 = arith.constant 5.000000e+00 : f32
          %parallel_loop3A_157 = vector.broadcast %parallel_loop3A_156 : f32 to vector<16xf32>
          %parallel_loop3A_158 = arith.mulf %parallel_loop3A_120, %parallel_loop3A_157 : vector<16xf32>
          %parallel_loop3A_159 = arith.fptosi %parallel_loop3A_158 : vector<16xf32> to vector<16xi32>
          %parallel_loop3A_160 = arith.constant 4 : i32
          %parallel_loop3A_161 = vector.broadcast %parallel_loop3A_160 : i32 to vector<16xi32>
          %parallel_loop3A_162 = arith.minsi %parallel_loop3A_159, %parallel_loop3A_161 : vector<16xi32>
          %parallel_loop3A_163 = arith.constant 16 : i32
          %parallel_loop3A_164 = vector.broadcast %parallel_loop3A_163 : i32 to vector<16xi32>
          %parallel_loop3A_165 = arith.muli %parallel_loop3A_162, %parallel_loop3A_164 : vector<16xi32>
          %parallel_loop3A_166 = arith.addi %parallel_loop3A_165, %iota3A : vector<16xi32>
          tpu.vector_store_idx %arg9[%parallel_loop3A_166], %parallel_loop3A_155 {add = true} : memref<80xf32, #tpu.memory_space<vmem>>[vector<16xi32>], vector<16xf32>,
          tpu.vector_store_idx %arg10[%parallel_loop3A_166], %broadcast_in_dim3A_30 {add = true} : memref<80xf32, #tpu.memory_space<vmem>>[vector<16xi32>], vector<16xf32>,
          %parallel_loop3A_167 = arith.constant 128 : i32
          %parallel_loop3A_168 = arith.muli %parallel_loop3A_99, %parallel_loop3A_167 : i32
          %parallel_loop3A_169 = arith.constant 16 : i32
          %parallel_loop3A_170 = arith.addi %parallel_loop3A_168, %parallel_loop3A_169 : i32
          %parallel_loop3A_171 = arith.index_cast %parallel_loop3A_170 : i32 to index
          %parallel_loop3A_172 = tpu.vector_load %arg8[%parallel_loop3A_171] {strides = array<i32>} : memref<16000xf32, #tpu.memory_space<vmem>>, vector<16xf32>,
          %parallel_loop3A_173 = arith.index_cast %parallel_loop3A_99 : i32 to index
          %parallel_loop3A_174 = arith.constant 16 : index
          %parallel_loop3A_175 = tpu.vector_load %arg7[%parallel_loop3A_173, %parallel_loop3A_174] {strides = array<i32>} : memref<125x128xf32, #tpu.memory_space<vmem>>, vector<16xf32>,
          %parallel_loop3A_176 = arith.constant 0.000000e+00 : f32
          %parallel_loop3A_177 = vector.broadcast %parallel_loop3A_176 : f32 to vector<16xf32>
          %parallel_loop3A_178 = arith.subf %parallel_loop3A_177, %parallel_loop3A_175 : vector<16xf32>
          %parallel_loop3A_179 = math.exp %parallel_loop3A_178 : vector<16xf32>
          %parallel_loop3A_180 = arith.constant 1.000000e+00 : f32
          %parallel_loop3A_181 = vector.broadcast %parallel_loop3A_180 : f32 to vector<16xf32>
          %parallel_loop3A_182 = arith.addf %parallel_loop3A_181, %parallel_loop3A_179 : vector<16xf32>
          %parallel_loop3A_183 = arith.constant 1.000000e+00 : f32
          %parallel_loop3A_184 = vector.broadcast %parallel_loop3A_183 : f32 to vector<16xf32>
          %parallel_loop3A_185 = arith.divf %parallel_loop3A_184, %parallel_loop3A_182 : vector<16xf32>
          %parallel_loop3A_186 = arith.subf %parallel_loop3A_185, %parallel_loop3A_172 : vector<16xf32>
          %parallel_loop3A_187 = math.absf %parallel_loop3A_186 : vector<16xf32>
          %parallel_loop3A_188 = arith.constant 1.000000e+00 : f32
          %parallel_loop3A_189 = vector.broadcast %parallel_loop3A_188 : f32 to vector<16xf32>
          %parallel_loop3A_190 = arith.subf %parallel_loop3A_189, %parallel_loop3A_185 : vector<16xf32>
          %parallel_loop3A_191 = arith.maximumf %parallel_loop3A_185, %parallel_loop3A_190 : vector<16xf32>
          %parallel_loop3A_192 = arith.constant 7.500000e-01 : f32
          %parallel_loop3A_193 = vector.broadcast %parallel_loop3A_192 : f32 to vector<16xf32>
          %parallel_loop3A_194 = arith.subf %parallel_loop3A_191, %parallel_loop3A_193 : vector<16xf32>
          %parallel_loop3A_195 = arith.constant -0.953880488 : f32
          %parallel_loop3A_196 = vector.broadcast %parallel_loop3A_195 : f32 to vector<16xf32>
          %parallel_loop3A_197 = arith.mulf %parallel_loop3A_196, %parallel_loop3A_194 : vector<16xf32>
          %parallel_loop3A_198 = arith.constant 0.88696456 : f32
          %parallel_loop3A_199 = vector.broadcast %parallel_loop3A_198 : f32 to vector<16xf32>
          %parallel_loop3A_200 = arith.addf %parallel_loop3A_197, %parallel_loop3A_199 : vector<16xf32>
          %parallel_loop3A_201 = arith.mulf %parallel_loop3A_200, %parallel_loop3A_194 : vector<16xf32>
          %parallel_loop3A_202 = arith.constant -0.787445604 : f32
          %parallel_loop3A_203 = vector.broadcast %parallel_loop3A_202 : f32 to vector<16xf32>
          %parallel_loop3A_204 = arith.addf %parallel_loop3A_201, %parallel_loop3A_203 : vector<16xf32>
          %parallel_loop3A_205 = arith.mulf %parallel_loop3A_204, %parallel_loop3A_194 : vector<16xf32>
          %parallel_loop3A_206 = arith.constant 0.886556625 : f32
          %parallel_loop3A_207 = vector.broadcast %parallel_loop3A_206 : f32 to vector<16xf32>
          %parallel_loop3A_208 = arith.addf %parallel_loop3A_205, %parallel_loop3A_207 : vector<16xf32>
          %parallel_loop3A_209 = arith.mulf %parallel_loop3A_208, %parallel_loop3A_194 : vector<16xf32>
          %parallel_loop3A_210 = arith.constant -1.33334267 : f32
          %parallel_loop3A_211 = vector.broadcast %parallel_loop3A_210 : f32 to vector<16xf32>
          %parallel_loop3A_212 = arith.addf %parallel_loop3A_209, %parallel_loop3A_211 : vector<16xf32>
          %parallel_loop3A_213 = arith.mulf %parallel_loop3A_212, %parallel_loop3A_194 : vector<16xf32>
          %parallel_loop3A_214 = arith.constant 0.287690222 : f32
          %parallel_loop3A_215 = vector.broadcast %parallel_loop3A_214 : f32 to vector<16xf32>
          %parallel_loop3A_216 = arith.addf %parallel_loop3A_213, %parallel_loop3A_215 : vector<16xf32>
          %parallel_loop3A_217 = arith.constant 0.000000e+00 : f32
          %parallel_loop3A_218 = vector.broadcast %parallel_loop3A_217 : f32 to vector<16xf32>
          %parallel_loop3A_219 = arith.maximumf %parallel_loop3A_175, %parallel_loop3A_218 : vector<16xf32>
          %parallel_loop3A_220 = arith.mulf %parallel_loop3A_175, %parallel_loop3A_172 : vector<16xf32>
          %parallel_loop3A_221 = arith.subf %parallel_loop3A_219, %parallel_loop3A_220 : vector<16xf32>
          %parallel_loop3A_222 = arith.addf %parallel_loop3A_221, %parallel_loop3A_216 : vector<16xf32>
          %parallel_loop3A_223 = arith.constant 5.000000e+00 : f32
          %parallel_loop3A_224 = vector.broadcast %parallel_loop3A_223 : f32 to vector<16xf32>
          %parallel_loop3A_225 = arith.mulf %parallel_loop3A_187, %parallel_loop3A_224 : vector<16xf32>
          %parallel_loop3A_226 = arith.fptosi %parallel_loop3A_225 : vector<16xf32> to vector<16xi32>
          %parallel_loop3A_227 = arith.constant 4 : i32
          %parallel_loop3A_228 = vector.broadcast %parallel_loop3A_227 : i32 to vector<16xi32>
          %parallel_loop3A_229 = arith.minsi %parallel_loop3A_226, %parallel_loop3A_228 : vector<16xi32>
          %parallel_loop3A_230 = arith.constant 16 : i32
          %parallel_loop3A_231 = vector.broadcast %parallel_loop3A_230 : i32 to vector<16xi32>
          %parallel_loop3A_232 = arith.muli %parallel_loop3A_229, %parallel_loop3A_231 : vector<16xi32>
          %parallel_loop3A_233 = arith.addi %parallel_loop3A_232, %iota3A : vector<16xi32>
          tpu.vector_store_idx %arg9[%parallel_loop3A_233], %parallel_loop3A_222 {add = true} : memref<80xf32, #tpu.memory_space<vmem>>[vector<16xi32>], vector<16xf32>,
          tpu.vector_store_idx %arg10[%parallel_loop3A_233], %broadcast_in_dim3A_30 {add = true} : memref<80xf32, #tpu.memory_space<vmem>>[vector<16xi32>], vector<16xf32>,
          %parallel_loop3A_234 = arith.constant 128 : i32
          %parallel_loop3A_235 = arith.muli %parallel_loop3A_99, %parallel_loop3A_234 : i32
          %parallel_loop3A_236 = arith.constant 32 : i32
          %parallel_loop3A_237 = arith.addi %parallel_loop3A_235, %parallel_loop3A_236 : i32
          %parallel_loop3A_238 = arith.index_cast %parallel_loop3A_237 : i32 to index
          %parallel_loop3A_239 = tpu.vector_load %arg8[%parallel_loop3A_238] {strides = array<i32>} : memref<16000xf32, #tpu.memory_space<vmem>>, vector<16xf32>,
          %parallel_loop3A_240 = arith.index_cast %parallel_loop3A_99 : i32 to index
          %parallel_loop3A_241 = arith.constant 32 : index
          %parallel_loop3A_242 = tpu.vector_load %arg7[%parallel_loop3A_240, %parallel_loop3A_241] {strides = array<i32>} : memref<125x128xf32, #tpu.memory_space<vmem>>, vector<16xf32>,
          %parallel_loop3A_243 = arith.constant 0.000000e+00 : f32
          %parallel_loop3A_244 = vector.broadcast %parallel_loop3A_243 : f32 to vector<16xf32>
          %parallel_loop3A_245 = arith.subf %parallel_loop3A_244, %parallel_loop3A_242 : vector<16xf32>
          %parallel_loop3A_246 = math.exp %parallel_loop3A_245 : vector<16xf32>
          %parallel_loop3A_247 = arith.constant 1.000000e+00 : f32
          %parallel_loop3A_248 = vector.broadcast %parallel_loop3A_247 : f32 to vector<16xf32>
          %parallel_loop3A_249 = arith.addf %parallel_loop3A_248, %parallel_loop3A_246 : vector<16xf32>
          %parallel_loop3A_250 = arith.constant 1.000000e+00 : f32
          %parallel_loop3A_251 = vector.broadcast %parallel_loop3A_250 : f32 to vector<16xf32>
          %parallel_loop3A_252 = arith.divf %parallel_loop3A_251, %parallel_loop3A_249 : vector<16xf32>
          %parallel_loop3A_253 = arith.subf %parallel_loop3A_252, %parallel_loop3A_239 : vector<16xf32>
          %parallel_loop3A_254 = math.absf %parallel_loop3A_253 : vector<16xf32>
          %parallel_loop3A_255 = arith.constant 1.000000e+00 : f32
          %parallel_loop3A_256 = vector.broadcast %parallel_loop3A_255 : f32 to vector<16xf32>
          %parallel_loop3A_257 = arith.subf %parallel_loop3A_256, %parallel_loop3A_252 : vector<16xf32>
          %parallel_loop3A_258 = arith.maximumf %parallel_loop3A_252, %parallel_loop3A_257 : vector<16xf32>
          %parallel_loop3A_259 = arith.constant 7.500000e-01 : f32
          %parallel_loop3A_260 = vector.broadcast %parallel_loop3A_259 : f32 to vector<16xf32>
          %parallel_loop3A_261 = arith.subf %parallel_loop3A_258, %parallel_loop3A_260 : vector<16xf32>
          %parallel_loop3A_262 = arith.constant -0.953880488 : f32
          %parallel_loop3A_263 = vector.broadcast %parallel_loop3A_262 : f32 to vector<16xf32>
          %parallel_loop3A_264 = arith.mulf %parallel_loop3A_263, %parallel_loop3A_261 : vector<16xf32>
          %parallel_loop3A_265 = arith.constant 0.88696456 : f32
          %parallel_loop3A_266 = vector.broadcast %parallel_loop3A_265 : f32 to vector<16xf32>
          %parallel_loop3A_267 = arith.addf %parallel_loop3A_264, %parallel_loop3A_266 : vector<16xf32>
          %parallel_loop3A_268 = arith.mulf %parallel_loop3A_267, %parallel_loop3A_261 : vector<16xf32>
          %parallel_loop3A_269 = arith.constant -0.787445604 : f32
          %parallel_loop3A_270 = vector.broadcast %parallel_loop3A_269 : f32 to vector<16xf32>
          %parallel_loop3A_271 = arith.addf %parallel_loop3A_268, %parallel_loop3A_270 : vector<16xf32>
          %parallel_loop3A_272 = arith.mulf %parallel_loop3A_271, %parallel_loop3A_261 : vector<16xf32>
          %parallel_loop3A_273 = arith.constant 0.886556625 : f32
          %parallel_loop3A_274 = vector.broadcast %parallel_loop3A_273 : f32 to vector<16xf32>
          %parallel_loop3A_275 = arith.addf %parallel_loop3A_272, %parallel_loop3A_274 : vector<16xf32>
          %parallel_loop3A_276 = arith.mulf %parallel_loop3A_275, %parallel_loop3A_261 : vector<16xf32>
          %parallel_loop3A_277 = arith.constant -1.33334267 : f32
          %parallel_loop3A_278 = vector.broadcast %parallel_loop3A_277 : f32 to vector<16xf32>
          %parallel_loop3A_279 = arith.addf %parallel_loop3A_276, %parallel_loop3A_278 : vector<16xf32>
          %parallel_loop3A_280 = arith.mulf %parallel_loop3A_279, %parallel_loop3A_261 : vector<16xf32>
          %parallel_loop3A_281 = arith.constant 0.287690222 : f32
          %parallel_loop3A_282 = vector.broadcast %parallel_loop3A_281 : f32 to vector<16xf32>
          %parallel_loop3A_283 = arith.addf %parallel_loop3A_280, %parallel_loop3A_282 : vector<16xf32>
          %parallel_loop3A_284 = arith.constant 0.000000e+00 : f32
          %parallel_loop3A_285 = vector.broadcast %parallel_loop3A_284 : f32 to vector<16xf32>
          %parallel_loop3A_286 = arith.maximumf %parallel_loop3A_242, %parallel_loop3A_285 : vector<16xf32>
          %parallel_loop3A_287 = arith.mulf %parallel_loop3A_242, %parallel_loop3A_239 : vector<16xf32>
          %parallel_loop3A_288 = arith.subf %parallel_loop3A_286, %parallel_loop3A_287 : vector<16xf32>
          %parallel_loop3A_289 = arith.addf %parallel_loop3A_288, %parallel_loop3A_283 : vector<16xf32>
          %parallel_loop3A_290 = arith.constant 5.000000e+00 : f32
          %parallel_loop3A_291 = vector.broadcast %parallel_loop3A_290 : f32 to vector<16xf32>
          %parallel_loop3A_292 = arith.mulf %parallel_loop3A_254, %parallel_loop3A_291 : vector<16xf32>
          %parallel_loop3A_293 = arith.fptosi %parallel_loop3A_292 : vector<16xf32> to vector<16xi32>
          %parallel_loop3A_294 = arith.constant 4 : i32
          %parallel_loop3A_295 = vector.broadcast %parallel_loop3A_294 : i32 to vector<16xi32>
          %parallel_loop3A_296 = arith.minsi %parallel_loop3A_293, %parallel_loop3A_295 : vector<16xi32>
          %parallel_loop3A_297 = arith.constant 16 : i32
          %parallel_loop3A_298 = vector.broadcast %parallel_loop3A_297 : i32 to vector<16xi32>
          %parallel_loop3A_299 = arith.muli %parallel_loop3A_296, %parallel_loop3A_298 : vector<16xi32>
          %parallel_loop3A_300 = arith.addi %parallel_loop3A_299, %iota3A : vector<16xi32>
          tpu.vector_store_idx %arg9[%parallel_loop3A_300], %parallel_loop3A_289 {add = true} : memref<80xf32, #tpu.memory_space<vmem>>[vector<16xi32>], vector<16xf32>,
          tpu.vector_store_idx %arg10[%parallel_loop3A_300], %broadcast_in_dim3A_30 {add = true} : memref<80xf32, #tpu.memory_space<vmem>>[vector<16xi32>], vector<16xf32>,
          %parallel_loop3A_301 = arith.constant 128 : i32
          %parallel_loop3A_302 = arith.muli %parallel_loop3A_99, %parallel_loop3A_301 : i32
          %parallel_loop3A_303 = arith.constant 48 : i32
          %parallel_loop3A_304 = arith.addi %parallel_loop3A_302, %parallel_loop3A_303 : i32
          %parallel_loop3A_305 = arith.index_cast %parallel_loop3A_304 : i32 to index
          %parallel_loop3A_306 = tpu.vector_load %arg8[%parallel_loop3A_305] {strides = array<i32>} : memref<16000xf32, #tpu.memory_space<vmem>>, vector<16xf32>,
          %parallel_loop3A_307 = arith.index_cast %parallel_loop3A_99 : i32 to index
          %parallel_loop3A_308 = arith.constant 48 : index
          %parallel_loop3A_309 = tpu.vector_load %arg7[%parallel_loop3A_307, %parallel_loop3A_308] {strides = array<i32>} : memref<125x128xf32, #tpu.memory_space<vmem>>, vector<16xf32>,
          %parallel_loop3A_310 = arith.constant 0.000000e+00 : f32
          %parallel_loop3A_311 = vector.broadcast %parallel_loop3A_310 : f32 to vector<16xf32>
          %parallel_loop3A_312 = arith.subf %parallel_loop3A_311, %parallel_loop3A_309 : vector<16xf32>
          %parallel_loop3A_313 = math.exp %parallel_loop3A_312 : vector<16xf32>
          %parallel_loop3A_314 = arith.constant 1.000000e+00 : f32
          %parallel_loop3A_315 = vector.broadcast %parallel_loop3A_314 : f32 to vector<16xf32>
          %parallel_loop3A_316 = arith.addf %parallel_loop3A_315, %parallel_loop3A_313 : vector<16xf32>
          %parallel_loop3A_317 = arith.constant 1.000000e+00 : f32
          %parallel_loop3A_318 = vector.broadcast %parallel_loop3A_317 : f32 to vector<16xf32>
          %parallel_loop3A_319 = arith.divf %parallel_loop3A_318, %parallel_loop3A_316 : vector<16xf32>
          %parallel_loop3A_320 = arith.subf %parallel_loop3A_319, %parallel_loop3A_306 : vector<16xf32>
          %parallel_loop3A_321 = math.absf %parallel_loop3A_320 : vector<16xf32>
          %parallel_loop3A_322 = arith.constant 1.000000e+00 : f32
          %parallel_loop3A_323 = vector.broadcast %parallel_loop3A_322 : f32 to vector<16xf32>
          %parallel_loop3A_324 = arith.subf %parallel_loop3A_323, %parallel_loop3A_319 : vector<16xf32>
          %parallel_loop3A_325 = arith.maximumf %parallel_loop3A_319, %parallel_loop3A_324 : vector<16xf32>
          %parallel_loop3A_326 = arith.constant 7.500000e-01 : f32
          %parallel_loop3A_327 = vector.broadcast %parallel_loop3A_326 : f32 to vector<16xf32>
          %parallel_loop3A_328 = arith.subf %parallel_loop3A_325, %parallel_loop3A_327 : vector<16xf32>
          %parallel_loop3A_329 = arith.constant -0.953880488 : f32
          %parallel_loop3A_330 = vector.broadcast %parallel_loop3A_329 : f32 to vector<16xf32>
          %parallel_loop3A_331 = arith.mulf %parallel_loop3A_330, %parallel_loop3A_328 : vector<16xf32>
          %parallel_loop3A_332 = arith.constant 0.88696456 : f32
          %parallel_loop3A_333 = vector.broadcast %parallel_loop3A_332 : f32 to vector<16xf32>
          %parallel_loop3A_334 = arith.addf %parallel_loop3A_331, %parallel_loop3A_333 : vector<16xf32>
          %parallel_loop3A_335 = arith.mulf %parallel_loop3A_334, %parallel_loop3A_328 : vector<16xf32>
          %parallel_loop3A_336 = arith.constant -0.787445604 : f32
          %parallel_loop3A_337 = vector.broadcast %parallel_loop3A_336 : f32 to vector<16xf32>
          %parallel_loop3A_338 = arith.addf %parallel_loop3A_335, %parallel_loop3A_337 : vector<16xf32>
          %parallel_loop3A_339 = arith.mulf %parallel_loop3A_338, %parallel_loop3A_328 : vector<16xf32>
          %parallel_loop3A_340 = arith.constant 0.886556625 : f32
          %parallel_loop3A_341 = vector.broadcast %parallel_loop3A_340 : f32 to vector<16xf32>
          %parallel_loop3A_342 = arith.addf %parallel_loop3A_339, %parallel_loop3A_341 : vector<16xf32>
          %parallel_loop3A_343 = arith.mulf %parallel_loop3A_342, %parallel_loop3A_328 : vector<16xf32>
          %parallel_loop3A_344 = arith.constant -1.33334267 : f32
          %parallel_loop3A_345 = vector.broadcast %parallel_loop3A_344 : f32 to vector<16xf32>
          %parallel_loop3A_346 = arith.addf %parallel_loop3A_343, %parallel_loop3A_345 : vector<16xf32>
          %parallel_loop3A_347 = arith.mulf %parallel_loop3A_346, %parallel_loop3A_328 : vector<16xf32>
          %parallel_loop3A_348 = arith.constant 0.287690222 : f32
          %parallel_loop3A_349 = vector.broadcast %parallel_loop3A_348 : f32 to vector<16xf32>
          %parallel_loop3A_350 = arith.addf %parallel_loop3A_347, %parallel_loop3A_349 : vector<16xf32>
          %parallel_loop3A_351 = arith.constant 0.000000e+00 : f32
          %parallel_loop3A_352 = vector.broadcast %parallel_loop3A_351 : f32 to vector<16xf32>
          %parallel_loop3A_353 = arith.maximumf %parallel_loop3A_309, %parallel_loop3A_352 : vector<16xf32>
          %parallel_loop3A_354 = arith.mulf %parallel_loop3A_309, %parallel_loop3A_306 : vector<16xf32>
          %parallel_loop3A_355 = arith.subf %parallel_loop3A_353, %parallel_loop3A_354 : vector<16xf32>
          %parallel_loop3A_356 = arith.addf %parallel_loop3A_355, %parallel_loop3A_350 : vector<16xf32>
          %parallel_loop3A_357 = arith.constant 5.000000e+00 : f32
          %parallel_loop3A_358 = vector.broadcast %parallel_loop3A_357 : f32 to vector<16xf32>
          %parallel_loop3A_359 = arith.mulf %parallel_loop3A_321, %parallel_loop3A_358 : vector<16xf32>
          %parallel_loop3A_360 = arith.fptosi %parallel_loop3A_359 : vector<16xf32> to vector<16xi32>
          %parallel_loop3A_361 = arith.constant 4 : i32
          %parallel_loop3A_362 = vector.broadcast %parallel_loop3A_361 : i32 to vector<16xi32>
          %parallel_loop3A_363 = arith.minsi %parallel_loop3A_360, %parallel_loop3A_362 : vector<16xi32>
          %parallel_loop3A_364 = arith.constant 16 : i32
          %parallel_loop3A_365 = vector.broadcast %parallel_loop3A_364 : i32 to vector<16xi32>
          %parallel_loop3A_366 = arith.muli %parallel_loop3A_363, %parallel_loop3A_365 : vector<16xi32>
          %parallel_loop3A_367 = arith.addi %parallel_loop3A_366, %iota3A : vector<16xi32>
          tpu.vector_store_idx %arg9[%parallel_loop3A_367], %parallel_loop3A_356 {add = true} : memref<80xf32, #tpu.memory_space<vmem>>[vector<16xi32>], vector<16xf32>,
          tpu.vector_store_idx %arg10[%parallel_loop3A_367], %broadcast_in_dim3A_30 {add = true} : memref<80xf32, #tpu.memory_space<vmem>>[vector<16xi32>], vector<16xf32>,
          %parallel_loop3A_368 = arith.constant 128 : i32
          %parallel_loop3A_369 = arith.muli %parallel_loop3A_99, %parallel_loop3A_368 : i32
          %parallel_loop3A_370 = arith.constant 64 : i32
          %parallel_loop3A_371 = arith.addi %parallel_loop3A_369, %parallel_loop3A_370 : i32
          %parallel_loop3A_372 = arith.index_cast %parallel_loop3A_371 : i32 to index
          %parallel_loop3A_373 = tpu.vector_load %arg8[%parallel_loop3A_372] {strides = array<i32>} : memref<16000xf32, #tpu.memory_space<vmem>>, vector<16xf32>,
          %parallel_loop3A_374 = arith.index_cast %parallel_loop3A_99 : i32 to index
          %parallel_loop3A_375 = arith.constant 64 : index
          %parallel_loop3A_376 = tpu.vector_load %arg7[%parallel_loop3A_374, %parallel_loop3A_375] {strides = array<i32>} : memref<125x128xf32, #tpu.memory_space<vmem>>, vector<16xf32>,
          %parallel_loop3A_377 = arith.constant 0.000000e+00 : f32
          %parallel_loop3A_378 = vector.broadcast %parallel_loop3A_377 : f32 to vector<16xf32>
          %parallel_loop3A_379 = arith.subf %parallel_loop3A_378, %parallel_loop3A_376 : vector<16xf32>
          %parallel_loop3A_380 = math.exp %parallel_loop3A_379 : vector<16xf32>
          %parallel_loop3A_381 = arith.constant 1.000000e+00 : f32
          %parallel_loop3A_382 = vector.broadcast %parallel_loop3A_381 : f32 to vector<16xf32>
          %parallel_loop3A_383 = arith.addf %parallel_loop3A_382, %parallel_loop3A_380 : vector<16xf32>
          %parallel_loop3A_384 = arith.constant 1.000000e+00 : f32
          %parallel_loop3A_385 = vector.broadcast %parallel_loop3A_384 : f32 to vector<16xf32>
          %parallel_loop3A_386 = arith.divf %parallel_loop3A_385, %parallel_loop3A_383 : vector<16xf32>
          %parallel_loop3A_387 = arith.subf %parallel_loop3A_386, %parallel_loop3A_373 : vector<16xf32>
          %parallel_loop3A_388 = math.absf %parallel_loop3A_387 : vector<16xf32>
          %parallel_loop3A_389 = arith.constant 1.000000e+00 : f32
          %parallel_loop3A_390 = vector.broadcast %parallel_loop3A_389 : f32 to vector<16xf32>
          %parallel_loop3A_391 = arith.subf %parallel_loop3A_390, %parallel_loop3A_386 : vector<16xf32>
          %parallel_loop3A_392 = arith.maximumf %parallel_loop3A_386, %parallel_loop3A_391 : vector<16xf32>
          %parallel_loop3A_393 = arith.constant 7.500000e-01 : f32
          %parallel_loop3A_394 = vector.broadcast %parallel_loop3A_393 : f32 to vector<16xf32>
          %parallel_loop3A_395 = arith.subf %parallel_loop3A_392, %parallel_loop3A_394 : vector<16xf32>
          %parallel_loop3A_396 = arith.constant -0.953880488 : f32
          %parallel_loop3A_397 = vector.broadcast %parallel_loop3A_396 : f32 to vector<16xf32>
          %parallel_loop3A_398 = arith.mulf %parallel_loop3A_397, %parallel_loop3A_395 : vector<16xf32>
          %parallel_loop3A_399 = arith.constant 0.88696456 : f32
          %parallel_loop3A_400 = vector.broadcast %parallel_loop3A_399 : f32 to vector<16xf32>
          %parallel_loop3A_401 = arith.addf %parallel_loop3A_398, %parallel_loop3A_400 : vector<16xf32>
          %parallel_loop3A_402 = arith.mulf %parallel_loop3A_401, %parallel_loop3A_395 : vector<16xf32>
          %parallel_loop3A_403 = arith.constant -0.787445604 : f32
          %parallel_loop3A_404 = vector.broadcast %parallel_loop3A_403 : f32 to vector<16xf32>
          %parallel_loop3A_405 = arith.addf %parallel_loop3A_402, %parallel_loop3A_404 : vector<16xf32>
          %parallel_loop3A_406 = arith.mulf %parallel_loop3A_405, %parallel_loop3A_395 : vector<16xf32>
          %parallel_loop3A_407 = arith.constant 0.886556625 : f32
          %parallel_loop3A_408 = vector.broadcast %parallel_loop3A_407 : f32 to vector<16xf32>
          %parallel_loop3A_409 = arith.addf %parallel_loop3A_406, %parallel_loop3A_408 : vector<16xf32>
          %parallel_loop3A_410 = arith.mulf %parallel_loop3A_409, %parallel_loop3A_395 : vector<16xf32>
          %parallel_loop3A_411 = arith.constant -1.33334267 : f32
          %parallel_loop3A_412 = vector.broadcast %parallel_loop3A_411 : f32 to vector<16xf32>
          %parallel_loop3A_413 = arith.addf %parallel_loop3A_410, %parallel_loop3A_412 : vector<16xf32>
          %parallel_loop3A_414 = arith.mulf %parallel_loop3A_413, %parallel_loop3A_395 : vector<16xf32>
          %parallel_loop3A_415 = arith.constant 0.287690222 : f32
          %parallel_loop3A_416 = vector.broadcast %parallel_loop3A_415 : f32 to vector<16xf32>
          %parallel_loop3A_417 = arith.addf %parallel_loop3A_414, %parallel_loop3A_416 : vector<16xf32>
          %parallel_loop3A_418 = arith.constant 0.000000e+00 : f32
          %parallel_loop3A_419 = vector.broadcast %parallel_loop3A_418 : f32 to vector<16xf32>
          %parallel_loop3A_420 = arith.maximumf %parallel_loop3A_376, %parallel_loop3A_419 : vector<16xf32>
          %parallel_loop3A_421 = arith.mulf %parallel_loop3A_376, %parallel_loop3A_373 : vector<16xf32>
          %parallel_loop3A_422 = arith.subf %parallel_loop3A_420, %parallel_loop3A_421 : vector<16xf32>
          %parallel_loop3A_423 = arith.addf %parallel_loop3A_422, %parallel_loop3A_417 : vector<16xf32>
          %parallel_loop3A_424 = arith.constant 5.000000e+00 : f32
          %parallel_loop3A_425 = vector.broadcast %parallel_loop3A_424 : f32 to vector<16xf32>
          %parallel_loop3A_426 = arith.mulf %parallel_loop3A_388, %parallel_loop3A_425 : vector<16xf32>
          %parallel_loop3A_427 = arith.fptosi %parallel_loop3A_426 : vector<16xf32> to vector<16xi32>
          %parallel_loop3A_428 = arith.constant 4 : i32
          %parallel_loop3A_429 = vector.broadcast %parallel_loop3A_428 : i32 to vector<16xi32>
          %parallel_loop3A_430 = arith.minsi %parallel_loop3A_427, %parallel_loop3A_429 : vector<16xi32>
          %parallel_loop3A_431 = arith.constant 16 : i32
          %parallel_loop3A_432 = vector.broadcast %parallel_loop3A_431 : i32 to vector<16xi32>
          %parallel_loop3A_433 = arith.muli %parallel_loop3A_430, %parallel_loop3A_432 : vector<16xi32>
          %parallel_loop3A_434 = arith.addi %parallel_loop3A_433, %iota3A : vector<16xi32>
          tpu.vector_store_idx %arg9[%parallel_loop3A_434], %parallel_loop3A_423 {add = true} : memref<80xf32, #tpu.memory_space<vmem>>[vector<16xi32>], vector<16xf32>,
          tpu.vector_store_idx %arg10[%parallel_loop3A_434], %broadcast_in_dim3A_30 {add = true} : memref<80xf32, #tpu.memory_space<vmem>>[vector<16xi32>], vector<16xf32>,
          %parallel_loop3A_435 = arith.constant 128 : i32
          %parallel_loop3A_436 = arith.muli %parallel_loop3A_99, %parallel_loop3A_435 : i32
          %parallel_loop3A_437 = arith.constant 80 : i32
          %parallel_loop3A_438 = arith.addi %parallel_loop3A_436, %parallel_loop3A_437 : i32
          %parallel_loop3A_439 = arith.index_cast %parallel_loop3A_438 : i32 to index
          %parallel_loop3A_440 = tpu.vector_load %arg8[%parallel_loop3A_439] {strides = array<i32>} : memref<16000xf32, #tpu.memory_space<vmem>>, vector<16xf32>,
          %parallel_loop3A_441 = arith.index_cast %parallel_loop3A_99 : i32 to index
          %parallel_loop3A_442 = arith.constant 80 : index
          %parallel_loop3A_443 = tpu.vector_load %arg7[%parallel_loop3A_441, %parallel_loop3A_442] {strides = array<i32>} : memref<125x128xf32, #tpu.memory_space<vmem>>, vector<16xf32>,
          %parallel_loop3A_444 = arith.constant 0.000000e+00 : f32
          %parallel_loop3A_445 = vector.broadcast %parallel_loop3A_444 : f32 to vector<16xf32>
          %parallel_loop3A_446 = arith.subf %parallel_loop3A_445, %parallel_loop3A_443 : vector<16xf32>
          %parallel_loop3A_447 = math.exp %parallel_loop3A_446 : vector<16xf32>
          %parallel_loop3A_448 = arith.constant 1.000000e+00 : f32
          %parallel_loop3A_449 = vector.broadcast %parallel_loop3A_448 : f32 to vector<16xf32>
          %parallel_loop3A_450 = arith.addf %parallel_loop3A_449, %parallel_loop3A_447 : vector<16xf32>
          %parallel_loop3A_451 = arith.constant 1.000000e+00 : f32
          %parallel_loop3A_452 = vector.broadcast %parallel_loop3A_451 : f32 to vector<16xf32>
          %parallel_loop3A_453 = arith.divf %parallel_loop3A_452, %parallel_loop3A_450 : vector<16xf32>
          %parallel_loop3A_454 = arith.subf %parallel_loop3A_453, %parallel_loop3A_440 : vector<16xf32>
          %parallel_loop3A_455 = math.absf %parallel_loop3A_454 : vector<16xf32>
          %parallel_loop3A_456 = arith.constant 1.000000e+00 : f32
          %parallel_loop3A_457 = vector.broadcast %parallel_loop3A_456 : f32 to vector<16xf32>
          %parallel_loop3A_458 = arith.subf %parallel_loop3A_457, %parallel_loop3A_453 : vector<16xf32>
          %parallel_loop3A_459 = arith.maximumf %parallel_loop3A_453, %parallel_loop3A_458 : vector<16xf32>
          %parallel_loop3A_460 = arith.constant 7.500000e-01 : f32
          %parallel_loop3A_461 = vector.broadcast %parallel_loop3A_460 : f32 to vector<16xf32>
          %parallel_loop3A_462 = arith.subf %parallel_loop3A_459, %parallel_loop3A_461 : vector<16xf32>
          %parallel_loop3A_463 = arith.constant -0.953880488 : f32
          %parallel_loop3A_464 = vector.broadcast %parallel_loop3A_463 : f32 to vector<16xf32>
          %parallel_loop3A_465 = arith.mulf %parallel_loop3A_464, %parallel_loop3A_462 : vector<16xf32>
          %parallel_loop3A_466 = arith.constant 0.88696456 : f32
          %parallel_loop3A_467 = vector.broadcast %parallel_loop3A_466 : f32 to vector<16xf32>
          %parallel_loop3A_468 = arith.addf %parallel_loop3A_465, %parallel_loop3A_467 : vector<16xf32>
          %parallel_loop3A_469 = arith.mulf %parallel_loop3A_468, %parallel_loop3A_462 : vector<16xf32>
          %parallel_loop3A_470 = arith.constant -0.787445604 : f32
          %parallel_loop3A_471 = vector.broadcast %parallel_loop3A_470 : f32 to vector<16xf32>
          %parallel_loop3A_472 = arith.addf %parallel_loop3A_469, %parallel_loop3A_471 : vector<16xf32>
          %parallel_loop3A_473 = arith.mulf %parallel_loop3A_472, %parallel_loop3A_462 : vector<16xf32>
          %parallel_loop3A_474 = arith.constant 0.886556625 : f32
          %parallel_loop3A_475 = vector.broadcast %parallel_loop3A_474 : f32 to vector<16xf32>
          %parallel_loop3A_476 = arith.addf %parallel_loop3A_473, %parallel_loop3A_475 : vector<16xf32>
          %parallel_loop3A_477 = arith.mulf %parallel_loop3A_476, %parallel_loop3A_462 : vector<16xf32>
          %parallel_loop3A_478 = arith.constant -1.33334267 : f32
          %parallel_loop3A_479 = vector.broadcast %parallel_loop3A_478 : f32 to vector<16xf32>
          %parallel_loop3A_480 = arith.addf %parallel_loop3A_477, %parallel_loop3A_479 : vector<16xf32>
          %parallel_loop3A_481 = arith.mulf %parallel_loop3A_480, %parallel_loop3A_462 : vector<16xf32>
          %parallel_loop3A_482 = arith.constant 0.287690222 : f32
          %parallel_loop3A_483 = vector.broadcast %parallel_loop3A_482 : f32 to vector<16xf32>
          %parallel_loop3A_484 = arith.addf %parallel_loop3A_481, %parallel_loop3A_483 : vector<16xf32>
          %parallel_loop3A_485 = arith.constant 0.000000e+00 : f32
          %parallel_loop3A_486 = vector.broadcast %parallel_loop3A_485 : f32 to vector<16xf32>
          %parallel_loop3A_487 = arith.maximumf %parallel_loop3A_443, %parallel_loop3A_486 : vector<16xf32>
          %parallel_loop3A_488 = arith.mulf %parallel_loop3A_443, %parallel_loop3A_440 : vector<16xf32>
          %parallel_loop3A_489 = arith.subf %parallel_loop3A_487, %parallel_loop3A_488 : vector<16xf32>
          %parallel_loop3A_490 = arith.addf %parallel_loop3A_489, %parallel_loop3A_484 : vector<16xf32>
          %parallel_loop3A_491 = arith.constant 5.000000e+00 : f32
          %parallel_loop3A_492 = vector.broadcast %parallel_loop3A_491 : f32 to vector<16xf32>
          %parallel_loop3A_493 = arith.mulf %parallel_loop3A_455, %parallel_loop3A_492 : vector<16xf32>
          %parallel_loop3A_494 = arith.fptosi %parallel_loop3A_493 : vector<16xf32> to vector<16xi32>
          %parallel_loop3A_495 = arith.constant 4 : i32
          %parallel_loop3A_496 = vector.broadcast %parallel_loop3A_495 : i32 to vector<16xi32>
          %parallel_loop3A_497 = arith.minsi %parallel_loop3A_494, %parallel_loop3A_496 : vector<16xi32>
          %parallel_loop3A_498 = arith.constant 16 : i32
          %parallel_loop3A_499 = vector.broadcast %parallel_loop3A_498 : i32 to vector<16xi32>
          %parallel_loop3A_500 = arith.muli %parallel_loop3A_497, %parallel_loop3A_499 : vector<16xi32>
          %parallel_loop3A_501 = arith.addi %parallel_loop3A_500, %iota3A : vector<16xi32>
          tpu.vector_store_idx %arg9[%parallel_loop3A_501], %parallel_loop3A_490 {add = true} : memref<80xf32, #tpu.memory_space<vmem>>[vector<16xi32>], vector<16xf32>,
          tpu.vector_store_idx %arg10[%parallel_loop3A_501], %broadcast_in_dim3A_30 {add = true} : memref<80xf32, #tpu.memory_space<vmem>>[vector<16xi32>], vector<16xf32>,
          %parallel_loop3A_502 = arith.constant 128 : i32
          %parallel_loop3A_503 = arith.muli %parallel_loop3A_99, %parallel_loop3A_502 : i32
          %parallel_loop3A_504 = arith.constant 96 : i32
          %parallel_loop3A_505 = arith.addi %parallel_loop3A_503, %parallel_loop3A_504 : i32
          %parallel_loop3A_506 = arith.index_cast %parallel_loop3A_505 : i32 to index
          %parallel_loop3A_507 = tpu.vector_load %arg8[%parallel_loop3A_506] {strides = array<i32>} : memref<16000xf32, #tpu.memory_space<vmem>>, vector<16xf32>,
          %parallel_loop3A_508 = arith.index_cast %parallel_loop3A_99 : i32 to index
          %parallel_loop3A_509 = arith.constant 96 : index
          %parallel_loop3A_510 = tpu.vector_load %arg7[%parallel_loop3A_508, %parallel_loop3A_509] {strides = array<i32>} : memref<125x128xf32, #tpu.memory_space<vmem>>, vector<16xf32>,
          %parallel_loop3A_511 = arith.constant 0.000000e+00 : f32
          %parallel_loop3A_512 = vector.broadcast %parallel_loop3A_511 : f32 to vector<16xf32>
          %parallel_loop3A_513 = arith.subf %parallel_loop3A_512, %parallel_loop3A_510 : vector<16xf32>
          %parallel_loop3A_514 = math.exp %parallel_loop3A_513 : vector<16xf32>
          %parallel_loop3A_515 = arith.constant 1.000000e+00 : f32
          %parallel_loop3A_516 = vector.broadcast %parallel_loop3A_515 : f32 to vector<16xf32>
          %parallel_loop3A_517 = arith.addf %parallel_loop3A_516, %parallel_loop3A_514 : vector<16xf32>
          %parallel_loop3A_518 = arith.constant 1.000000e+00 : f32
          %parallel_loop3A_519 = vector.broadcast %parallel_loop3A_518 : f32 to vector<16xf32>
          %parallel_loop3A_520 = arith.divf %parallel_loop3A_519, %parallel_loop3A_517 : vector<16xf32>
          %parallel_loop3A_521 = arith.subf %parallel_loop3A_520, %parallel_loop3A_507 : vector<16xf32>
          %parallel_loop3A_522 = math.absf %parallel_loop3A_521 : vector<16xf32>
          %parallel_loop3A_523 = arith.constant 1.000000e+00 : f32
          %parallel_loop3A_524 = vector.broadcast %parallel_loop3A_523 : f32 to vector<16xf32>
          %parallel_loop3A_525 = arith.subf %parallel_loop3A_524, %parallel_loop3A_520 : vector<16xf32>
          %parallel_loop3A_526 = arith.maximumf %parallel_loop3A_520, %parallel_loop3A_525 : vector<16xf32>
          %parallel_loop3A_527 = arith.constant 7.500000e-01 : f32
          %parallel_loop3A_528 = vector.broadcast %parallel_loop3A_527 : f32 to vector<16xf32>
          %parallel_loop3A_529 = arith.subf %parallel_loop3A_526, %parallel_loop3A_528 : vector<16xf32>
          %parallel_loop3A_530 = arith.constant -0.953880488 : f32
          %parallel_loop3A_531 = vector.broadcast %parallel_loop3A_530 : f32 to vector<16xf32>
          %parallel_loop3A_532 = arith.mulf %parallel_loop3A_531, %parallel_loop3A_529 : vector<16xf32>
          %parallel_loop3A_533 = arith.constant 0.88696456 : f32
          %parallel_loop3A_534 = vector.broadcast %parallel_loop3A_533 : f32 to vector<16xf32>
          %parallel_loop3A_535 = arith.addf %parallel_loop3A_532, %parallel_loop3A_534 : vector<16xf32>
          %parallel_loop3A_536 = arith.mulf %parallel_loop3A_535, %parallel_loop3A_529 : vector<16xf32>
          %parallel_loop3A_537 = arith.constant -0.787445604 : f32
          %parallel_loop3A_538 = vector.broadcast %parallel_loop3A_537 : f32 to vector<16xf32>
          %parallel_loop3A_539 = arith.addf %parallel_loop3A_536, %parallel_loop3A_538 : vector<16xf32>
          %parallel_loop3A_540 = arith.mulf %parallel_loop3A_539, %parallel_loop3A_529 : vector<16xf32>
          %parallel_loop3A_541 = arith.constant 0.886556625 : f32
          %parallel_loop3A_542 = vector.broadcast %parallel_loop3A_541 : f32 to vector<16xf32>
          %parallel_loop3A_543 = arith.addf %parallel_loop3A_540, %parallel_loop3A_542 : vector<16xf32>
          %parallel_loop3A_544 = arith.mulf %parallel_loop3A_543, %parallel_loop3A_529 : vector<16xf32>
          %parallel_loop3A_545 = arith.constant -1.33334267 : f32
          %parallel_loop3A_546 = vector.broadcast %parallel_loop3A_545 : f32 to vector<16xf32>
          %parallel_loop3A_547 = arith.addf %parallel_loop3A_544, %parallel_loop3A_546 : vector<16xf32>
          %parallel_loop3A_548 = arith.mulf %parallel_loop3A_547, %parallel_loop3A_529 : vector<16xf32>
          %parallel_loop3A_549 = arith.constant 0.287690222 : f32
          %parallel_loop3A_550 = vector.broadcast %parallel_loop3A_549 : f32 to vector<16xf32>
          %parallel_loop3A_551 = arith.addf %parallel_loop3A_548, %parallel_loop3A_550 : vector<16xf32>
          %parallel_loop3A_552 = arith.constant 0.000000e+00 : f32
          %parallel_loop3A_553 = vector.broadcast %parallel_loop3A_552 : f32 to vector<16xf32>
          %parallel_loop3A_554 = arith.maximumf %parallel_loop3A_510, %parallel_loop3A_553 : vector<16xf32>
          %parallel_loop3A_555 = arith.mulf %parallel_loop3A_510, %parallel_loop3A_507 : vector<16xf32>
          %parallel_loop3A_556 = arith.subf %parallel_loop3A_554, %parallel_loop3A_555 : vector<16xf32>
          %parallel_loop3A_557 = arith.addf %parallel_loop3A_556, %parallel_loop3A_551 : vector<16xf32>
          %parallel_loop3A_558 = arith.constant 5.000000e+00 : f32
          %parallel_loop3A_559 = vector.broadcast %parallel_loop3A_558 : f32 to vector<16xf32>
          %parallel_loop3A_560 = arith.mulf %parallel_loop3A_522, %parallel_loop3A_559 : vector<16xf32>
          %parallel_loop3A_561 = arith.fptosi %parallel_loop3A_560 : vector<16xf32> to vector<16xi32>
          %parallel_loop3A_562 = arith.constant 4 : i32
          %parallel_loop3A_563 = vector.broadcast %parallel_loop3A_562 : i32 to vector<16xi32>
          %parallel_loop3A_564 = arith.minsi %parallel_loop3A_561, %parallel_loop3A_563 : vector<16xi32>
          %parallel_loop3A_565 = arith.constant 16 : i32
          %parallel_loop3A_566 = vector.broadcast %parallel_loop3A_565 : i32 to vector<16xi32>
          %parallel_loop3A_567 = arith.muli %parallel_loop3A_564, %parallel_loop3A_566 : vector<16xi32>
          %parallel_loop3A_568 = arith.addi %parallel_loop3A_567, %iota3A : vector<16xi32>
          tpu.vector_store_idx %arg9[%parallel_loop3A_568], %parallel_loop3A_557 {add = true} : memref<80xf32, #tpu.memory_space<vmem>>[vector<16xi32>], vector<16xf32>,
          tpu.vector_store_idx %arg10[%parallel_loop3A_568], %broadcast_in_dim3A_30 {add = true} : memref<80xf32, #tpu.memory_space<vmem>>[vector<16xi32>], vector<16xf32>,
          %parallel_loop3A_569 = arith.constant 128 : i32
          %parallel_loop3A_570 = arith.muli %parallel_loop3A_99, %parallel_loop3A_569 : i32
          %parallel_loop3A_571 = arith.constant 112 : i32
          %parallel_loop3A_572 = arith.addi %parallel_loop3A_570, %parallel_loop3A_571 : i32
          %parallel_loop3A_573 = arith.index_cast %parallel_loop3A_572 : i32 to index
          %parallel_loop3A_574 = tpu.vector_load %arg8[%parallel_loop3A_573] {strides = array<i32>} : memref<16000xf32, #tpu.memory_space<vmem>>, vector<16xf32>,
          %parallel_loop3A_575 = arith.index_cast %parallel_loop3A_99 : i32 to index
          %parallel_loop3A_576 = arith.constant 112 : index
          %parallel_loop3A_577 = tpu.vector_load %arg7[%parallel_loop3A_575, %parallel_loop3A_576] {strides = array<i32>} : memref<125x128xf32, #tpu.memory_space<vmem>>, vector<16xf32>,
          %parallel_loop3A_578 = arith.constant 0.000000e+00 : f32
          %parallel_loop3A_579 = vector.broadcast %parallel_loop3A_578 : f32 to vector<16xf32>
          %parallel_loop3A_580 = arith.subf %parallel_loop3A_579, %parallel_loop3A_577 : vector<16xf32>
          %parallel_loop3A_581 = math.exp %parallel_loop3A_580 : vector<16xf32>
          %parallel_loop3A_582 = arith.constant 1.000000e+00 : f32
          %parallel_loop3A_583 = vector.broadcast %parallel_loop3A_582 : f32 to vector<16xf32>
          %parallel_loop3A_584 = arith.addf %parallel_loop3A_583, %parallel_loop3A_581 : vector<16xf32>
          %parallel_loop3A_585 = arith.constant 1.000000e+00 : f32
          %parallel_loop3A_586 = vector.broadcast %parallel_loop3A_585 : f32 to vector<16xf32>
          %parallel_loop3A_587 = arith.divf %parallel_loop3A_586, %parallel_loop3A_584 : vector<16xf32>
          %parallel_loop3A_588 = arith.subf %parallel_loop3A_587, %parallel_loop3A_574 : vector<16xf32>
          %parallel_loop3A_589 = math.absf %parallel_loop3A_588 : vector<16xf32>
          %parallel_loop3A_590 = arith.constant 1.000000e+00 : f32
          %parallel_loop3A_591 = vector.broadcast %parallel_loop3A_590 : f32 to vector<16xf32>
          %parallel_loop3A_592 = arith.subf %parallel_loop3A_591, %parallel_loop3A_587 : vector<16xf32>
          %parallel_loop3A_593 = arith.maximumf %parallel_loop3A_587, %parallel_loop3A_592 : vector<16xf32>
          %parallel_loop3A_594 = arith.constant 7.500000e-01 : f32
          %parallel_loop3A_595 = vector.broadcast %parallel_loop3A_594 : f32 to vector<16xf32>
          %parallel_loop3A_596 = arith.subf %parallel_loop3A_593, %parallel_loop3A_595 : vector<16xf32>
          %parallel_loop3A_597 = arith.constant -0.953880488 : f32
          %parallel_loop3A_598 = vector.broadcast %parallel_loop3A_597 : f32 to vector<16xf32>
          %parallel_loop3A_599 = arith.mulf %parallel_loop3A_598, %parallel_loop3A_596 : vector<16xf32>
          %parallel_loop3A_600 = arith.constant 0.88696456 : f32
          %parallel_loop3A_601 = vector.broadcast %parallel_loop3A_600 : f32 to vector<16xf32>
          %parallel_loop3A_602 = arith.addf %parallel_loop3A_599, %parallel_loop3A_601 : vector<16xf32>
          %parallel_loop3A_603 = arith.mulf %parallel_loop3A_602, %parallel_loop3A_596 : vector<16xf32>
          %parallel_loop3A_604 = arith.constant -0.787445604 : f32
          %parallel_loop3A_605 = vector.broadcast %parallel_loop3A_604 : f32 to vector<16xf32>
          %parallel_loop3A_606 = arith.addf %parallel_loop3A_603, %parallel_loop3A_605 : vector<16xf32>
          %parallel_loop3A_607 = arith.mulf %parallel_loop3A_606, %parallel_loop3A_596 : vector<16xf32>
          %parallel_loop3A_608 = arith.constant 0.886556625 : f32
          %parallel_loop3A_609 = vector.broadcast %parallel_loop3A_608 : f32 to vector<16xf32>
          %parallel_loop3A_610 = arith.addf %parallel_loop3A_607, %parallel_loop3A_609 : vector<16xf32>
          %parallel_loop3A_611 = arith.mulf %parallel_loop3A_610, %parallel_loop3A_596 : vector<16xf32>
          %parallel_loop3A_612 = arith.constant -1.33334267 : f32
          %parallel_loop3A_613 = vector.broadcast %parallel_loop3A_612 : f32 to vector<16xf32>
          %parallel_loop3A_614 = arith.addf %parallel_loop3A_611, %parallel_loop3A_613 : vector<16xf32>
          %parallel_loop3A_615 = arith.mulf %parallel_loop3A_614, %parallel_loop3A_596 : vector<16xf32>
          %parallel_loop3A_616 = arith.constant 0.287690222 : f32
          %parallel_loop3A_617 = vector.broadcast %parallel_loop3A_616 : f32 to vector<16xf32>
          %parallel_loop3A_618 = arith.addf %parallel_loop3A_615, %parallel_loop3A_617 : vector<16xf32>
          %parallel_loop3A_619 = arith.constant 0.000000e+00 : f32
          %parallel_loop3A_620 = vector.broadcast %parallel_loop3A_619 : f32 to vector<16xf32>
          %parallel_loop3A_621 = arith.maximumf %parallel_loop3A_577, %parallel_loop3A_620 : vector<16xf32>
          %parallel_loop3A_622 = arith.mulf %parallel_loop3A_577, %parallel_loop3A_574 : vector<16xf32>
          %parallel_loop3A_623 = arith.subf %parallel_loop3A_621, %parallel_loop3A_622 : vector<16xf32>
          %parallel_loop3A_624 = arith.addf %parallel_loop3A_623, %parallel_loop3A_618 : vector<16xf32>
          %parallel_loop3A_625 = arith.constant 5.000000e+00 : f32
          %parallel_loop3A_626 = vector.broadcast %parallel_loop3A_625 : f32 to vector<16xf32>
          %parallel_loop3A_627 = arith.mulf %parallel_loop3A_589, %parallel_loop3A_626 : vector<16xf32>
          %parallel_loop3A_628 = arith.fptosi %parallel_loop3A_627 : vector<16xf32> to vector<16xi32>
          %parallel_loop3A_629 = arith.constant 4 : i32
          %parallel_loop3A_630 = vector.broadcast %parallel_loop3A_629 : i32 to vector<16xi32>
          %parallel_loop3A_631 = arith.minsi %parallel_loop3A_628, %parallel_loop3A_630 : vector<16xi32>
          %parallel_loop3A_632 = arith.constant 16 : i32
          %parallel_loop3A_633 = vector.broadcast %parallel_loop3A_632 : i32 to vector<16xi32>
          %parallel_loop3A_634 = arith.muli %parallel_loop3A_631, %parallel_loop3A_633 : vector<16xi32>
          %parallel_loop3A_635 = arith.addi %parallel_loop3A_634, %iota3A : vector<16xi32>
          tpu.vector_store_idx %arg9[%parallel_loop3A_635], %parallel_loop3A_624 {add = true} : memref<80xf32, #tpu.memory_space<vmem>>[vector<16xi32>], vector<16xf32>,
          tpu.vector_store_idx %arg10[%parallel_loop3A_635], %broadcast_in_dim3A_30 {add = true} : memref<80xf32, #tpu.memory_space<vmem>>[vector<16xi32>], vector<16xf32>,
        } {sc.loop_unroll_factor = 1 : i64, sc.parallel_access}
      } else {
      }
    }
    %mul3A_52 = arith.constant 160 : i32
    %mul3A_53 = arith.muli %add3A, %mul3A_52 : i32
    "tpu.region"() ({
      %run_scoped3A = tpu.sem_alloc : memref<!tpu.dma_semaphore, #tpu.memory_space<semaphore_mem>>
      %dma_start3A_58 = tpu.memref_slice %arg4[%mul3A_53] : memref<5120xf32, #tpu.memory_space<hbm>> -> memref<80xf32, #tpu.memory_space<hbm>>
      %dma_start3A_59 = tpu.memref_slice %arg4[%mul3A_53] : memref<5120xf32, #tpu.memory_space<hbm>> -> memref<80xf32, #tpu.memory_space<hbm>>
      tpu.enqueue_dma source(%arg9 : memref<80xf32, #tpu.memory_space<vmem>>) target(%dma_start3A_59 : memref<80xf32, #tpu.memory_space<hbm>>) target_semaphore(%run_scoped3A : memref<!tpu.dma_semaphore, #tpu.memory_space<semaphore_mem>>)
      %dma_wait3A = tpu.memref_slice %arg4[%mul3A_53] : memref<5120xf32, #tpu.memory_space<hbm>> -> memref<80xf32, #tpu.memory_space<hbm>>
      %dma_wait3A_60 = tpu.memref_slice %arg4[%mul3A_53] : memref<5120xf32, #tpu.memory_space<hbm>> -> memref<80xf32, #tpu.memory_space<hbm>>
      tpu.wait_dma2 semaphore(%run_scoped3A : memref<!tpu.dma_semaphore, #tpu.memory_space<semaphore_mem>>) src(%arg9 : memref<80xf32, #tpu.memory_space<vmem>>) dst(%dma_wait3A_60 : memref<80xf32, #tpu.memory_space<hbm>>)
      tpu.yield
    }) : () -> ()
    %mul3A_54 = arith.constant 160 : i32
    %mul3A_55 = arith.muli %add3A, %mul3A_54 : i32
    %add3A_56 = arith.constant 80 : i32
    %add3A_57 = arith.addi %mul3A_55, %add3A_56 : i32
    "tpu.region"() ({
      %run_scoped3A = tpu.sem_alloc : memref<!tpu.dma_semaphore, #tpu.memory_space<semaphore_mem>>
      %dma_start3A_58 = tpu.memref_slice %arg4[%add3A_57] : memref<5120xf32, #tpu.memory_space<hbm>> -> memref<80xf32, #tpu.memory_space<hbm>>
      %dma_start3A_59 = tpu.memref_slice %arg4[%add3A_57] : memref<5120xf32, #tpu.memory_space<hbm>> -> memref<80xf32, #tpu.memory_space<hbm>>
      tpu.enqueue_dma source(%arg10 : memref<80xf32, #tpu.memory_space<vmem>>) target(%dma_start3A_59 : memref<80xf32, #tpu.memory_space<hbm>>) target_semaphore(%run_scoped3A : memref<!tpu.dma_semaphore, #tpu.memory_space<semaphore_mem>>)
      %dma_wait3A = tpu.memref_slice %arg4[%add3A_57] : memref<5120xf32, #tpu.memory_space<hbm>> -> memref<80xf32, #tpu.memory_space<hbm>>
      %dma_wait3A_60 = tpu.memref_slice %arg4[%add3A_57] : memref<5120xf32, #tpu.memory_space<hbm>> -> memref<80xf32, #tpu.memory_space<hbm>>
      tpu.wait_dma2 semaphore(%run_scoped3A : memref<!tpu.dma_semaphore, #tpu.memory_space<semaphore_mem>>) src(%arg10 : memref<80xf32, #tpu.memory_space<vmem>>) dst(%dma_wait3A_60 : memref<80xf32, #tpu.memory_space<hbm>>)
      tpu.yield
    }) : () -> ()
    return
  }
}

</mosaic_0001>

<sc_bundles>
// kernel: _ghm_sc.3.cloned.1.call-start
scs
__scs_entry_jumppad:
0x0: {  	(pc) =	sbr.rel $0x88, $3  }
0x1: {  	(tag) =	ssettag $0x0;
	lr =	simm.s32 $0x1  }
0x2: {  	[smem:$0x3F9F] =	sst lr;
	_ =	strace $0xD0000000  }
0x3: {  	_ = 	snop  }
0x4: {  	_ = 	snop  }
0x5: {  	_ = 	snop  }
0x6: {  	_ = 	snop  }
0x7: {  	_ = 	snop  }
__scs_overlays_trampoline_lowered:
0x8: {  	[smem:$0x3FAE] =	sst s0  }
0x9: {  	[smem:$0x3FAF] =	sst s1  }
0xa: {  	[smem:$0x3FB0] =	sst s2  }
0xb: {  	[smem:$0x3FB1] =	sst s3  }
0xc: {  	[smem:$0x3FB2] =	sst s4  }
0xd: {  	[smem:$0x3FB3] =	sst s5  }
0xe: {  	[smem:$0x3FB4] =	sst s6  }
0xf: {  	[smem:$0x3FB5] =	sst s7  }
0x10: {  	[smem:$0x3FB6] =	sst s8  }
0x11: {  	[smem:$0x3FB7] =	sst s9;
	s0 =	simm.s32 @!p0 $0x0  }
0x12: {  	s1 =	sld [smem:$0x3F9D];
	s0 =	simm.s32 @p0 $0x1  }
0x13: {  	[smem:$0x3FB8] =	sst s0;
	s0 =	simm.s32 @!p1 $0x0  }
0x14: {  	s2 =	sld [smem:$0x3F9C];
	s0 =	simm.s32 @p1 $0x1  }
0x15: {  	[smem:$0x3FB9] =	sst s0;
	s0 =	simm.s32 @!p2 $0x0  }
0x16: {  	s3 =	sld [smem:$0x3FDB];
	s0 =	simm.s32 @p2 $0x1  }
0x17: {  	s4 =	simm.s32 $0x1BF5;
	[smem:$0x3FBB] =	sst s0  }
0x18: {  	s0 =	sld [smem:$0x3F9E];
	_ =	swait.ge [sflag:s4], $0x0  }
0x19: {  	s7 =	sld [smem:$0x3F9F]  }
0x1a: {  	s8 =	sadd.s32 $0xFFFFE003, lr  }
0x1b: {  	s9 =	sadd.s32 $0xFFFFFEF7, lr;
	s5 =	simm.s32 $0xFFFFFFFF;
	p2 =	slt.u32 s8, $0xFFFFF086  }
0x1c: {  	p1 =	slt.u32 s9, $0xF7A;
	s5 =	simm.s32 @!p2 $0x0  }
0x1d: {  	s5 =	simm.s32 @p1 $0x1;
	p0 =	seq.s32 s7, s2  }
0x1e: {  	s7 =	smul.u32 @!p0 $0xF7A, s2;
	p2 =	seq.s32 @!p0 s5, $0x0  }
0x1f: {  	s9 =	smul.u32 $0xF7A, s1;
	s8 =	simm.s32 @!p0 $0x1BF5;
	p2 =	por !p2, p0  }
0x20: {  	[sflag:s8] =	ssyncset.s32 @!p0 $0xFFFFF086;
	s6 =	sadd.s32 @!p0 s3, s7;
	s7 =	simm.s32 @!p0 $0x108  }
0x21: {  	s3 =	sadd.s32 s3, s9;
	s6 =	sadd.s32 @!p0 $0x88, s6;
	s7 =	simm.s32 @p2 $0x1082  }
0x22: {  	[simem:s7], [sflag:s8] =	dma.local @!p0 [hbm:s6], $0xF7A  }
0x23: {  	s9 =	sor.u32 $0xD0000000, s2;
	s6 =	simm.s32 $0x108;
	_ =	swait.ge @!p0 [sflag:s8], $0x0  }
0x24: {  	s3 =	sadd.s32 $0x88, s3;
	s6 =	simm.s32 @!p1 $0x1082;
	[sflag:s4] =	ssyncset.s32 $0xFFFFF086  }
0x25: {  	[simem:s6], [sflag:s4] =	dma.local [hbm:s3], $0xF7A  }
0x26: {  	[smem:$0x3F9F] =	sst s1;
	(tag) =	ssettag s2;
	_ =	strace s9  }
0x27: {  	s1 =	sld [smem:$0x3FAF]  }
0x28: {  	s2 =	sld [smem:$0x3FB0]  }
0x29: {  	s4 =	sld [smem:$0x3FB2]  }
0x2a: {  	p0 =	seq.s32 s5, $0x0;
	s5 =	sld [smem:$0x3FB3]  }
0x2b: {  	s6 =	sld [smem:$0x3FB4]  }
0x2c: {  	s7 =	sld [smem:$0x3FB5]  }
0x2d: {  	s3 =	simm.s32 $0x108;
	s8 =	sld [smem:$0x3FB6]  }
0x2e: {  	s3 =	simm.s32 @!p0 $0x1082;
	s9 =	sld [smem:$0x3FB7]  }
0x2f: {  	lr =	sadd.s32 s0, s3;
	s0 =	sld [smem:$0x3FAE]  }
0x30: {  	s3 =	sld [smem:$0x3FB1]  }
0x31: {  	[smem:$0x3FBA] =	sst s10  }
0x32: {  	s10 =	sld [smem:$0x3FB8];
	_ =	sdelay $0x3  }
0x33: {  	p0 =	seq.s32 s10, $0x1;
	s10 =	sld [smem:$0x3FBA];
	_ =	sdelay $0x3  }
0x34: {  	[smem:$0x3FBA] =	sst s10  }
0x35: {  	s10 =	sld [smem:$0x3FB9];
	_ =	sdelay $0x3  }
0x36: {  	p1 =	seq.s32 s10, $0x1;
	s10 =	sld [smem:$0x3FBA];
	_ =	sdelay $0x3  }
0x37: {  	[smem:$0x3FBA] =	sst s10  }
0x38: {  	s10 =	sld [smem:$0x3FBB]  }
0x39: {  	_ = 	snop;
	(pc) =	sbr.ind lr, $3  }
0x3a: {  	_ = 	snop  }
0x3b: {  	_ = 	snop  }
0x3c: {  	p2 =	seq.s32 s10, $0x1;
	s10 =	sld [smem:$0x3FBA]  }
0x3d: {  	_ =	shalt  }
0x3e: {  	_ =	shalt  }
0x3f: {  	_ =	shalt  }
0x40: {  	_ =	shalt  }
0x41: {  	_ =	shalt  }
0x42: {  	_ =	shalt  }
0x43: {  	_ =	shalt  }
0x44: {  	_ =	shalt  }
0x45: {  	_ =	shalt  }
0x46: {  	_ =	shalt  }
0x47: {  	_ =	shalt  }
0x48: {  	_ =	shalt  }
0x49: {  	_ =	shalt  }
0x4a: {  	_ =	shalt  }
0x4b: {  	_ =	shalt  }
0x4c: {  	_ =	shalt  }
0x4d: {  	_ =	shalt  }
0x4e: {  	_ =	shalt  }
0x4f: {  	_ =	shalt  }
0x50: {  	_ =	shalt  }
0x51: {  	_ =	shalt  }
0x52: {  	_ =	shalt  }
0x53: {  	_ =	shalt  }
0x54: {  	_ =	shalt  }
0x55: {  	_ =	shalt  }
0x56: {  	_ =	shalt  }
0x57: {  	_ =	shalt  }
0x58: {  	_ =	shalt  }
0x59: {  	_ =	shalt  }
0x5a: {  	_ =	shalt  }
0x5b: {  	_ =	shalt  }
0x5c: {  	_ =	shalt  }
0x5d: {  	_ =	shalt  }
0x5e: {  	_ =	shalt  }
0x5f: {  	_ =	shalt  }
0x60: {  	_ =	shalt  }
0x61: {  	_ =	shalt  }
0x62: {  	_ =	shalt  }
0x63: {  	_ =	shalt  }
0x64: {  	_ =	shalt  }
0x65: {  	_ =	shalt  }
0x66: {  	_ =	shalt  }
0x67: {  	_ =	shalt  }
0x68: {  	_ =	shalt  }
0x69: {  	_ =	shalt  }
0x6a: {  	_ =	shalt  }
0x6b: {  	_ =	shalt  }
0x6c: {  	_ =	shalt  }
0x6d: {  	_ =	shalt  }
0x6e: {  	_ =	shalt  }
0x6f: {  	_ =	shalt  }
0x70: {  	_ =	shalt  }
0x71: {  	_ =	shalt  }
0x72: {  	_ =	shalt  }
0x73: {  	_ =	shalt  }
0x74: {  	_ =	shalt  }
0x75: {  	_ =	shalt  }
0x76: {  	_ =	shalt  }
0x77: {  	_ =	shalt  }
0x78: {  	_ =	shalt  }
0x79: {  	_ =	shalt  }
0x7a: {  	_ =	shalt  }
0x7b: {  	_ =	shalt  }
0x7c: {  	_ =	shalt  }
0x7d: {  	_ =	shalt  }
0x7e: {  	_ =	shalt  }
0x7f: {  	_ =	shalt  }
0x80: {  	_ =	shalt  }
0x81: {  	_ =	shalt  }
0x82: {  	_ =	shalt  }
0x83: {  	_ =	shalt  }
0x84: {  	_ =	shalt  }
0x85: {  	_ =	shalt  }
0x86: {  	_ =	shalt  }
0x87: {  	_ =	shalt  }
.Lfunc_end0:
.L_simem_size_0:
called_computation_lowered:
.L_overlay_start_0:
0x88: {  	s2 =	sld [smem:$0x3FD9]  }
0x89: {  	s3 =	sld [smem:$0x3FFE];
	_ =	sdelay $0x1  }
0x8a: {  	s1 =	srdreg.scid  }
0x8b: {  	s0 =	sand.u32 $0x1, s1  }
0x8c: {  	s18 =	sshll.u32 s0, $0xA;
	s2 =	sadd.s32 s3, s2  }
0x8d: {  	s2 =	sadd.s32 s2, s18  }
0x8e: {  	[smem:$0x3FC6] =	sst s2  }
0x8f: {  	_ = 	snop  }
0x90: {  	s2 =	sld [smem:$0x3FC9]  }
0x91: {  	s19 =	sld [smem:$0x3FC8]  }
0x92: {  	s4 =	sld [smem:$0x3FD0];
	(tm) =	ssettm $0x1  }
0x93: {  	s5 =	sld [smem:$0x3FFB];
	_ =	sdelay $0x3  }
0x94: {  	_ =	strace s5  }
0x95: {  	s5 =	sld [smem:$0x3FFC];
	_ =	sdelay $0x3  }
0x96: {  	_ =	strace s5  }
0x97: {  	s5 =	sld [smem:$0x3FFD];
	_ =	sdelay $0x3  }
0x98: {  	_ =	strace s5  }
0x99: {  	_ =	strace $0x8FFFFFFF  }
0x9a: {  	s20 =	sld [smem:$0x3FDB];
	_ =	sdelay $0x1  }
0x9b: {  	s6 =	simm.s32 $_scs_section_size  }
0x9c: {  	s7 =	simm.s32 $_size__tile_overlayer_lowered;
	s8 =	simm.s32 $_tile_overlayer_lowered  }
0x9d: {  	s23 =	simm.s32 $0x1BFF;
	s22 =	sshll.u32 s8, $0x1;
	s5 =	sadd.s32 s6, s20  }
0x9e: {  	s9 =	simm.s32 $0x0;
	s21 =	sshll.u32 s7, $0x1;
	s7 =	sadd.s32 s22, s5  }
0x9f: {  	[timem:s9], [sflag:s23] =	dma.local [hbm:s7], s21  }
0xa0: {  	_ =	swait.ge [sflag:s23], s21  }
0xa1: {  	s6 =	ssub.s32 $0x0, s21;
	[sflag:s23] =	ssyncset.done $0x0  }
0xa2: {  	[sflag:s23] =	ssyncadd.s32 s6;
	_ =	sdelay $0x1  }
0xa3: {  	s24 =	simm.s32 $0x1B8B  }
0xa4: {  	_ =	swait.ge [sflag:s24], $0x1  }
0xa5: {  	[sflag:s24] =	ssyncset.done $0x0  }
0xa6: {  	s25 =	simm.s32 $0x1B8E;
	[sflag:s24] =	ssyncadd.s32 $0xFFFFFFFF  }
0xa7: {  	s26 =	simm.s32 $execute0_lowered;
	[smem:$0x3FD2] =	sst s25  }
0xa8: {  	s6 =	sshll.u32 s26, $0x1;
	_ =	strace $0x80000046;
	[dreg:$0x1] =	wrdreg $0xFFFFFFFF  }
0xa9: {  	s28 =	simm.s32 $_size_execute0_lowered;
	s5 =	sadd.s32 s5, s6;
	[dreg:$0x0] =	wrdreg $0x0  }
0xaa: {  	s6 =	sshll.u32 s28, $0x1;
	[dreg:$0x2] =	wrdreg s5  }
0xab: {  	[dreg:$0x3] =	wrdreg s6  }
0xac: {  	[dreg:$0x4] =	wrdreg $0xC0  }
0xad: {  	_ =	task [dreg:s9], $0x5FFFF  }
0xae: {  	[dreg:$0x1] =	wrdreg $0xFFFFFFFF  }
0xaf: {  	[dreg:$0x0] =	wrdreg $0x60  }
0xb0: {  	[dreg:$0x2] =	wrdreg s2  }
0xb1: {  	[dreg:$0x3] =	wrdreg s19  }
0xb2: {  	[dreg:$0x4] =	wrdreg s4  }
0xb3: {  	[dreg:$0x5] =	wrdreg $0x9  }
0xb4: {  	_ =	task.clear_ibuf [dreg:s9], $0x6FFFF;
	_ =	strace $0x90000046  }
0xb5: {  	s29 =	simm.s32 $0x9;
	_ =	strace $0x80000048  }
0xb6: {  	_ =	swait.ge [sflag:s29], $0x1  }
0xb7: {  	[sflag:s29] =	ssyncadd.s32 $0xFFFFFFFF  }
0xb8: {  	_ =	strace $0x90000048  }
0xb9: {  	_ =	sfence  }
0xba: {  	s30 =	sld [smem:$0x0];
	_ =	sdelay $0x2  }
0xbb: {  	s31 =	sshll.u32 s1, $0xD;
	s1 =	sshrl.u32 s1, $0x2  }
0xbc: {  	s3 =	sand.u32 $0x4000, s31;
	s1 =	sadd.s32 s1, s30  }
0xbd: {  	s0 =	sor.u32 s3, s0;
	s1 =	sshll.u32 s1, $0x11  }
0xbe: {  	s0 =	sor.u32 s1, s0  }
0xbf: {  	s0 =	sadd.s32 $0x8F2B, s0  }
0xc0: {  	[sflag:s0] =	ssyncadd.remote.s32 $0x1  }
0xc1: {  	_ =	sfence.sel $0xFFFF  }
0xc2: {  	[dreg:$0x0] =	wrdreg $0xFFFFFFFF;
	(pc) =	sbr.abs _section_cstart, $3  }
0xc3: {  	[dreg:$0x1] =	wrdreg $0xFFFFFFFF  }
0xc4: {  	_ =	task.clear_ibuf [dreg:s9], $0x2FFFF;
	_ =	strace $0x9FFFFFFF  }
0xc5: {  	(tm) =	ssettm $0x7FFFFFFF  }
tec
execute0_lowered:
.L_overlay_start_1:
0x0: {  	(tag) =	ssettag $0x1  }
0x1: {  	s1 =	rddreg [dreg:$0x0]  }
0x2: {  	s3 =	srdreg.scid;
	s2 =	rddreg [dreg:$0x1]  }
0x3: {  	s0 =	stileid.u32;
	s11 =	rddreg [dreg:$0x2]  }
0x4: {  	s14 =	simm.s32 $0x80;
	s15 =	simm.s32 $0x100;
	s16 =	simm.s32 $0x4000  }
0x5: {  	s17 =	simm.s32 $0x1;
	s18 =	simm.s32 $0x2;
	s19 =	simm.s32 $0xFD00  }
0x6: {  	s20 =	simm.s32 $0xFD80;
	s21 =	simm.s32 $0x5;
	s22 =	simm.s32 $0x4  }
0x7: {  	s23 =	simm.s32 $0x0;
	s4 =	sand.u32 $0x1, s3;
	s26 =	sshll.u32 s0, $0x1  }
0x8: {  	s3 =	simm.s32 $0x0;
	p0 =	slt.u32 s0, $0xD;
	s6 =	sor.u32 s4, s26  }
0x9: {  	s8 =	ssub.s32 $0x2, s4;
	[smem:$0x7FF] =	sst s3;
	s5 =	sshll.u32 s6, $0x1  }
0xa: {  	s7 =	smin.u32 s6, $0x1A;
	s29 =	sshrl.u32 s8, $0x1;
	_ =	strace $0x80000047  }
0xb: {  	s9 =	smul.u32 $0xA0, s6;
	s6 =	simm.s32 $0x3;
	s28 =	sadd.s32 s7, s5  }
.Ltmp0:
0xc: {  	s13 =	ssub.s32 s8, s29;
	s4 =	sadd.s32 $0xA0, s28;
	(pc) =	sbr.rel .LBB2_1-.Ltmp0, $4  }
0xd: {  	s5 =	simm.s32 $0x3;
	s7 =	sadd.s32 $0x10, s1;
	s30 =	smul.u32 $0xFA0, s4  }
0xe: {  	s6 =	simm.s32 @!p0 $0x2;
	s12 =	sshrl.u32 s9, $0x3;
	s31 =	smul.u32 $0x7D0, s4  }
0xf: {  	s10 =	sadd.s32 $0xFFFFFFFF, s6;
	s13 =	smax.u32 s13, $0x1;
	s11 =	sadd.s32 s11, s12  }
0x10: {  	v0 =	vimm.f32 $0.0e+00;
	v1 =	vimm.f32 $1.000000000e+00;
	v2 =	vlaneseq.u32;
	s12 =	sadd.s32 $0xA, s11;
	s8 =	sadd.s32 s30, s7;
	s9 =	sadd.s32 s2, s31  }
.LBB2_10:
0x11: {  	[hbm4b:s11+s3] =	stream.linear.scatter [tilespmem:s19], [sflag:$0x5], $0x50, $0x38;
	[tilespmem:$0xFE00] =	vst v63  }
0x12: {  	s23 =	sadd.s32 $0x1, s23;
	_ =	swait.ge [sflag:s21], $0x50  }
0x13: {  	p0 =	sne.s32 s23, s13;
	[sflag:s21] =	ssyncset.done $0x0  }
.Ltmp1:
0x14: {  	[sflag:s21] =	ssyncadd.s32 $0xFFFFFFB0;
	(pc) =	sbr.rel @!p0 .LBB2_11-.Ltmp1, $4  }
0x15: {  	[hbm4b:s12+s3] =	stream.linear.scatter [tilespmem:s20], [sflag:$0x5], $0x50, $0x38;
	[tilespmem:$0xFE00] =	vst v63  }
0x16: {  	_ =	swait.ge [sflag:s21], $0x50  }
0x17: {  	[sflag:s21] =	ssyncset.done $0x0  }
0x18: {  	[sflag:s21] =	ssyncadd.s32 $0xFFFFFFB0  }
.LBB2_1:
0x19: {  	[tilespmem:$0xFD00] =	vst v0  }
0x1a: {  	[tilespmem:$0xFD80] =	vst v0  }
0x1b: {  	[tilespmem:$0xFD10] =	vst v0  }
0x1c: {  	[tilespmem:$0xFD90] =	vst v0  }
0x1d: {  	[tilespmem:$0xFD20] =	vst v0  }
0x1e: {  	[tilespmem:$0xFDA0] =	vst v0  }
0x1f: {  	[tilespmem:$0xFD30] =	vst v0  }
0x20: {  	[tilespmem:$0xFDB0] =	vst v0  }
.Ltmp2:
0x21: {  	[tilespmem:$0xFD40] =	vst v0;
	(pc) =	sbr.rel .LBB2_2-.Ltmp2, $4  }
0x22: {  	[tilespmem:$0xFDC0] =	vst v0  }
0x23: {  	[tilespmem:s3], [sflag:$0x1] =	stream.strided.gather [hbm4b:s8+s14], $0x3E80, s15, s14, $0x38;
	[tilespmem:$0xFE00] =	vst v63  }
0x24: {  	s24 =	simm.s32 $0x0  }
0x25: {  	[tilespmem:s16], [sflag:$0x2] =	stream.linear.gather [hbm4b:s9+s3], $0x3E80, $0x38;
	[tilespmem:$0xFE00] =	vst v63  }
.LBB2_8:
0x26: {  	_ =	sdelay $0x1  }
0x27: {  	v20 =	vsub.f32 $1.000000000e+00, v11;
	v18 =	vmul.f32 $1.442695020e+00, v18;
	_ =	sdelay $0x1  }
0x28: {  	[tilespmem:v10+s19+$0x0] =	vst.idx.add.f32.msk $0xffff, v19;
	v56 =	vmax.f32 v11, v20;
	(erf) = vpow2.f32 v18  }
0x29: {  	[tilespmem:v10+s20+$0x0] =	vst.idx.add.f32.msk $0xffff, v1;
	v57 =	vadd.f32 $-7.500000000e-01, v56  }
0x2a: {  	v10 =	vld [tilespmem:s26+$0x7EE0]  }
0x2b: {  	v16 =	vmul.f32 v16, v9;
	v19 =	vmul.f32 $9.538804880e-01, v57  }
0x2c: {  	v17 =	vcvt.f32.s32 v17;
	v15 =	vmul.f32 v15, v12;
	v58 =	vld [tilespmem:s28+$0xBEC0];
	v21 =	vmax.f32 v4, $0.0e+00  }
0x2d: {  	v59 =	vmul.f32 v4, v13;
	v14 =	vcvt.f32.s32 v14;
	v19 =	vsub.f32 $8.869645600e-01, v19  }
0x2e: {  	v16 =	vadd.f32 $8.865566250e-01, v16;
	vm0 =	vlt.s32 v17, $0x4;
	v15 =	vadd.f32 $-1.333342670e+00, v15  }
0x2f: {  	v63 =	vsub.f32 v21, v59;
	v60 =	vsub.f32 $0.0e+00, v10;
	v62 =	vmul.f32 v19, v57  }
0x30: {  	v4 =	vpop (erf);
	vm14 =	vlt.s32 v14, $0x4;
	v17 =	vnsel vm0, $0x4, v17;
	v61 =	vmul.f32 v15, v12  }
0x31: {  	v24 =	vsub.f32 v11, v58;
	v13 =	vmul.f32 $1.442695020e+00, v60;
	v15 =	vadd.f32 $-7.874456040e-01, v62;
	v25 =	vpop (erf)  }
0x32: {  	v17 =	vshll.u32 v17, $0x4;
	v16 =	vmul.f32 v16, v9;
	v26 =	vadd.f32 $1.000000000e+00, v25  }
0x33: {  	v11 =	vand.u32 $0x7FFFFFFF, v24;
	(erf) = vpow2.f32 v13;
	v15 =	vmul.f32 v15, v57  }
0x34: {  	v16 =	vadd.f32 $-1.333342670e+00, v16;
	v11 =	vmul.f32 $5.000000000e+00, v11;
	(erf) = vrcp.f32 v26  }
0x35: {  	v14 =	vnsel vm14, $0x4, v14;
	v17 =	vor.u32 v2, v17;
	v27 =	vadd.f32 $8.865566250e-01, v15  }
0x36: {  	v12 =	vadd.f32 $2.876902220e-01, v61;
	v28 =	vmul.f32 v16, v9;
	v11 =	vtrunc.f32 v11  }
0x37: {  	v30 =	vshll.u32 v14, $0x4;
	v29 =	vcvt.f32.s32 v11;
	v13 =	vmul.f32 v27, v57  }
0x38: {  	v7 =	vsub.f32 v7, v8;
	v8 =	vor.u32 v2, v30;
	v12 =	vadd.f32 v12, v63  }
0x39: {  	v9 =	vadd.f32 $2.876902220e-01, v28;
	vm15 =	vlt.s32 v29, $0x4;
	v13 =	vadd.f32 $-1.333342670e+00, v13  }
0x3a: {  	v34 =	vmax.f32 v5, $0.0e+00;
	v43 =	vld [tilespmem:s29+$0xBEB0];
	v32 =	vmul.f32 v5, v58;
	v31 =	vnsel vm15, $0x4, v29  }
0x3b: {  	[tilespmem:v17+s19+$0x0] =	vst.idx.add.f32.msk $0xffff, v12;
	v7 =	vadd.f32 v9, v7;
	v9 =	vshll.u32 v31, $0x4;
	v13 =	vmul.f32 v13, v57  }
0x3c: {  	v5 =	vsub.f32 v34, v32;
	[tilespmem:v17+s20+$0x0] =	vst.idx.add.f32.msk $0xffff, v1;
	v9 =	vor.u32 v2, v9;
	v33 =	vpop (erf)  }
0x3d: {  	v11 =	vld [tilespmem:s30+$0x7EA0];
	v14 =	vadd.f32 $1.000000000e+00, v33;
	v35 =	vadd.f32 $2.876902220e-01, v13;
	v37 =	vpop (erf)  }
0x3e: {  	[tilespmem:v8+s19+$0x0] =	vst.idx.add.f32.msk $0xffff, v7;
	v38 =	vsub.f32 $1.000000000e+00, v37  }
0x3f: {  	[tilespmem:v8+s20+$0x0] =	vst.idx.add.f32.msk $0xffff, v1;
	(erf) = vrcp.f32 v14;
	v5 =	vadd.f32 v35, v5  }
0x40: {  	v7 =	vld [tilespmem:s31+$0x7E90];
	v40 =	vmax.f32 v37, v38  }
0x41: {  	[tilespmem:v9+s19+$0x0] =	vst.idx.add.f32.msk $0xffff, v5;
	v41 =	vadd.f32 $-7.500000000e-01, v40  }
0x42: {  	v36 =	vsub.f32 $0.0e+00, v11;
	[tilespmem:v9+s20+$0x0] =	vst.idx.add.f32.msk $0xffff, v1  }
0x43: {  	v9 =	vld [tilespmem:s28+$0x7ED0];
	v42 =	vmul.f32 $9.538804880e-01, v41  }
0x44: {  	v39 =	vmul.f32 $1.442695020e+00, v36  }
0x45: {  	v8 =	vsub.f32 $8.869645600e-01, v42  }
0x46: {  	v44 =	vsub.f32 $0.0e+00, v7;
	(erf) = vpow2.f32 v39  }
0x47: {  	v8 =	vmul.f32 v8, v41  }
0x48: {  	v13 =	vmul.f32 $1.442695020e+00, v44;
	v15 =	vsub.f32 v37, v43;
	v45 =	vpop (erf);
	v46 =	vsub.f32 $0.0e+00, v9  }
0x49: {  	v47 =	vsub.f32 $1.000000000e+00, v45;
	v8 =	vadd.f32 $-7.874456040e-01, v8  }
0x4a: {  	(erf) = vpow2.f32 v13;
	v48 =	vmul.f32 $1.442695020e+00, v46  }
0x4b: {  	v15 =	vand.u32 $0x7FFFFFFF, v15;
	v49 =	vmax.f32 v45, v47;
	v8 =	vmul.f32 v8, v41  }
0x4c: {  	v15 =	vmul.f32 $5.000000000e+00, v15;
	v16 =	vadd.f32 $-7.500000000e-01, v49;
	(erf) = vpow2.f32 v48  }
0x4d: {  	v8 =	vadd.f32 $8.865566250e-01, v8  }
0x4e: {  	v54 =	vtrunc.f32 v15;
	v52 =	vmul.f32 $9.538804880e-01, v16  }
0x4f: {  	v53 =	vld [tilespmem:s26+$0xBEE0];
	v13 =	vcvt.f32.s32 v54;
	v50 =	vpop (erf);
	v8 =	vmul.f32 v8, v41  }
0x50: {  	v56 =	vmax.f32 v6, $0.0e+00;
	v51 =	vadd.f32 $1.000000000e+00, v50;
	v55 =	vsub.f32 $8.869645600e-01, v52  }
0x51: {  	v58 =	vmul.f32 v6, v43;
	vm4 =	vlt.s32 v13, $0x4;
	v8 =	vadd.f32 $-1.333342670e+00, v8  }
0x52: {  	v13 =	vnsel vm4, $0x4, v13;
	(erf) = vrcp.f32 v51;
	v15 =	vmul.f32 v55, v16  }
0x53: {  	v6 =	vsub.f32 v56, v58;
	v13 =	vshll.u32 v13, $0x4;
	v5 =	vmul.f32 v8, v41  }
0x54: {  	v59 =	vsub.f32 v45, v53;
	v57 =	vpop (erf);
	v13 =	vor.u32 v2, v13;
	v60 =	vadd.f32 $-7.874456040e-01, v15  }
0x55: {  	v61 =	vadd.f32 $1.000000000e+00, v57;
	v62 =	vpop (erf);
	v5 =	vadd.f32 $2.876902220e-01, v5  }
0x56: {  	v12 =	vand.u32 $0x7FFFFFFF, v59;
	v14 =	vmul.f32 v60, v16;
	v8 =	vadd.f32 $1.000000000e+00, v62  }
0x57: {  	v12 =	vmul.f32 $5.000000000e+00, v12;
	(erf) = vrcp.f32 v61;
	v5 =	vadd.f32 v5, v6  }
0x58: {  	v14 =	vadd.f32 $8.865566250e-01, v14;
	(erf) = vrcp.f32 v8  }
0x59: {  	v21 =	vtrunc.f32 v12;
	[tilespmem:v13+s19+$0x0] =	vst.idx.add.f32.msk $0xffff, v5  }
0x5a: {  	v23 =	vcvt.f32.s32 v21;
	v22 =	vmul.f32 v14, v16;
	[tilespmem:v13+s20+$0x0] =	vst.idx.add.f32.msk $0xffff, v1  }
0x5b: {  	v63 =	vpop (erf);
	v8 =	vld [tilespmem:s29+$0x7EC0]  }
0x5c: {  	vm5 =	vlt.s32 v23, $0x4;
	v20 =	vsub.f32 $1.000000000e+00, v63;
	v25 =	vadd.f32 $-1.333342670e+00, v22  }
0x5d: {  	v28 =	vmul.f32 v10, v53;
	v10 =	vmax.f32 v10, $0.0e+00;
	v27 =	vnsel vm5, $0x4, v23  }
0x5e: {  	v24 =	vmax.f32 v63, v20;
	v5 =	vshll.u32 v27, $0x4;
	v6 =	vmul.f32 v25, v16  }
0x5f: {  	v10 =	vsub.f32 v10, v28;
	v26 =	vadd.f32 $-7.500000000e-01, v24;
	v5 =	vor.u32 v2, v5  }
0x60: {  	v29 =	vld [tilespmem:s30+$0xBEA0];
	v31 =	vpop (erf);
	v6 =	vadd.f32 $2.876902220e-01, v6;
	v34 =	vsub.f32 $0.0e+00, v8  }
0x61: {  	v30 =	vmul.f32 $9.538804880e-01, v26;
	v33 =	vpop (erf)  }
0x62: {  	v6 =	vadd.f32 v6, v10;
	v35 =	vsub.f32 $1.000000000e+00, v33;
	v38 =	vmul.f32 $1.442695020e+00, v34  }
0x63: {  	v44 =	vld [tilespmem:s28+$0xBED0];
	v32 =	vsub.f32 $8.869645600e-01, v30  }
0x64: {  	[tilespmem:v5+s19+$0x0] =	vst.idx.add.f32.msk $0xffff, v6;
	v39 =	vmax.f32 v33, v35;
	(erf) = vpow2.f32 v38  }
0x65: {  	v37 =	vsub.f32 v63, v29;
	v36 =	vmul.f32 v32, v26;
	[tilespmem:v5+s20+$0x0] =	vst.idx.add.f32.msk $0xffff, v1;
	v41 =	vadd.f32 $-7.500000000e-01, v39  }
0x66: {  	v5 =	vld [tilespmem:s26+$0x7EF0]  }
0x67: {  	v13 =	vand.u32 $0x7FFFFFFF, v37;
	v40 =	vadd.f32 $-7.874456040e-01, v36;
	v43 =	vmul.f32 $9.538804880e-01, v41  }
0x68: {  	v42 =	vsub.f32 $1.000000000e+00, v31;
	v14 =	vmul.f32 v11, v29;
	v13 =	vmul.f32 $5.000000000e+00, v13  }
0x69: {  	v11 =	vmax.f32 v11, $0.0e+00;
	v6 =	vmul.f32 v40, v26;
	v15 =	vsub.f32 $8.869645600e-01, v43  }
0x6a: {  	v18 =	vmax.f32 v31, v42;
	v11 =	vsub.f32 v11, v14;
	v13 =	vtrunc.f32 v13  }
0x6b: {  	v6 =	vadd.f32 $8.865566250e-01, v6;
	v45 =	vsub.f32 $0.0e+00, v5;
	v15 =	vmul.f32 v15, v41  }
0x6c: {  	v18 =	vadd.f32 $-7.500000000e-01, v18;
	v13 =	vcvt.f32.s32 v13;
	v46 =	vsub.f32 v33, v44  }
0x6d: {  	v6 =	vmul.f32 v6, v26;
	v47 =	vmul.f32 $1.442695020e+00, v45;
	v15 =	vadd.f32 $-7.874456040e-01, v15;
	v48 =	vpop (erf)  }
0x6e: {  	vm6 =	vlt.s32 v13, $0x4;
	v14 =	vand.u32 $0x7FFFFFFF, v46;
	v49 =	vadd.f32 $1.000000000e+00, v48  }
0x6f: {  	v6 =	vadd.f32 $-1.333342670e+00, v6;
	(erf) = vpow2.f32 v47;
	v15 =	vmul.f32 v15, v41  }
0x70: {  	v13 =	vnsel vm6, $0x4, v13;
	v14 =	vmul.f32 $5.000000000e+00, v14;
	(erf) = vrcp.f32 v49  }
0x71: {  	v13 =	vshll.u32 v13, $0x4;
	v6 =	vmul.f32 v6, v26;
	v15 =	vadd.f32 $8.865566250e-01, v15  }
0x72: {  	v52 =	vmul.f32 $9.538804880e-01, v18;
	v13 =	vor.u32 v2, v13;
	v50 =	vtrunc.f32 v14  }
0x73: {  	v12 =	vcvt.f32.s32 v50;
	v6 =	vadd.f32 $2.876902220e-01, v6;
	v51 =	vmul.f32 v15, v41  }
0x74: {  	v55 =	vsub.f32 $8.869645600e-01, v52  }
0x75: {  	v53 =	vld [tilespmem:s31+$0xBE90];
	vm7 =	vlt.s32 v12, $0x4;
	v6 =	vadd.f32 v6, v11;
	v54 =	vadd.f32 $-1.333342670e+00, v51  }
0x76: {  	v59 =	vmul.f32 v55, v18;
	v12 =	vnsel vm7, $0x4, v12  }
0x77: {  	v57 =	vmul.f32 v9, v44;
	v58 =	vshll.u32 v12, $0x4;
	[tilespmem:v13+s19+$0x0] =	vst.idx.add.f32.msk $0xffff, v6;
	v56 =	vmul.f32 v54, v41  }
0x78: {  	v9 =	vmax.f32 v9, $0.0e+00;
	v12 =	vadd.f32 $-7.874456040e-01, v59;
	v11 =	vor.u32 v2, v58;
	[tilespmem:v13+s20+$0x0] =	vst.idx.add.f32.msk $0xffff, v1;
	v61 =	vpop (erf)  }
0x79: {  	v9 =	vsub.f32 v9, v57;
	v13 =	vld [tilespmem:s30+$0x7EB0];
	v6 =	vadd.f32 $2.876902220e-01, v56;
	v62 =	vpop (erf)  }
0x7a: {  	v60 =	vsub.f32 v31, v53;
	v12 =	vmul.f32 v12, v18;
	v63 =	vsub.f32 $1.000000000e+00, v62  }
0x7b: {  	v6 =	vadd.f32 v6, v9  }
0x7c: {  	v10 =	vand.u32 $0x7FFFFFFF, v60;
	v12 =	vadd.f32 $8.865566250e-01, v12;
	v9 =	vmax.f32 v62, v63  }
0x7d: {  	v17 =	vmul.f32 $5.000000000e+00, v10;
	[tilespmem:v11+s19+$0x0] =	vst.idx.add.f32.msk $0xffff, v6;
	v9 =	vadd.f32 $-7.500000000e-01, v9  }
0x7e: {  	v12 =	vmul.f32 v12, v18;
	v19 =	vsub.f32 $0.0e+00, v13;
	[tilespmem:v11+s20+$0x0] =	vst.idx.add.f32.msk $0xffff, v1  }
0x7f: {  	v14 =	vadd.f32 $1.000000000e+00, v61;
	v6 =	vtrunc.f32 v17;
	v11 =	vld [tilespmem:s28+$0x7EE0];
	v20 =	vmul.f32 $9.538804880e-01, v9  }
0x80: {  	v21 =	vld [tilespmem:s29+$0xBEC0];
	v10 =	vmul.f32 $1.442695020e+00, v19;
	v6 =	vcvt.f32.s32 v6  }
0x81: {  	v23 =	vmax.f32 v7, $0.0e+00;
	(erf) = vrcp.f32 v14;
	v14 =	vsub.f32 $8.869645600e-01, v20  }
0x82: {  	v12 =	vadd.f32 $-1.333342670e+00, v12;
	(erf) = vpow2.f32 v10;
	vm8 =	vlt.s32 v6, $0x4  }
0x83: {  	v7 =	vmul.f32 v7, v53;
	v6 =	vnsel vm8, $0x4, v6;
	v14 =	vmul.f32 v14, v9  }
0x84: {  	v12 =	vmul.f32 v12, v18;
	v6 =	vshll.u32 v6, $0x4;
	v22 =	vsub.f32 $0.0e+00, v11  }
0x85: {  	v15 =	vsub.f32 v62, v21;
	v25 =	vor.u32 v2, v6;
	v14 =	vadd.f32 $-7.874456040e-01, v14  }
0x86: {  	v7 =	vsub.f32 v23, v7;
	v12 =	vadd.f32 $2.876902220e-01, v12;
	v24 =	vmul.f32 $1.442695020e+00, v22  }
0x87: {  	v15 =	vand.u32 $0x7FFFFFFF, v15;
	v14 =	vmul.f32 v14, v9  }
0x88: {  	v7 =	vadd.f32 v12, v7;
	v15 =	vmul.f32 $5.000000000e+00, v15;
	(erf) = vpow2.f32 v24  }
0x89: {  	v14 =	vadd.f32 $8.865566250e-01, v14  }
0x8a: {  	v15 =	vtrunc.f32 v15;
	v6 =	vpop (erf);
	[tilespmem:v25+s19+$0x0] =	vst.idx.add.f32.msk $0xffff, v7  }
0x8b: {  	v27 =	vcvt.f32.s32 v15;
	v26 =	vpop (erf);
	[tilespmem:v25+s20+$0x0] =	vst.idx.add.f32.msk $0xffff, v1;
	v14 =	vmul.f32 v14, v9  }
0x8c: {  	v12 =	vadd.f32 $1.000000000e+00, v26;
	v28 =	vld [tilespmem:s31+$0x7EA0]  }
0x8d: {  	vm9 =	vlt.s32 v27, $0x4;
	v14 =	vadd.f32 $-1.333342670e+00, v14  }
0x8e: {  	v10 =	vmul.f32 v8, v21;
	v7 =	vnsel vm9, $0x4, v27;
	(erf) = vrcp.f32 v12  }
0x8f: {  	v8 =	vmax.f32 v8, $0.0e+00;
	v7 =	vshll.u32 v7, $0x4;
	v9 =	vmul.f32 v14, v9  }
0x90: {  	v8 =	vsub.f32 v8, v10;
	v7 =	vor.u32 v2, v7  }
0x91: {  	v31 =	vsub.f32 $0.0e+00, v28;
	v29 =	vpop (erf);
	v9 =	vadd.f32 $2.876902220e-01, v9  }
0x92: {  	v30 =	vadd.f32 $1.000000000e+00, v29  }
0x93: {  	v32 =	vmul.f32 $1.442695020e+00, v31;
	v8 =	vadd.f32 v9, v8  }
0x94: {  	(erf) = vrcp.f32 v30  }
0x95: {  	[tilespmem:v7+s19+$0x0] =	vst.idx.add.f32.msk $0xffff, v8;
	(erf) = vpow2.f32 v32  }
0x96: {  	[tilespmem:v7+s20+$0x0] =	vst.idx.add.f32.msk $0xffff, v1  }
0x97: {  	v33 =	vpop (erf);
	v8 =	vld [tilespmem:s29+$0x7ED0]  }
0x98: {  	v34 =	vsub.f32 $1.000000000e+00, v33;
	_ =	sdelay $0x1  }
0x99: {  	v35 =	vmax.f32 v33, v34  }
0x9a: {  	v36 =	vld [tilespmem:s30+$0xBEB0];
	v7 =	vadd.f32 $-7.500000000e-01, v35  }
0x9b: {  	v39 =	vsub.f32 $0.0e+00, v8  }
0x9c: {  	v37 =	vmul.f32 $9.538804880e-01, v7;
	v38 =	vpop (erf)  }
0x9d: {  	v40 =	vsub.f32 $1.000000000e+00, v38;
	v16 =	vmul.f32 $1.442695020e+00, v39;
	v41 =	vpop (erf)  }
0x9e: {  	v14 =	vsub.f32 $8.869645600e-01, v37;
	v18 =	vadd.f32 $1.000000000e+00, v41  }
0x9f: {  	v10 =	vsub.f32 v33, v36;
	v17 =	vmax.f32 v38, v40;
	(erf) = vpow2.f32 v16  }
0xa0: {  	v14 =	vmul.f32 v14, v7;
	v17 =	vadd.f32 $-7.500000000e-01, v17;
	(erf) = vrcp.f32 v18  }
0xa1: {  	v43 =	vld [tilespmem:s28+$0xBEE0]  }
0xa2: {  	v10 =	vand.u32 $0x7FFFFFFF, v10;
	v14 =	vadd.f32 $-7.874456040e-01, v14;
	v42 =	vmul.f32 $9.538804880e-01, v17  }
0xa3: {  	v10 =	vmul.f32 $5.000000000e+00, v10  }
0xa4: {  	v14 =	vmul.f32 v14, v7;
	v16 =	vsub.f32 $8.869645600e-01, v42  }
0xa5: {  	v44 =	vmax.f32 v13, $0.0e+00;
	v9 =	vmul.f32 v13, v36;
	v10 =	vtrunc.f32 v10  }
0xa6: {  	v10 =	vcvt.f32.s32 v10;
	v14 =	vadd.f32 $8.865566250e-01, v14;
	v16 =	vmul.f32 v16, v17  }
0xa7: {  	v9 =	vsub.f32 v44, v9;
	v15 =	vsub.f32 v38, v43  }
0xa8: {  	vm10 =	vlt.s32 v10, $0x4;
	v14 =	vmul.f32 v14, v7;
	v16 =	vadd.f32 $-7.874456040e-01, v16;
	v45 =	vpop (erf)  }
0xa9: {  	v10 =	vnsel vm10, $0x4, v10;
	v15 =	vand.u32 $0x7FFFFFFF, v15;
	v13 =	vadd.f32 $1.000000000e+00, v45;
	v46 =	vpop (erf)  }
0xaa: {  	v14 =	vadd.f32 $-1.333342670e+00, v14;
	v16 =	vmul.f32 v16, v17;
	v47 =	vsub.f32 $1.000000000e+00, v46  }
0xab: {  	v10 =	vshll.u32 v10, $0x4;
	v15 =	vmul.f32 $5.000000000e+00, v15;
	(erf) = vrcp.f32 v13  }
0xac: {  	v7 =	vmul.f32 v14, v7;
	v16 =	vadd.f32 $8.865566250e-01, v16;
	v50 =	vmax.f32 v46, v47  }
0xad: {  	v54 =	vld [tilespmem:s31+$0xBEA0];
	v10 =	vor.u32 v2, v10;
	v48 =	vtrunc.f32 v15;
	v15 =	vadd.f32 $-7.500000000e-01, v50  }
0xae: {  	v7 =	vadd.f32 $2.876902220e-01, v7;
	v13 =	vcvt.f32.s32 v48;
	v49 =	vmul.f32 v16, v17  }
0xaf: {  	v52 =	vmul.f32 $9.538804880e-01, v15  }
0xb0: {  	v7 =	vadd.f32 v7, v9;
	vm11 =	vlt.s32 v13, $0x4;
	v14 =	vadd.f32 $-1.333342670e+00, v49  }
0xb1: {  	v53 =	vmul.f32 v11, v43;
	v51 =	vnsel vm11, $0x4, v13;
	v56 =	vsub.f32 $8.869645600e-01, v52  }
0xb2: {  	v61 =	vsub.f32 v46, v54;
	[tilespmem:v10+s19+$0x0] =	vst.idx.add.f32.msk $0xffff, v7;
	v9 =	vshll.u32 v51, $0x4;
	v14 =	vmul.f32 v14, v17  }
0xb3: {  	v55 =	vmax.f32 v11, $0.0e+00;
	[tilespmem:v10+s20+$0x0] =	vst.idx.add.f32.msk $0xffff, v1;
	v9 =	vor.u32 v2, v9;
	v11 =	vmul.f32 v56, v15  }
0xb4: {  	v7 =	vsub.f32 v55, v53;
	v58 =	vld [tilespmem:s30+$0x7EC0];
	v57 =	vadd.f32 $2.876902220e-01, v14;
	v59 =	vpop (erf)  }
0xb5: {  	v60 =	vsub.f32 $1.000000000e+00, v59;
	v11 =	vadd.f32 $-7.874456040e-01, v11  }
0xb6: {  	v20 =	vand.u32 $0x7FFFFFFF, v61;
	v7 =	vadd.f32 v57, v7  }
0xb7: {  	v10 =	vmul.f32 $5.000000000e+00, v20;
	v62 =	vmax.f32 v59, v60;
	v11 =	vmul.f32 v11, v15  }
0xb8: {  	[tilespmem:v9+s19+$0x0] =	vst.idx.add.f32.msk $0xffff, v7;
	v63 =	vadd.f32 $-7.500000000e-01, v62  }
0xb9: {  	v10 =	vtrunc.f32 v10;
	v21 =	vsub.f32 $0.0e+00, v58;
	[tilespmem:v9+s20+$0x0] =	vst.idx.add.f32.msk $0xffff, v1;
	v11 =	vadd.f32 $8.865566250e-01, v11  }
0xba: {  	v10 =	vcvt.f32.s32 v10;
	v7 =	vld [tilespmem:s28+$0x7EF0];
	v22 =	vmul.f32 $9.538804880e-01, v63  }
0xbb: {  	v23 =	vld [tilespmem:s29+$0xBED0];
	v16 =	vmul.f32 $1.442695020e+00, v21;
	v11 =	vmul.f32 v11, v15  }
0xbc: {  	v24 =	vmax.f32 v28, $0.0e+00;
	v18 =	vsub.f32 $8.869645600e-01, v22  }
0xbd: {  	vm12 =	vlt.s32 v10, $0x4;
	(erf) = vpow2.f32 v16;
	v11 =	vadd.f32 $-1.333342670e+00, v11  }
0xbe: {  	v12 =	vmul.f32 v28, v54;
	v10 =	vnsel vm12, $0x4, v10;
	v25 =	vmul.f32 v18, v63  }
0xbf: {  	v10 =	vshll.u32 v10, $0x4;
	v26 =	vsub.f32 $0.0e+00, v7;
	v11 =	vmul.f32 v11, v15  }
0xc0: {  	v14 =	vsub.f32 v59, v23;
	v10 =	vor.u32 v2, v10;
	v17 =	vadd.f32 $-7.874456040e-01, v25  }
0xc1: {  	v12 =	vsub.f32 v24, v12;
	v27 =	vmul.f32 $1.442695020e+00, v26;
	v11 =	vadd.f32 $2.876902220e-01, v11  }
0xc2: {  	v14 =	vand.u32 $0x7FFFFFFF, v14;
	v28 =	vmul.f32 v17, v63  }
0xc3: {  	v14 =	vmul.f32 $5.000000000e+00, v14;
	(erf) = vpow2.f32 v27;
	v11 =	vadd.f32 v11, v12  }
0xc4: {  	v29 =	vadd.f32 $8.865566250e-01, v28  }
0xc5: {  	v30 =	vtrunc.f32 v14;
	[tilespmem:v10+s19+$0x0] =	vst.idx.add.f32.msk $0xffff, v11  }
0xc6: {  	v32 =	vpop (erf);
	v12 =	vcvt.f32.s32 v30;
	v31 =	vmul.f32 v29, v63;
	[tilespmem:v10+s20+$0x0] =	vst.idx.add.f32.msk $0xffff, v1  }
0xc7: {  	v10 =	vadd.f32 $1.000000000e+00, v32;
	v34 =	vld [tilespmem:s31+$0x7EB0]  }
0xc8: {  	vm13 =	vlt.s32 v12, $0x4;
	v33 =	vadd.f32 $-1.333342670e+00, v31  }
0xc9: {  	v35 =	vmul.f32 v8, v23;
	v12 =	vnsel vm13, $0x4, v12;
	(erf) = vrcp.f32 v10  }
0xca: {  	v8 =	vmax.f32 v8, $0.0e+00;
	v12 =	vshll.u32 v12, $0x4;
	v9 =	vmul.f32 v33, v63  }
0xcb: {  	v8 =	vsub.f32 v8, v35;
	v36 =	vor.u32 v2, v12  }
0xcc: {  	v9 =	vadd.f32 $2.876902220e-01, v9;
	v37 =	vpop (erf);
	v38 =	vsub.f32 $0.0e+00, v34  }
0xcd: {  	v11 =	vadd.f32 $1.000000000e+00, v37  }
0xce: {  	v8 =	vadd.f32 v9, v8;
	v39 =	vmul.f32 $1.442695020e+00, v38  }
0xcf: {  	(erf) = vrcp.f32 v11  }
0xd0: {  	[tilespmem:v36+s19+$0x0] =	vst.idx.add.f32.msk $0xffff, v8;
	(erf) = vpow2.f32 v39  }
0xd1: {  	[tilespmem:v36+s20+$0x0] =	vst.idx.add.f32.msk $0xffff, v1  }
0xd2: {  	v41 =	vpop (erf);
	v40 =	vld [tilespmem:s29+$0x7EE0]  }
0xd3: {  	v42 =	vsub.f32 $1.000000000e+00, v41;
	_ =	sdelay $0x1  }
0xd4: {  	v8 =	vmax.f32 v41, v42;
	_ =	sdelay $0x1  }
0xd5: {  	v43 =	vsub.f32 $0.0e+00, v40  }
0xd6: {  	v44 =	vadd.f32 $-7.500000000e-01, v8;
	v8 =	vpop (erf)  }
0xd7: {  	v11 =	vmul.f32 $1.442695020e+00, v43;
	v46 =	vpop (erf)  }
0xd8: {  	v48 =	vadd.f32 $1.000000000e+00, v46  }
0xd9: {  	v45 =	vmul.f32 $9.538804880e-01, v44;
	(erf) = vpow2.f32 v11  }
0xda: {  	v47 =	vld [tilespmem:s30+$0xBEC0];
	(erf) = vrcp.f32 v48  }
0xdb: {  	v15 =	vsub.f32 $8.869645600e-01, v45;
	_ =	sdelay $0x1  }
0xdc: {  	v49 =	vmul.f32 v15, v44;
	_ =	sdelay $0x1  }
0xdd: {  	v10 =	vsub.f32 v41, v47;
	v11 =	vadd.f32 $-7.874456040e-01, v49;
	_ =	sdelay $0x1  }
0xde: {  	v10 =	vand.u32 $0x7FFFFFFF, v10;
	v11 =	vmul.f32 v11, v44  }
0xdf: {  	v10 =	vmul.f32 $5.000000000e+00, v10;
	v50 =	vpop (erf)  }
0xe0: {  	v11 =	vadd.f32 $8.865566250e-01, v11;
	v15 =	vadd.f32 $1.000000000e+00, v50;
	v51 =	vpop (erf)  }
0xe1: {  	v10 =	vtrunc.f32 v10;
	v52 =	vsub.f32 $1.000000000e+00, v51  }
0xe2: {  	v11 =	vmul.f32 v11, v44;
	(erf) = vrcp.f32 v15  }
0xe3: {  	v10 =	vcvt.f32.s32 v10;
	v15 =	vmax.f32 v51, v52  }
0xe4: {  	v11 =	vadd.f32 $-1.333342670e+00, v11;
	v53 =	vadd.f32 $-7.500000000e-01, v15  }
0xe5: {  	v13 =	vmax.f32 v58, $0.0e+00;
	v17 =	vmul.f32 v58, v47;
	vm14 =	vlt.s32 v10, $0x4  }
0xe6: {  	v54 =	vld [tilespmem:s31+$0xBEB0];
	v10 =	vnsel vm14, $0x4, v10;
	v11 =	vmul.f32 v11, v44;
	v15 =	vmul.f32 $9.538804880e-01, v53  }
0xe7: {  	v13 =	vsub.f32 v13, v17;
	v10 =	vshll.u32 v10, $0x4  }
0xe8: {  	v10 =	vor.u32 v2, v10;
	v11 =	vadd.f32 $2.876902220e-01, v11;
	v55 =	vsub.f32 $8.869645600e-01, v15;
	_ =	sdelay $0x1  }
0xe9: {  	v11 =	vadd.f32 v11, v13;
	v13 =	vmul.f32 v55, v53  }
0xea: {  	v16 =	vsub.f32 v51, v54;
	v56 =	vpop (erf)  }
0xeb: {  	v57 =	vsub.f32 $1.000000000e+00, v56;
	v13 =	vadd.f32 $-7.874456040e-01, v13  }
0xec: {  	[tilespmem:v10+s19+$0x0] =	vst.idx.add.f32.msk $0xffff, v11  }
0xed: {  	v16 =	vand.u32 $0x7FFFFFFF, v16;
	[tilespmem:v10+s20+$0x0] =	vst.idx.add.f32.msk $0xffff, v1;
	v10 =	vmax.f32 v56, v57;
	v13 =	vmul.f32 v13, v53  }
0xee: {  	v16 =	vmul.f32 $5.000000000e+00, v16;
	v58 =	vld [tilespmem:s30+$0x7ED0];
	v10 =	vadd.f32 $-7.500000000e-01, v10  }
0xef: {  	v13 =	vadd.f32 $8.865566250e-01, v13  }
0xf0: {  	v16 =	vtrunc.f32 v16;
	v59 =	vmul.f32 $9.538804880e-01, v10  }
0xf1: {  	v61 =	vld [tilespmem:s29+$0xBEE0];
	v16 =	vcvt.f32.s32 v16;
	v13 =	vmul.f32 v13, v53  }
0xf2: {  	v17 =	vmul.f32 v34, v54;
	v18 =	vsub.f32 $8.869645600e-01, v59  }
0xf3: {  	vm15 =	vlt.s32 v16, $0x4;
	v60 =	vsub.f32 $0.0e+00, v58;
	v13 =	vadd.f32 $-1.333342670e+00, v13  }
0xf4: {  	v62 =	vmax.f32 v34, $0.0e+00;
	v16 =	vnsel vm15, $0x4, v16;
	v18 =	vmul.f32 v18, v10  }
0xf5: {  	v16 =	vshll.u32 v16, $0x4;
	v19 =	vmul.f32 $1.442695020e+00, v60;
	v12 =	vmul.f32 v13, v53  }
0xf6: {  	v11 =	vsub.f32 v56, v61;
	v63 =	vor.u32 v2, v16;
	v18 =	vadd.f32 $-7.874456040e-01, v18  }
0xf7: {  	(erf) = vpow2.f32 v19;
	v13 =	vsub.f32 v62, v17;
	v12 =	vadd.f32 $2.876902220e-01, v12  }
0xf8: {  	v11 =	vand.u32 $0x7FFFFFFF, v11;
	v21 =	vmul.f32 v18, v10  }
0xf9: {  	v11 =	vmul.f32 $5.000000000e+00, v11;
	v12 =	vadd.f32 v12, v13  }
0xfa: {  	v16 =	vadd.f32 $8.865566250e-01, v21  }
0xfb: {  	v11 =	vtrunc.f32 v11;
	[tilespmem:v63+s19+$0x0] =	vst.idx.add.f32.msk $0xffff, v12  }
0xfc: {  	v11 =	vcvt.f32.s32 v11;
	v22 =	vmul.f32 v16, v10;
	[tilespmem:v63+s20+$0x0] =	vst.idx.add.f32.msk $0xffff, v1  }
0xfd: {  	v14 =	vld [tilespmem:s31+$0x7EC0]  }
0xfe: {  	vm4 =	vlt.s32 v11, $0x4;
	v13 =	vadd.f32 $-1.333342670e+00, v22  }
0xff: {  	v24 =	vmul.f32 v40, v61;
	v11 =	vnsel vm4, $0x4, v11  }
0x100: {  	v9 =	vmax.f32 v40, $0.0e+00;
	v11 =	vshll.u32 v11, $0x4;
	v23 =	vpop (erf);
	v10 =	vmul.f32 v13, v10  }
0x101: {  	v9 =	vsub.f32 v9, v24;
	v11 =	vor.u32 v2, v11;
	v12 =	vadd.f32 $1.000000000e+00, v23  }
0x102: {  	v10 =	vadd.f32 $2.876902220e-01, v10;
	v25 =	vsub.f32 $0.0e+00, v14;
	_ =	sdelay $0x1  }
0x103: {  	(erf) = vrcp.f32 v12;
	v9 =	vadd.f32 v10, v9;
	v26 =	vmul.f32 $1.442695020e+00, v25;
	_ =	sdelay $0x1  }
0x104: {  	[tilespmem:v11+s19+$0x0] =	vst.idx.add.f32.msk $0xffff, v9;
	(erf) = vpow2.f32 v26  }
0x105: {  	[tilespmem:v11+s20+$0x0] =	vst.idx.add.f32.msk $0xffff, v1  }
0x106: {  	v9 =	vld [tilespmem:s29+$0x7EF0];
	_ =	sdelay $0x4  }
0x107: {  	v27 =	vpop (erf);
	v29 =	vsub.f32 $0.0e+00, v9  }
0x108: {  	v28 =	vsub.f32 $1.000000000e+00, v27  }
0x109: {  	v12 =	vmul.f32 $1.442695020e+00, v29;
	v30 =	vpop (erf)  }
0x10a: {  	v11 =	vmax.f32 v27, v28;
	v13 =	vadd.f32 $1.000000000e+00, v30  }
0x10b: {  	v11 =	vadd.f32 $-7.500000000e-01, v11;
	(erf) = vpow2.f32 v12  }
0x10c: {  	(erf) = vrcp.f32 v13  }
0x10d: {  	v31 =	vmul.f32 $9.538804880e-01, v11  }
0x10e: {  	v32 =	vld [tilespmem:s30+$0xBED0]  }
0x10f: {  	v16 =	vsub.f32 $8.869645600e-01, v31;
	_ =	sdelay $0x1  }
0x110: {  	v33 =	vmul.f32 v16, v11;
	_ =	sdelay $0x1  }
0x111: {  	v10 =	vsub.f32 v27, v32;
	v13 =	vadd.f32 $-7.874456040e-01, v33  }
0x112: {  	v34 =	vpop (erf)  }
0x113: {  	v10 =	vand.u32 $0x7FFFFFFF, v10;
	v13 =	vmul.f32 v13, v11;
	v35 =	vpop (erf)  }
0x114: {  	v10 =	vmul.f32 $5.000000000e+00, v10;
	v36 =	vsub.f32 $1.000000000e+00, v35  }
0x115: {  	v13 =	vadd.f32 $8.865566250e-01, v13  }
0x116: {  	v10 =	vtrunc.f32 v10;
	v18 =	vmax.f32 v35, v36  }
0x117: {  	v10 =	vcvt.f32.s32 v10;
	v13 =	vmul.f32 v13, v11;
	v18 =	vadd.f32 $-7.500000000e-01, v18;
	_ =	sdelay $0x1  }
0x118: {  	v38 =	vld [tilespmem:s31+$0xBEC0];
	vm5 =	vlt.s32 v10, $0x4;
	v13 =	vadd.f32 $-1.333342670e+00, v13;
	v37 =	vmul.f32 $9.538804880e-01, v18  }
0x119: {  	v10 =	vnsel vm5, $0x4, v10;
	v12 =	vmul.f32 v58, v32  }
0x11a: {  	v10 =	vshll.u32 v10, $0x4;
	v11 =	vmul.f32 v13, v11;
	v13 =	vsub.f32 $8.869645600e-01, v37  }
0x11b: {  	v15 =	vmax.f32 v58, $0.0e+00;
	v10 =	vor.u32 v2, v10  }
0x11c: {  	v12 =	vsub.f32 v15, v12;
	v11 =	vadd.f32 $2.876902220e-01, v11;
	v39 =	vmul.f32 v13, v18  }
0x11d: {  	v40 =	vsub.f32 v35, v38  }
0x11e: {  	v11 =	vadd.f32 v11, v12;
	v12 =	vadd.f32 $-7.874456040e-01, v39;
	_ =	sdelay $0x1  }
0x11f: {  	[tilespmem:v10+s19+$0x0] =	vst.idx.add.f32.msk $0xffff, v11;
	v11 =	vand.u32 $0x7FFFFFFF, v40;
	v12 =	vmul.f32 v12, v18  }
0x120: {  	v11 =	vmul.f32 $5.000000000e+00, v11  }
0x121: {  	[tilespmem:v10+s20+$0x0] =	vst.idx.add.f32.msk $0xffff, v1;
	v12 =	vadd.f32 $8.865566250e-01, v12  }
0x122: {  	v10 =	vld [tilespmem:s30+$0x7EE0];
	v11 =	vtrunc.f32 v11  }
0x123: {  	v11 =	vcvt.f32.s32 v11;
	v12 =	vmul.f32 v12, v18;
	_ =	sdelay $0x1  }
0x124: {  	vm6 =	vlt.s32 v11, $0x4;
	v12 =	vadd.f32 $-1.333342670e+00, v12  }
0x125: {  	v43 =	vmul.f32 v14, v38;
	v11 =	vnsel vm6, $0x4, v11  }
0x126: {  	v41 =	vsub.f32 $0.0e+00, v10;
	v11 =	vshll.u32 v11, $0x4;
	v12 =	vmul.f32 v12, v18  }
0x127: {  	v14 =	vmax.f32 v14, $0.0e+00;
	v42 =	vadd.f32 $1.000000000e+00, v34;
	v11 =	vor.u32 v2, v11  }
0x128: {  	v44 =	vsub.f32 v14, v43;
	v13 =	vmul.f32 $1.442695020e+00, v41;
	v12 =	vadd.f32 $2.876902220e-01, v12  }
0x129: {  	(erf) = vrcp.f32 v42  }
0x12a: {  	(erf) = vpow2.f32 v13;
	v12 =	vadd.f32 v12, v44;
	_ =	sdelay $0x1  }
0x12b: {  	[tilespmem:v11+s19+$0x0] =	vst.idx.add.f32.msk $0xffff, v12  }
0x12c: {  	[tilespmem:v11+s20+$0x0] =	vst.idx.add.f32.msk $0xffff, v1  }
0x12d: {  	v12 =	vld [tilespmem:s31+$0x7ED0];
	_ =	sdelay $0x3  }
0x12e: {  	v11 =	vpop (erf)  }
0x12f: {  	v45 =	vpop (erf);
	v46 =	vsub.f32 $0.0e+00, v12  }
0x130: {  	v13 =	vadd.f32 $1.000000000e+00, v45  }
0x131: {  	v47 =	vmul.f32 $1.442695020e+00, v46  }
0x132: {  	(erf) = vrcp.f32 v13  }
0x133: {  	(erf) = vpow2.f32 v47;
	_ =	sdelay $0x7  }
0x134: {  	v48 =	vpop (erf)  }
0x135: {  	v49 =	vsub.f32 $1.000000000e+00, v48;
	v50 =	vpop (erf)  }
0x136: {  	v15 =	vadd.f32 $1.000000000e+00, v50  }
0x137: {  	v14 =	vmax.f32 v48, v49  }
0x138: {  	v14 =	vadd.f32 $-7.500000000e-01, v14;
	(erf) = vrcp.f32 v15;
	_ =	sdelay $0x1  }
0x139: {  	v51 =	vmul.f32 $9.538804880e-01, v14  }
0x13a: {  	v52 =	vld [tilespmem:s30+$0xBEE0]  }
0x13b: {  	v16 =	vsub.f32 $8.869645600e-01, v51;
	_ =	sdelay $0x1  }
0x13c: {  	v16 =	vmul.f32 v16, v14;
	_ =	sdelay $0x1  }
0x13d: {  	v13 =	vsub.f32 v48, v52;
	v16 =	vadd.f32 $-7.874456040e-01, v16  }
0x13e: {  	v53 =	vpop (erf)  }
0x13f: {  	v13 =	vand.u32 $0x7FFFFFFF, v13;
	v16 =	vmul.f32 v16, v14;
	v54 =	vsub.f32 $1.000000000e+00, v53  }
0x140: {  	v13 =	vmul.f32 $5.000000000e+00, v13  }
0x141: {  	v16 =	vadd.f32 $8.865566250e-01, v16;
	v18 =	vmax.f32 v53, v54  }
0x142: {  	v13 =	vtrunc.f32 v13;
	v18 =	vadd.f32 $-7.500000000e-01, v18  }
0x143: {  	v13 =	vcvt.f32.s32 v13;
	v16 =	vmul.f32 v16, v14  }
0x144: {  	v55 =	vmul.f32 $9.538804880e-01, v18  }
0x145: {  	v56 =	vld [tilespmem:s31+$0xBED0];
	vm7 =	vlt.s32 v13, $0x4;
	v16 =	vadd.f32 $-1.333342670e+00, v16  }
0x146: {  	v13 =	vnsel vm7, $0x4, v13;
	v19 =	vsub.f32 $8.869645600e-01, v55  }
0x147: {  	v15 =	vmul.f32 v10, v52;
	v13 =	vshll.u32 v13, $0x4;
	v14 =	vmul.f32 v16, v14  }
0x148: {  	v10 =	vmax.f32 v10, $0.0e+00;
	v13 =	vor.u32 v2, v13;
	v57 =	vmul.f32 v19, v18  }
0x149: {  	v10 =	vsub.f32 v10, v15;
	v14 =	vadd.f32 $2.876902220e-01, v14  }
0x14a: {  	v58 =	vsub.f32 v53, v56;
	v15 =	vadd.f32 $-7.874456040e-01, v57  }
0x14b: {  	v10 =	vadd.f32 v14, v10  }
0x14c: {  	v59 =	vand.u32 $0x7FFFFFFF, v58;
	v60 =	vmul.f32 v15, v18  }
0x14d: {  	v61 =	vmul.f32 $5.000000000e+00, v59;
	[tilespmem:v13+s19+$0x0] =	vst.idx.add.f32.msk $0xffff, v10  }
0x14e: {  	[tilespmem:v13+s20+$0x0] =	vst.idx.add.f32.msk $0xffff, v1;
	v14 =	vadd.f32 $8.865566250e-01, v60  }
0x14f: {  	v13 =	vtrunc.f32 v61;
	v62 =	vld [tilespmem:s30+$0x7EF0]  }
0x150: {  	v13 =	vcvt.f32.s32 v13;
	v14 =	vmul.f32 v14, v18;
	_ =	sdelay $0x1  }
0x151: {  	vm8 =	vlt.s32 v13, $0x4;
	v14 =	vadd.f32 $-1.333342670e+00, v14  }
0x152: {  	v16 =	vmul.f32 v12, v56;
	v13 =	vnsel vm8, $0x4, v13  }
0x153: {  	v13 =	vshll.u32 v13, $0x4;
	v63 =	vsub.f32 $0.0e+00, v62;
	v14 =	vmul.f32 v14, v18  }
0x154: {  	v12 =	vmax.f32 v12, $0.0e+00;
	v13 =	vor.u32 v2, v13  }
0x155: {  	v12 =	vsub.f32 v12, v16;
	v15 =	vmul.f32 $1.442695020e+00, v63;
	v14 =	vadd.f32 $2.876902220e-01, v14;
	_ =	sdelay $0x1  }
0x156: {  	(erf) = vpow2.f32 v15;
	v12 =	vadd.f32 v14, v12;
	_ =	sdelay $0x1  }
0x157: {  	[tilespmem:v13+s19+$0x0] =	vst.idx.add.f32.msk $0xffff, v12  }
0x158: {  	[tilespmem:v13+s20+$0x0] =	vst.idx.add.f32.msk $0xffff, v1  }
0x159: {  	v12 =	vld [tilespmem:s31+$0x7EE0];
	_ =	sdelay $0x4  }
0x15a: {  	v20 =	vpop (erf);
	v21 =	vsub.f32 $0.0e+00, v12  }
0x15b: {  	v13 =	vadd.f32 $1.000000000e+00, v20  }
0x15c: {  	v14 =	vmul.f32 $1.442695020e+00, v21  }
0x15d: {  	(erf) = vrcp.f32 v13  }
0x15e: {  	(erf) = vpow2.f32 v14;
	_ =	sdelay $0x7  }
0x15f: {  	v13 =	vpop (erf)  }
0x160: {  	v14 =	vpop (erf)  }
0x161: {  	v14 =	vadd.f32 $1.000000000e+00, v14;
	_ =	sdelay $0x1  }
0x162: {  	(erf) = vrcp.f32 v14;
	_ =	sdelay $0x8  }
0x163: {  	v14 =	vpop (erf)  }
0x164: {  	v22 =	vsub.f32 $1.000000000e+00, v14;
	_ =	sdelay $0x1  }
0x165: {  	v15 =	vmax.f32 v14, v22  }
0x166: {  	v15 =	vadd.f32 $-7.500000000e-01, v15;
	_ =	sdelay $0x1  }
0x167: {  	v23 =	vmul.f32 $9.538804880e-01, v15  }
0x168: {  	v24 =	vld [tilespmem:s31+$0xBEE0]  }
0x169: {  	v16 =	vsub.f32 $8.869645600e-01, v23;
	_ =	sdelay $0x1  }
0x16a: {  	v16 =	vmul.f32 v16, v15;
	_ =	sdelay $0x1  }
0x16b: {  	v14 =	vsub.f32 v14, v24;
	v16 =	vadd.f32 $-7.874456040e-01, v16;
	_ =	sdelay $0x1  }
0x16c: {  	v14 =	vand.u32 $0x7FFFFFFF, v14;
	v16 =	vmul.f32 v16, v15  }
0x16d: {  	v14 =	vmul.f32 $5.000000000e+00, v14  }
0x16e: {  	v16 =	vadd.f32 $8.865566250e-01, v16  }
0x16f: {  	v14 =	vtrunc.f32 v14  }
0x170: {  	v14 =	vcvt.f32.s32 v14;
	v16 =	vmul.f32 v16, v15;
	_ =	sdelay $0x1  }
0x171: {  	vm9 =	vlt.s32 v14, $0x4;
	v16 =	vadd.f32 $-1.333342670e+00, v16  }
0x172: {  	v14 =	vnsel vm9, $0x4, v14  }
0x173: {  	v26 =	vmul.f32 v12, v24;
	v14 =	vshll.u32 v14, $0x4;
	v15 =	vmul.f32 v16, v15  }
0x174: {  	v25 =	vsub.f32 $1.000000000e+00, v4;
	v35 =	vld [tilespmem:s26+$0xBEF0];
	v12 =	vmax.f32 v12, $0.0e+00;
	v14 =	vor.u32 v2, v14  }
0x175: {  	v12 =	vsub.f32 v12, v26;
	v15 =	vadd.f32 $2.876902220e-01, v15  }
0x176: {  	v30 =	vsub.f32 $1.000000000e+00, v6;
	v18 =	vmax.f32 v4, v25  }
0x177: {  	v18 =	vadd.f32 $-7.500000000e-01, v18;
	v12 =	vadd.f32 v15, v12;
	_ =	sdelay $0x1  }
0x178: {  	v32 =	vmax.f32 v6, v30;
	v6 =	vsub.f32 v6, v35;
	v27 =	vmul.f32 $9.538804880e-01, v18;
	[tilespmem:v14+s19+$0x0] =	vst.idx.add.f32.msk $0xffff, v12  }
0x179: {  	[tilespmem:v14+s20+$0x0] =	vst.idx.add.f32.msk $0xffff, v1  }
0x17a: {  	v6 =	vand.u32 $0x7FFFFFFF, v6;
	v28 =	vsub.f32 $8.869645600e-01, v27;
	v12 =	vld [tilespmem:s31+$0x7EF0]  }
0x17b: {  	v6 =	vmul.f32 $5.000000000e+00, v6  }
0x17c: {  	v29 =	vld [tilespmem:s25+$0xBEF0];
	v16 =	vmul.f32 v28, v18  }
0x17d: {  	v6 =	vtrunc.f32 v6  }
0x17e: {  	v6 =	vcvt.f32.s32 v6;
	v31 =	vadd.f32 $-7.874456040e-01, v16;
	v16 =	vadd.f32 $-7.500000000e-01, v32  }
0x17f: {  	v34 =	vsub.f32 $0.0e+00, v12  }
0x180: {  	vm11 =	vlt.s32 v6, $0x4;
	v33 =	vmul.f32 $9.538804880e-01, v16  }
0x181: {  	v4 =	vsub.f32 v4, v29;
	v14 =	vmul.f32 v31, v18;
	v19 =	vmul.f32 $1.442695020e+00, v34  }
0x182: {  	v36 =	vsub.f32 $1.000000000e+00, v8;
	v6 =	vnsel vm11, $0x4, v6;
	v17 =	vsub.f32 $8.869645600e-01, v33  }
0x183: {  	v4 =	vand.u32 $0x7FFFFFFF, v4;
	v14 =	vadd.f32 $8.865566250e-01, v14;
	(erf) = vpow2.f32 v19  }
0x184: {  	v6 =	vshll.u32 v6, $0x4;
	v4 =	vmul.f32 $5.000000000e+00, v4;
	v17 =	vmul.f32 v17, v16  }
0x185: {  	v6 =	vor.u32 v2, v6;
	v20 =	vmul.f32 v5, v35;
	v14 =	vmul.f32 v14, v18  }
0x186: {  	v37 =	vsub.f32 $1.000000000e+00, v11;
	v5 =	vmax.f32 v5, $0.0e+00;
	v17 =	vadd.f32 $-7.874456040e-01, v17  }
0x187: {  	v50 =	vld [tilespmem:s30+$0xBEF0];
	v4 =	vtrunc.f32 v4;
	v5 =	vsub.f32 v5, v20;
	v14 =	vadd.f32 $-1.333342670e+00, v14  }
0x188: {  	v45 =	vsub.f32 $1.000000000e+00, v13;
	v17 =	vmul.f32 v17, v16;
	v19 =	vmax.f32 v11, v37  }
0x189: {  	v14 =	vmul.f32 v14, v18;
	v18 =	vmax.f32 v8, v36;
	v19 =	vadd.f32 $-7.500000000e-01, v19  }
0x18a: {  	v20 =	vmax.f32 v13, v45;
	v15 =	vmul.f32 v3, v29;
	v18 =	vadd.f32 $-7.500000000e-01, v18  }
0x18b: {  	v3 =	vmax.f32 v3, $0.0e+00;
	v17 =	vadd.f32 $8.865566250e-01, v17;
	v39 =	vmul.f32 $9.538804880e-01, v19  }
0x18c: {  	v13 =	vsub.f32 v13, v50;
	v3 =	vsub.f32 v3, v15;
	v38 =	vmul.f32 $9.538804880e-01, v18;
	v43 =	vpop (erf)  }
0x18d: {  	v17 =	vmul.f32 v17, v16;
	v42 =	vsub.f32 $8.869645600e-01, v39;
	v21 =	vadd.f32 $1.000000000e+00, v43  }
0x18e: {  	v4 =	vcvt.f32.s32 v4;
	v14 =	vadd.f32 $2.876902220e-01, v14;
	v40 =	vsub.f32 $8.869645600e-01, v38  }
0x18f: {  	v41 =	vadd.f32 $-1.333342670e+00, v17;
	v17 =	vmul.f32 v42, v19;
	(erf) = vrcp.f32 v21  }
0x190: {  	v56 =	vmul.f32 v62, v50;
	v3 =	vadd.f32 v14, v3;
	v14 =	vmul.f32 v40, v18  }
0x191: {  	v44 =	vld [tilespmem:s28+$0xBEF0];
	vm10 =	vlt.s32 v4, $0x4;
	v13 =	vand.u32 $0x7FFFFFFF, v13;
	v17 =	vadd.f32 $-7.874456040e-01, v17  }
0x192: {  	v4 =	vnsel vm10, $0x4, v4;
	v13 =	vmul.f32 $5.000000000e+00, v13;
	v53 =	vld [tilespmem:s31+$0xBEF0];
	v14 =	vadd.f32 $-7.874456040e-01, v14  }
0x193: {  	v46 =	vld [tilespmem:s29+$0xBEF0];
	v10 =	vmax.f32 v62, $0.0e+00;
	v4 =	vshll.u32 v4, $0x4;
	v17 =	vmul.f32 v17, v19  }
0x194: {  	v20 =	vadd.f32 $-7.500000000e-01, v20;
	v13 =	vtrunc.f32 v13;
	v14 =	vmul.f32 v14, v18  }
0x195: {  	v4 =	vor.u32 v2, v4;
	v13 =	vcvt.f32.s32 v13;
	v17 =	vadd.f32 $8.865566250e-01, v17  }
0x196: {  	v48 =	vmul.f32 $9.538804880e-01, v20;
	v8 =	vsub.f32 v8, v44;
	v14 =	vadd.f32 $8.865566250e-01, v14  }
0x197: {  	vm14 =	vlt.s32 v13, $0x4;
	v60 =	vmul.f32 v12, v53;
	v17 =	vmul.f32 v17, v19  }
0x198: {  	v8 =	vand.u32 $0x7FFFFFFF, v8;
	v11 =	vsub.f32 v11, v46;
	v14 =	vmul.f32 v14, v18;
	v47 =	vpop (erf)  }
0x199: {  	v8 =	vmul.f32 $5.000000000e+00, v8;
	v17 =	vadd.f32 $-1.333342670e+00, v17;
	v49 =	vsub.f32 $1.000000000e+00, v47  }
0x19a: {  	v11 =	vand.u32 $0x7FFFFFFF, v11;
	v15 =	vmul.f32 v41, v16;
	v14 =	vadd.f32 $-1.333342670e+00, v14  }
0x19b: {  	v16 =	vmul.f32 v7, v44;
	v17 =	vmul.f32 v17, v19;
	v19 =	vmax.f32 v47, v49  }
0x19c: {  	v7 =	vmax.f32 v7, $0.0e+00;
	v14 =	vmul.f32 v14, v18;
	v19 =	vadd.f32 $-7.500000000e-01, v19  }
0x19d: {  	v8 =	vtrunc.f32 v8;
	v15 =	vadd.f32 $2.876902220e-01, v15;
	v7 =	vsub.f32 v7, v16  }
0x19e: {  	v18 =	vsub.f32 $8.869645600e-01, v48;
	v14 =	vadd.f32 $2.876902220e-01, v14;
	v51 =	vmul.f32 $9.538804880e-01, v19  }
0x19f: {  	v5 =	vadd.f32 v15, v5;
	v15 =	vmul.f32 v9, v46;
	v9 =	vmax.f32 v9, $0.0e+00  }
0x1a0: {  	v18 =	vmul.f32 v18, v20;
	v7 =	vadd.f32 v14, v7;
	v14 =	vsub.f32 $8.869645600e-01, v51  }
0x1a1: {  	v11 =	vmul.f32 $5.000000000e+00, v11;
	v8 =	vcvt.f32.s32 v8;
	v9 =	vsub.f32 v9, v15  }
0x1a2: {  	v17 =	vadd.f32 $2.876902220e-01, v17;
	v52 =	vadd.f32 $-7.874456040e-01, v18;
	v14 =	vmul.f32 v14, v19  }
0x1a3: {  	v11 =	vtrunc.f32 v11;
	vm12 =	vlt.s32 v8, $0x4;
	v16 =	vsub.f32 v47, v53  }
0x1a4: {  	v9 =	vadd.f32 v17, v9;
	v17 =	vmul.f32 v52, v20;
	v14 =	vadd.f32 $-7.874456040e-01, v14  }
0x1a5: {  	[tilespmem:v4+s19+$0x0] =	vst.idx.add.f32.msk $0xffff, v3;
	v3 =	vnsel vm14, $0x4, v13;
	v11 =	vcvt.f32.s32 v11;
	v8 =	vnsel vm12, $0x4, v8  }
0x1a6: {  	v16 =	vand.u32 $0x7FFFFFFF, v16;
	v17 =	vadd.f32 $8.865566250e-01, v17;
	v14 =	vmul.f32 v14, v19  }
0x1a7: {  	vm13 =	vlt.s32 v11, $0x4;
	v8 =	vshll.u32 v8, $0x4;
	v16 =	vmul.f32 $5.000000000e+00, v16  }
0x1a8: {  	v11 =	vnsel vm13, $0x4, v11;
	v17 =	vmul.f32 v17, v20;
	v14 =	vadd.f32 $8.865566250e-01, v14  }
0x1a9: {  	v8 =	vor.u32 v2, v8;
	v11 =	vshll.u32 v11, $0x4;
	v16 =	vtrunc.f32 v16  }
0x1aa: {  	v55 =	vcvt.f32.s32 v16;
	v17 =	vadd.f32 $-1.333342670e+00, v17;
	v54 =	vmul.f32 v14, v19  }
0x1ab: {  	v61 =	vmax.f32 v12, $0.0e+00;
	[tilespmem:v4+s20+$0x0] =	vst.idx.add.f32.msk $0xffff, v1;
	v3 =	vshll.u32 v3, $0x4;
	v11 =	vor.u32 v2, v11  }
0x1ac: {  	[tilespmem:v6+s19+$0x0] =	vst.idx.add.f32.msk $0xffff, v5;
	vm15 =	vlt.s32 v55, $0x4;
	v17 =	vmul.f32 v17, v20;
	v57 =	vadd.f32 $-1.333342670e+00, v54  }
0x1ad: {  	v4 =	vsub.f32 v10, v56;
	v3 =	vor.u32 v2, v3;
	[tilespmem:v6+s20+$0x0] =	vst.idx.add.f32.msk $0xffff, v1;
	v59 =	vnsel vm15, $0x4, v55  }
0x1ae: {  	[tilespmem:v8+s19+$0x0] =	vst.idx.add.f32.msk $0xffff, v7;
	v10 =	vshll.u32 v59, $0x4;
	v58 =	vadd.f32 $2.876902220e-01, v17;
	v5 =	vmul.f32 v57, v19  }
0x1af: {  	v6 =	vsub.f32 v61, v60;
	[tilespmem:v8+s20+$0x0] =	vst.idx.add.f32.msk $0xffff, v1;
	v62 =	vor.u32 v2, v10  }
0x1b0: {  	[tilespmem:v11+s19+$0x0] =	vst.idx.add.f32.msk $0xffff, v9;
	v4 =	vadd.f32 v58, v4;
	v5 =	vadd.f32 $2.876902220e-01, v5  }
0x1b1: {  	[tilespmem:v11+s20+$0x0] =	vst.idx.add.f32.msk $0xffff, v1  }
0x1b2: {  	[tilespmem:v3+s19+$0x0] =	vst.idx.add.f32.msk $0xffff, v4;
	v63 =	vadd.f32 v5, v6  }
0x1b3: {  	[tilespmem:v3+s20+$0x0] =	vst.idx.add.f32.msk $0xffff, v1  }
0x1b4: {  	[tilespmem:v62+s19+$0x0] =	vst.idx.add.f32.msk $0xffff, v63  }
0x1b5: {  	[tilespmem:v62+s20+$0x0] =	vst.idx.add.f32.msk $0xffff, v1  }
.LBB2_9:
0x1b6: {  	s24 =	sadd.s32 $0x1, s24  }
0x1b7: {  	p0 =	sne.s32 s24, s6  }
.Ltmp3:
0x1b8: {  	_ = 	snop;
	(pc) =	sbr.rel @!p0 .LBB2_10-.Ltmp3, $1  }
0x1b9: {  	_ =	sdelay $0x3  }
.LBB2_2:
0x1ba: {  	s1 =	sand.u32 $0x1, s24  }
0x1bb: {  	p1 =	seq.s32 s1, $0x1  }
.Ltmp4:
0x1bc: {  	_ = 	snop;
	(pc) =	sbr.rel @p1 .LBB2_6-.Ltmp4, $3  }
0x1bd: {  	_ =	sdelay $0x1  }
0x1be: {  	s25 =	sadd.s32 s4, s24;
	p0 =	sge.u32 s24, s10  }
0x1bf: {  	s1 =	sadd.s32 @!p0 $0x1, s25  }
0x1c0: {  	s25 =	smul.u32 @!p0 $0xFA0, s1  }
0x1c1: {  	s26 =	simm.s32 @!p0 $0x80;
	s28 =	simm.s32 @!p0 $0x100  }
0x1c2: {  	s29 =	simm.s32 @!p0 $0x7E80;
	s1 =	smul.u32 @!p0 $0x7D0, s1;
	s25 =	sadd.s32 @!p0 s25, s7  }
0x1c3: {  	[tilespmem:s29], [sflag:$0x3] =	stream.strided.gather @!p0 [hbm4b:s25+s26], $0x3E80, s28, s26, $0x38;
	[tilespmem:$0xFE00] =	vst v63  }
0x1c4: {  	s1 =	sadd.s32 @!p0 s2, s1;
	s25 =	simm.s32 @!p0 $0x0;
	s26 =	simm.s32 @!p0 $0xBE80  }
0x1c5: {  	[tilespmem:s26], [sflag:$0x4] =	stream.linear.gather @!p0 [hbm4b:s1+s25], $0x3E80, $0x38;
	[tilespmem:$0xFE00] =	vst v63  }
0x1c6: {  	_ =	swait.ge [sflag:s17], $0x3E80  }
0x1c7: {  	[sflag:s17] =	ssyncset.done $0x0  }
0x1c8: {  	[sflag:s17] =	ssyncadd.s32 $0xFFFFC180  }
0x1c9: {  	_ =	swait.ge [sflag:s18], $0x3E80  }
0x1ca: {  	[sflag:s18] =	ssyncset.done $0x0  }
0x1cb: {  	s25 =	simm.s32 $0x0;
	[sflag:s18] =	ssyncadd.s32 $0xFFFFC180  }
0x1cc: {  	v3 =	vld [tilespmem:s25+$0x0];
	_ =	sdelay $0x4  }
0x1cd: {  	v4 =	vsub.f32 $0.0e+00, v3;
	_ =	sdelay $0x1  }
0x1ce: {  	v4 =	vmul.f32 $1.442695020e+00, v4;
	_ =	sdelay $0x1  }
0x1cf: {  	(erf) = vpow2.f32 v4;
	_ =	sdelay $0x8  }
0x1d0: {  	v4 =	vpop (erf)  }
0x1d1: {  	v4 =	vadd.f32 $1.000000000e+00, v4;
	_ =	sdelay $0x1  }
0x1d2: {  	(erf) = vrcp.f32 v4;
	_ =	sdelay $0x8  }
0x1d3: {  	v4 =	vpop (erf)  }
0x1d4: {  	v5 =	vsub.f32 $1.000000000e+00, v4;
	_ =	sdelay $0x1  }
0x1d5: {  	v5 =	vmax.f32 v4, v5  }
0x1d6: {  	v5 =	vadd.f32 $-7.500000000e-01, v5;
	_ =	sdelay $0x1  }
0x1d7: {  	v6 =	vmul.f32 $9.538804880e-01, v5  }
0x1d8: {  	v7 =	vld [tilespmem:s25+$0x4000]  }
0x1d9: {  	v6 =	vsub.f32 $8.869645600e-01, v6;
	_ =	sdelay $0x1  }
0x1da: {  	v6 =	vmul.f32 v6, v5;
	_ =	sdelay $0x1  }
0x1db: {  	v4 =	vsub.f32 v4, v7;
	v6 =	vadd.f32 $-7.874456040e-01, v6;
	_ =	sdelay $0x1  }
0x1dc: {  	v4 =	vand.u32 $0x7FFFFFFF, v4;
	v6 =	vmul.f32 v6, v5  }
0x1dd: {  	v4 =	vmul.f32 $5.000000000e+00, v4  }
0x1de: {  	v6 =	vadd.f32 $8.865566250e-01, v6  }
0x1df: {  	v4 =	vtrunc.f32 v4  }
0x1e0: {  	v4 =	vcvt.f32.s32 v4;
	v6 =	vmul.f32 v6, v5;
	_ =	sdelay $0x1  }
0x1e1: {  	vm0 =	vlt.s32 v4, $0x4;
	v6 =	vadd.f32 $-1.333342670e+00, v6  }
0x1e2: {  	v4 =	vnsel vm0, $0x4, v4  }
0x1e3: {  	v7 =	vmul.f32 v3, v7;
	v4 =	vshll.u32 v4, $0x4;
	v5 =	vmul.f32 v6, v5  }
0x1e4: {  	v3 =	vmax.f32 v3, $0.0e+00;
	v4 =	vor.u32 v2, v4  }
0x1e5: {  	v3 =	vsub.f32 v3, v7;
	v5 =	vadd.f32 $2.876902220e-01, v5;
	_ =	sdelay $0x1  }
0x1e6: {  	s26 =	simm.s32 $0x80;
	v3 =	vadd.f32 v5, v3  }
0x1e7: {  	v5 =	vld [tilespmem:s26+$0x0]  }
0x1e8: {  	[tilespmem:v4+s19+$0x0] =	vst.idx.add.f32.msk $0xffff, v3  }
0x1e9: {  	[tilespmem:v4+s20+$0x0] =	vst.idx.add.f32.msk $0xffff, v1  }
0x1ea: {  	v3 =	vld [tilespmem:s25+$0x10];
	_ =	sdelay $0x3  }
0x1eb: {  	v4 =	vsub.f32 $0.0e+00, v5  }
0x1ec: {  	v6 =	vsub.f32 $0.0e+00, v3  }
0x1ed: {  	v4 =	vmul.f32 $1.442695020e+00, v4  }
0x1ee: {  	v6 =	vmul.f32 $1.442695020e+00, v6  }
0x1ef: {  	(erf) = vpow2.f32 v4  }
0x1f0: {  	(erf) = vpow2.f32 v6;
	_ =	sdelay $0x7  }
0x1f1: {  	v4 =	vpop (erf)  }
0x1f2: {  	v4 =	vadd.f32 $1.000000000e+00, v4;
	v6 =	vpop (erf)  }
0x1f3: {  	v6 =	vadd.f32 $1.000000000e+00, v6  }
0x1f4: {  	(erf) = vrcp.f32 v4  }
0x1f5: {  	(erf) = vrcp.f32 v6;
	_ =	sdelay $0x7  }
0x1f6: {  	v4 =	vpop (erf)  }
0x1f7: {  	v6 =	vpop (erf)  }
0x1f8: {  	v7 =	vsub.f32 $1.000000000e+00, v6;
	_ =	sdelay $0x1  }
0x1f9: {  	v7 =	vmax.f32 v6, v7  }
0x1fa: {  	v7 =	vadd.f32 $-7.500000000e-01, v7;
	_ =	sdelay $0x1  }
0x1fb: {  	v8 =	vmul.f32 $9.538804880e-01, v7  }
0x1fc: {  	v9 =	vld [tilespmem:s25+$0x4010]  }
0x1fd: {  	v8 =	vsub.f32 $8.869645600e-01, v8;
	_ =	sdelay $0x1  }
0x1fe: {  	v8 =	vmul.f32 v8, v7  }
0x1ff: {  	v10 =	vsub.f32 $1.000000000e+00, v4  }
0x200: {  	v6 =	vsub.f32 v6, v9;
	v8 =	vadd.f32 $-7.874456040e-01, v8;
	_ =	sdelay $0x1  }
0x201: {  	v10 =	vmax.f32 v4, v10;
	v6 =	vand.u32 $0x7FFFFFFF, v6;
	v8 =	vmul.f32 v8, v7  }
0x202: {  	v10 =	vadd.f32 $-7.500000000e-01, v10;
	v6 =	vmul.f32 $5.000000000e+00, v6  }
0x203: {  	v11 =	vld [tilespmem:s26+$0x4000];
	v8 =	vadd.f32 $8.865566250e-01, v8  }
0x204: {  	v12 =	vmul.f32 $9.538804880e-01, v10;
	v6 =	vtrunc.f32 v6  }
0x205: {  	v6 =	vcvt.f32.s32 v6;
	v8 =	vmul.f32 v8, v7  }
0x206: {  	v12 =	vsub.f32 $8.869645600e-01, v12  }
0x207: {  	vm8 =	vlt.s32 v6, $0x4;
	v8 =	vadd.f32 $-1.333342670e+00, v8  }
0x208: {  	v4 =	vsub.f32 v4, v11;
	v12 =	vmul.f32 v12, v10;
	v6 =	vnsel vm8, $0x4, v6  }
0x209: {  	v9 =	vmul.f32 v3, v9;
	v6 =	vshll.u32 v6, $0x4;
	v7 =	vmul.f32 v8, v7  }
0x20a: {  	v3 =	vmax.f32 v3, $0.0e+00;
	v6 =	vor.u32 v2, v6;
	v8 =	vadd.f32 $-7.874456040e-01, v12  }
0x20b: {  	v3 =	vsub.f32 v3, v9;
	v7 =	vadd.f32 $2.876902220e-01, v7  }
0x20c: {  	v4 =	vand.u32 $0x7FFFFFFF, v4;
	v8 =	vmul.f32 v8, v10  }
0x20d: {  	v4 =	vmul.f32 $5.000000000e+00, v4;
	v3 =	vadd.f32 v7, v3  }
0x20e: {  	v7 =	vadd.f32 $8.865566250e-01, v8  }
0x20f: {  	v4 =	vtrunc.f32 v4;
	[tilespmem:v6+s19+$0x0] =	vst.idx.add.f32.msk $0xffff, v3  }
0x210: {  	v3 =	vcvt.f32.s32 v4;
	v4 =	vmul.f32 v7, v10;
	[tilespmem:v6+s20+$0x0] =	vst.idx.add.f32.msk $0xffff, v1  }
0x211: {  	v6 =	vld [tilespmem:s25+$0x20]  }
0x212: {  	v4 =	vadd.f32 $-1.333342670e+00, v4;
	vm9 =	vlt.s32 v3, $0x4  }
0x213: {  	v7 =	vmul.f32 v5, v11;
	v3 =	vnsel vm9, $0x4, v3  }
0x214: {  	v5 =	vmax.f32 v5, $0.0e+00;
	v4 =	vmul.f32 v4, v10;
	v3 =	vshll.u32 v3, $0x4  }
0x215: {  	v5 =	vsub.f32 v5, v7;
	v3 =	vor.u32 v2, v3  }
0x216: {  	v4 =	vadd.f32 $2.876902220e-01, v4;
	v7 =	vsub.f32 $0.0e+00, v6;
	_ =	sdelay $0x1  }
0x217: {  	s28 =	simm.s32 $0x100;
	v4 =	vadd.f32 v4, v5;
	v5 =	vmul.f32 $1.442695020e+00, v7  }
0x218: {  	v7 =	vld [tilespmem:s28+$0x0]  }
0x219: {  	[tilespmem:v3+s19+$0x0] =	vst.idx.add.f32.msk $0xffff, v4;
	(erf) = vpow2.f32 v5  }
0x21a: {  	[tilespmem:v3+s20+$0x0] =	vst.idx.add.f32.msk $0xffff, v1  }
0x21b: {  	v3 =	vld [tilespmem:s26+$0x10];
	_ =	sdelay $0x3  }
0x21c: {  	v4 =	vsub.f32 $0.0e+00, v7  }
0x21d: {  	v5 =	vsub.f32 $0.0e+00, v3  }
0x21e: {  	v4 =	vmul.f32 $1.442695020e+00, v4  }
0x21f: {  	v5 =	vmul.f32 $1.442695020e+00, v5;
	v8 =	vpop (erf)  }
0x220: {  	(erf) = vpow2.f32 v4;
	v4 =	vadd.f32 $1.000000000e+00, v8  }
0x221: {  	(erf) = vpow2.f32 v5  }
0x222: {  	(erf) = vrcp.f32 v4;
	_ =	sdelay $0x6  }
0x223: {  	v4 =	vpop (erf)  }
0x224: {  	v5 =	vpop (erf)  }
0x225: {  	v8 =	vpop (erf)  }
0x226: {  	v9 =	vsub.f32 $1.000000000e+00, v8;
	_ =	sdelay $0x1  }
0x227: {  	v9 =	vmax.f32 v8, v9  }
0x228: {  	v9 =	vadd.f32 $-7.500000000e-01, v9;
	_ =	sdelay $0x1  }
0x229: {  	v10 =	vmul.f32 $9.538804880e-01, v9  }
0x22a: {  	v11 =	vld [tilespmem:s25+$0x4020]  }
0x22b: {  	v10 =	vsub.f32 $8.869645600e-01, v10;
	_ =	sdelay $0x1  }
0x22c: {  	v10 =	vmul.f32 v10, v9;
	_ =	sdelay $0x1  }
0x22d: {  	v8 =	vsub.f32 v8, v11;
	v10 =	vadd.f32 $-7.874456040e-01, v10;
	_ =	sdelay $0x1  }
0x22e: {  	v4 =	vadd.f32 $1.000000000e+00, v4;
	v8 =	vand.u32 $0x7FFFFFFF, v8;
	v10 =	vmul.f32 v10, v9  }
0x22f: {  	v5 =	vadd.f32 $1.000000000e+00, v5;
	v8 =	vmul.f32 $5.000000000e+00, v8  }
0x230: {  	(erf) = vrcp.f32 v4;
	v4 =	vadd.f32 $8.865566250e-01, v10  }
0x231: {  	(erf) = vrcp.f32 v5;
	v5 =	vtrunc.f32 v8  }
0x232: {  	v5 =	vcvt.f32.s32 v5;
	v4 =	vmul.f32 v4, v9;
	_ =	sdelay $0x1  }
0x233: {  	vm10 =	vlt.s32 v5, $0x4;
	v4 =	vadd.f32 $-1.333342670e+00, v4  }
0x234: {  	v8 =	vmul.f32 v6, v11;
	v5 =	vnsel vm10, $0x4, v5  }
0x235: {  	v5 =	vshll.u32 v5, $0x4;
	v4 =	vmul.f32 v4, v9  }
0x236: {  	v6 =	vmax.f32 v6, $0.0e+00;
	v5 =	vor.u32 v2, v5  }
0x237: {  	v6 =	vsub.f32 v6, v8;
	v4 =	vadd.f32 $2.876902220e-01, v4  }
0x238: {  	v8 =	vpop (erf)  }
0x239: {  	v9 =	vpop (erf);
	v4 =	vadd.f32 v4, v6  }
0x23a: {  	v6 =	vsub.f32 $1.000000000e+00, v9  }
0x23b: {  	[tilespmem:v5+s19+$0x0] =	vst.idx.add.f32.msk $0xffff, v4  }
0x23c: {  	v4 =	vmax.f32 v9, v6;
	[tilespmem:v5+s20+$0x0] =	vst.idx.add.f32.msk $0xffff, v1  }
0x23d: {  	v4 =	vadd.f32 $-7.500000000e-01, v4;
	v5 =	vld [tilespmem:s25+$0x30]  }
0x23e: {  	v10 =	vld [tilespmem:s26+$0x4010]  }
0x23f: {  	v6 =	vmul.f32 $9.538804880e-01, v4  }
0x240: {  	v12 =	vsub.f32 $1.000000000e+00, v8  }
0x241: {  	v6 =	vsub.f32 $8.869645600e-01, v6  }
0x242: {  	v12 =	vmax.f32 v8, v12;
	v11 =	vsub.f32 $0.0e+00, v5  }
0x243: {  	v12 =	vadd.f32 $-7.500000000e-01, v12;
	v9 =	vsub.f32 v9, v10;
	v6 =	vmul.f32 v6, v4  }
0x244: {  	v11 =	vmul.f32 $1.442695020e+00, v11  }
0x245: {  	v13 =	vmul.f32 $9.538804880e-01, v12;
	v9 =	vand.u32 $0x7FFFFFFF, v9;
	v6 =	vadd.f32 $-7.874456040e-01, v6  }
0x246: {  	v9 =	vmul.f32 $5.000000000e+00, v9;
	(erf) = vpow2.f32 v11  }
0x247: {  	v6 =	vmul.f32 v6, v4  }
0x248: {  	v13 =	vsub.f32 $8.869645600e-01, v13;
	v9 =	vtrunc.f32 v9  }
0x249: {  	v9 =	vcvt.f32.s32 v9;
	v6 =	vadd.f32 $8.865566250e-01, v6  }
0x24a: {  	v13 =	vmul.f32 v13, v12;
	v11 =	vld [tilespmem:s28+$0x4000]  }
0x24b: {  	vm11 =	vlt.s32 v9, $0x4;
	v6 =	vmul.f32 v6, v4  }
0x24c: {  	v13 =	vadd.f32 $-7.874456040e-01, v13;
	v9 =	vnsel vm11, $0x4, v9  }
0x24d: {  	v6 =	vadd.f32 $-1.333342670e+00, v6  }
0x24e: {  	v13 =	vmul.f32 v13, v12;
	v10 =	vmul.f32 v3, v10  }
0x24f: {  	v8 =	vsub.f32 v8, v11;
	v4 =	vmul.f32 v6, v4;
	v6 =	vshll.u32 v9, $0x4;
	v9 =	vpop (erf)  }
0x250: {  	v3 =	vmax.f32 v3, $0.0e+00;
	v6 =	vor.u32 v2, v6;
	v9 =	vadd.f32 $1.000000000e+00, v9  }
0x251: {  	v3 =	vsub.f32 v3, v10;
	v8 =	vand.u32 $0x7FFFFFFF, v8;
	v4 =	vadd.f32 $2.876902220e-01, v4  }
0x252: {  	v8 =	vmul.f32 $5.000000000e+00, v8;
	(erf) = vrcp.f32 v9  }
0x253: {  	v9 =	vadd.f32 $8.865566250e-01, v13;
	v3 =	vadd.f32 v4, v3  }
0x254: {  	v4 =	vtrunc.f32 v8  }
0x255: {  	v4 =	vcvt.f32.s32 v4;
	v8 =	vmul.f32 v9, v12;
	[tilespmem:v6+s19+$0x0] =	vst.idx.add.f32.msk $0xffff, v3  }
0x256: {  	[tilespmem:v6+s20+$0x0] =	vst.idx.add.f32.msk $0xffff, v1  }
0x257: {  	vm12 =	vlt.s32 v4, $0x4;
	v3 =	vadd.f32 $-1.333342670e+00, v8;
	v6 =	vld [tilespmem:s26+$0x20];
	v8 =	vmul.f32 v7, v11  }
0x258: {  	v4 =	vnsel vm12, $0x4, v4  }
0x259: {  	v4 =	vshll.u32 v4, $0x4;
	v3 =	vmul.f32 v3, v12  }
0x25a: {  	v7 =	vmax.f32 v7, $0.0e+00;
	v4 =	vor.u32 v2, v4  }
0x25b: {  	v7 =	vsub.f32 v7, v8;
	v3 =	vadd.f32 $2.876902220e-01, v3;
	v8 =	vpop (erf)  }
0x25c: {  	v9 =	vsub.f32 $0.0e+00, v6;
	v10 =	vsub.f32 $1.000000000e+00, v8  }
0x25d: {  	s29 =	simm.s32 $0x180;
	v7 =	vadd.f32 v3, v7  }
0x25e: {  	v3 =	vld [tilespmem:s29+$0x0];
	v9 =	vmul.f32 $1.442695020e+00, v9;
	v10 =	vmax.f32 v8, v10  }
0x25f: {  	[tilespmem:v4+s19+$0x0] =	vst.idx.add.f32.msk $0xffff, v7;
	v7 =	vadd.f32 $-7.500000000e-01, v10  }
0x260: {  	[tilespmem:v4+s20+$0x0] =	vst.idx.add.f32.msk $0xffff, v1;
	(erf) = vpow2.f32 v9  }
0x261: {  	v10 =	vld [tilespmem:s25+$0x4030];
	v9 =	vmul.f32 $9.538804880e-01, v7  }
0x262: {  	v4 =	vld [tilespmem:s28+$0x10]  }
0x263: {  	v9 =	vsub.f32 $8.869645600e-01, v9;
	_ =	sdelay $0x1  }
0x264: {  	v9 =	vmul.f32 v9, v7  }
0x265: {  	v11 =	vsub.f32 $0.0e+00, v3;
	v8 =	vsub.f32 v8, v10  }
0x266: {  	v12 =	vsub.f32 $0.0e+00, v4;
	v9 =	vadd.f32 $-7.874456040e-01, v9  }
0x267: {  	v11 =	vmul.f32 $1.442695020e+00, v11  }
0x268: {  	v8 =	vand.u32 $0x7FFFFFFF, v8;
	v12 =	vmul.f32 $1.442695020e+00, v12;
	v13 =	vpop (erf);
	v9 =	vmul.f32 v9, v7  }
0x269: {  	(erf) = vpow2.f32 v11;
	v8 =	vmul.f32 $5.000000000e+00, v8;
	v11 =	vadd.f32 $1.000000000e+00, v13  }
0x26a: {  	(erf) = vpow2.f32 v12;
	v9 =	vadd.f32 $8.865566250e-01, v9  }
0x26b: {  	v8 =	vtrunc.f32 v8;
	(erf) = vrcp.f32 v11  }
0x26c: {  	v8 =	vcvt.f32.s32 v8;
	v9 =	vmul.f32 v9, v7;
	_ =	sdelay $0x1  }
0x26d: {  	vm13 =	vlt.s32 v8, $0x4;
	v9 =	vadd.f32 $-1.333342670e+00, v9  }
0x26e: {  	v10 =	vmul.f32 v5, v10;
	v8 =	vnsel vm13, $0x4, v8  }
0x26f: {  	v8 =	vshll.u32 v8, $0x4;
	v7 =	vmul.f32 v9, v7  }
0x270: {  	v5 =	vmax.f32 v5, $0.0e+00;
	v8 =	vor.u32 v2, v8  }
0x271: {  	v5 =	vsub.f32 v5, v10;
	v9 =	vpop (erf);
	v7 =	vadd.f32 $2.876902220e-01, v7  }
0x272: {  	v10 =	vpop (erf)  }
0x273: {  	v11 =	vpop (erf);
	v5 =	vadd.f32 v7, v5  }
0x274: {  	v7 =	vsub.f32 $1.000000000e+00, v11  }
0x275: {  	[tilespmem:v8+s19+$0x0] =	vst.idx.add.f32.msk $0xffff, v5  }
0x276: {  	v5 =	vmax.f32 v11, v7;
	[tilespmem:v8+s20+$0x0] =	vst.idx.add.f32.msk $0xffff, v1  }
0x277: {  	v5 =	vadd.f32 $-7.500000000e-01, v5;
	v7 =	vld [tilespmem:s25+$0x40];
	_ =	sdelay $0x1  }
0x278: {  	v12 =	vld [tilespmem:s26+$0x4020];
	v8 =	vmul.f32 $9.538804880e-01, v5;
	_ =	sdelay $0x1  }
0x279: {  	v9 =	vadd.f32 $1.000000000e+00, v9;
	v8 =	vsub.f32 $8.869645600e-01, v8  }
0x27a: {  	v10 =	vadd.f32 $1.000000000e+00, v10;
	v13 =	vsub.f32 $0.0e+00, v7  }
0x27b: {  	(erf) = vrcp.f32 v9;
	v8 =	vmul.f32 v8, v5  }
0x27c: {  	(erf) = vrcp.f32 v10;
	v10 =	vsub.f32 v11, v12;
	v9 =	vmul.f32 $1.442695020e+00, v13  }
0x27d: {  	v8 =	vadd.f32 $-7.874456040e-01, v8  }
0x27e: {  	(erf) = vpow2.f32 v9;
	v9 =	vand.u32 $0x7FFFFFFF, v10  }
0x27f: {  	v8 =	vmul.f32 v8, v5;
	v9 =	vmul.f32 $5.000000000e+00, v9;
	_ =	sdelay $0x1  }
0x280: {  	v8 =	vadd.f32 $8.865566250e-01, v8;
	v9 =	vtrunc.f32 v9  }
0x281: {  	v9 =	vcvt.f32.s32 v9  }
0x282: {  	v8 =	vmul.f32 v8, v5  }
0x283: {  	vm14 =	vlt.s32 v9, $0x4  }
0x284: {  	v8 =	vadd.f32 $-1.333342670e+00, v8;
	v9 =	vnsel vm14, $0x4, v9  }
0x285: {  	v12 =	vmul.f32 v6, v12;
	v10 =	vpop (erf)  }
0x286: {  	v6 =	vmax.f32 v6, $0.0e+00;
	v11 =	vpop (erf);
	v5 =	vmul.f32 v8, v5;
	v8 =	vshll.u32 v9, $0x4  }
0x287: {  	v6 =	vsub.f32 v6, v12;
	v9 =	vpop (erf);
	v8 =	vor.u32 v2, v8  }
0x288: {  	v9 =	vadd.f32 $1.000000000e+00, v9;
	v5 =	vadd.f32 $2.876902220e-01, v5  }
0x289: {  	v13 =	vsub.f32 $1.000000000e+00, v11  }
0x28a: {  	(erf) = vrcp.f32 v9;
	v9 =	vld [tilespmem:s29+$0x4000];
	v5 =	vadd.f32 v5, v6  }
0x28b: {  	v12 =	vsub.f32 $1.000000000e+00, v10;
	v13 =	vmax.f32 v11, v13;
	v6 =	vld [tilespmem:s28+$0x4010]  }
0x28c: {  	v13 =	vadd.f32 $-7.500000000e-01, v13;
	[tilespmem:v8+s19+$0x0] =	vst.idx.add.f32.msk $0xffff, v5  }
0x28d: {  	v12 =	vmax.f32 v10, v12;
	[tilespmem:v8+s20+$0x0] =	vst.idx.add.f32.msk $0xffff, v1  }
0x28e: {  	v12 =	vadd.f32 $-7.500000000e-01, v12;
	v14 =	vmul.f32 $9.538804880e-01, v13;
	v5 =	vld [tilespmem:s26+$0x30];
	_ =	sdelay $0x1  }
0x28f: {  	v8 =	vsub.f32 $8.869645600e-01, v14;
	v14 =	vmul.f32 $9.538804880e-01, v12;
	_ =	sdelay $0x1  }
0x290: {  	v8 =	vmul.f32 v8, v13;
	v10 =	vsub.f32 v10, v9;
	v14 =	vsub.f32 $8.869645600e-01, v14  }
0x291: {  	v11 =	vsub.f32 v11, v6;
	v15 =	vpop (erf);
	v16 =	vsub.f32 $0.0e+00, v5  }
0x292: {  	v20 =	vmax.f32 v4, $0.0e+00;
	v8 =	vadd.f32 $-7.874456040e-01, v8;
	v17 =	vsub.f32 $1.000000000e+00, v15  }
0x293: {  	v10 =	vand.u32 $0x7FFFFFFF, v10;
	v14 =	vmul.f32 v14, v12;
	v16 =	vmul.f32 $1.442695020e+00, v16  }
0x294: {  	v11 =	vand.u32 $0x7FFFFFFF, v11;
	v8 =	vmul.f32 v8, v13;
	v17 =	vmax.f32 v15, v17  }
0x295: {  	v11 =	vmul.f32 $5.000000000e+00, v11;
	v17 =	vadd.f32 $-7.500000000e-01, v17;
	(erf) = vpow2.f32 v16  }
0x296: {  	v4 =	vmul.f32 v4, v6;
	v10 =	vmul.f32 $5.000000000e+00, v10;
	v8 =	vadd.f32 $8.865566250e-01, v8  }
0x297: {  	v18 =	vld [tilespmem:s25+$0x4040];
	v14 =	vadd.f32 $-7.874456040e-01, v14;
	v11 =	vtrunc.f32 v11;
	v16 =	vmul.f32 $9.538804880e-01, v17  }
0x298: {  	v19 =	vmax.f32 v3, $0.0e+00;
	v10 =	vtrunc.f32 v10;
	v8 =	vmul.f32 v8, v13  }
0x299: {  	v14 =	vmul.f32 v14, v12;
	v11 =	vcvt.f32.s32 v11;
	v16 =	vsub.f32 $8.869645600e-01, v16  }
0x29a: {  	v4 =	vsub.f32 v20, v4;
	v10 =	vcvt.f32.s32 v10;
	v8 =	vadd.f32 $-1.333342670e+00, v8  }
0x29b: {  	v14 =	vadd.f32 $8.865566250e-01, v14;
	vm15 =	vlt.s32 v11, $0x4;
	v16 =	vmul.f32 v16, v17  }
0x29c: {  	v6 =	vnsel vm15, $0x4, v11;
	v11 =	vsub.f32 v15, v18;
	v8 =	vmul.f32 v8, v13  }
0x29d: {  	v6 =	vshll.u32 v6, $0x4;
	v14 =	vmul.f32 v14, v12;
	v13 =	vadd.f32 $-7.874456040e-01, v16  }
0x29e: {  	v6 =	vor.u32 v2, v6;
	v11 =	vand.u32 $0x7FFFFFFF, v11;
	v8 =	vadd.f32 $2.876902220e-01, v8;
	v15 =	vpop (erf)  }
0x29f: {  	v11 =	vmul.f32 $5.000000000e+00, v11;
	v13 =	vmul.f32 v13, v17;
	v15 =	vadd.f32 $1.000000000e+00, v15  }
0x2a0: {  	vm4 =	vlt.s32 v10, $0x4;
	v14 =	vadd.f32 $-1.333342670e+00, v14;
	v4 =	vadd.f32 v8, v4  }
0x2a1: {  	v8 =	vtrunc.f32 v11;
	v13 =	vadd.f32 $8.865566250e-01, v13;
	(erf) = vrcp.f32 v15  }
0x2a2: {  	v3 =	vmul.f32 v3, v9;
	v10 =	vnsel vm4, $0x4, v10;
	v8 =	vcvt.f32.s32 v8  }
0x2a3: {  	v9 =	vshll.u32 v10, $0x4;
	[tilespmem:v6+s19+$0x0] =	vst.idx.add.f32.msk $0xffff, v4;
	v4 =	vmul.f32 v14, v12;
	v11 =	vmul.f32 v13, v17  }
0x2a4: {  	v3 =	vsub.f32 v19, v3;
	[tilespmem:v6+s20+$0x0] =	vst.idx.add.f32.msk $0xffff, v1;
	v6 =	vor.u32 v2, v9;
	vm5 =	vlt.s32 v8, $0x4  }
0x2a5: {  	v10 =	vld [tilespmem:s28+$0x20];
	v4 =	vadd.f32 $2.876902220e-01, v4;
	v8 =	vnsel vm5, $0x4, v8;
	v9 =	vadd.f32 $-1.333342670e+00, v11  }
0x2a6: {  	v8 =	vshll.u32 v8, $0x4  }
0x2a7: {  	s30 =	simm.s32 $0x200;
	v4 =	vadd.f32 v4, v3;
	v11 =	vmul.f32 v7, v18;
	v9 =	vmul.f32 v9, v17  }
0x2a8: {  	v8 =	vor.u32 v2, v8;
	v3 =	vld [tilespmem:s30+$0x0];
	v7 =	vmax.f32 v7, $0.0e+00  }
0x2a9: {  	[tilespmem:v6+s19+$0x0] =	vst.idx.add.f32.msk $0xffff, v4;
	v7 =	vsub.f32 v7, v11;
	v9 =	vadd.f32 $2.876902220e-01, v9  }
0x2aa: {  	[tilespmem:v6+s20+$0x0] =	vst.idx.add.f32.msk $0xffff, v1;
	v11 =	vsub.f32 $0.0e+00, v10;
	v12 =	vpop (erf)  }
0x2ab: {  	v4 =	vld [tilespmem:s29+$0x10];
	v6 =	vadd.f32 v9, v7;
	v7 =	vsub.f32 $1.000000000e+00, v12  }
0x2ac: {  	v9 =	vmul.f32 $1.442695020e+00, v11;
	v11 =	vld [tilespmem:s26+$0x4030]  }
0x2ad: {  	[tilespmem:v8+s19+$0x0] =	vst.idx.add.f32.msk $0xffff, v6;
	v6 =	vmax.f32 v12, v7  }
0x2ae: {  	(erf) = vpow2.f32 v9;
	[tilespmem:v8+s20+$0x0] =	vst.idx.add.f32.msk $0xffff, v1;
	v6 =	vadd.f32 $-7.500000000e-01, v6  }
0x2af: {  	v7 =	vsub.f32 $0.0e+00, v3;
	v8 =	vld [tilespmem:s25+$0x50]  }
0x2b0: {  	v9 =	vmul.f32 $9.538804880e-01, v6  }
0x2b1: {  	v13 =	vsub.f32 $0.0e+00, v4;
	v7 =	vmul.f32 $1.442695020e+00, v7  }
0x2b2: {  	v9 =	vsub.f32 $8.869645600e-01, v9  }
0x2b3: {  	v13 =	vmul.f32 $1.442695020e+00, v13;
	(erf) = vpow2.f32 v7  }
0x2b4: {  	v12 =	vsub.f32 v12, v11;
	v7 =	vsub.f32 $0.0e+00, v8;
	v9 =	vmul.f32 v9, v6;
	_ =	sdelay $0x1  }
0x2b5: {  	v12 =	vand.u32 $0x7FFFFFFF, v12;
	v7 =	vmul.f32 $1.442695020e+00, v7;
	v9 =	vadd.f32 $-7.874456040e-01, v9  }
0x2b6: {  	(erf) = vpow2.f32 v13;
	v12 =	vmul.f32 $5.000000000e+00, v12;
	v13 =	vpop (erf)  }
0x2b7: {  	(erf) = vpow2.f32 v7;
	v7 =	vadd.f32 $1.000000000e+00, v13;
	v9 =	vmul.f32 v9, v6;
	_ =	sdelay $0x1  }
0x2b8: {  	(erf) = vrcp.f32 v7;
	v7 =	vadd.f32 $8.865566250e-01, v9;
	_ =	sdelay $0x1  }
0x2b9: {  	v9 =	vtrunc.f32 v12;
	v12 =	vpop (erf);
	v7 =	vmul.f32 v7, v6  }
0x2ba: {  	v9 =	vcvt.f32.s32 v9;
	v12 =	vadd.f32 $1.000000000e+00, v12  }
0x2bb: {  	v7 =	vadd.f32 $-1.333342670e+00, v7  }
0x2bc: {  	vm6 =	vlt.s32 v9, $0x4  }
0x2bd: {  	v11 =	vmul.f32 v5, v11;
	v5 =	vmax.f32 v5, $0.0e+00;
	v9 =	vnsel vm6, $0x4, v9  }
0x2be: {  	(erf) = vrcp.f32 v12;
	v12 =	vpop (erf);
	v9 =	vshll.u32 v9, $0x4;
	v6 =	vmul.f32 v7, v6  }
0x2bf: {  	v5 =	vsub.f32 v5, v11;
	v12 =	vadd.f32 $1.000000000e+00, v12;
	v9 =	vor.u32 v2, v9;
	v7 =	vpop (erf)  }
0x2c0: {  	v6 =	vadd.f32 $2.876902220e-01, v6;
	v7 =	vadd.f32 $1.000000000e+00, v7  }
0x2c1: {  	(erf) = vrcp.f32 v12  }
0x2c2: {  	v11 =	vpop (erf);
	v5 =	vadd.f32 v6, v5;
	(erf) = vrcp.f32 v7  }
0x2c3: {  	v7 =	vsub.f32 $1.000000000e+00, v11  }
0x2c4: {  	[tilespmem:v9+s19+$0x0] =	vst.idx.add.f32.msk $0xffff, v5  }
0x2c5: {  	v6 =	vmax.f32 v11, v7;
	[tilespmem:v9+s20+$0x0] =	vst.idx.add.f32.msk $0xffff, v1  }
0x2c6: {  	v7 =	vld [tilespmem:s28+$0x4020];
	v6 =	vadd.f32 $-7.500000000e-01, v6  }
0x2c7: {  	v5 =	vld [tilespmem:s26+$0x40]  }
0x2c8: {  	v9 =	vmul.f32 $9.538804880e-01, v6  }
0x2c9: {  	v12 =	vpop (erf)  }
0x2ca: {  	v13 =	vpop (erf);
	v9 =	vsub.f32 $8.869645600e-01, v9  }
0x2cb: {  	v11 =	vsub.f32 v11, v7;
	v14 =	vpop (erf)  }
0x2cc: {  	v15 =	vsub.f32 $0.0e+00, v5;
	v9 =	vmul.f32 v9, v6;
	v16 =	vsub.f32 $1.000000000e+00, v14  }
0x2cd: {  	v11 =	vand.u32 $0x7FFFFFFF, v11  }
0x2ce: {  	v15 =	vmul.f32 $1.442695020e+00, v15;
	v9 =	vadd.f32 $-7.874456040e-01, v9;
	v16 =	vmax.f32 v14, v16  }
0x2cf: {  	v11 =	vmul.f32 $5.000000000e+00, v11;
	v16 =	vadd.f32 $-7.500000000e-01, v16  }
0x2d0: {  	(erf) = vpow2.f32 v15;
	v9 =	vmul.f32 v9, v6  }
0x2d1: {  	v17 =	vmul.f32 $9.538804880e-01, v16  }
0x2d2: {  	v19 =	vld [tilespmem:s25+$0x4050];
	v11 =	vtrunc.f32 v11;
	v9 =	vadd.f32 $8.865566250e-01, v9  }
0x2d3: {  	v7 =	vmul.f32 v10, v7;
	v11 =	vcvt.f32.s32 v11;
	v17 =	vsub.f32 $8.869645600e-01, v17  }
0x2d4: {  	v20 =	vmax.f32 v10, $0.0e+00;
	v18 =	vsub.f32 $1.000000000e+00, v13;
	v9 =	vmul.f32 v9, v6  }
0x2d5: {  	v7 =	vsub.f32 v20, v7;
	vm7 =	vlt.s32 v11, $0x4;
	v17 =	vmul.f32 v17, v16  }
0x2d6: {  	v15 =	vsub.f32 $1.000000000e+00, v12;
	v10 =	vnsel vm7, $0x4, v11;
	v9 =	vadd.f32 $-1.333342670e+00, v9  }
0x2d7: {  	v18 =	vmax.f32 v13, v18;
	v11 =	vsub.f32 v14, v19;
	v14 =	vadd.f32 $-7.874456040e-01, v17  }
0x2d8: {  	v18 =	vadd.f32 $-7.500000000e-01, v18;
	v6 =	vmul.f32 v9, v6;
	v9 =	vshll.u32 v10, $0x4  }
0x2d9: {  	v15 =	vmax.f32 v12, v15;
	v10 =	vpop (erf);
	v9 =	vor.u32 v2, v9;
	v14 =	vmul.f32 v14, v16  }
0x2da: {  	v11 =	vand.u32 $0x7FFFFFFF, v11;
	v10 =	vadd.f32 $1.000000000e+00, v10;
	v6 =	vadd.f32 $2.876902220e-01, v6  }
0x2db: {  	v11 =	vmul.f32 $5.000000000e+00, v11;
	v17 =	vmul.f32 $9.538804880e-01, v18;
	v14 =	vadd.f32 $8.865566250e-01, v14  }
0x2dc: {  	v20 =	vld [tilespmem:s29+$0x4010];
	v15 =	vadd.f32 $-7.500000000e-01, v15;
	(erf) = vrcp.f32 v10;
	v6 =	vadd.f32 v6, v7  }
0x2dd: {  	v10 =	vsub.f32 $8.869645600e-01, v17;
	v7 =	vtrunc.f32 v11;
	v11 =	vmul.f32 v14, v16  }
0x2de: {  	v14 =	vcvt.f32.s32 v7;
	v7 =	vmul.f32 $9.538804880e-01, v15;
	[tilespmem:v9+s19+$0x0] =	vst.idx.add.f32.msk $0xffff, v6  }
0x2df: {  	v6 =	vmul.f32 v10, v18;
	[tilespmem:v9+s20+$0x0] =	vst.idx.add.f32.msk $0xffff, v1  }
0x2e0: {  	v9 =	vadd.f32 $-1.333342670e+00, v11;
	vm8 =	vlt.s32 v14, $0x4;
	v10 =	vsub.f32 $8.869645600e-01, v7;
	v7 =	vld [tilespmem:s28+$0x30]  }
0x2e1: {  	v11 =	vsub.f32 v13, v20;
	v6 =	vadd.f32 $-7.874456040e-01, v6;
	v13 =	vnsel vm8, $0x4, v14  }
0x2e2: {  	v14 =	vmul.f32 v8, v19;
	v9 =	vmul.f32 v9, v16;
	v13 =	vshll.u32 v13, $0x4  }
0x2e3: {  	v8 =	vmax.f32 v8, $0.0e+00;
	v16 =	vld [tilespmem:s30+$0x4000];
	v13 =	vor.u32 v2, v13  }
0x2e4: {  	v6 =	vmul.f32 v6, v18;
	v8 =	vsub.f32 v8, v14;
	v9 =	vadd.f32 $2.876902220e-01, v9  }
0x2e5: {  	v10 =	vmul.f32 v10, v15;
	v11 =	vand.u32 $0x7FFFFFFF, v11;
	v14 =	vsub.f32 $0.0e+00, v7  }
0x2e6: {  	v17 =	vpop (erf);
	v6 =	vadd.f32 $8.865566250e-01, v6;
	v8 =	vadd.f32 v9, v8;
	v9 =	vmul.f32 $5.000000000e+00, v11  }
0x2e7: {  	v10 =	vadd.f32 $-7.874456040e-01, v10;
	v11 =	vsub.f32 $1.000000000e+00, v17;
	v14 =	vmul.f32 $1.442695020e+00, v14  }
0x2e8: {  	v12 =	vsub.f32 v12, v16;
	[tilespmem:v13+s19+$0x0] =	vst.idx.add.f32.msk $0xffff, v8;
	v8 =	vtrunc.f32 v9;
	v9 =	vmul.f32 v6, v18  }
0x2e9: {  	v6 =	vmax.f32 v17, v11;
	[tilespmem:v13+s20+$0x0] =	vst.idx.add.f32.msk $0xffff, v1;
	v8 =	vcvt.f32.s32 v8;
	(erf) = vpow2.f32 v14  }
0x2ea: {  	v10 =	vmul.f32 v10, v15;
	v13 =	vadd.f32 $-7.500000000e-01, v6;
	v6 =	vld [tilespmem:s25+$0x60]  }
0x2eb: {  	v11 =	vand.u32 $0x7FFFFFFF, v12;
	v9 =	vadd.f32 $-1.333342670e+00, v9;
	vm9 =	vlt.s32 v8, $0x4  }
0x2ec: {  	v12 =	vmul.f32 v4, v20;
	v14 =	vmul.f32 $9.538804880e-01, v13;
	v8 =	vnsel vm9, $0x4, v8  }
0x2ed: {  	v4 =	vmax.f32 v4, $0.0e+00;
	v9 =	vmul.f32 v9, v18;
	v18 =	vld [tilespmem:s26+$0x4040];
	v8 =	vshll.u32 v8, $0x4  }
0x2ee: {  	v4 =	vsub.f32 v4, v12;
	v12 =	vsub.f32 $8.869645600e-01, v14;
	v8 =	vor.u32 v2, v8  }
0x2ef: {  	v9 =	vadd.f32 $2.876902220e-01, v9;
	v14 =	vsub.f32 $0.0e+00, v6  }
0x2f0: {  	v10 =	vadd.f32 $8.865566250e-01, v10;
	v12 =	vmul.f32 v12, v13  }
0x2f1: {  	v11 =	vmul.f32 $5.000000000e+00, v11;
	v4 =	vadd.f32 v9, v4;
	v9 =	vmul.f32 $1.442695020e+00, v14  }
0x2f2: {  	v10 =	vmul.f32 v10, v15;
	v14 =	vsub.f32 v17, v18;
	v12 =	vadd.f32 $-7.874456040e-01, v12;
	v19 =	vpop (erf)  }
0x2f3: {  	v11 =	vtrunc.f32 v11;
	(erf) = vpow2.f32 v9;
	[tilespmem:v8+s19+$0x0] =	vst.idx.add.f32.msk $0xffff, v4;
	v4 =	vadd.f32 $1.000000000e+00, v19  }
0x2f4: {  	v9 =	vand.u32 $0x7FFFFFFF, v14;
	v12 =	vmul.f32 v12, v13;
	v14 =	vcvt.f32.s32 v11  }
0x2f5: {  	v10 =	vadd.f32 $-1.333342670e+00, v10;
	[tilespmem:v8+s20+$0x0] =	vst.idx.add.f32.msk $0xffff, v1;
	v8 =	vmul.f32 $5.000000000e+00, v9;
	(erf) = vrcp.f32 v4  }
0x2f6: {  	v17 =	vmax.f32 v3, $0.0e+00;
	v4 =	vadd.f32 $8.865566250e-01, v12  }
0x2f7: {  	v9 =	vmul.f32 v10, v15;
	vm10 =	vlt.s32 v14, $0x4;
	v8 =	vtrunc.f32 v8  }
0x2f8: {  	v10 =	vnsel vm10, $0x4, v14;
	v8 =	vcvt.f32.s32 v8;
	v4 =	vmul.f32 v4, v13  }
0x2f9: {  	v3 =	vmul.f32 v3, v16;
	v12 =	vmul.f32 v5, v18;
	v10 =	vshll.u32 v10, $0x4  }
0x2fa: {  	v11 =	vld [tilespmem:s29+$0x20];
	v10 =	vor.u32 v2, v10;
	vm11 =	vlt.s32 v8, $0x4;
	v4 =	vadd.f32 $-1.333342670e+00, v4  }
0x2fb: {  	v3 =	vsub.f32 v17, v3;
	v9 =	vadd.f32 $2.876902220e-01, v9;
	v8 =	vnsel vm11, $0x4, v8  }
0x2fc: {  	s31 =	simm.s32 $0x280;
	v5 =	vmax.f32 v5, $0.0e+00;
	v8 =	vshll.u32 v8, $0x4;
	v4 =	vmul.f32 v4, v13;
	v14 =	vpop (erf)  }
0x2fd: {  	v3 =	vadd.f32 v9, v3;
	v13 =	vld [tilespmem:s31+$0x0];
	v8 =	vor.u32 v2, v8;
	v14 =	vadd.f32 $1.000000000e+00, v14  }
0x2fe: {  	v5 =	vsub.f32 v5, v12;
	v4 =	vadd.f32 $2.876902220e-01, v4;
	v12 =	vpop (erf)  }
0x2ff: {  	v9 =	vsub.f32 $0.0e+00, v11;
	[tilespmem:v10+s19+$0x0] =	vst.idx.add.f32.msk $0xffff, v3;
	(erf) = vrcp.f32 v14;
	v3 =	vsub.f32 $1.000000000e+00, v12  }
0x300: {  	[tilespmem:v10+s20+$0x0] =	vst.idx.add.f32.msk $0xffff, v1;
	v5 =	vadd.f32 v4, v5  }
0x301: {  	v9 =	vmul.f32 $1.442695020e+00, v9;
	v4 =	vld [tilespmem:s30+$0x10];
	v3 =	vmax.f32 v12, v3  }
0x302: {  	v10 =	vsub.f32 $0.0e+00, v13;
	[tilespmem:v8+s19+$0x0] =	vst.idx.add.f32.msk $0xffff, v5;
	v3 =	vadd.f32 $-7.500000000e-01, v3  }
0x303: {  	(erf) = vpow2.f32 v9;
	[tilespmem:v8+s20+$0x0] =	vst.idx.add.f32.msk $0xffff, v1  }
0x304: {  	v5 =	vmul.f32 $1.442695020e+00, v10;
	v10 =	vld [tilespmem:s26+$0x50];
	v9 =	vmul.f32 $9.538804880e-01, v3  }
0x305: {  	v8 =	vld [tilespmem:s28+$0x4030]  }
0x306: {  	(erf) = vpow2.f32 v5;
	v5 =	vsub.f32 $0.0e+00, v4;
	v9 =	vsub.f32 $8.869645600e-01, v9;
	_ =	sdelay $0x1  }
0x307: {  	v5 =	vmul.f32 $1.442695020e+00, v5;
	v14 =	vpop (erf);
	v9 =	vmul.f32 v9, v3  }
0x308: {  	v15 =	vsub.f32 $0.0e+00, v10;
	v16 =	vsub.f32 $1.000000000e+00, v14  }
0x309: {  	(erf) = vpow2.f32 v5;
	v5 =	vsub.f32 v12, v8;
	v9 =	vadd.f32 $-7.874456040e-01, v9  }
0x30a: {  	v15 =	vmul.f32 $1.442695020e+00, v15;
	v16 =	vmax.f32 v14, v16  }
0x30b: {  	v12 =	vpop (erf);
	v5 =	vand.u32 $0x7FFFFFFF, v5;
	v16 =	vadd.f32 $-7.500000000e-01, v16;
	v9 =	vmul.f32 v9, v3  }
0x30c: {  	v12 =	vadd.f32 $1.000000000e+00, v12;
	v5 =	vmul.f32 $5.000000000e+00, v5;
	(erf) = vpow2.f32 v15  }
0x30d: {  	v15 =	vmul.f32 $9.538804880e-01, v16;
	v9 =	vadd.f32 $8.865566250e-01, v9  }
0x30e: {  	v17 =	vpop (erf);
	(erf) = vrcp.f32 v12;
	v12 =	vld [tilespmem:s25+$0x4060];
	v5 =	vtrunc.f32 v5  }
0x30f: {  	v17 =	vadd.f32 $1.000000000e+00, v17;
	v15 =	vsub.f32 $8.869645600e-01, v15;
	v9 =	vmul.f32 v9, v3  }
0x310: {  	v5 =	vcvt.f32.s32 v5  }
0x311: {  	(erf) = vrcp.f32 v17;
	v15 =	vmul.f32 v15, v16;
	v9 =	vadd.f32 $-1.333342670e+00, v9  }
0x312: {  	v17 =	vmax.f32 v7, $0.0e+00;
	v7 =	vmul.f32 v7, v8;
	vm12 =	vlt.s32 v5, $0x4  }
0x313: {  	v8 =	vpop (erf);
	v5 =	vnsel vm12, $0x4, v5;
	v14 =	vsub.f32 v14, v12;
	v15 =	vadd.f32 $-7.874456040e-01, v15  }
0x314: {  	v8 =	vadd.f32 $1.000000000e+00, v8;
	v7 =	vsub.f32 v17, v7;
	v5 =	vshll.u32 v5, $0x4  }
0x315: {  	v3 =	vmul.f32 v9, v3;
	v14 =	vand.u32 $0x7FFFFFFF, v14;
	v9 =	vpop (erf);
	v15 =	vmul.f32 v15, v16  }
0x316: {  	v5 =	vor.u32 v2, v5;
	v14 =	vmul.f32 $5.000000000e+00, v14;
	v9 =	vadd.f32 $1.000000000e+00, v9  }
0x317: {  	(erf) = vrcp.f32 v8;
	v3 =	vadd.f32 $2.876902220e-01, v3;
	v17 =	vpop (erf);
	v8 =	vadd.f32 $8.865566250e-01, v15  }
0x318: {  	v15 =	vsub.f32 $1.000000000e+00, v17;
	(erf) = vrcp.f32 v9;
	v9 =	vtrunc.f32 v14  }
0x319: {  	v3 =	vadd.f32 v3, v7;
	v7 =	vmul.f32 v8, v16;
	v8 =	vcvt.f32.s32 v9  }
0x31a: {  	v9 =	vld [tilespmem:s31+$0x4000]  }
0x31b: {  	v14 =	vpop (erf);
	v15 =	vmax.f32 v17, v15;
	[tilespmem:v5+s19+$0x0] =	vst.idx.add.f32.msk $0xffff, v3;
	v3 =	vadd.f32 $-1.333342670e+00, v7;
	vm13 =	vlt.s32 v8, $0x4  }
0x31c: {  	v18 =	vsub.f32 $1.000000000e+00, v14;
	v15 =	vadd.f32 $-7.500000000e-01, v15;
	v7 =	vnsel vm13, $0x4, v8  }
0x31d: {  	[tilespmem:v5+s20+$0x0] =	vst.idx.add.f32.msk $0xffff, v1;
	v8 =	vmul.f32 v6, v12;
	v3 =	vmul.f32 v3, v16;
	v7 =	vshll.u32 v7, $0x4  }
0x31e: {  	v5 =	vld [tilespmem:s28+$0x40];
	v12 =	vmul.f32 $9.538804880e-01, v15;
	v6 =	vmax.f32 v6, $0.0e+00;
	v19 =	vor.u32 v2, v7  }
0x31f: {  	v16 =	vld [tilespmem:s29+$0x4020];
	v7 =	vmax.f32 v13, $0.0e+00;
	v6 =	vsub.f32 v6, v8;
	v3 =	vadd.f32 $2.876902220e-01, v3  }
0x320: {  	v20 =	vsub.f32 v14, v9;
	v8 =	vmul.f32 v13, v9;
	v21 =	vpop (erf);
	v9 =	vsub.f32 $8.869645600e-01, v12  }
0x321: {  	v13 =	vmax.f32 v14, v18;
	v12 =	vsub.f32 $1.000000000e+00, v21;
	v14 =	vpop (erf);
	v3 =	vadd.f32 v3, v6  }
0x322: {  	v22 =	vmax.f32 v11, $0.0e+00;
	v6 =	vmul.f32 v9, v15;
	v18 =	vsub.f32 $1.000000000e+00, v14  }
0x323: {  	v20 =	vand.u32 $0x7FFFFFFF, v20;
	v9 =	vsub.f32 $0.0e+00, v5;
	v12 =	vmax.f32 v21, v12;
	[tilespmem:v19+s19+$0x0] =	vst.idx.add.f32.msk $0xffff, v3  }
0x324: {  	v17 =	vsub.f32 v17, v16;
	v6 =	vadd.f32 $-7.874456040e-01, v6;
	v3 =	vmax.f32 v14, v18;
	[tilespmem:v19+s20+$0x0] =	vst.idx.add.f32.msk $0xffff, v1  }
0x325: {  	v12 =	vadd.f32 $-7.500000000e-01, v12;
	v9 =	vmul.f32 $1.442695020e+00, v9;
	v19 =	vadd.f32 $-7.500000000e-01, v3;
	v3 =	vld [tilespmem:s25+$0x70]  }
0x326: {  	v23 =	vld [tilespmem:s26+$0x4050];
	v11 =	vmul.f32 v11, v16;
	v17 =	vand.u32 $0x7FFFFFFF, v17;
	v6 =	vmul.f32 v6, v15  }
0x327: {  	(erf) = vpow2.f32 v9;
	v9 =	vadd.f32 $-7.500000000e-01, v13;
	v13 =	vmul.f32 $5.000000000e+00, v17  }
0x328: {  	v18 =	vmul.f32 $5.000000000e+00, v20;
	v17 =	vmul.f32 $9.538804880e-01, v19;
	v6 =	vadd.f32 $8.865566250e-01, v6  }
0x329: {  	v20 =	vmul.f32 $9.538804880e-01, v12;
	v13 =	vtrunc.f32 v13  }
0x32a: {  	v16 =	vsub.f32 $8.869645600e-01, v17;
	v6 =	vmul.f32 v6, v15;
	v17 =	vsub.f32 $0.0e+00, v3  }
0x32b: {  	v11 =	vsub.f32 v22, v11;
	v14 =	vsub.f32 v14, v23;
	v13 =	vcvt.f32.s32 v13  }
0x32c: {  	v16 =	vmul.f32 v16, v19;
	v6 =	vadd.f32 $-1.333342670e+00, v6;
	v17 =	vmul.f32 $1.442695020e+00, v17  }
0x32d: {  	v20 =	vsub.f32 $8.869645600e-01, v20;
	v14 =	vand.u32 $0x7FFFFFFF, v14;
	vm14 =	vlt.s32 v13, $0x4  }
0x32e: {  	v13 =	vnsel vm14, $0x4, v13;
	v16 =	vadd.f32 $-7.874456040e-01, v16;
	v6 =	vmul.f32 v6, v15  }
0x32f: {  	v14 =	vmul.f32 $5.000000000e+00, v14;
	v15 =	vshll.u32 v13, $0x4;
	(erf) = vpow2.f32 v17  }
0x330: {  	v13 =	vld [tilespmem:s30+$0x4010];
	v15 =	vor.u32 v2, v15;
	v16 =	vmul.f32 v16, v19;
	v6 =	vadd.f32 $2.876902220e-01, v6;
	v17 =	vpop (erf)  }
0x331: {  	v20 =	vmul.f32 v20, v12;
	v17 =	vadd.f32 $1.000000000e+00, v17  }
0x332: {  	v16 =	vadd.f32 $8.865566250e-01, v16;
	v6 =	vadd.f32 v6, v11;
	v11 =	vtrunc.f32 v14  }
0x333: {  	v11 =	vcvt.f32.s32 v11  }
0x334: {  	v20 =	vadd.f32 $-7.874456040e-01, v20;
	(erf) = vrcp.f32 v17;
	v16 =	vmul.f32 v16, v19  }
0x335: {  	v61 =	vmul.f32 $9.538804880e-01, v9;
	v14 =	vtrunc.f32 v18;
	v18 =	vsub.f32 v21, v13;
	[tilespmem:v15+s19+$0x0] =	vst.idx.add.f32.msk $0xffff, v6  }
0x336: {  	v62 =	vmax.f32 v10, $0.0e+00;
	[tilespmem:v15+s20+$0x0] =	vst.idx.add.f32.msk $0xffff, v1;
	vm15 =	vlt.s32 v11, $0x4;
	v15 =	vadd.f32 $-1.333342670e+00, v16  }
0x337: {  	v17 =	vsub.f32 $8.869645600e-01, v61;
	v16 =	vand.u32 $0x7FFFFFFF, v18;
	v11 =	vnsel vm15, $0x4, v11  }
0x338: {  	v18 =	vmul.f32 v20, v12;
	v6 =	vld [tilespmem:s29+$0x30];
	v11 =	vshll.u32 v11, $0x4;
	v15 =	vmul.f32 v15, v19;
	v20 =	vpop (erf)  }
0x339: {  	v19 =	vmul.f32 v10, v23;
	v10 =	vor.u32 v2, v11;
	v11 =	vadd.f32 $1.000000000e+00, v20  }
0x33a: {  	v17 =	vmul.f32 v17, v9  }
0x33b: {  	v20 =	vmul.f32 $5.000000000e+00, v16;
	v63 =	vadd.f32 $2.876902220e-01, v15;
	v19 =	vsub.f32 v62, v19  }
0x33c: {  	v16 =	vadd.f32 $-7.874456040e-01, v17;
	v15 =	vadd.f32 $8.865566250e-01, v18;
	(erf) = vrcp.f32 v11  }
0x33d: {  	s1 =	simm.s32 $0xC00;
	v17 =	vtrunc.f32 v20;
	v18 =	vsub.f32 $0.0e+00, v6;
	v19 =	vadd.f32 v63, v19;
	v11 =	vpop (erf)  }
.LBB2_4:
0x33e: {  	p0 =	seq.s32 s1, $0xF800;
	v16 =	vmul.f32 v16, v9;
	v17 =	vcvt.f32.s32 v17;
	v20 =	vsub.f32 $1.000000000e+00, v11  }
0x33f: {  	v8 =	vsub.f32 v7, v8;
	v7 =	vmul.f32 v15, v12;
	v15 =	vmul.f32 $1.442695020e+00, v18;
	[tilespmem:v10+s19+$0x0] =	vst.idx.add.f32.msk $0xffff, v19  }
0x340: {  	v16 =	vadd.f32 $8.865566250e-01, v16;
	vm0 =	vlt.s32 v17, $0x4;
	v18 =	vmax.f32 v11, v20;
	[tilespmem:v10+s20+$0x0] =	vst.idx.add.f32.msk $0xffff, v1  }
0x341: {  	v10 =	vadd.f32 $-1.333342670e+00, v7;
	(erf) = vpow2.f32 v15;
	v15 =	vadd.f32 $-7.500000000e-01, v18;
	v7 =	vld [tilespmem:s26+$0x60]  }
0x342: {  	v18 =	vmax.f32 v4, $0.0e+00;
	v4 =	vmul.f32 v4, v13;
	v13 =	vnsel vm0, $0x4, v17  }
0x343: {  	v10 =	vmul.f32 v10, v12;
	v12 =	vshll.u32 v13, $0x4;
	v13 =	vmul.f32 $9.538804880e-01, v15  }
0x344: {  	v14 =	vcvt.f32.s32 v14;
	v4 =	vsub.f32 v18, v4;
	v12 =	vor.u32 v2, v12;
	v17 =	vld [tilespmem:s28+$0x4040]  }
0x345: {  	v16 =	vmul.f32 v16, v9;
	v10 =	vadd.f32 $2.876902220e-01, v10;
	v13 =	vsub.f32 $8.869645600e-01, v13;
	v18 =	vpop (erf)  }
0x346: {  	v19 =	vsub.f32 $0.0e+00, v7;
	v20 =	vsub.f32 $1.000000000e+00, v18  }
0x347: {  	vm0 =	vlt.s32 v14, $0x4;
	v16 =	vadd.f32 $-1.333342670e+00, v16;
	v4 =	vadd.f32 v10, v4  }
0x348: {  	v10 =	vmul.f32 v13, v15;
	v13 =	vmul.f32 $1.442695020e+00, v19;
	v19 =	vmax.f32 v18, v20  }
0x349: {  	v14 =	vnsel vm0, $0x4, v14;
	[tilespmem:v12+s19+$0x0] =	vst.idx.add.f32.msk $0xffff, v4;
	v4 =	vsub.f32 v11, v17;
	v11 =	vadd.f32 $-7.500000000e-01, v19  }
0x34a: {  	v9 =	vmul.f32 v16, v9;
	v16 =	vadd.f32 $-7.874456040e-01, v10;
	[tilespmem:v12+s20+$0x0] =	vst.idx.add.f32.msk $0xffff, v1;
	v12 =	vpop (erf);
	(erf) = vpow2.f32 v13  }
0x34b: {  	v10 =	vld [tilespmem:s30+$0x20];
	v12 =	vadd.f32 $1.000000000e+00, v12;
	v4 =	vand.u32 $0x7FFFFFFF, v4;
	v13 =	vmul.f32 $9.538804880e-01, v11  }
0x34c: {  	v14 =	vshll.u32 v14, $0x4;
	v16 =	vmul.f32 v16, v15;
	v4 =	vmul.f32 $5.000000000e+00, v4;
	v19 =	vld [tilespmem:s25+$0x4070];
	s25 =	smov.u32 s26;
	s26 =	smov.u32 s28;
	s28 =	smov.u32 s29  }
0x34d: {  	v9 =	vadd.f32 $2.876902220e-01, v9;
	s29 =	smov.u32 s30;
	s30 =	smov.u32 s31;
	(erf) = vrcp.f32 v12;
	v12 =	vsub.f32 $8.869645600e-01, v13  }
0x34e: {  	v13 =	vor.u32 v2, v14;
	v14 =	vadd.f32 $8.865566250e-01, v16;
	v4 =	vtrunc.f32 v4  }
0x34f: {  	v9 =	vadd.f32 v9, v8;
	v4 =	vcvt.f32.s32 v4;
	v8 =	vmul.f32 v12, v11  }
0x350: {  	v16 =	vmax.f32 v5, $0.0e+00;
	v14 =	vmul.f32 v14, v15;
	v12 =	vsub.f32 $0.0e+00, v10  }
0x351: {  	vm0 =	vlt.s32 v4, $0x4;
	v18 =	vsub.f32 v18, v19;
	v20 =	vadd.f32 $-7.874456040e-01, v8  }
0x352: {  	s31 =	sshra.s32 s1, $0x2;
	v5 =	vmul.f32 v5, v17;
	v14 =	vadd.f32 $-1.333342670e+00, v14;
	v4 =	vnsel vm0, $0x4, v4  }
0x353: {  	v8 =	vld [tilespmem:s31+$0x0];
	v4 =	vshll.u32 v4, $0x4;
	v17 =	vpop (erf);
	v18 =	vand.u32 $0x7FFFFFFF, v18;
	v20 =	vmul.f32 v20, v11  }
0x354: {  	v14 =	vmul.f32 v14, v15;
	v15 =	vadd.f32 $1.000000000e+00, v17;
	v17 =	vmul.f32 $5.000000000e+00, v18  }
0x355: {  	v5 =	vsub.f32 v16, v5;
	v16 =	vor.u32 v2, v4;
	v4 =	vadd.f32 $8.865566250e-01, v20  }
0x356: {  	v14 =	vadd.f32 $2.876902220e-01, v14;
	v18 =	vpop (erf);
	(erf) = vrcp.f32 v15;
	v15 =	vtrunc.f32 v17  }
0x357: {  	[tilespmem:v13+s19+$0x0] =	vst.idx.add.f32.msk $0xffff, v9;
	v9 =	vsub.f32 $1.000000000e+00, v18;
	v17 =	vmul.f32 v4, v11;
	v15 =	vcvt.f32.s32 v15  }
0x358: {  	v12 =	vmul.f32 $1.442695020e+00, v12;
	v5 =	vadd.f32 v14, v5;
	v20 =	vsub.f32 $0.0e+00, v8;
	[tilespmem:v13+s20+$0x0] =	vst.idx.add.f32.msk $0xffff, v1  }
0x359: {  	v4 =	vld [tilespmem:s30+$0x10];
	v9 =	vmax.f32 v18, v9;
	v13 =	vadd.f32 $-1.333342670e+00, v17;
	vm0 =	vlt.s32 v15, $0x4  }
0x35a: {  	(erf) = vpow2.f32 v12;
	v9 =	vadd.f32 $-7.500000000e-01, v9;
	[tilespmem:v16+s19+$0x0] =	vst.idx.add.f32.msk $0xffff, v5;
	v5 =	vnsel vm0, $0x4, v15  }
0x35b: {  	[tilespmem:v16+s20+$0x0] =	vst.idx.add.f32.msk $0xffff, v1;
	v12 =	vmul.f32 v13, v11;
	v13 =	vmul.f32 v3, v19;
	v5 =	vshll.u32 v5, $0x4  }
0x35c: {  	v14 =	vmul.f32 $1.442695020e+00, v20;
	v3 =	vmax.f32 v3, $0.0e+00;
	v11 =	vld [tilespmem:s26+$0x50];
	v5 =	vor.u32 v2, v5  }
0x35d: {  	v17 =	vmul.f32 $9.538804880e-01, v9;
	v15 =	vld [tilespmem:s28+$0x4030];
	v12 =	vadd.f32 $2.876902220e-01, v12;
	v3 =	vsub.f32 v3, v13  }
0x35e: {  	(erf) = vpow2.f32 v14;
	v13 =	vsub.f32 $0.0e+00, v4  }
0x35f: {  	v14 =	vsub.f32 $8.869645600e-01, v17;
	v16 =	vpop (erf);
	v3 =	vadd.f32 v12, v3  }
0x360: {  	v12 =	vmul.f32 $1.442695020e+00, v13  }
0x361: {  	v13 =	vmul.f32 v14, v9;
	v17 =	vsub.f32 $1.000000000e+00, v16;
	v14 =	vsub.f32 $0.0e+00, v11;
	[tilespmem:v5+s19+$0x0] =	vst.idx.add.f32.msk $0xffff, v3  }
0x362: {  	(erf) = vpow2.f32 v12;
	v3 =	vsub.f32 v18, v15;
	[tilespmem:v5+s20+$0x0] =	vst.idx.add.f32.msk $0xffff, v1  }
0x363: {  	v12 =	vadd.f32 $-7.874456040e-01, v13;
	v5 =	vpop (erf);
	v13 =	vmul.f32 $1.442695020e+00, v14;
	v14 =	vmax.f32 v16, v17  }
0x364: {  	v5 =	vadd.f32 $1.000000000e+00, v5;
	v14 =	vadd.f32 $-7.500000000e-01, v14  }
0x365: {  	v3 =	vand.u32 $0x7FFFFFFF, v3;
	v12 =	vmul.f32 v12, v9;
	(erf) = vpow2.f32 v13  }
0x366: {  	v3 =	vmul.f32 $5.000000000e+00, v3;
	v13 =	vmul.f32 $9.538804880e-01, v14  }
0x367: {  	v17 =	vpop (erf);
	(erf) = vrcp.f32 v5;
	v5 =	vadd.f32 $8.865566250e-01, v12;
	v12 =	vld [tilespmem:s25+$0x4060]  }
0x368: {  	v3 =	vtrunc.f32 v3;
	v17 =	vadd.f32 $1.000000000e+00, v17;
	v13 =	vsub.f32 $8.869645600e-01, v13  }
0x369: {  	v3 =	vcvt.f32.s32 v3;
	v5 =	vmul.f32 v5, v9  }
0x36a: {  	(erf) = vrcp.f32 v17;
	v17 =	vmax.f32 v6, $0.0e+00;
	v13 =	vmul.f32 v13, v14  }
0x36b: {  	v6 =	vmul.f32 v6, v15;
	vm0 =	vlt.s32 v3, $0x4;
	v18 =	vpop (erf);
	v5 =	vadd.f32 $-1.333342670e+00, v5  }
0x36c: {  	v3 =	vnsel vm0, $0x4, v3;
	v15 =	vsub.f32 v16, v12;
	v13 =	vadd.f32 $-7.874456040e-01, v13  }
0x36d: {  	v18 =	vadd.f32 $1.000000000e+00, v18;
	v6 =	vsub.f32 v17, v6;
	v3 =	vshll.u32 v3, $0x4  }
0x36e: {  	v5 =	vmul.f32 v5, v9;
	v9 =	vpop (erf);
	v15 =	vand.u32 $0x7FFFFFFF, v15;
	v13 =	vmul.f32 v13, v14  }
0x36f: {  	v3 =	vor.u32 v2, v3;
	v9 =	vadd.f32 $1.000000000e+00, v9;
	v15 =	vmul.f32 $5.000000000e+00, v15  }
0x370: {  	v5 =	vadd.f32 $2.876902220e-01, v5;
	(erf) = vrcp.f32 v18;
	v16 =	vpop (erf);
	v13 =	vadd.f32 $8.865566250e-01, v13  }
0x371: {  	v17 =	vsub.f32 $1.000000000e+00, v16;
	(erf) = vrcp.f32 v9;
	v9 =	vtrunc.f32 v15  }
0x372: {  	v5 =	vadd.f32 v5, v6;
	v6 =	vmul.f32 v13, v14;
	v9 =	vcvt.f32.s32 v9  }
0x373: {  	v13 =	vld [tilespmem:s31+$0x4000];
	v15 =	vpop (erf)  }
0x374: {  	v17 =	vmax.f32 v16, v17;
	[tilespmem:v3+s19+$0x0] =	vst.idx.add.f32.msk $0xffff, v5;
	v6 =	vadd.f32 $-1.333342670e+00, v6;
	vm0 =	vlt.s32 v9, $0x4  }
0x375: {  	v18 =	vsub.f32 $1.000000000e+00, v15;
	v17 =	vadd.f32 $-7.500000000e-01, v17;
	[tilespmem:v3+s20+$0x0] =	vst.idx.add.f32.msk $0xffff, v1;
	v3 =	vnsel vm0, $0x4, v9  }
0x376: {  	v9 =	vmul.f32 v7, v12;
	v5 =	vld [tilespmem:s28+$0x40];
	v6 =	vmul.f32 v6, v14;
	v3 =	vshll.u32 v3, $0x4  }
0x377: {  	v19 =	vmax.f32 v7, $0.0e+00;
	v12 =	vmul.f32 $9.538804880e-01, v17;
	v14 =	vld [tilespmem:s29+$0x4020];
	v3 =	vor.u32 v2, v3  }
0x378: {  	v7 =	vmax.f32 v8, $0.0e+00;
	v9 =	vsub.f32 v19, v9;
	v6 =	vadd.f32 $2.876902220e-01, v6  }
0x379: {  	v19 =	vsub.f32 v15, v13;
	v8 =	vmul.f32 v8, v13;
	v12 =	vsub.f32 $8.869645600e-01, v12;
	v20 =	vpop (erf)  }
0x37a: {  	v13 =	vmax.f32 v15, v18;
	v15 =	vsub.f32 $1.000000000e+00, v20;
	v18 =	vpop (erf);
	v6 =	vadd.f32 v6, v9  }
0x37b: {  	v9 =	vmul.f32 v12, v17;
	v12 =	vsub.f32 $0.0e+00, v5;
	v21 =	vsub.f32 $1.000000000e+00, v18  }
0x37c: {  	v19 =	vand.u32 $0x7FFFFFFF, v19;
	v15 =	vmax.f32 v20, v15;
	v16 =	vsub.f32 v16, v14;
	[tilespmem:v3+s19+$0x0] =	vst.idx.add.f32.msk $0xffff, v6  }
0x37d: {  	v6 =	vadd.f32 $-7.874456040e-01, v9;
	v9 =	vmul.f32 $1.442695020e+00, v12;
	v21 =	vmax.f32 v18, v21;
	[tilespmem:v3+s20+$0x0] =	vst.idx.add.f32.msk $0xffff, v1  }
0x37e: {  	v19 =	vmul.f32 $5.000000000e+00, v19;
	v12 =	vadd.f32 $-7.500000000e-01, v15;
	v15 =	vadd.f32 $-7.500000000e-01, v21;
	v3 =	vld [tilespmem:s25+$0x70]  }
0x37f: {  	v16 =	vand.u32 $0x7FFFFFFF, v16;
	v6 =	vmul.f32 v6, v17;
	(erf) = vpow2.f32 v9  }
0x380: {  	v9 =	vadd.f32 $-7.500000000e-01, v13;
	v13 =	vmul.f32 $5.000000000e+00, v16;
	v16 =	vmul.f32 $9.538804880e-01, v15  }
0x381: {  	v22 =	vmax.f32 v10, $0.0e+00;
	v21 =	vmul.f32 $9.538804880e-01, v12;
	v6 =	vadd.f32 $8.865566250e-01, v6;
	v23 =	vld [tilespmem:s26+$0x4050]  }
0x382: {  	v10 =	vmul.f32 v10, v14;
	v13 =	vtrunc.f32 v13;
	v14 =	vsub.f32 $8.869645600e-01, v16  }
0x383: {  	v6 =	vmul.f32 v6, v17;
	v13 =	vcvt.f32.s32 v13;
	v16 =	vsub.f32 $0.0e+00, v3  }
0x384: {  	v10 =	vsub.f32 v22, v10;
	v21 =	vsub.f32 $8.869645600e-01, v21;
	v14 =	vmul.f32 v14, v15  }
0x385: {  	v6 =	vadd.f32 $-1.333342670e+00, v6;
	vm0 =	vlt.s32 v13, $0x4;
	v16 =	vmul.f32 $1.442695020e+00, v16  }
0x386: {  	v13 =	vnsel vm0, $0x4, v13;
	v18 =	vsub.f32 v18, v23;
	v14 =	vadd.f32 $-7.874456040e-01, v14  }
0x387: {  	v6 =	vmul.f32 v6, v17;
	v22 =	vshll.u32 v13, $0x4;
	(erf) = vpow2.f32 v16  }
0x388: {  	v16 =	vor.u32 v2, v22;
	v13 =	vld [tilespmem:s30+$0x4010];
	v17 =	vpop (erf);
	v18 =	vand.u32 $0x7FFFFFFF, v18;
	v14 =	vmul.f32 v14, v15  }
0x389: {  	v6 =	vadd.f32 $2.876902220e-01, v6;
	v17 =	vadd.f32 $1.000000000e+00, v17;
	v18 =	vmul.f32 $5.000000000e+00, v18  }
0x38a: {  	v21 =	vmul.f32 v21, v12;
	v22 =	vmul.f32 $9.538804880e-01, v9;
	v14 =	vadd.f32 $8.865566250e-01, v14  }
0x38b: {  	v6 =	vadd.f32 v6, v10;
	(erf) = vrcp.f32 v17;
	v10 =	vtrunc.f32 v18  }
0x38c: {  	v17 =	vsub.f32 $8.869645600e-01, v22;
	v18 =	vmul.f32 v14, v15;
	v10 =	vcvt.f32.s32 v10  }
0x38d: {  	v21 =	vadd.f32 $-7.874456040e-01, v21;
	v14 =	vtrunc.f32 v19;
	v19 =	vsub.f32 v20, v13;
	[tilespmem:v16+s19+$0x0] =	vst.idx.add.f32.msk $0xffff, v6  }
0x38e: {  	v17 =	vmul.f32 v17, v9;
	[tilespmem:v16+s20+$0x0] =	vst.idx.add.f32.msk $0xffff, v1;
	v16 =	vadd.f32 $-1.333342670e+00, v18;
	vm0 =	vlt.s32 v10, $0x4  }
0x38f: {  	v18 =	vand.u32 $0x7FFFFFFF, v19;
	v19 =	vmul.f32 v21, v12;
	v6 =	vld [tilespmem:s29+$0x30];
	v10 =	vnsel vm0, $0x4, v10  }
.Ltmp5:
0x390: {  	v15 =	vmul.f32 v16, v15;
	v16 =	vmul.f32 v11, v23;
	v10 =	vshll.u32 v10, $0x4;
	v20 =	vpop (erf);
	(pc) =	sbr.rel @!p0 .LBB2_4-.Ltmp5, $4  }
0x391: {  	v11 =	vmax.f32 v11, $0.0e+00;
	v10 =	vor.u32 v2, v10;
	v20 =	vadd.f32 $1.000000000e+00, v20  }
0x392: {  	v18 =	vmul.f32 $5.000000000e+00, v18;
	v21 =	vadd.f32 $2.876902220e-01, v15;
	v22 =	vsub.f32 v11, v16  }
0x393: {  	v16 =	vadd.f32 $-7.874456040e-01, v17;
	v15 =	vadd.f32 $8.865566250e-01, v19;
	(erf) = vrcp.f32 v20  }
0x394: {  	s1 =	sadd.s32 $0x200, s1;
	v17 =	vtrunc.f32 v18;
	v18 =	vsub.f32 $0.0e+00, v6;
	v11 =	vpop (erf);
	v19 =	vadd.f32 v21, v22  }
0x395: {  	_ =	sdelay $0x1  }
0x396: {  	v20 =	vsub.f32 $1.000000000e+00, v11;
	v18 =	vmul.f32 $1.442695020e+00, v18;
	_ =	sdelay $0x1  }
0x397: {  	[tilespmem:v10+s19+$0x0] =	vst.idx.add.f32.msk $0xffff, v19;
	v56 =	vmax.f32 v11, v20;
	(erf) = vpow2.f32 v18  }
0x398: {  	[tilespmem:v10+s20+$0x0] =	vst.idx.add.f32.msk $0xffff, v1;
	v57 =	vadd.f32 $-7.500000000e-01, v56  }
0x399: {  	v10 =	vld [tilespmem:s26+$0x60]  }
0x39a: {  	v16 =	vmul.f32 v16, v9;
	v19 =	vmul.f32 $9.538804880e-01, v57  }
0x39b: {  	v17 =	vcvt.f32.s32 v17;
	v15 =	vmul.f32 v15, v12;
	v58 =	vld [tilespmem:s28+$0x4040];
	v21 =	vmax.f32 v4, $0.0e+00  }
0x39c: {  	v59 =	vmul.f32 v4, v13;
	v14 =	vcvt.f32.s32 v14;
	v19 =	vsub.f32 $8.869645600e-01, v19  }
0x39d: {  	v16 =	vadd.f32 $8.865566250e-01, v16;
	vm0 =	vlt.s32 v17, $0x4;
	v15 =	vadd.f32 $-1.333342670e+00, v15  }
0x39e: {  	v63 =	vsub.f32 v21, v59;
	v60 =	vsub.f32 $0.0e+00, v10;
	v62 =	vmul.f32 v19, v57  }
0x39f: {  	vm14 =	vlt.s32 v14, $0x4;
	v17 =	vnsel vm0, $0x4, v17;
	v61 =	vmul.f32 v15, v12;
	v4 =	vpop (erf)  }
0x3a0: {  	v24 =	vsub.f32 v11, v58;
	v13 =	vmul.f32 $1.442695020e+00, v60;
	v15 =	vadd.f32 $-7.874456040e-01, v62;
	v25 =	vpop (erf)  }
0x3a1: {  	v17 =	vshll.u32 v17, $0x4;
	v16 =	vmul.f32 v16, v9;
	v26 =	vadd.f32 $1.000000000e+00, v25  }
0x3a2: {  	v11 =	vand.u32 $0x7FFFFFFF, v24;
	(erf) = vpow2.f32 v13;
	v15 =	vmul.f32 v15, v57  }
0x3a3: {  	v16 =	vadd.f32 $-1.333342670e+00, v16;
	v11 =	vmul.f32 $5.000000000e+00, v11;
	(erf) = vrcp.f32 v26  }
0x3a4: {  	v14 =	vnsel vm14, $0x4, v14;
	v17 =	vor.u32 v2, v17;
	v27 =	vadd.f32 $8.865566250e-01, v15  }
0x3a5: {  	v12 =	vadd.f32 $2.876902220e-01, v61;
	v28 =	vmul.f32 v16, v9;
	v11 =	vtrunc.f32 v11  }
0x3a6: {  	v30 =	vshll.u32 v14, $0x4;
	v29 =	vcvt.f32.s32 v11;
	v13 =	vmul.f32 v27, v57  }
0x3a7: {  	v7 =	vsub.f32 v7, v8;
	v8 =	vor.u32 v2, v30;
	v12 =	vadd.f32 v12, v63  }
0x3a8: {  	v9 =	vadd.f32 $2.876902220e-01, v28;
	vm15 =	vlt.s32 v29, $0x4;
	v13 =	vadd.f32 $-1.333342670e+00, v13  }
0x3a9: {  	v34 =	vmax.f32 v5, $0.0e+00;
	v43 =	vld [tilespmem:s29+$0x4030];
	v32 =	vmul.f32 v5, v58;
	v31 =	vnsel vm15, $0x4, v29  }
0x3aa: {  	[tilespmem:v17+s19+$0x0] =	vst.idx.add.f32.msk $0xffff, v12;
	v7 =	vadd.f32 v9, v7;
	v9 =	vshll.u32 v31, $0x4;
	v13 =	vmul.f32 v13, v57  }
0x3ab: {  	v5 =	vsub.f32 v34, v32;
	[tilespmem:v17+s20+$0x0] =	vst.idx.add.f32.msk $0xffff, v1;
	v9 =	vor.u32 v2, v9;
	v33 =	vpop (erf)  }
0x3ac: {  	v11 =	vld [tilespmem:s30+$0x20];
	v14 =	vadd.f32 $1.000000000e+00, v33;
	v35 =	vadd.f32 $2.876902220e-01, v13;
	v37 =	vpop (erf)  }
0x3ad: {  	[tilespmem:v8+s19+$0x0] =	vst.idx.add.f32.msk $0xffff, v7;
	v38 =	vsub.f32 $1.000000000e+00, v37  }
0x3ae: {  	[tilespmem:v8+s20+$0x0] =	vst.idx.add.f32.msk $0xffff, v1;
	(erf) = vrcp.f32 v14;
	v5 =	vadd.f32 v35, v5  }
0x3af: {  	v7 =	vld [tilespmem:s31+$0x10];
	v40 =	vmax.f32 v37, v38  }
0x3b0: {  	[tilespmem:v9+s19+$0x0] =	vst.idx.add.f32.msk $0xffff, v5;
	v41 =	vadd.f32 $-7.500000000e-01, v40  }
0x3b1: {  	v36 =	vsub.f32 $0.0e+00, v11;
	[tilespmem:v9+s20+$0x0] =	vst.idx.add.f32.msk $0xffff, v1  }
0x3b2: {  	v9 =	vld [tilespmem:s28+$0x50];
	v42 =	vmul.f32 $9.538804880e-01, v41  }
0x3b3: {  	v39 =	vmul.f32 $1.442695020e+00, v36  }
0x3b4: {  	v8 =	vsub.f32 $8.869645600e-01, v42  }
0x3b5: {  	v44 =	vsub.f32 $0.0e+00, v7;
	(erf) = vpow2.f32 v39  }
0x3b6: {  	v8 =	vmul.f32 v8, v41  }
0x3b7: {  	v13 =	vmul.f32 $1.442695020e+00, v44;
	v15 =	vsub.f32 v37, v43;
	v45 =	vpop (erf);
	v46 =	vsub.f32 $0.0e+00, v9  }
0x3b8: {  	v47 =	vsub.f32 $1.000000000e+00, v45;
	v8 =	vadd.f32 $-7.874456040e-01, v8  }
0x3b9: {  	(erf) = vpow2.f32 v13;
	v48 =	vmul.f32 $1.442695020e+00, v46  }
0x3ba: {  	v15 =	vand.u32 $0x7FFFFFFF, v15;
	v49 =	vmax.f32 v45, v47;
	v8 =	vmul.f32 v8, v41  }
0x3bb: {  	v15 =	vmul.f32 $5.000000000e+00, v15;
	v16 =	vadd.f32 $-7.500000000e-01, v49;
	(erf) = vpow2.f32 v48  }
0x3bc: {  	v8 =	vadd.f32 $8.865566250e-01, v8  }
0x3bd: {  	v54 =	vtrunc.f32 v15;
	v52 =	vmul.f32 $9.538804880e-01, v16  }
0x3be: {  	v53 =	vld [tilespmem:s26+$0x4060];
	v13 =	vcvt.f32.s32 v54;
	v50 =	vpop (erf);
	v8 =	vmul.f32 v8, v41  }
0x3bf: {  	v56 =	vmax.f32 v6, $0.0e+00;
	v51 =	vadd.f32 $1.000000000e+00, v50;
	v55 =	vsub.f32 $8.869645600e-01, v52  }
0x3c0: {  	v58 =	vmul.f32 v6, v43;
	vm4 =	vlt.s32 v13, $0x4;
	v8 =	vadd.f32 $-1.333342670e+00, v8  }
0x3c1: {  	v13 =	vnsel vm4, $0x4, v13;
	(erf) = vrcp.f32 v51;
	v15 =	vmul.f32 v55, v16  }
0x3c2: {  	v6 =	vsub.f32 v56, v58;
	v13 =	vshll.u32 v13, $0x4;
	v5 =	vmul.f32 v8, v41  }
0x3c3: {  	v59 =	vsub.f32 v45, v53;
	v57 =	vpop (erf);
	v13 =	vor.u32 v2, v13;
	v60 =	vadd.f32 $-7.874456040e-01, v15  }
0x3c4: {  	v61 =	vadd.f32 $1.000000000e+00, v57;
	v62 =	vpop (erf);
	v5 =	vadd.f32 $2.876902220e-01, v5  }
0x3c5: {  	v12 =	vand.u32 $0x7FFFFFFF, v59;
	v14 =	vmul.f32 v60, v16;
	v8 =	vadd.f32 $1.000000000e+00, v62  }
0x3c6: {  	v12 =	vmul.f32 $5.000000000e+00, v12;
	(erf) = vrcp.f32 v61;
	v5 =	vadd.f32 v5, v6  }
0x3c7: {  	v14 =	vadd.f32 $8.865566250e-01, v14;
	(erf) = vrcp.f32 v8  }
0x3c8: {  	v21 =	vtrunc.f32 v12;
	[tilespmem:v13+s19+$0x0] =	vst.idx.add.f32.msk $0xffff, v5  }
0x3c9: {  	v23 =	vcvt.f32.s32 v21;
	v22 =	vmul.f32 v14, v16;
	[tilespmem:v13+s20+$0x0] =	vst.idx.add.f32.msk $0xffff, v1  }
0x3ca: {  	v63 =	vpop (erf);
	v8 =	vld [tilespmem:s29+$0x40]  }
0x3cb: {  	vm5 =	vlt.s32 v23, $0x4;
	v20 =	vsub.f32 $1.000000000e+00, v63;
	v25 =	vadd.f32 $-1.333342670e+00, v22  }
0x3cc: {  	v28 =	vmul.f32 v10, v53;
	v10 =	vmax.f32 v10, $0.0e+00;
	v27 =	vnsel vm5, $0x4, v23  }
0x3cd: {  	v24 =	vmax.f32 v63, v20;
	v5 =	vshll.u32 v27, $0x4;
	v6 =	vmul.f32 v25, v16  }
0x3ce: {  	v10 =	vsub.f32 v10, v28;
	v26 =	vadd.f32 $-7.500000000e-01, v24;
	v5 =	vor.u32 v2, v5  }
0x3cf: {  	v29 =	vld [tilespmem:s30+$0x4020];
	v31 =	vpop (erf);
	v6 =	vadd.f32 $2.876902220e-01, v6;
	v34 =	vsub.f32 $0.0e+00, v8  }
0x3d0: {  	v30 =	vmul.f32 $9.538804880e-01, v26;
	v33 =	vpop (erf)  }
0x3d1: {  	v6 =	vadd.f32 v6, v10;
	v35 =	vsub.f32 $1.000000000e+00, v33;
	v38 =	vmul.f32 $1.442695020e+00, v34  }
0x3d2: {  	v44 =	vld [tilespmem:s28+$0x4050];
	v32 =	vsub.f32 $8.869645600e-01, v30  }
0x3d3: {  	[tilespmem:v5+s19+$0x0] =	vst.idx.add.f32.msk $0xffff, v6;
	v39 =	vmax.f32 v33, v35;
	(erf) = vpow2.f32 v38  }
0x3d4: {  	v37 =	vsub.f32 v63, v29;
	v36 =	vmul.f32 v32, v26;
	[tilespmem:v5+s20+$0x0] =	vst.idx.add.f32.msk $0xffff, v1;
	v41 =	vadd.f32 $-7.500000000e-01, v39  }
0x3d5: {  	v42 =	vsub.f32 $1.000000000e+00, v31;
	v5 =	vld [tilespmem:s26+$0x70]  }
0x3d6: {  	v13 =	vand.u32 $0x7FFFFFFF, v37;
	v40 =	vadd.f32 $-7.874456040e-01, v36;
	v43 =	vmul.f32 $9.538804880e-01, v41  }
0x3d7: {  	v14 =	vmul.f32 v11, v29;
	v13 =	vmul.f32 $5.000000000e+00, v13  }
0x3d8: {  	v18 =	vmax.f32 v31, v42;
	v6 =	vmul.f32 v40, v26;
	v15 =	vsub.f32 $8.869645600e-01, v43  }
0x3d9: {  	v11 =	vmax.f32 v11, $0.0e+00;
	v18 =	vadd.f32 $-7.500000000e-01, v18;
	v13 =	vtrunc.f32 v13  }
0x3da: {  	v6 =	vadd.f32 $8.865566250e-01, v6;
	v45 =	vsub.f32 $0.0e+00, v5;
	v15 =	vmul.f32 v15, v41  }
0x3db: {  	v11 =	vsub.f32 v11, v14;
	v13 =	vcvt.f32.s32 v13;
	v46 =	vsub.f32 v33, v44  }
0x3dc: {  	v6 =	vmul.f32 v6, v26;
	v47 =	vmul.f32 $1.442695020e+00, v45;
	v15 =	vadd.f32 $-7.874456040e-01, v15;
	v48 =	vpop (erf)  }
0x3dd: {  	vm6 =	vlt.s32 v13, $0x4;
	v14 =	vand.u32 $0x7FFFFFFF, v46;
	v49 =	vadd.f32 $1.000000000e+00, v48  }
0x3de: {  	v6 =	vadd.f32 $-1.333342670e+00, v6;
	(erf) = vpow2.f32 v47;
	v15 =	vmul.f32 v15, v41  }
0x3df: {  	v13 =	vnsel vm6, $0x4, v13;
	v14 =	vmul.f32 $5.000000000e+00, v14;
	(erf) = vrcp.f32 v49  }
0x3e0: {  	v13 =	vshll.u32 v13, $0x4;
	v6 =	vmul.f32 v6, v26;
	v15 =	vadd.f32 $8.865566250e-01, v15  }
0x3e1: {  	v52 =	vmul.f32 $9.538804880e-01, v18;
	v13 =	vor.u32 v2, v13;
	v50 =	vtrunc.f32 v14  }
0x3e2: {  	v12 =	vcvt.f32.s32 v50;
	v6 =	vadd.f32 $2.876902220e-01, v6;
	v51 =	vmul.f32 v15, v41  }
0x3e3: {  	v55 =	vsub.f32 $8.869645600e-01, v52  }
0x3e4: {  	v53 =	vld [tilespmem:s31+$0x4010];
	vm7 =	vlt.s32 v12, $0x4;
	v6 =	vadd.f32 v6, v11;
	v54 =	vadd.f32 $-1.333342670e+00, v51  }
0x3e5: {  	v59 =	vmul.f32 v55, v18;
	v12 =	vnsel vm7, $0x4, v12  }
0x3e6: {  	v57 =	vmul.f32 v9, v44;
	v58 =	vshll.u32 v12, $0x4;
	[tilespmem:v13+s19+$0x0] =	vst.idx.add.f32.msk $0xffff, v6;
	v56 =	vmul.f32 v54, v41  }
0x3e7: {  	v9 =	vmax.f32 v9, $0.0e+00;
	v12 =	vadd.f32 $-7.874456040e-01, v59;
	v11 =	vor.u32 v2, v58;
	[tilespmem:v13+s20+$0x0] =	vst.idx.add.f32.msk $0xffff, v1;
	v61 =	vpop (erf)  }
0x3e8: {  	v9 =	vsub.f32 v9, v57;
	v13 =	vld [tilespmem:s30+$0x30];
	v6 =	vadd.f32 $2.876902220e-01, v56;
	v62 =	vpop (erf)  }
0x3e9: {  	v60 =	vsub.f32 v31, v53;
	v12 =	vmul.f32 v12, v18;
	v63 =	vsub.f32 $1.000000000e+00, v62  }
0x3ea: {  	v6 =	vadd.f32 v6, v9  }
0x3eb: {  	v10 =	vand.u32 $0x7FFFFFFF, v60;
	v12 =	vadd.f32 $8.865566250e-01, v12;
	v9 =	vmax.f32 v62, v63  }
0x3ec: {  	v17 =	vmul.f32 $5.000000000e+00, v10;
	[tilespmem:v11+s19+$0x0] =	vst.idx.add.f32.msk $0xffff, v6;
	v9 =	vadd.f32 $-7.500000000e-01, v9  }
0x3ed: {  	v12 =	vmul.f32 v12, v18;
	v19 =	vsub.f32 $0.0e+00, v13;
	[tilespmem:v11+s20+$0x0] =	vst.idx.add.f32.msk $0xffff, v1  }
0x3ee: {  	v14 =	vadd.f32 $1.000000000e+00, v61;
	v6 =	vtrunc.f32 v17;
	v11 =	vld [tilespmem:s28+$0x60];
	v20 =	vmul.f32 $9.538804880e-01, v9  }
0x3ef: {  	v21 =	vld [tilespmem:s29+$0x4040];
	v10 =	vmul.f32 $1.442695020e+00, v19;
	v6 =	vcvt.f32.s32 v6  }
0x3f0: {  	v23 =	vmax.f32 v7, $0.0e+00;
	(erf) = vrcp.f32 v14;
	v14 =	vsub.f32 $8.869645600e-01, v20  }
0x3f1: {  	v12 =	vadd.f32 $-1.333342670e+00, v12;
	(erf) = vpow2.f32 v10;
	vm8 =	vlt.s32 v6, $0x4  }
0x3f2: {  	v7 =	vmul.f32 v7, v53;
	v6 =	vnsel vm8, $0x4, v6;
	v14 =	vmul.f32 v14, v9  }
0x3f3: {  	v12 =	vmul.f32 v12, v18;
	v6 =	vshll.u32 v6, $0x4;
	v22 =	vsub.f32 $0.0e+00, v11  }
0x3f4: {  	v15 =	vsub.f32 v62, v21;
	v25 =	vor.u32 v2, v6;
	v14 =	vadd.f32 $-7.874456040e-01, v14  }
0x3f5: {  	v7 =	vsub.f32 v23, v7;
	v12 =	vadd.f32 $2.876902220e-01, v12;
	v24 =	vmul.f32 $1.442695020e+00, v22  }
0x3f6: {  	v15 =	vand.u32 $0x7FFFFFFF, v15;
	v14 =	vmul.f32 v14, v9  }
0x3f7: {  	v7 =	vadd.f32 v12, v7;
	v15 =	vmul.f32 $5.000000000e+00, v15;
	(erf) = vpow2.f32 v24  }
0x3f8: {  	v14 =	vadd.f32 $8.865566250e-01, v14  }
0x3f9: {  	v15 =	vtrunc.f32 v15;
	v6 =	vpop (erf);
	[tilespmem:v25+s19+$0x0] =	vst.idx.add.f32.msk $0xffff, v7  }
0x3fa: {  	v27 =	vcvt.f32.s32 v15;
	v26 =	vpop (erf);
	[tilespmem:v25+s20+$0x0] =	vst.idx.add.f32.msk $0xffff, v1;
	v14 =	vmul.f32 v14, v9  }
0x3fb: {  	v12 =	vadd.f32 $1.000000000e+00, v26;
	v28 =	vld [tilespmem:s31+$0x20]  }
0x3fc: {  	vm9 =	vlt.s32 v27, $0x4;
	v14 =	vadd.f32 $-1.333342670e+00, v14  }
0x3fd: {  	v10 =	vmul.f32 v8, v21;
	v7 =	vnsel vm9, $0x4, v27;
	(erf) = vrcp.f32 v12  }
0x3fe: {  	v8 =	vmax.f32 v8, $0.0e+00;
	v7 =	vshll.u32 v7, $0x4;
	v9 =	vmul.f32 v14, v9  }
0x3ff: {  	v8 =	vsub.f32 v8, v10;
	v7 =	vor.u32 v2, v7  }
0x400: {  	v31 =	vsub.f32 $0.0e+00, v28;
	v29 =	vpop (erf);
	v9 =	vadd.f32 $2.876902220e-01, v9  }
0x401: {  	v30 =	vadd.f32 $1.000000000e+00, v29  }
0x402: {  	v32 =	vmul.f32 $1.442695020e+00, v31;
	v8 =	vadd.f32 v9, v8  }
0x403: {  	(erf) = vrcp.f32 v30  }
0x404: {  	(erf) = vpow2.f32 v32;
	[tilespmem:v7+s19+$0x0] =	vst.idx.add.f32.msk $0xffff, v8  }
0x405: {  	[tilespmem:v7+s20+$0x0] =	vst.idx.add.f32.msk $0xffff, v1  }
0x406: {  	v33 =	vpop (erf);
	v8 =	vld [tilespmem:s29+$0x50]  }
0x407: {  	v34 =	vsub.f32 $1.000000000e+00, v33;
	_ =	sdelay $0x1  }
0x408: {  	v35 =	vmax.f32 v33, v34  }
0x409: {  	v36 =	vld [tilespmem:s30+$0x4030];
	v7 =	vadd.f32 $-7.500000000e-01, v35  }
0x40a: {  	v39 =	vsub.f32 $0.0e+00, v8  }
0x40b: {  	v37 =	vmul.f32 $9.538804880e-01, v7;
	v38 =	vpop (erf)  }
0x40c: {  	v40 =	vsub.f32 $1.000000000e+00, v38;
	v41 =	vpop (erf);
	v16 =	vmul.f32 $1.442695020e+00, v39  }
0x40d: {  	v14 =	vsub.f32 $8.869645600e-01, v37;
	v18 =	vadd.f32 $1.000000000e+00, v41  }
0x40e: {  	v10 =	vsub.f32 v33, v36;
	v17 =	vmax.f32 v38, v40;
	(erf) = vpow2.f32 v16  }
0x40f: {  	v14 =	vmul.f32 v14, v7;
	v17 =	vadd.f32 $-7.500000000e-01, v17;
	(erf) = vrcp.f32 v18  }
0x410: {  	v43 =	vld [tilespmem:s28+$0x4060]  }
0x411: {  	v10 =	vand.u32 $0x7FFFFFFF, v10;
	v14 =	vadd.f32 $-7.874456040e-01, v14;
	v42 =	vmul.f32 $9.538804880e-01, v17  }
0x412: {  	v10 =	vmul.f32 $5.000000000e+00, v10  }
0x413: {  	v14 =	vmul.f32 v14, v7;
	v16 =	vsub.f32 $8.869645600e-01, v42  }
0x414: {  	v44 =	vmax.f32 v13, $0.0e+00;
	v9 =	vmul.f32 v13, v36;
	v10 =	vtrunc.f32 v10  }
0x415: {  	v10 =	vcvt.f32.s32 v10;
	v14 =	vadd.f32 $8.865566250e-01, v14;
	v16 =	vmul.f32 v16, v17  }
0x416: {  	v9 =	vsub.f32 v44, v9;
	v15 =	vsub.f32 v38, v43  }
0x417: {  	vm10 =	vlt.s32 v10, $0x4;
	v14 =	vmul.f32 v14, v7;
	v16 =	vadd.f32 $-7.874456040e-01, v16;
	v45 =	vpop (erf)  }
0x418: {  	v10 =	vnsel vm10, $0x4, v10;
	v15 =	vand.u32 $0x7FFFFFFF, v15;
	v13 =	vadd.f32 $1.000000000e+00, v45;
	v46 =	vpop (erf)  }
0x419: {  	v14 =	vadd.f32 $-1.333342670e+00, v14;
	v16 =	vmul.f32 v16, v17;
	v47 =	vsub.f32 $1.000000000e+00, v46  }
0x41a: {  	v10 =	vshll.u32 v10, $0x4;
	v15 =	vmul.f32 $5.000000000e+00, v15;
	(erf) = vrcp.f32 v13  }
0x41b: {  	v7 =	vmul.f32 v14, v7;
	v16 =	vadd.f32 $8.865566250e-01, v16;
	v50 =	vmax.f32 v46, v47  }
0x41c: {  	v54 =	vld [tilespmem:s31+$0x4020];
	v10 =	vor.u32 v2, v10;
	v48 =	vtrunc.f32 v15;
	v15 =	vadd.f32 $-7.500000000e-01, v50  }
0x41d: {  	v7 =	vadd.f32 $2.876902220e-01, v7;
	v13 =	vcvt.f32.s32 v48;
	v49 =	vmul.f32 v16, v17  }
0x41e: {  	v52 =	vmul.f32 $9.538804880e-01, v15  }
0x41f: {  	v7 =	vadd.f32 v7, v9;
	vm11 =	vlt.s32 v13, $0x4;
	v14 =	vadd.f32 $-1.333342670e+00, v49  }
0x420: {  	v53 =	vmul.f32 v11, v43;
	v51 =	vnsel vm11, $0x4, v13;
	v56 =	vsub.f32 $8.869645600e-01, v52  }
0x421: {  	v61 =	vsub.f32 v46, v54;
	[tilespmem:v10+s19+$0x0] =	vst.idx.add.f32.msk $0xffff, v7;
	v9 =	vshll.u32 v51, $0x4;
	v14 =	vmul.f32 v14, v17  }
0x422: {  	v55 =	vmax.f32 v11, $0.0e+00;
	[tilespmem:v10+s20+$0x0] =	vst.idx.add.f32.msk $0xffff, v1;
	v9 =	vor.u32 v2, v9;
	v11 =	vmul.f32 v56, v15  }
0x423: {  	v7 =	vsub.f32 v55, v53;
	v58 =	vld [tilespmem:s30+$0x40];
	v57 =	vadd.f32 $2.876902220e-01, v14;
	v59 =	vpop (erf)  }
0x424: {  	v60 =	vsub.f32 $1.000000000e+00, v59;
	v11 =	vadd.f32 $-7.874456040e-01, v11  }
0x425: {  	v20 =	vand.u32 $0x7FFFFFFF, v61;
	v7 =	vadd.f32 v57, v7  }
0x426: {  	v10 =	vmul.f32 $5.000000000e+00, v20;
	v62 =	vmax.f32 v59, v60;
	v11 =	vmul.f32 v11, v15  }
0x427: {  	[tilespmem:v9+s19+$0x0] =	vst.idx.add.f32.msk $0xffff, v7;
	v63 =	vadd.f32 $-7.500000000e-01, v62  }
0x428: {  	v10 =	vtrunc.f32 v10;
	v21 =	vsub.f32 $0.0e+00, v58;
	[tilespmem:v9+s20+$0x0] =	vst.idx.add.f32.msk $0xffff, v1;
	v11 =	vadd.f32 $8.865566250e-01, v11  }
0x429: {  	v10 =	vcvt.f32.s32 v10;
	v7 =	vld [tilespmem:s28+$0x70];
	v22 =	vmul.f32 $9.538804880e-01, v63  }
0x42a: {  	v23 =	vld [tilespmem:s29+$0x4050];
	v16 =	vmul.f32 $1.442695020e+00, v21;
	v11 =	vmul.f32 v11, v15  }
0x42b: {  	v24 =	vmax.f32 v28, $0.0e+00;
	v18 =	vsub.f32 $8.869645600e-01, v22  }
0x42c: {  	vm12 =	vlt.s32 v10, $0x4;
	(erf) = vpow2.f32 v16;
	v11 =	vadd.f32 $-1.333342670e+00, v11  }
0x42d: {  	v12 =	vmul.f32 v28, v54;
	v10 =	vnsel vm12, $0x4, v10;
	v25 =	vmul.f32 v18, v63  }
0x42e: {  	v10 =	vshll.u32 v10, $0x4;
	v26 =	vsub.f32 $0.0e+00, v7;
	v11 =	vmul.f32 v11, v15  }
0x42f: {  	v14 =	vsub.f32 v59, v23;
	v10 =	vor.u32 v2, v10;
	v17 =	vadd.f32 $-7.874456040e-01, v25  }
0x430: {  	v12 =	vsub.f32 v24, v12;
	v27 =	vmul.f32 $1.442695020e+00, v26;
	v11 =	vadd.f32 $2.876902220e-01, v11  }
0x431: {  	v14 =	vand.u32 $0x7FFFFFFF, v14;
	v28 =	vmul.f32 v17, v63  }
0x432: {  	v14 =	vmul.f32 $5.000000000e+00, v14;
	(erf) = vpow2.f32 v27;
	v11 =	vadd.f32 v11, v12  }
0x433: {  	v29 =	vadd.f32 $8.865566250e-01, v28  }
0x434: {  	v30 =	vtrunc.f32 v14;
	[tilespmem:v10+s19+$0x0] =	vst.idx.add.f32.msk $0xffff, v11  }
0x435: {  	v32 =	vpop (erf);
	v12 =	vcvt.f32.s32 v30;
	v31 =	vmul.f32 v29, v63;
	[tilespmem:v10+s20+$0x0] =	vst.idx.add.f32.msk $0xffff, v1  }
0x436: {  	v10 =	vadd.f32 $1.000000000e+00, v32;
	v34 =	vld [tilespmem:s31+$0x30]  }
0x437: {  	vm13 =	vlt.s32 v12, $0x4;
	v33 =	vadd.f32 $-1.333342670e+00, v31  }
0x438: {  	v35 =	vmul.f32 v8, v23;
	v12 =	vnsel vm13, $0x4, v12;
	(erf) = vrcp.f32 v10  }
0x439: {  	v8 =	vmax.f32 v8, $0.0e+00;
	v12 =	vshll.u32 v12, $0x4;
	v9 =	vmul.f32 v33, v63  }
0x43a: {  	v8 =	vsub.f32 v8, v35;
	v36 =	vor.u32 v2, v12  }
0x43b: {  	v37 =	vpop (erf);
	v9 =	vadd.f32 $2.876902220e-01, v9;
	v38 =	vsub.f32 $0.0e+00, v34  }
0x43c: {  	v11 =	vadd.f32 $1.000000000e+00, v37  }
0x43d: {  	v8 =	vadd.f32 v9, v8;
	v39 =	vmul.f32 $1.442695020e+00, v38  }
0x43e: {  	(erf) = vrcp.f32 v11  }
0x43f: {  	[tilespmem:v36+s19+$0x0] =	vst.idx.add.f32.msk $0xffff, v8;
	(erf) = vpow2.f32 v39  }
0x440: {  	[tilespmem:v36+s20+$0x0] =	vst.idx.add.f32.msk $0xffff, v1  }
0x441: {  	v41 =	vpop (erf);
	v40 =	vld [tilespmem:s29+$0x60]  }
0x442: {  	v42 =	vsub.f32 $1.000000000e+00, v41;
	_ =	sdelay $0x1  }
0x443: {  	v8 =	vmax.f32 v41, v42;
	_ =	sdelay $0x1  }
0x444: {  	v43 =	vsub.f32 $0.0e+00, v40  }
0x445: {  	v44 =	vadd.f32 $-7.500000000e-01, v8;
	v8 =	vpop (erf)  }
0x446: {  	v11 =	vmul.f32 $1.442695020e+00, v43;
	v46 =	vpop (erf)  }
0x447: {  	v48 =	vadd.f32 $1.000000000e+00, v46  }
0x448: {  	v45 =	vmul.f32 $9.538804880e-01, v44;
	(erf) = vpow2.f32 v11  }
0x449: {  	v47 =	vld [tilespmem:s30+$0x4040];
	(erf) = vrcp.f32 v48  }
0x44a: {  	v15 =	vsub.f32 $8.869645600e-01, v45;
	_ =	sdelay $0x1  }
0x44b: {  	v49 =	vmul.f32 v15, v44;
	_ =	sdelay $0x1  }
0x44c: {  	v10 =	vsub.f32 v41, v47;
	v11 =	vadd.f32 $-7.874456040e-01, v49;
	_ =	sdelay $0x1  }
0x44d: {  	v10 =	vand.u32 $0x7FFFFFFF, v10;
	v11 =	vmul.f32 v11, v44  }
0x44e: {  	v10 =	vmul.f32 $5.000000000e+00, v10;
	v50 =	vpop (erf)  }
0x44f: {  	v11 =	vadd.f32 $8.865566250e-01, v11;
	v15 =	vadd.f32 $1.000000000e+00, v50;
	v51 =	vpop (erf)  }
0x450: {  	v10 =	vtrunc.f32 v10;
	v52 =	vsub.f32 $1.000000000e+00, v51  }
0x451: {  	v11 =	vmul.f32 v11, v44;
	(erf) = vrcp.f32 v15  }
0x452: {  	v10 =	vcvt.f32.s32 v10;
	v15 =	vmax.f32 v51, v52  }
0x453: {  	v11 =	vadd.f32 $-1.333342670e+00, v11;
	v53 =	vadd.f32 $-7.500000000e-01, v15  }
0x454: {  	v13 =	vmax.f32 v58, $0.0e+00;
	v17 =	vmul.f32 v58, v47;
	vm14 =	vlt.s32 v10, $0x4  }
0x455: {  	v54 =	vld [tilespmem:s31+$0x4030];
	v10 =	vnsel vm14, $0x4, v10;
	v11 =	vmul.f32 v11, v44;
	v15 =	vmul.f32 $9.538804880e-01, v53  }
0x456: {  	v13 =	vsub.f32 v13, v17;
	v10 =	vshll.u32 v10, $0x4  }
0x457: {  	v10 =	vor.u32 v2, v10;
	v11 =	vadd.f32 $2.876902220e-01, v11;
	v55 =	vsub.f32 $8.869645600e-01, v15;
	_ =	sdelay $0x1  }
0x458: {  	v11 =	vadd.f32 v11, v13;
	v13 =	vmul.f32 v55, v53  }
0x459: {  	v16 =	vsub.f32 v51, v54;
	v56 =	vpop (erf)  }
0x45a: {  	v57 =	vsub.f32 $1.000000000e+00, v56;
	v13 =	vadd.f32 $-7.874456040e-01, v13  }
0x45b: {  	[tilespmem:v10+s19+$0x0] =	vst.idx.add.f32.msk $0xffff, v11  }
0x45c: {  	v16 =	vand.u32 $0x7FFFFFFF, v16;
	[tilespmem:v10+s20+$0x0] =	vst.idx.add.f32.msk $0xffff, v1;
	v10 =	vmax.f32 v56, v57;
	v13 =	vmul.f32 v13, v53  }
0x45d: {  	v16 =	vmul.f32 $5.000000000e+00, v16;
	v58 =	vld [tilespmem:s30+$0x50];
	v10 =	vadd.f32 $-7.500000000e-01, v10  }
0x45e: {  	v13 =	vadd.f32 $8.865566250e-01, v13  }
0x45f: {  	v16 =	vtrunc.f32 v16;
	v59 =	vmul.f32 $9.538804880e-01, v10  }
0x460: {  	v61 =	vld [tilespmem:s29+$0x4060];
	v16 =	vcvt.f32.s32 v16;
	v13 =	vmul.f32 v13, v53  }
0x461: {  	v17 =	vmul.f32 v34, v54;
	v18 =	vsub.f32 $8.869645600e-01, v59  }
0x462: {  	vm15 =	vlt.s32 v16, $0x4;
	v60 =	vsub.f32 $0.0e+00, v58;
	v13 =	vadd.f32 $-1.333342670e+00, v13  }
0x463: {  	v62 =	vmax.f32 v34, $0.0e+00;
	v16 =	vnsel vm15, $0x4, v16;
	v18 =	vmul.f32 v18, v10  }
0x464: {  	v16 =	vshll.u32 v16, $0x4;
	v19 =	vmul.f32 $1.442695020e+00, v60;
	v12 =	vmul.f32 v13, v53  }
0x465: {  	v11 =	vsub.f32 v56, v61;
	v63 =	vor.u32 v2, v16;
	v18 =	vadd.f32 $-7.874456040e-01, v18  }
0x466: {  	(erf) = vpow2.f32 v19;
	v13 =	vsub.f32 v62, v17;
	v12 =	vadd.f32 $2.876902220e-01, v12  }
0x467: {  	v11 =	vand.u32 $0x7FFFFFFF, v11;
	v21 =	vmul.f32 v18, v10  }
0x468: {  	v11 =	vmul.f32 $5.000000000e+00, v11;
	v12 =	vadd.f32 v12, v13  }
0x469: {  	v16 =	vadd.f32 $8.865566250e-01, v21  }
0x46a: {  	v11 =	vtrunc.f32 v11;
	[tilespmem:v63+s19+$0x0] =	vst.idx.add.f32.msk $0xffff, v12  }
0x46b: {  	v11 =	vcvt.f32.s32 v11;
	v22 =	vmul.f32 v16, v10;
	[tilespmem:v63+s20+$0x0] =	vst.idx.add.f32.msk $0xffff, v1  }
0x46c: {  	v14 =	vld [tilespmem:s31+$0x40]  }
0x46d: {  	vm4 =	vlt.s32 v11, $0x4;
	v13 =	vadd.f32 $-1.333342670e+00, v22  }
0x46e: {  	v24 =	vmul.f32 v40, v61;
	v11 =	vnsel vm4, $0x4, v11  }
0x46f: {  	v9 =	vmax.f32 v40, $0.0e+00;
	v11 =	vshll.u32 v11, $0x4;
	v23 =	vpop (erf);
	v10 =	vmul.f32 v13, v10  }
0x470: {  	v9 =	vsub.f32 v9, v24;
	v11 =	vor.u32 v2, v11;
	v12 =	vadd.f32 $1.000000000e+00, v23  }
0x471: {  	v10 =	vadd.f32 $2.876902220e-01, v10;
	v25 =	vsub.f32 $0.0e+00, v14;
	_ =	sdelay $0x1  }
0x472: {  	(erf) = vrcp.f32 v12;
	v9 =	vadd.f32 v10, v9;
	v26 =	vmul.f32 $1.442695020e+00, v25;
	_ =	sdelay $0x1  }
0x473: {  	[tilespmem:v11+s19+$0x0] =	vst.idx.add.f32.msk $0xffff, v9;
	(erf) = vpow2.f32 v26  }
0x474: {  	[tilespmem:v11+s20+$0x0] =	vst.idx.add.f32.msk $0xffff, v1  }
0x475: {  	v9 =	vld [tilespmem:s29+$0x70];
	_ =	sdelay $0x4  }
0x476: {  	v27 =	vpop (erf);
	v29 =	vsub.f32 $0.0e+00, v9  }
0x477: {  	v28 =	vsub.f32 $1.000000000e+00, v27  }
0x478: {  	v12 =	vmul.f32 $1.442695020e+00, v29;
	v30 =	vpop (erf)  }
0x479: {  	v11 =	vmax.f32 v27, v28;
	v13 =	vadd.f32 $1.000000000e+00, v30  }
0x47a: {  	v11 =	vadd.f32 $-7.500000000e-01, v11;
	(erf) = vpow2.f32 v12  }
0x47b: {  	(erf) = vrcp.f32 v13  }
0x47c: {  	v31 =	vmul.f32 $9.538804880e-01, v11  }
0x47d: {  	v32 =	vld [tilespmem:s30+$0x4050]  }
0x47e: {  	v16 =	vsub.f32 $8.869645600e-01, v31;
	_ =	sdelay $0x1  }
0x47f: {  	v33 =	vmul.f32 v16, v11;
	_ =	sdelay $0x1  }
0x480: {  	v10 =	vsub.f32 v27, v32;
	v13 =	vadd.f32 $-7.874456040e-01, v33  }
0x481: {  	v34 =	vpop (erf)  }
0x482: {  	v10 =	vand.u32 $0x7FFFFFFF, v10;
	v13 =	vmul.f32 v13, v11;
	v35 =	vpop (erf)  }
0x483: {  	v10 =	vmul.f32 $5.000000000e+00, v10;
	v36 =	vsub.f32 $1.000000000e+00, v35  }
0x484: {  	v13 =	vadd.f32 $8.865566250e-01, v13  }
0x485: {  	v10 =	vtrunc.f32 v10;
	v18 =	vmax.f32 v35, v36  }
0x486: {  	v10 =	vcvt.f32.s32 v10;
	v13 =	vmul.f32 v13, v11;
	v18 =	vadd.f32 $-7.500000000e-01, v18;
	_ =	sdelay $0x1  }
0x487: {  	v38 =	vld [tilespmem:s31+$0x4040];
	vm5 =	vlt.s32 v10, $0x4;
	v13 =	vadd.f32 $-1.333342670e+00, v13;
	v37 =	vmul.f32 $9.538804880e-01, v18  }
0x488: {  	v10 =	vnsel vm5, $0x4, v10;
	v12 =	vmul.f32 v58, v32  }
0x489: {  	v10 =	vshll.u32 v10, $0x4;
	v11 =	vmul.f32 v13, v11;
	v13 =	vsub.f32 $8.869645600e-01, v37  }
0x48a: {  	v15 =	vmax.f32 v58, $0.0e+00;
	v10 =	vor.u32 v2, v10  }
0x48b: {  	v12 =	vsub.f32 v15, v12;
	v11 =	vadd.f32 $2.876902220e-01, v11;
	v39 =	vmul.f32 v13, v18  }
0x48c: {  	v40 =	vsub.f32 v35, v38  }
0x48d: {  	v11 =	vadd.f32 v11, v12;
	v12 =	vadd.f32 $-7.874456040e-01, v39;
	_ =	sdelay $0x1  }
0x48e: {  	[tilespmem:v10+s19+$0x0] =	vst.idx.add.f32.msk $0xffff, v11;
	v11 =	vand.u32 $0x7FFFFFFF, v40;
	v12 =	vmul.f32 v12, v18  }
0x48f: {  	v11 =	vmul.f32 $5.000000000e+00, v11  }
0x490: {  	[tilespmem:v10+s20+$0x0] =	vst.idx.add.f32.msk $0xffff, v1;
	v12 =	vadd.f32 $8.865566250e-01, v12  }
0x491: {  	v10 =	vld [tilespmem:s30+$0x60];
	v11 =	vtrunc.f32 v11  }
0x492: {  	v11 =	vcvt.f32.s32 v11;
	v12 =	vmul.f32 v12, v18;
	_ =	sdelay $0x1  }
0x493: {  	vm6 =	vlt.s32 v11, $0x4;
	v12 =	vadd.f32 $-1.333342670e+00, v12  }
0x494: {  	v43 =	vmul.f32 v14, v38;
	v11 =	vnsel vm6, $0x4, v11  }
0x495: {  	v41 =	vsub.f32 $0.0e+00, v10;
	v11 =	vshll.u32 v11, $0x4;
	v12 =	vmul.f32 v12, v18  }
0x496: {  	v14 =	vmax.f32 v14, $0.0e+00;
	v42 =	vadd.f32 $1.000000000e+00, v34;
	v11 =	vor.u32 v2, v11  }
0x497: {  	v44 =	vsub.f32 v14, v43;
	v13 =	vmul.f32 $1.442695020e+00, v41;
	v12 =	vadd.f32 $2.876902220e-01, v12  }
0x498: {  	(erf) = vrcp.f32 v42  }
0x499: {  	(erf) = vpow2.f32 v13;
	v12 =	vadd.f32 v12, v44;
	_ =	sdelay $0x1  }
0x49a: {  	[tilespmem:v11+s19+$0x0] =	vst.idx.add.f32.msk $0xffff, v12  }
0x49b: {  	[tilespmem:v11+s20+$0x0] =	vst.idx.add.f32.msk $0xffff, v1  }
0x49c: {  	v12 =	vld [tilespmem:s31+$0x50];
	_ =	sdelay $0x3  }
0x49d: {  	v11 =	vpop (erf)  }
0x49e: {  	v45 =	vpop (erf);
	v46 =	vsub.f32 $0.0e+00, v12  }
0x49f: {  	v13 =	vadd.f32 $1.000000000e+00, v45  }
0x4a0: {  	v47 =	vmul.f32 $1.442695020e+00, v46  }
0x4a1: {  	(erf) = vrcp.f32 v13  }
0x4a2: {  	(erf) = vpow2.f32 v47;
	_ =	sdelay $0x7  }
0x4a3: {  	v48 =	vpop (erf)  }
0x4a4: {  	v49 =	vsub.f32 $1.000000000e+00, v48;
	v50 =	vpop (erf)  }
0x4a5: {  	v15 =	vadd.f32 $1.000000000e+00, v50  }
0x4a6: {  	v14 =	vmax.f32 v48, v49  }
0x4a7: {  	v14 =	vadd.f32 $-7.500000000e-01, v14;
	(erf) = vrcp.f32 v15;
	_ =	sdelay $0x1  }
0x4a8: {  	v51 =	vmul.f32 $9.538804880e-01, v14  }
0x4a9: {  	v52 =	vld [tilespmem:s30+$0x4060]  }
0x4aa: {  	v16 =	vsub.f32 $8.869645600e-01, v51;
	_ =	sdelay $0x1  }
0x4ab: {  	v16 =	vmul.f32 v16, v14;
	_ =	sdelay $0x1  }
0x4ac: {  	v13 =	vsub.f32 v48, v52;
	v16 =	vadd.f32 $-7.874456040e-01, v16  }
0x4ad: {  	v53 =	vpop (erf)  }
0x4ae: {  	v13 =	vand.u32 $0x7FFFFFFF, v13;
	v16 =	vmul.f32 v16, v14;
	v54 =	vsub.f32 $1.000000000e+00, v53  }
0x4af: {  	v13 =	vmul.f32 $5.000000000e+00, v13  }
0x4b0: {  	v16 =	vadd.f32 $8.865566250e-01, v16;
	v18 =	vmax.f32 v53, v54  }
0x4b1: {  	v13 =	vtrunc.f32 v13;
	v18 =	vadd.f32 $-7.500000000e-01, v18  }
0x4b2: {  	v13 =	vcvt.f32.s32 v13;
	v16 =	vmul.f32 v16, v14  }
0x4b3: {  	v55 =	vmul.f32 $9.538804880e-01, v18  }
0x4b4: {  	v56 =	vld [tilespmem:s31+$0x4050];
	vm7 =	vlt.s32 v13, $0x4;
	v16 =	vadd.f32 $-1.333342670e+00, v16  }
0x4b5: {  	v13 =	vnsel vm7, $0x4, v13;
	v19 =	vsub.f32 $8.869645600e-01, v55  }
0x4b6: {  	v15 =	vmul.f32 v10, v52;
	v13 =	vshll.u32 v13, $0x4;
	v14 =	vmul.f32 v16, v14  }
0x4b7: {  	v10 =	vmax.f32 v10, $0.0e+00;
	v13 =	vor.u32 v2, v13;
	v57 =	vmul.f32 v19, v18  }
0x4b8: {  	v10 =	vsub.f32 v10, v15;
	v14 =	vadd.f32 $2.876902220e-01, v14  }
0x4b9: {  	v58 =	vsub.f32 v53, v56;
	v15 =	vadd.f32 $-7.874456040e-01, v57  }
0x4ba: {  	v10 =	vadd.f32 v14, v10  }
0x4bb: {  	v59 =	vand.u32 $0x7FFFFFFF, v58;
	v60 =	vmul.f32 v15, v18  }
0x4bc: {  	v61 =	vmul.f32 $5.000000000e+00, v59;
	[tilespmem:v13+s19+$0x0] =	vst.idx.add.f32.msk $0xffff, v10  }
0x4bd: {  	[tilespmem:v13+s20+$0x0] =	vst.idx.add.f32.msk $0xffff, v1;
	v14 =	vadd.f32 $8.865566250e-01, v60  }
0x4be: {  	v13 =	vtrunc.f32 v61;
	v62 =	vld [tilespmem:s30+$0x70]  }
0x4bf: {  	v13 =	vcvt.f32.s32 v13;
	v14 =	vmul.f32 v14, v18;
	_ =	sdelay $0x1  }
0x4c0: {  	vm8 =	vlt.s32 v13, $0x4;
	v14 =	vadd.f32 $-1.333342670e+00, v14  }
0x4c1: {  	v16 =	vmul.f32 v12, v56;
	v13 =	vnsel vm8, $0x4, v13  }
0x4c2: {  	v13 =	vshll.u32 v13, $0x4;
	v63 =	vsub.f32 $0.0e+00, v62;
	v14 =	vmul.f32 v14, v18  }
0x4c3: {  	v12 =	vmax.f32 v12, $0.0e+00;
	v13 =	vor.u32 v2, v13  }
0x4c4: {  	v12 =	vsub.f32 v12, v16;
	v15 =	vmul.f32 $1.442695020e+00, v63;
	v14 =	vadd.f32 $2.876902220e-01, v14;
	_ =	sdelay $0x1  }
0x4c5: {  	(erf) = vpow2.f32 v15;
	v12 =	vadd.f32 v14, v12;
	_ =	sdelay $0x1  }
0x4c6: {  	[tilespmem:v13+s19+$0x0] =	vst.idx.add.f32.msk $0xffff, v12  }
0x4c7: {  	[tilespmem:v13+s20+$0x0] =	vst.idx.add.f32.msk $0xffff, v1  }
0x4c8: {  	v12 =	vld [tilespmem:s31+$0x60];
	_ =	sdelay $0x4  }
0x4c9: {  	v20 =	vpop (erf);
	v21 =	vsub.f32 $0.0e+00, v12  }
0x4ca: {  	v13 =	vadd.f32 $1.000000000e+00, v20  }
0x4cb: {  	v14 =	vmul.f32 $1.442695020e+00, v21  }
0x4cc: {  	(erf) = vrcp.f32 v13  }
0x4cd: {  	(erf) = vpow2.f32 v14;
	_ =	sdelay $0x7  }
0x4ce: {  	v13 =	vpop (erf)  }
0x4cf: {  	v14 =	vpop (erf)  }
0x4d0: {  	v14 =	vadd.f32 $1.000000000e+00, v14;
	_ =	sdelay $0x1  }
0x4d1: {  	(erf) = vrcp.f32 v14;
	_ =	sdelay $0x8  }
0x4d2: {  	v14 =	vpop (erf)  }
0x4d3: {  	v22 =	vsub.f32 $1.000000000e+00, v14;
	_ =	sdelay $0x1  }
0x4d4: {  	v15 =	vmax.f32 v14, v22  }
0x4d5: {  	v15 =	vadd.f32 $-7.500000000e-01, v15;
	_ =	sdelay $0x1  }
0x4d6: {  	v23 =	vmul.f32 $9.538804880e-01, v15  }
0x4d7: {  	v24 =	vld [tilespmem:s31+$0x4060]  }
0x4d8: {  	v16 =	vsub.f32 $8.869645600e-01, v23;
	_ =	sdelay $0x1  }
0x4d9: {  	v16 =	vmul.f32 v16, v15;
	_ =	sdelay $0x1  }
0x4da: {  	v14 =	vsub.f32 v14, v24;
	v16 =	vadd.f32 $-7.874456040e-01, v16;
	_ =	sdelay $0x1  }
0x4db: {  	v14 =	vand.u32 $0x7FFFFFFF, v14;
	v16 =	vmul.f32 v16, v15  }
0x4dc: {  	v14 =	vmul.f32 $5.000000000e+00, v14  }
0x4dd: {  	v16 =	vadd.f32 $8.865566250e-01, v16  }
0x4de: {  	v14 =	vtrunc.f32 v14  }
0x4df: {  	v14 =	vcvt.f32.s32 v14;
	v16 =	vmul.f32 v16, v15;
	_ =	sdelay $0x1  }
0x4e0: {  	vm9 =	vlt.s32 v14, $0x4;
	v16 =	vadd.f32 $-1.333342670e+00, v16  }
0x4e1: {  	v14 =	vnsel vm9, $0x4, v14  }
0x4e2: {  	v26 =	vmul.f32 v12, v24;
	v14 =	vshll.u32 v14, $0x4;
	v15 =	vmul.f32 v16, v15  }
0x4e3: {  	v25 =	vsub.f32 $1.000000000e+00, v4;
	v35 =	vld [tilespmem:s26+$0x4070];
	v12 =	vmax.f32 v12, $0.0e+00;
	v14 =	vor.u32 v2, v14  }
0x4e4: {  	v12 =	vsub.f32 v12, v26;
	v15 =	vadd.f32 $2.876902220e-01, v15  }
0x4e5: {  	v30 =	vsub.f32 $1.000000000e+00, v6;
	v18 =	vmax.f32 v4, v25  }
0x4e6: {  	v18 =	vadd.f32 $-7.500000000e-01, v18;
	v12 =	vadd.f32 v15, v12;
	_ =	sdelay $0x1  }
0x4e7: {  	v32 =	vmax.f32 v6, v30;
	v6 =	vsub.f32 v6, v35;
	v27 =	vmul.f32 $9.538804880e-01, v18;
	[tilespmem:v14+s19+$0x0] =	vst.idx.add.f32.msk $0xffff, v12  }
0x4e8: {  	[tilespmem:v14+s20+$0x0] =	vst.idx.add.f32.msk $0xffff, v1  }
0x4e9: {  	v6 =	vand.u32 $0x7FFFFFFF, v6;
	v28 =	vsub.f32 $8.869645600e-01, v27;
	v12 =	vld [tilespmem:s31+$0x70]  }
0x4ea: {  	v6 =	vmul.f32 $5.000000000e+00, v6  }
0x4eb: {  	v29 =	vld [tilespmem:s25+$0x4070];
	v16 =	vmul.f32 v28, v18  }
0x4ec: {  	v6 =	vtrunc.f32 v6  }
0x4ed: {  	v6 =	vcvt.f32.s32 v6;
	v31 =	vadd.f32 $-7.874456040e-01, v16;
	v16 =	vadd.f32 $-7.500000000e-01, v32  }
0x4ee: {  	v34 =	vsub.f32 $0.0e+00, v12  }
0x4ef: {  	vm11 =	vlt.s32 v6, $0x4;
	v33 =	vmul.f32 $9.538804880e-01, v16  }
0x4f0: {  	v4 =	vsub.f32 v4, v29;
	v14 =	vmul.f32 v31, v18;
	v19 =	vmul.f32 $1.442695020e+00, v34  }
0x4f1: {  	v36 =	vsub.f32 $1.000000000e+00, v8;
	v6 =	vnsel vm11, $0x4, v6;
	v17 =	vsub.f32 $8.869645600e-01, v33  }
0x4f2: {  	v4 =	vand.u32 $0x7FFFFFFF, v4;
	v14 =	vadd.f32 $8.865566250e-01, v14;
	(erf) = vpow2.f32 v19  }
0x4f3: {  	v6 =	vshll.u32 v6, $0x4;
	v4 =	vmul.f32 $5.000000000e+00, v4;
	v17 =	vmul.f32 v17, v16  }
0x4f4: {  	v6 =	vor.u32 v2, v6;
	v20 =	vmul.f32 v5, v35;
	v14 =	vmul.f32 v14, v18  }
0x4f5: {  	v37 =	vsub.f32 $1.000000000e+00, v11;
	v5 =	vmax.f32 v5, $0.0e+00;
	v17 =	vadd.f32 $-7.874456040e-01, v17  }
0x4f6: {  	v50 =	vld [tilespmem:s30+$0x4070];
	v4 =	vtrunc.f32 v4;
	v5 =	vsub.f32 v5, v20;
	v14 =	vadd.f32 $-1.333342670e+00, v14  }
0x4f7: {  	v45 =	vsub.f32 $1.000000000e+00, v13;
	v17 =	vmul.f32 v17, v16;
	v19 =	vmax.f32 v11, v37  }
0x4f8: {  	v14 =	vmul.f32 v14, v18;
	v18 =	vmax.f32 v8, v36;
	v19 =	vadd.f32 $-7.500000000e-01, v19  }
0x4f9: {  	v20 =	vmax.f32 v13, v45;
	v15 =	vmul.f32 v3, v29;
	v18 =	vadd.f32 $-7.500000000e-01, v18  }
0x4fa: {  	v3 =	vmax.f32 v3, $0.0e+00;
	v17 =	vadd.f32 $8.865566250e-01, v17;
	v39 =	vmul.f32 $9.538804880e-01, v19  }
0x4fb: {  	v13 =	vsub.f32 v13, v50;
	v3 =	vsub.f32 v3, v15;
	v38 =	vmul.f32 $9.538804880e-01, v18;
	v43 =	vpop (erf)  }
0x4fc: {  	v17 =	vmul.f32 v17, v16;
	v42 =	vsub.f32 $8.869645600e-01, v39;
	v21 =	vadd.f32 $1.000000000e+00, v43  }
0x4fd: {  	v4 =	vcvt.f32.s32 v4;
	v14 =	vadd.f32 $2.876902220e-01, v14;
	v40 =	vsub.f32 $8.869645600e-01, v38  }
0x4fe: {  	v41 =	vadd.f32 $-1.333342670e+00, v17;
	v17 =	vmul.f32 v42, v19;
	(erf) = vrcp.f32 v21  }
0x4ff: {  	v56 =	vmul.f32 v62, v50;
	v3 =	vadd.f32 v14, v3;
	v14 =	vmul.f32 v40, v18  }
0x500: {  	v44 =	vld [tilespmem:s28+$0x4070];
	vm10 =	vlt.s32 v4, $0x4;
	v13 =	vand.u32 $0x7FFFFFFF, v13;
	v17 =	vadd.f32 $-7.874456040e-01, v17  }
0x501: {  	v4 =	vnsel vm10, $0x4, v4;
	v13 =	vmul.f32 $5.000000000e+00, v13;
	v53 =	vld [tilespmem:s31+$0x4070];
	v14 =	vadd.f32 $-7.874456040e-01, v14  }
0x502: {  	v46 =	vld [tilespmem:s29+$0x4070];
	v10 =	vmax.f32 v62, $0.0e+00;
	v4 =	vshll.u32 v4, $0x4;
	v17 =	vmul.f32 v17, v19  }
0x503: {  	v20 =	vadd.f32 $-7.500000000e-01, v20;
	v13 =	vtrunc.f32 v13;
	v14 =	vmul.f32 v14, v18  }
0x504: {  	v4 =	vor.u32 v2, v4;
	v13 =	vcvt.f32.s32 v13;
	v17 =	vadd.f32 $8.865566250e-01, v17  }
0x505: {  	v48 =	vmul.f32 $9.538804880e-01, v20;
	v8 =	vsub.f32 v8, v44;
	v14 =	vadd.f32 $8.865566250e-01, v14  }
0x506: {  	vm14 =	vlt.s32 v13, $0x4;
	v60 =	vmul.f32 v12, v53;
	v17 =	vmul.f32 v17, v19  }
0x507: {  	v8 =	vand.u32 $0x7FFFFFFF, v8;
	v11 =	vsub.f32 v11, v46;
	v14 =	vmul.f32 v14, v18;
	v47 =	vpop (erf)  }
0x508: {  	v8 =	vmul.f32 $5.000000000e+00, v8;
	v17 =	vadd.f32 $-1.333342670e+00, v17;
	v49 =	vsub.f32 $1.000000000e+00, v47  }
0x509: {  	v11 =	vand.u32 $0x7FFFFFFF, v11;
	v15 =	vmul.f32 v41, v16;
	v14 =	vadd.f32 $-1.333342670e+00, v14  }
0x50a: {  	v16 =	vmul.f32 v7, v44;
	v17 =	vmul.f32 v17, v19;
	v19 =	vmax.f32 v47, v49  }
0x50b: {  	v7 =	vmax.f32 v7, $0.0e+00;
	v14 =	vmul.f32 v14, v18;
	v19 =	vadd.f32 $-7.500000000e-01, v19  }
0x50c: {  	v8 =	vtrunc.f32 v8;
	v15 =	vadd.f32 $2.876902220e-01, v15;
	v7 =	vsub.f32 v7, v16  }
0x50d: {  	v18 =	vsub.f32 $8.869645600e-01, v48;
	v14 =	vadd.f32 $2.876902220e-01, v14;
	v51 =	vmul.f32 $9.538804880e-01, v19  }
0x50e: {  	v5 =	vadd.f32 v15, v5;
	v15 =	vmul.f32 v9, v46;
	v9 =	vmax.f32 v9, $0.0e+00  }
0x50f: {  	v18 =	vmul.f32 v18, v20;
	v7 =	vadd.f32 v14, v7;
	v14 =	vsub.f32 $8.869645600e-01, v51  }
0x510: {  	v11 =	vmul.f32 $5.000000000e+00, v11;
	v8 =	vcvt.f32.s32 v8;
	v9 =	vsub.f32 v9, v15  }
0x511: {  	v17 =	vadd.f32 $2.876902220e-01, v17;
	v52 =	vadd.f32 $-7.874456040e-01, v18;
	v14 =	vmul.f32 v14, v19  }
0x512: {  	v11 =	vtrunc.f32 v11;
	vm12 =	vlt.s32 v8, $0x4;
	v16 =	vsub.f32 v47, v53  }
0x513: {  	v9 =	vadd.f32 v17, v9;
	v17 =	vmul.f32 v52, v20;
	v14 =	vadd.f32 $-7.874456040e-01, v14  }
0x514: {  	[tilespmem:v4+s19+$0x0] =	vst.idx.add.f32.msk $0xffff, v3;
	v3 =	vnsel vm14, $0x4, v13;
	v11 =	vcvt.f32.s32 v11;
	v8 =	vnsel vm12, $0x4, v8  }
0x515: {  	v16 =	vand.u32 $0x7FFFFFFF, v16;
	v17 =	vadd.f32 $8.865566250e-01, v17;
	v14 =	vmul.f32 v14, v19  }
0x516: {  	vm13 =	vlt.s32 v11, $0x4;
	v8 =	vshll.u32 v8, $0x4;
	v16 =	vmul.f32 $5.000000000e+00, v16  }
0x517: {  	v11 =	vnsel vm13, $0x4, v11;
	v17 =	vmul.f32 v17, v20;
	v14 =	vadd.f32 $8.865566250e-01, v14  }
0x518: {  	v8 =	vor.u32 v2, v8;
	v11 =	vshll.u32 v11, $0x4;
	v16 =	vtrunc.f32 v16  }
0x519: {  	v55 =	vcvt.f32.s32 v16;
	v17 =	vadd.f32 $-1.333342670e+00, v17;
	v54 =	vmul.f32 v14, v19  }
0x51a: {  	v61 =	vmax.f32 v12, $0.0e+00;
	[tilespmem:v4+s20+$0x0] =	vst.idx.add.f32.msk $0xffff, v1;
	v3 =	vshll.u32 v3, $0x4;
	v11 =	vor.u32 v2, v11  }
0x51b: {  	[tilespmem:v6+s19+$0x0] =	vst.idx.add.f32.msk $0xffff, v5;
	vm15 =	vlt.s32 v55, $0x4;
	v17 =	vmul.f32 v17, v20;
	v57 =	vadd.f32 $-1.333342670e+00, v54  }
0x51c: {  	v4 =	vsub.f32 v10, v56;
	v3 =	vor.u32 v2, v3;
	[tilespmem:v6+s20+$0x0] =	vst.idx.add.f32.msk $0xffff, v1;
	v59 =	vnsel vm15, $0x4, v55  }
0x51d: {  	[tilespmem:v8+s19+$0x0] =	vst.idx.add.f32.msk $0xffff, v7;
	v10 =	vshll.u32 v59, $0x4;
	v58 =	vadd.f32 $2.876902220e-01, v17;
	v5 =	vmul.f32 v57, v19  }
0x51e: {  	v6 =	vsub.f32 v61, v60;
	[tilespmem:v8+s20+$0x0] =	vst.idx.add.f32.msk $0xffff, v1;
	v62 =	vor.u32 v2, v10  }
0x51f: {  	[tilespmem:v11+s19+$0x0] =	vst.idx.add.f32.msk $0xffff, v9;
	v4 =	vadd.f32 v58, v4;
	v5 =	vadd.f32 $2.876902220e-01, v5  }
.Ltmp6:
0x520: {  	[tilespmem:v11+s20+$0x0] =	vst.idx.add.f32.msk $0xffff, v1;
	(pc) =	sbr.rel .LBB2_9-.Ltmp6, $4  }
0x521: {  	[tilespmem:v3+s19+$0x0] =	vst.idx.add.f32.msk $0xffff, v4;
	v63 =	vadd.f32 v5, v6  }
0x522: {  	[tilespmem:v3+s20+$0x0] =	vst.idx.add.f32.msk $0xffff, v1  }
0x523: {  	[tilespmem:v62+s19+$0x0] =	vst.idx.add.f32.msk $0xffff, v63  }
0x524: {  	[tilespmem:v62+s20+$0x0] =	vst.idx.add.f32.msk $0xffff, v1  }
.LBB2_6:
0x525: {  	s25 =	smul.u32 @!p0 $0xFA0, s1  }
0x526: {  	s26 =	simm.s32 @!p0 $0x80;
	s28 =	simm.s32 @!p0 $0x100  }
0x527: {  	s29 =	simm.s32 @!p0 $0x0;
	s1 =	smul.u32 @!p0 $0x7D0, s1;
	s25 =	sadd.s32 @!p0 s25, s7  }
0x528: {  	[tilespmem:s29], [sflag:$0x1] =	stream.strided.gather @!p0 [hbm4b:s25+s26], $0x3E80, s28, s26, $0x38;
	[tilespmem:$0xFE00] =	vst v63  }
0x529: {  	s1 =	sadd.s32 @!p0 s2, s1;
	s25 =	simm.s32 @!p0 $0x4000  }
0x52a: {  	[tilespmem:s25], [sflag:$0x2] =	stream.linear.gather @!p0 [hbm4b:s1+s29], $0x3E80, $0x38;
	[tilespmem:$0xFE00] =	vst v63  }
0x52b: {  	_ =	swait.ge [sflag:s5], $0x3E80  }
0x52c: {  	[sflag:s5] =	ssyncset.done $0x0  }
0x52d: {  	[sflag:s5] =	ssyncadd.s32 $0xFFFFC180  }
0x52e: {  	_ =	swait.ge [sflag:s22], $0x3E80  }
0x52f: {  	[sflag:s22] =	ssyncset.done $0x0  }
0x530: {  	s25 =	simm.s32 $0x0;
	[sflag:s22] =	ssyncadd.s32 $0xFFFFC180  }
0x531: {  	v3 =	vld [tilespmem:s25+$0x7E80];
	_ =	sdelay $0x4  }
0x532: {  	v4 =	vsub.f32 $0.0e+00, v3;
	_ =	sdelay $0x1  }
0x533: {  	v4 =	vmul.f32 $1.442695020e+00, v4;
	_ =	sdelay $0x1  }
0x534: {  	(erf) = vpow2.f32 v4;
	_ =	sdelay $0x8  }
0x535: {  	v4 =	vpop (erf)  }
0x536: {  	v4 =	vadd.f32 $1.000000000e+00, v4;
	_ =	sdelay $0x1  }
0x537: {  	(erf) = vrcp.f32 v4;
	_ =	sdelay $0x8  }
0x538: {  	v4 =	vpop (erf)  }
0x539: {  	v5 =	vsub.f32 $1.000000000e+00, v4;
	_ =	sdelay $0x1  }
0x53a: {  	v5 =	vmax.f32 v4, v5  }
0x53b: {  	v5 =	vadd.f32 $-7.500000000e-01, v5;
	_ =	sdelay $0x1  }
0x53c: {  	v6 =	vmul.f32 $9.538804880e-01, v5  }
0x53d: {  	v7 =	vld [tilespmem:s25+$0xBE80]  }
0x53e: {  	v6 =	vsub.f32 $8.869645600e-01, v6;
	_ =	sdelay $0x1  }
0x53f: {  	v6 =	vmul.f32 v6, v5;
	_ =	sdelay $0x1  }
0x540: {  	v4 =	vsub.f32 v4, v7;
	v6 =	vadd.f32 $-7.874456040e-01, v6;
	_ =	sdelay $0x1  }
0x541: {  	v4 =	vand.u32 $0x7FFFFFFF, v4;
	v6 =	vmul.f32 v6, v5  }
0x542: {  	v4 =	vmul.f32 $5.000000000e+00, v4  }
0x543: {  	v6 =	vadd.f32 $8.865566250e-01, v6  }
0x544: {  	v4 =	vtrunc.f32 v4  }
0x545: {  	v4 =	vcvt.f32.s32 v4;
	v6 =	vmul.f32 v6, v5;
	_ =	sdelay $0x1  }
0x546: {  	vm0 =	vlt.s32 v4, $0x4;
	v6 =	vadd.f32 $-1.333342670e+00, v6  }
0x547: {  	v4 =	vnsel vm0, $0x4, v4  }
0x548: {  	v7 =	vmul.f32 v3, v7;
	v4 =	vshll.u32 v4, $0x4;
	v5 =	vmul.f32 v6, v5  }
0x549: {  	v3 =	vmax.f32 v3, $0.0e+00;
	v4 =	vor.u32 v2, v4  }
0x54a: {  	v3 =	vsub.f32 v3, v7;
	v5 =	vadd.f32 $2.876902220e-01, v5;
	_ =	sdelay $0x1  }
0x54b: {  	s26 =	simm.s32 $0x80;
	v3 =	vadd.f32 v5, v3  }
0x54c: {  	v5 =	vld [tilespmem:s26+$0x7E80]  }
0x54d: {  	[tilespmem:v4+s19+$0x0] =	vst.idx.add.f32.msk $0xffff, v3  }
0x54e: {  	[tilespmem:v4+s20+$0x0] =	vst.idx.add.f32.msk $0xffff, v1  }
0x54f: {  	v3 =	vld [tilespmem:s25+$0x7E90];
	_ =	sdelay $0x3  }
0x550: {  	v4 =	vsub.f32 $0.0e+00, v5  }
0x551: {  	v6 =	vsub.f32 $0.0e+00, v3  }
0x552: {  	v4 =	vmul.f32 $1.442695020e+00, v4  }
0x553: {  	v6 =	vmul.f32 $1.442695020e+00, v6  }
0x554: {  	(erf) = vpow2.f32 v4  }
0x555: {  	(erf) = vpow2.f32 v6;
	_ =	sdelay $0x7  }
0x556: {  	v4 =	vpop (erf)  }
0x557: {  	v4 =	vadd.f32 $1.000000000e+00, v4;
	v6 =	vpop (erf)  }
0x558: {  	v6 =	vadd.f32 $1.000000000e+00, v6  }
0x559: {  	(erf) = vrcp.f32 v4  }
0x55a: {  	(erf) = vrcp.f32 v6;
	_ =	sdelay $0x7  }
0x55b: {  	v4 =	vpop (erf)  }
0x55c: {  	v6 =	vpop (erf)  }
0x55d: {  	v7 =	vsub.f32 $1.000000000e+00, v6;
	_ =	sdelay $0x1  }
0x55e: {  	v7 =	vmax.f32 v6, v7  }
0x55f: {  	v7 =	vadd.f32 $-7.500000000e-01, v7;
	_ =	sdelay $0x1  }
0x560: {  	v8 =	vmul.f32 $9.538804880e-01, v7  }
0x561: {  	v9 =	vld [tilespmem:s25+$0xBE90]  }
0x562: {  	v8 =	vsub.f32 $8.869645600e-01, v8;
	_ =	sdelay $0x1  }
0x563: {  	v8 =	vmul.f32 v8, v7  }
0x564: {  	v10 =	vsub.f32 $1.000000000e+00, v4  }
0x565: {  	v6 =	vsub.f32 v6, v9;
	v8 =	vadd.f32 $-7.874456040e-01, v8;
	_ =	sdelay $0x1  }
0x566: {  	v10 =	vmax.f32 v4, v10;
	v6 =	vand.u32 $0x7FFFFFFF, v6;
	v8 =	vmul.f32 v8, v7  }
0x567: {  	v10 =	vadd.f32 $-7.500000000e-01, v10;
	v6 =	vmul.f32 $5.000000000e+00, v6  }
0x568: {  	v11 =	vld [tilespmem:s26+$0xBE80];
	v8 =	vadd.f32 $8.865566250e-01, v8  }
0x569: {  	v12 =	vmul.f32 $9.538804880e-01, v10;
	v6 =	vtrunc.f32 v6  }
0x56a: {  	v6 =	vcvt.f32.s32 v6;
	v8 =	vmul.f32 v8, v7  }
0x56b: {  	v12 =	vsub.f32 $8.869645600e-01, v12  }
0x56c: {  	vm8 =	vlt.s32 v6, $0x4;
	v8 =	vadd.f32 $-1.333342670e+00, v8  }
0x56d: {  	v4 =	vsub.f32 v4, v11;
	v12 =	vmul.f32 v12, v10;
	v6 =	vnsel vm8, $0x4, v6  }
0x56e: {  	v9 =	vmul.f32 v3, v9;
	v6 =	vshll.u32 v6, $0x4;
	v7 =	vmul.f32 v8, v7  }
0x56f: {  	v3 =	vmax.f32 v3, $0.0e+00;
	v6 =	vor.u32 v2, v6;
	v8 =	vadd.f32 $-7.874456040e-01, v12  }
0x570: {  	v3 =	vsub.f32 v3, v9;
	v7 =	vadd.f32 $2.876902220e-01, v7  }
0x571: {  	v4 =	vand.u32 $0x7FFFFFFF, v4;
	v8 =	vmul.f32 v8, v10  }
0x572: {  	v4 =	vmul.f32 $5.000000000e+00, v4;
	v3 =	vadd.f32 v7, v3  }
0x573: {  	v7 =	vadd.f32 $8.865566250e-01, v8  }
0x574: {  	v4 =	vtrunc.f32 v4;
	[tilespmem:v6+s19+$0x0] =	vst.idx.add.f32.msk $0xffff, v3  }
0x575: {  	v3 =	vcvt.f32.s32 v4;
	v4 =	vmul.f32 v7, v10;
	[tilespmem:v6+s20+$0x0] =	vst.idx.add.f32.msk $0xffff, v1  }
0x576: {  	v6 =	vld [tilespmem:s25+$0x7EA0]  }
0x577: {  	v4 =	vadd.f32 $-1.333342670e+00, v4;
	vm9 =	vlt.s32 v3, $0x4  }
0x578: {  	v7 =	vmul.f32 v5, v11;
	v3 =	vnsel vm9, $0x4, v3  }
0x579: {  	v5 =	vmax.f32 v5, $0.0e+00;
	v4 =	vmul.f32 v4, v10;
	v3 =	vshll.u32 v3, $0x4  }
0x57a: {  	v5 =	vsub.f32 v5, v7;
	v3 =	vor.u32 v2, v3  }
0x57b: {  	v4 =	vadd.f32 $2.876902220e-01, v4;
	v7 =	vsub.f32 $0.0e+00, v6;
	_ =	sdelay $0x1  }
0x57c: {  	s28 =	simm.s32 $0x100;
	v4 =	vadd.f32 v4, v5;
	v5 =	vmul.f32 $1.442695020e+00, v7  }
0x57d: {  	v7 =	vld [tilespmem:s28+$0x7E80]  }
0x57e: {  	[tilespmem:v3+s19+$0x0] =	vst.idx.add.f32.msk $0xffff, v4;
	(erf) = vpow2.f32 v5  }
0x57f: {  	[tilespmem:v3+s20+$0x0] =	vst.idx.add.f32.msk $0xffff, v1  }
0x580: {  	v3 =	vld [tilespmem:s26+$0x7E90];
	_ =	sdelay $0x3  }
0x581: {  	v4 =	vsub.f32 $0.0e+00, v7  }
0x582: {  	v5 =	vsub.f32 $0.0e+00, v3  }
0x583: {  	v4 =	vmul.f32 $1.442695020e+00, v4  }
0x584: {  	v5 =	vmul.f32 $1.442695020e+00, v5;
	v8 =	vpop (erf)  }
0x585: {  	(erf) = vpow2.f32 v4;
	v4 =	vadd.f32 $1.000000000e+00, v8  }
0x586: {  	(erf) = vpow2.f32 v5  }
0x587: {  	(erf) = vrcp.f32 v4;
	_ =	sdelay $0x6  }
0x588: {  	v4 =	vpop (erf)  }
0x589: {  	v5 =	vpop (erf)  }
0x58a: {  	v8 =	vpop (erf)  }
0x58b: {  	v9 =	vsub.f32 $1.000000000e+00, v8;
	_ =	sdelay $0x1  }
0x58c: {  	v9 =	vmax.f32 v8, v9  }
0x58d: {  	v9 =	vadd.f32 $-7.500000000e-01, v9;
	_ =	sdelay $0x1  }
0x58e: {  	v10 =	vmul.f32 $9.538804880e-01, v9  }
0x58f: {  	v11 =	vld [tilespmem:s25+$0xBEA0]  }
0x590: {  	v10 =	vsub.f32 $8.869645600e-01, v10;
	_ =	sdelay $0x1  }
0x591: {  	v10 =	vmul.f32 v10, v9;
	_ =	sdelay $0x1  }
0x592: {  	v8 =	vsub.f32 v8, v11;
	v10 =	vadd.f32 $-7.874456040e-01, v10;
	_ =	sdelay $0x1  }
0x593: {  	v4 =	vadd.f32 $1.000000000e+00, v4;
	v8 =	vand.u32 $0x7FFFFFFF, v8;
	v10 =	vmul.f32 v10, v9  }
0x594: {  	v5 =	vadd.f32 $1.000000000e+00, v5;
	v8 =	vmul.f32 $5.000000000e+00, v8  }
0x595: {  	(erf) = vrcp.f32 v4;
	v4 =	vadd.f32 $8.865566250e-01, v10  }
0x596: {  	(erf) = vrcp.f32 v5;
	v5 =	vtrunc.f32 v8  }
0x597: {  	v5 =	vcvt.f32.s32 v5;
	v4 =	vmul.f32 v4, v9;
	_ =	sdelay $0x1  }
0x598: {  	vm10 =	vlt.s32 v5, $0x4;
	v4 =	vadd.f32 $-1.333342670e+00, v4  }
0x599: {  	v8 =	vmul.f32 v6, v11;
	v5 =	vnsel vm10, $0x4, v5  }
0x59a: {  	v5 =	vshll.u32 v5, $0x4;
	v4 =	vmul.f32 v4, v9  }
0x59b: {  	v6 =	vmax.f32 v6, $0.0e+00;
	v5 =	vor.u32 v2, v5  }
0x59c: {  	v6 =	vsub.f32 v6, v8;
	v4 =	vadd.f32 $2.876902220e-01, v4  }
0x59d: {  	v8 =	vpop (erf)  }
0x59e: {  	v9 =	vpop (erf);
	v4 =	vadd.f32 v4, v6  }
0x59f: {  	v6 =	vsub.f32 $1.000000000e+00, v9  }
0x5a0: {  	[tilespmem:v5+s19+$0x0] =	vst.idx.add.f32.msk $0xffff, v4  }
0x5a1: {  	v4 =	vmax.f32 v9, v6;
	[tilespmem:v5+s20+$0x0] =	vst.idx.add.f32.msk $0xffff, v1  }
0x5a2: {  	v4 =	vadd.f32 $-7.500000000e-01, v4;
	v5 =	vld [tilespmem:s25+$0x7EB0]  }
0x5a3: {  	v10 =	vld [tilespmem:s26+$0xBE90]  }
0x5a4: {  	v6 =	vmul.f32 $9.538804880e-01, v4  }
0x5a5: {  	v12 =	vsub.f32 $1.000000000e+00, v8  }
0x5a6: {  	v6 =	vsub.f32 $8.869645600e-01, v6  }
0x5a7: {  	v12 =	vmax.f32 v8, v12;
	v11 =	vsub.f32 $0.0e+00, v5  }
0x5a8: {  	v12 =	vadd.f32 $-7.500000000e-01, v12;
	v9 =	vsub.f32 v9, v10;
	v6 =	vmul.f32 v6, v4  }
0x5a9: {  	v11 =	vmul.f32 $1.442695020e+00, v11  }
0x5aa: {  	v13 =	vmul.f32 $9.538804880e-01, v12;
	v9 =	vand.u32 $0x7FFFFFFF, v9;
	v6 =	vadd.f32 $-7.874456040e-01, v6  }
0x5ab: {  	v9 =	vmul.f32 $5.000000000e+00, v9;
	(erf) = vpow2.f32 v11  }
0x5ac: {  	v6 =	vmul.f32 v6, v4  }
0x5ad: {  	v13 =	vsub.f32 $8.869645600e-01, v13;
	v9 =	vtrunc.f32 v9  }
0x5ae: {  	v9 =	vcvt.f32.s32 v9;
	v6 =	vadd.f32 $8.865566250e-01, v6  }
0x5af: {  	v13 =	vmul.f32 v13, v12;
	v11 =	vld [tilespmem:s28+$0xBE80]  }
0x5b0: {  	vm11 =	vlt.s32 v9, $0x4;
	v6 =	vmul.f32 v6, v4  }
0x5b1: {  	v13 =	vadd.f32 $-7.874456040e-01, v13;
	v9 =	vnsel vm11, $0x4, v9  }
0x5b2: {  	v6 =	vadd.f32 $-1.333342670e+00, v6  }
0x5b3: {  	v13 =	vmul.f32 v13, v12;
	v10 =	vmul.f32 v3, v10  }
0x5b4: {  	v8 =	vsub.f32 v8, v11;
	v4 =	vmul.f32 v6, v4;
	v6 =	vshll.u32 v9, $0x4;
	v9 =	vpop (erf)  }
0x5b5: {  	v3 =	vmax.f32 v3, $0.0e+00;
	v6 =	vor.u32 v2, v6;
	v9 =	vadd.f32 $1.000000000e+00, v9  }
0x5b6: {  	v3 =	vsub.f32 v3, v10;
	v8 =	vand.u32 $0x7FFFFFFF, v8;
	v4 =	vadd.f32 $2.876902220e-01, v4  }
0x5b7: {  	v8 =	vmul.f32 $5.000000000e+00, v8;
	(erf) = vrcp.f32 v9  }
0x5b8: {  	v9 =	vadd.f32 $8.865566250e-01, v13;
	v3 =	vadd.f32 v4, v3  }
0x5b9: {  	v4 =	vtrunc.f32 v8  }
0x5ba: {  	v4 =	vcvt.f32.s32 v4;
	v8 =	vmul.f32 v9, v12;
	[tilespmem:v6+s19+$0x0] =	vst.idx.add.f32.msk $0xffff, v3  }
0x5bb: {  	[tilespmem:v6+s20+$0x0] =	vst.idx.add.f32.msk $0xffff, v1  }
0x5bc: {  	vm12 =	vlt.s32 v4, $0x4;
	v3 =	vadd.f32 $-1.333342670e+00, v8;
	v6 =	vld [tilespmem:s26+$0x7EA0];
	v8 =	vmul.f32 v7, v11  }
0x5bd: {  	v4 =	vnsel vm12, $0x4, v4  }
0x5be: {  	v4 =	vshll.u32 v4, $0x4;
	v3 =	vmul.f32 v3, v12  }
0x5bf: {  	v7 =	vmax.f32 v7, $0.0e+00;
	v4 =	vor.u32 v2, v4  }
0x5c0: {  	v7 =	vsub.f32 v7, v8;
	v3 =	vadd.f32 $2.876902220e-01, v3;
	v8 =	vpop (erf)  }
0x5c1: {  	v9 =	vsub.f32 $0.0e+00, v6;
	v10 =	vsub.f32 $1.000000000e+00, v8  }
0x5c2: {  	s29 =	simm.s32 $0x180;
	v7 =	vadd.f32 v3, v7  }
0x5c3: {  	v3 =	vld [tilespmem:s29+$0x7E80];
	v9 =	vmul.f32 $1.442695020e+00, v9;
	v10 =	vmax.f32 v8, v10  }
0x5c4: {  	[tilespmem:v4+s19+$0x0] =	vst.idx.add.f32.msk $0xffff, v7;
	v7 =	vadd.f32 $-7.500000000e-01, v10  }
0x5c5: {  	[tilespmem:v4+s20+$0x0] =	vst.idx.add.f32.msk $0xffff, v1;
	(erf) = vpow2.f32 v9  }
0x5c6: {  	v10 =	vld [tilespmem:s25+$0xBEB0];
	v9 =	vmul.f32 $9.538804880e-01, v7  }
0x5c7: {  	v4 =	vld [tilespmem:s28+$0x7E90]  }
0x5c8: {  	v9 =	vsub.f32 $8.869645600e-01, v9;
	_ =	sdelay $0x1  }
0x5c9: {  	v9 =	vmul.f32 v9, v7  }
0x5ca: {  	v11 =	vsub.f32 $0.0e+00, v3;
	v8 =	vsub.f32 v8, v10  }
0x5cb: {  	v12 =	vsub.f32 $0.0e+00, v4;
	v9 =	vadd.f32 $-7.874456040e-01, v9  }
0x5cc: {  	v11 =	vmul.f32 $1.442695020e+00, v11  }
0x5cd: {  	v8 =	vand.u32 $0x7FFFFFFF, v8;
	v12 =	vmul.f32 $1.442695020e+00, v12;
	v13 =	vpop (erf);
	v9 =	vmul.f32 v9, v7  }
0x5ce: {  	(erf) = vpow2.f32 v11;
	v8 =	vmul.f32 $5.000000000e+00, v8;
	v11 =	vadd.f32 $1.000000000e+00, v13  }
0x5cf: {  	(erf) = vpow2.f32 v12;
	v9 =	vadd.f32 $8.865566250e-01, v9  }
0x5d0: {  	v8 =	vtrunc.f32 v8;
	(erf) = vrcp.f32 v11  }
0x5d1: {  	v8 =	vcvt.f32.s32 v8;
	v9 =	vmul.f32 v9, v7;
	_ =	sdelay $0x1  }
0x5d2: {  	vm13 =	vlt.s32 v8, $0x4;
	v9 =	vadd.f32 $-1.333342670e+00, v9  }
0x5d3: {  	v10 =	vmul.f32 v5, v10;
	v8 =	vnsel vm13, $0x4, v8  }
0x5d4: {  	v8 =	vshll.u32 v8, $0x4;
	v7 =	vmul.f32 v9, v7  }
0x5d5: {  	v5 =	vmax.f32 v5, $0.0e+00;
	v8 =	vor.u32 v2, v8  }
0x5d6: {  	v5 =	vsub.f32 v5, v10;
	v9 =	vpop (erf);
	v7 =	vadd.f32 $2.876902220e-01, v7  }
0x5d7: {  	v10 =	vpop (erf)  }
0x5d8: {  	v11 =	vpop (erf);
	v5 =	vadd.f32 v7, v5  }
0x5d9: {  	v7 =	vsub.f32 $1.000000000e+00, v11  }
0x5da: {  	[tilespmem:v8+s19+$0x0] =	vst.idx.add.f32.msk $0xffff, v5  }
0x5db: {  	v5 =	vmax.f32 v11, v7;
	[tilespmem:v8+s20+$0x0] =	vst.idx.add.f32.msk $0xffff, v1  }
0x5dc: {  	v5 =	vadd.f32 $-7.500000000e-01, v5;
	v7 =	vld [tilespmem:s25+$0x7EC0];
	_ =	sdelay $0x1  }
0x5dd: {  	v12 =	vld [tilespmem:s26+$0xBEA0];
	v8 =	vmul.f32 $9.538804880e-01, v5;
	_ =	sdelay $0x1  }
0x5de: {  	v9 =	vadd.f32 $1.000000000e+00, v9;
	v8 =	vsub.f32 $8.869645600e-01, v8  }
0x5df: {  	v10 =	vadd.f32 $1.000000000e+00, v10;
	v13 =	vsub.f32 $0.0e+00, v7  }
0x5e0: {  	(erf) = vrcp.f32 v9;
	v8 =	vmul.f32 v8, v5  }
0x5e1: {  	(erf) = vrcp.f32 v10;
	v10 =	vsub.f32 v11, v12;
	v9 =	vmul.f32 $1.442695020e+00, v13  }
0x5e2: {  	v8 =	vadd.f32 $-7.874456040e-01, v8  }
0x5e3: {  	(erf) = vpow2.f32 v9;
	v9 =	vand.u32 $0x7FFFFFFF, v10  }
0x5e4: {  	v8 =	vmul.f32 v8, v5;
	v9 =	vmul.f32 $5.000000000e+00, v9;
	_ =	sdelay $0x1  }
0x5e5: {  	v8 =	vadd.f32 $8.865566250e-01, v8;
	v9 =	vtrunc.f32 v9  }
0x5e6: {  	v9 =	vcvt.f32.s32 v9  }
0x5e7: {  	v8 =	vmul.f32 v8, v5  }
0x5e8: {  	vm14 =	vlt.s32 v9, $0x4  }
0x5e9: {  	v8 =	vadd.f32 $-1.333342670e+00, v8;
	v9 =	vnsel vm14, $0x4, v9  }
0x5ea: {  	v12 =	vmul.f32 v6, v12;
	v10 =	vpop (erf)  }
0x5eb: {  	v6 =	vmax.f32 v6, $0.0e+00;
	v11 =	vpop (erf);
	v5 =	vmul.f32 v8, v5;
	v8 =	vshll.u32 v9, $0x4  }
0x5ec: {  	v6 =	vsub.f32 v6, v12;
	v9 =	vpop (erf);
	v8 =	vor.u32 v2, v8  }
0x5ed: {  	v9 =	vadd.f32 $1.000000000e+00, v9;
	v5 =	vadd.f32 $2.876902220e-01, v5  }
0x5ee: {  	v13 =	vsub.f32 $1.000000000e+00, v11  }
0x5ef: {  	(erf) = vrcp.f32 v9;
	v9 =	vld [tilespmem:s29+$0xBE80];
	v5 =	vadd.f32 v5, v6  }
0x5f0: {  	v12 =	vsub.f32 $1.000000000e+00, v10;
	v13 =	vmax.f32 v11, v13;
	v6 =	vld [tilespmem:s28+$0xBE90]  }
0x5f1: {  	v13 =	vadd.f32 $-7.500000000e-01, v13;
	[tilespmem:v8+s19+$0x0] =	vst.idx.add.f32.msk $0xffff, v5  }
0x5f2: {  	v12 =	vmax.f32 v10, v12;
	[tilespmem:v8+s20+$0x0] =	vst.idx.add.f32.msk $0xffff, v1  }
0x5f3: {  	v12 =	vadd.f32 $-7.500000000e-01, v12;
	v14 =	vmul.f32 $9.538804880e-01, v13;
	v5 =	vld [tilespmem:s26+$0x7EB0];
	_ =	sdelay $0x1  }
0x5f4: {  	v8 =	vsub.f32 $8.869645600e-01, v14;
	v14 =	vmul.f32 $9.538804880e-01, v12;
	_ =	sdelay $0x1  }
0x5f5: {  	v8 =	vmul.f32 v8, v13;
	v10 =	vsub.f32 v10, v9;
	v14 =	vsub.f32 $8.869645600e-01, v14  }
0x5f6: {  	v11 =	vsub.f32 v11, v6;
	v15 =	vpop (erf);
	v16 =	vsub.f32 $0.0e+00, v5  }
0x5f7: {  	v20 =	vmax.f32 v4, $0.0e+00;
	v8 =	vadd.f32 $-7.874456040e-01, v8;
	v17 =	vsub.f32 $1.000000000e+00, v15  }
0x5f8: {  	v10 =	vand.u32 $0x7FFFFFFF, v10;
	v14 =	vmul.f32 v14, v12;
	v16 =	vmul.f32 $1.442695020e+00, v16  }
0x5f9: {  	v11 =	vand.u32 $0x7FFFFFFF, v11;
	v8 =	vmul.f32 v8, v13;
	v17 =	vmax.f32 v15, v17  }
0x5fa: {  	v11 =	vmul.f32 $5.000000000e+00, v11;
	v17 =	vadd.f32 $-7.500000000e-01, v17;
	(erf) = vpow2.f32 v16  }
0x5fb: {  	v4 =	vmul.f32 v4, v6;
	v10 =	vmul.f32 $5.000000000e+00, v10;
	v8 =	vadd.f32 $8.865566250e-01, v8  }
0x5fc: {  	v18 =	vld [tilespmem:s25+$0xBEC0];
	v14 =	vadd.f32 $-7.874456040e-01, v14;
	v11 =	vtrunc.f32 v11;
	v16 =	vmul.f32 $9.538804880e-01, v17  }
0x5fd: {  	v19 =	vmax.f32 v3, $0.0e+00;
	v10 =	vtrunc.f32 v10;
	v8 =	vmul.f32 v8, v13  }
0x5fe: {  	v14 =	vmul.f32 v14, v12;
	v11 =	vcvt.f32.s32 v11;
	v16 =	vsub.f32 $8.869645600e-01, v16  }
0x5ff: {  	v4 =	vsub.f32 v20, v4;
	v10 =	vcvt.f32.s32 v10;
	v8 =	vadd.f32 $-1.333342670e+00, v8  }
0x600: {  	v14 =	vadd.f32 $8.865566250e-01, v14;
	vm15 =	vlt.s32 v11, $0x4;
	v16 =	vmul.f32 v16, v17  }
0x601: {  	v6 =	vnsel vm15, $0x4, v11;
	v11 =	vsub.f32 v15, v18;
	v8 =	vmul.f32 v8, v13  }
0x602: {  	v6 =	vshll.u32 v6, $0x4;
	v14 =	vmul.f32 v14, v12;
	v13 =	vadd.f32 $-7.874456040e-01, v16  }
0x603: {  	v6 =	vor.u32 v2, v6;
	v11 =	vand.u32 $0x7FFFFFFF, v11;
	v8 =	vadd.f32 $2.876902220e-01, v8;
	v15 =	vpop (erf)  }
0x604: {  	v11 =	vmul.f32 $5.000000000e+00, v11;
	v13 =	vmul.f32 v13, v17;
	v15 =	vadd.f32 $1.000000000e+00, v15  }
0x605: {  	vm4 =	vlt.s32 v10, $0x4;
	v14 =	vadd.f32 $-1.333342670e+00, v14;
	v4 =	vadd.f32 v8, v4  }
0x606: {  	v8 =	vtrunc.f32 v11;
	v13 =	vadd.f32 $8.865566250e-01, v13;
	(erf) = vrcp.f32 v15  }
0x607: {  	v3 =	vmul.f32 v3, v9;
	v10 =	vnsel vm4, $0x4, v10;
	v8 =	vcvt.f32.s32 v8  }
0x608: {  	v9 =	vshll.u32 v10, $0x4;
	[tilespmem:v6+s19+$0x0] =	vst.idx.add.f32.msk $0xffff, v4;
	v4 =	vmul.f32 v14, v12;
	v11 =	vmul.f32 v13, v17  }
0x609: {  	v3 =	vsub.f32 v19, v3;
	[tilespmem:v6+s20+$0x0] =	vst.idx.add.f32.msk $0xffff, v1;
	v6 =	vor.u32 v2, v9;
	vm5 =	vlt.s32 v8, $0x4  }
0x60a: {  	v10 =	vld [tilespmem:s28+$0x7EA0];
	v4 =	vadd.f32 $2.876902220e-01, v4;
	v8 =	vnsel vm5, $0x4, v8;
	v9 =	vadd.f32 $-1.333342670e+00, v11  }
0x60b: {  	v8 =	vshll.u32 v8, $0x4  }
0x60c: {  	s30 =	simm.s32 $0x200;
	v4 =	vadd.f32 v4, v3;
	v11 =	vmul.f32 v7, v18;
	v9 =	vmul.f32 v9, v17  }
0x60d: {  	v8 =	vor.u32 v2, v8;
	v3 =	vld [tilespmem:s30+$0x7E80];
	v7 =	vmax.f32 v7, $0.0e+00  }
0x60e: {  	[tilespmem:v6+s19+$0x0] =	vst.idx.add.f32.msk $0xffff, v4;
	v7 =	vsub.f32 v7, v11;
	v9 =	vadd.f32 $2.876902220e-01, v9  }
0x60f: {  	[tilespmem:v6+s20+$0x0] =	vst.idx.add.f32.msk $0xffff, v1;
	v11 =	vsub.f32 $0.0e+00, v10;
	v12 =	vpop (erf)  }
0x610: {  	v4 =	vld [tilespmem:s29+$0x7E90];
	v6 =	vadd.f32 v9, v7;
	v7 =	vsub.f32 $1.000000000e+00, v12  }
0x611: {  	v9 =	vmul.f32 $1.442695020e+00, v11;
	v11 =	vld [tilespmem:s26+$0xBEB0]  }
0x612: {  	[tilespmem:v8+s19+$0x0] =	vst.idx.add.f32.msk $0xffff, v6;
	v6 =	vmax.f32 v12, v7  }
0x613: {  	(erf) = vpow2.f32 v9;
	[tilespmem:v8+s20+$0x0] =	vst.idx.add.f32.msk $0xffff, v1;
	v6 =	vadd.f32 $-7.500000000e-01, v6  }
0x614: {  	v7 =	vsub.f32 $0.0e+00, v3;
	v8 =	vld [tilespmem:s25+$0x7ED0]  }
0x615: {  	v9 =	vmul.f32 $9.538804880e-01, v6  }
0x616: {  	v13 =	vsub.f32 $0.0e+00, v4;
	v7 =	vmul.f32 $1.442695020e+00, v7  }
0x617: {  	v9 =	vsub.f32 $8.869645600e-01, v9  }
0x618: {  	v13 =	vmul.f32 $1.442695020e+00, v13;
	(erf) = vpow2.f32 v7  }
0x619: {  	v12 =	vsub.f32 v12, v11;
	v7 =	vsub.f32 $0.0e+00, v8;
	v9 =	vmul.f32 v9, v6;
	_ =	sdelay $0x1  }
0x61a: {  	v12 =	vand.u32 $0x7FFFFFFF, v12;
	v7 =	vmul.f32 $1.442695020e+00, v7;
	v9 =	vadd.f32 $-7.874456040e-01, v9  }
0x61b: {  	(erf) = vpow2.f32 v13;
	v12 =	vmul.f32 $5.000000000e+00, v12;
	v13 =	vpop (erf)  }
0x61c: {  	(erf) = vpow2.f32 v7;
	v7 =	vadd.f32 $1.000000000e+00, v13;
	v9 =	vmul.f32 v9, v6;
	_ =	sdelay $0x1  }
0x61d: {  	(erf) = vrcp.f32 v7;
	v7 =	vadd.f32 $8.865566250e-01, v9;
	_ =	sdelay $0x1  }
0x61e: {  	v9 =	vtrunc.f32 v12;
	v12 =	vpop (erf);
	v7 =	vmul.f32 v7, v6  }
0x61f: {  	v9 =	vcvt.f32.s32 v9;
	v12 =	vadd.f32 $1.000000000e+00, v12  }
0x620: {  	v7 =	vadd.f32 $-1.333342670e+00, v7  }
0x621: {  	vm6 =	vlt.s32 v9, $0x4  }
0x622: {  	v11 =	vmul.f32 v5, v11;
	v5 =	vmax.f32 v5, $0.0e+00;
	v9 =	vnsel vm6, $0x4, v9  }
0x623: {  	(erf) = vrcp.f32 v12;
	v12 =	vpop (erf);
	v9 =	vshll.u32 v9, $0x4;
	v6 =	vmul.f32 v7, v6  }
0x624: {  	v5 =	vsub.f32 v5, v11;
	v12 =	vadd.f32 $1.000000000e+00, v12;
	v9 =	vor.u32 v2, v9;
	v7 =	vpop (erf)  }
0x625: {  	v6 =	vadd.f32 $2.876902220e-01, v6;
	v7 =	vadd.f32 $1.000000000e+00, v7  }
0x626: {  	(erf) = vrcp.f32 v12  }
0x627: {  	v11 =	vpop (erf);
	v5 =	vadd.f32 v6, v5;
	(erf) = vrcp.f32 v7  }
0x628: {  	v7 =	vsub.f32 $1.000000000e+00, v11  }
0x629: {  	[tilespmem:v9+s19+$0x0] =	vst.idx.add.f32.msk $0xffff, v5  }
0x62a: {  	v6 =	vmax.f32 v11, v7;
	[tilespmem:v9+s20+$0x0] =	vst.idx.add.f32.msk $0xffff, v1  }
0x62b: {  	v7 =	vld [tilespmem:s28+$0xBEA0];
	v6 =	vadd.f32 $-7.500000000e-01, v6  }
0x62c: {  	v5 =	vld [tilespmem:s26+$0x7EC0]  }
0x62d: {  	v9 =	vmul.f32 $9.538804880e-01, v6  }
0x62e: {  	v12 =	vpop (erf)  }
0x62f: {  	v13 =	vpop (erf);
	v9 =	vsub.f32 $8.869645600e-01, v9  }
0x630: {  	v11 =	vsub.f32 v11, v7;
	v14 =	vpop (erf)  }
0x631: {  	v15 =	vsub.f32 $0.0e+00, v5;
	v9 =	vmul.f32 v9, v6;
	v16 =	vsub.f32 $1.000000000e+00, v14  }
0x632: {  	v11 =	vand.u32 $0x7FFFFFFF, v11  }
0x633: {  	v15 =	vmul.f32 $1.442695020e+00, v15;
	v9 =	vadd.f32 $-7.874456040e-01, v9;
	v16 =	vmax.f32 v14, v16  }
0x634: {  	v11 =	vmul.f32 $5.000000000e+00, v11;
	v16 =	vadd.f32 $-7.500000000e-01, v16  }
0x635: {  	(erf) = vpow2.f32 v15;
	v9 =	vmul.f32 v9, v6  }
0x636: {  	v17 =	vmul.f32 $9.538804880e-01, v16  }
0x637: {  	v19 =	vld [tilespmem:s25+$0xBED0];
	v11 =	vtrunc.f32 v11;
	v9 =	vadd.f32 $8.865566250e-01, v9  }
0x638: {  	v7 =	vmul.f32 v10, v7;
	v11 =	vcvt.f32.s32 v11;
	v17 =	vsub.f32 $8.869645600e-01, v17  }
0x639: {  	v20 =	vmax.f32 v10, $0.0e+00;
	v18 =	vsub.f32 $1.000000000e+00, v13;
	v9 =	vmul.f32 v9, v6  }
0x63a: {  	v7 =	vsub.f32 v20, v7;
	vm7 =	vlt.s32 v11, $0x4;
	v17 =	vmul.f32 v17, v16  }
0x63b: {  	v15 =	vsub.f32 $1.000000000e+00, v12;
	v10 =	vnsel vm7, $0x4, v11;
	v9 =	vadd.f32 $-1.333342670e+00, v9  }
0x63c: {  	v18 =	vmax.f32 v13, v18;
	v11 =	vsub.f32 v14, v19;
	v14 =	vadd.f32 $-7.874456040e-01, v17  }
0x63d: {  	v18 =	vadd.f32 $-7.500000000e-01, v18;
	v6 =	vmul.f32 v9, v6;
	v9 =	vshll.u32 v10, $0x4  }
0x63e: {  	v15 =	vmax.f32 v12, v15;
	v10 =	vpop (erf);
	v9 =	vor.u32 v2, v9;
	v14 =	vmul.f32 v14, v16  }
0x63f: {  	v11 =	vand.u32 $0x7FFFFFFF, v11;
	v10 =	vadd.f32 $1.000000000e+00, v10;
	v6 =	vadd.f32 $2.876902220e-01, v6  }
0x640: {  	v11 =	vmul.f32 $5.000000000e+00, v11;
	v17 =	vmul.f32 $9.538804880e-01, v18;
	v14 =	vadd.f32 $8.865566250e-01, v14  }
0x641: {  	v20 =	vld [tilespmem:s29+$0xBE90];
	v15 =	vadd.f32 $-7.500000000e-01, v15;
	(erf) = vrcp.f32 v10;
	v6 =	vadd.f32 v6, v7  }
0x642: {  	v10 =	vsub.f32 $8.869645600e-01, v17;
	v7 =	vtrunc.f32 v11;
	v11 =	vmul.f32 v14, v16  }
0x643: {  	v14 =	vcvt.f32.s32 v7;
	v7 =	vmul.f32 $9.538804880e-01, v15;
	[tilespmem:v9+s19+$0x0] =	vst.idx.add.f32.msk $0xffff, v6  }
0x644: {  	v6 =	vmul.f32 v10, v18;
	[tilespmem:v9+s20+$0x0] =	vst.idx.add.f32.msk $0xffff, v1  }
0x645: {  	v9 =	vadd.f32 $-1.333342670e+00, v11;
	vm8 =	vlt.s32 v14, $0x4;
	v10 =	vsub.f32 $8.869645600e-01, v7;
	v7 =	vld [tilespmem:s28+$0x7EB0]  }
0x646: {  	v11 =	vsub.f32 v13, v20;
	v6 =	vadd.f32 $-7.874456040e-01, v6;
	v13 =	vnsel vm8, $0x4, v14  }
0x647: {  	v14 =	vmul.f32 v8, v19;
	v9 =	vmul.f32 v9, v16;
	v13 =	vshll.u32 v13, $0x4  }
0x648: {  	v8 =	vmax.f32 v8, $0.0e+00;
	v16 =	vld [tilespmem:s30+$0xBE80];
	v13 =	vor.u32 v2, v13  }
0x649: {  	v6 =	vmul.f32 v6, v18;
	v8 =	vsub.f32 v8, v14;
	v9 =	vadd.f32 $2.876902220e-01, v9  }
0x64a: {  	v10 =	vmul.f32 v10, v15;
	v11 =	vand.u32 $0x7FFFFFFF, v11;
	v14 =	vsub.f32 $0.0e+00, v7  }
0x64b: {  	v17 =	vpop (erf);
	v6 =	vadd.f32 $8.865566250e-01, v6;
	v8 =	vadd.f32 v9, v8;
	v9 =	vmul.f32 $5.000000000e+00, v11  }
0x64c: {  	v10 =	vadd.f32 $-7.874456040e-01, v10;
	v11 =	vsub.f32 $1.000000000e+00, v17;
	v14 =	vmul.f32 $1.442695020e+00, v14  }
0x64d: {  	v12 =	vsub.f32 v12, v16;
	[tilespmem:v13+s19+$0x0] =	vst.idx.add.f32.msk $0xffff, v8;
	v8 =	vtrunc.f32 v9;
	v9 =	vmul.f32 v6, v18  }
0x64e: {  	v6 =	vmax.f32 v17, v11;
	[tilespmem:v13+s20+$0x0] =	vst.idx.add.f32.msk $0xffff, v1;
	v8 =	vcvt.f32.s32 v8;
	(erf) = vpow2.f32 v14  }
0x64f: {  	v10 =	vmul.f32 v10, v15;
	v13 =	vadd.f32 $-7.500000000e-01, v6;
	v6 =	vld [tilespmem:s25+$0x7EE0]  }
0x650: {  	v11 =	vand.u32 $0x7FFFFFFF, v12;
	v9 =	vadd.f32 $-1.333342670e+00, v9;
	vm9 =	vlt.s32 v8, $0x4  }
0x651: {  	v12 =	vmul.f32 v4, v20;
	v14 =	vmul.f32 $9.538804880e-01, v13;
	v8 =	vnsel vm9, $0x4, v8  }
0x652: {  	v4 =	vmax.f32 v4, $0.0e+00;
	v9 =	vmul.f32 v9, v18;
	v18 =	vld [tilespmem:s26+$0xBEC0];
	v8 =	vshll.u32 v8, $0x4  }
0x653: {  	v4 =	vsub.f32 v4, v12;
	v12 =	vsub.f32 $8.869645600e-01, v14;
	v8 =	vor.u32 v2, v8  }
0x654: {  	v9 =	vadd.f32 $2.876902220e-01, v9;
	v14 =	vsub.f32 $0.0e+00, v6  }
0x655: {  	v10 =	vadd.f32 $8.865566250e-01, v10;
	v12 =	vmul.f32 v12, v13  }
0x656: {  	v11 =	vmul.f32 $5.000000000e+00, v11;
	v4 =	vadd.f32 v9, v4;
	v9 =	vmul.f32 $1.442695020e+00, v14  }
0x657: {  	v10 =	vmul.f32 v10, v15;
	v14 =	vsub.f32 v17, v18;
	v12 =	vadd.f32 $-7.874456040e-01, v12;
	v19 =	vpop (erf)  }
0x658: {  	v11 =	vtrunc.f32 v11;
	(erf) = vpow2.f32 v9;
	[tilespmem:v8+s19+$0x0] =	vst.idx.add.f32.msk $0xffff, v4;
	v4 =	vadd.f32 $1.000000000e+00, v19  }
0x659: {  	v9 =	vand.u32 $0x7FFFFFFF, v14;
	v12 =	vmul.f32 v12, v13;
	v14 =	vcvt.f32.s32 v11  }
0x65a: {  	v10 =	vadd.f32 $-1.333342670e+00, v10;
	[tilespmem:v8+s20+$0x0] =	vst.idx.add.f32.msk $0xffff, v1;
	v8 =	vmul.f32 $5.000000000e+00, v9;
	(erf) = vrcp.f32 v4  }
0x65b: {  	v17 =	vmax.f32 v3, $0.0e+00;
	v4 =	vadd.f32 $8.865566250e-01, v12  }
0x65c: {  	v9 =	vmul.f32 v10, v15;
	vm10 =	vlt.s32 v14, $0x4;
	v8 =	vtrunc.f32 v8  }
0x65d: {  	v10 =	vnsel vm10, $0x4, v14;
	v8 =	vcvt.f32.s32 v8;
	v4 =	vmul.f32 v4, v13  }
0x65e: {  	v3 =	vmul.f32 v3, v16;
	v12 =	vmul.f32 v5, v18;
	v10 =	vshll.u32 v10, $0x4  }
0x65f: {  	v11 =	vld [tilespmem:s29+$0x7EA0];
	v10 =	vor.u32 v2, v10;
	vm11 =	vlt.s32 v8, $0x4;
	v4 =	vadd.f32 $-1.333342670e+00, v4  }
0x660: {  	v3 =	vsub.f32 v17, v3;
	v9 =	vadd.f32 $2.876902220e-01, v9;
	v8 =	vnsel vm11, $0x4, v8  }
0x661: {  	s31 =	simm.s32 $0x280;
	v5 =	vmax.f32 v5, $0.0e+00;
	v8 =	vshll.u32 v8, $0x4;
	v4 =	vmul.f32 v4, v13;
	v14 =	vpop (erf)  }
0x662: {  	v3 =	vadd.f32 v9, v3;
	v13 =	vld [tilespmem:s31+$0x7E80];
	v8 =	vor.u32 v2, v8;
	v14 =	vadd.f32 $1.000000000e+00, v14  }
0x663: {  	v5 =	vsub.f32 v5, v12;
	v4 =	vadd.f32 $2.876902220e-01, v4;
	v12 =	vpop (erf)  }
0x664: {  	v9 =	vsub.f32 $0.0e+00, v11;
	[tilespmem:v10+s19+$0x0] =	vst.idx.add.f32.msk $0xffff, v3;
	(erf) = vrcp.f32 v14;
	v3 =	vsub.f32 $1.000000000e+00, v12  }
0x665: {  	[tilespmem:v10+s20+$0x0] =	vst.idx.add.f32.msk $0xffff, v1;
	v5 =	vadd.f32 v4, v5  }
0x666: {  	v9 =	vmul.f32 $1.442695020e+00, v9;
	v4 =	vld [tilespmem:s30+$0x7E90];
	v3 =	vmax.f32 v12, v3  }
0x667: {  	v10 =	vsub.f32 $0.0e+00, v13;
	[tilespmem:v8+s19+$0x0] =	vst.idx.add.f32.msk $0xffff, v5;
	v3 =	vadd.f32 $-7.500000000e-01, v3  }
0x668: {  	(erf) = vpow2.f32 v9;
	[tilespmem:v8+s20+$0x0] =	vst.idx.add.f32.msk $0xffff, v1  }
0x669: {  	v5 =	vmul.f32 $1.442695020e+00, v10;
	v10 =	vld [tilespmem:s26+$0x7ED0];
	v9 =	vmul.f32 $9.538804880e-01, v3  }
0x66a: {  	v8 =	vld [tilespmem:s28+$0xBEB0]  }
0x66b: {  	(erf) = vpow2.f32 v5;
	v5 =	vsub.f32 $0.0e+00, v4;
	v9 =	vsub.f32 $8.869645600e-01, v9;
	_ =	sdelay $0x1  }
0x66c: {  	v5 =	vmul.f32 $1.442695020e+00, v5;
	v14 =	vpop (erf);
	v9 =	vmul.f32 v9, v3  }
0x66d: {  	v15 =	vsub.f32 $0.0e+00, v10;
	v16 =	vsub.f32 $1.000000000e+00, v14  }
0x66e: {  	(erf) = vpow2.f32 v5;
	v5 =	vsub.f32 v12, v8;
	v9 =	vadd.f32 $-7.874456040e-01, v9  }
0x66f: {  	v15 =	vmul.f32 $1.442695020e+00, v15;
	v16 =	vmax.f32 v14, v16  }
0x670: {  	v12 =	vpop (erf);
	v5 =	vand.u32 $0x7FFFFFFF, v5;
	v16 =	vadd.f32 $-7.500000000e-01, v16;
	v9 =	vmul.f32 v9, v3  }
0x671: {  	v12 =	vadd.f32 $1.000000000e+00, v12;
	v5 =	vmul.f32 $5.000000000e+00, v5;
	(erf) = vpow2.f32 v15  }
0x672: {  	v15 =	vmul.f32 $9.538804880e-01, v16;
	v9 =	vadd.f32 $8.865566250e-01, v9  }
0x673: {  	v17 =	vpop (erf);
	(erf) = vrcp.f32 v12;
	v12 =	vld [tilespmem:s25+$0xBEE0];
	v5 =	vtrunc.f32 v5  }
0x674: {  	v17 =	vadd.f32 $1.000000000e+00, v17;
	v15 =	vsub.f32 $8.869645600e-01, v15;
	v9 =	vmul.f32 v9, v3  }
0x675: {  	v5 =	vcvt.f32.s32 v5  }
0x676: {  	(erf) = vrcp.f32 v17;
	v15 =	vmul.f32 v15, v16;
	v9 =	vadd.f32 $-1.333342670e+00, v9  }
0x677: {  	v17 =	vmax.f32 v7, $0.0e+00;
	v7 =	vmul.f32 v7, v8;
	vm12 =	vlt.s32 v5, $0x4  }
0x678: {  	v8 =	vpop (erf);
	v5 =	vnsel vm12, $0x4, v5;
	v14 =	vsub.f32 v14, v12;
	v15 =	vadd.f32 $-7.874456040e-01, v15  }
0x679: {  	v8 =	vadd.f32 $1.000000000e+00, v8;
	v7 =	vsub.f32 v17, v7;
	v5 =	vshll.u32 v5, $0x4  }
0x67a: {  	v3 =	vmul.f32 v9, v3;
	v14 =	vand.u32 $0x7FFFFFFF, v14;
	v9 =	vpop (erf);
	v15 =	vmul.f32 v15, v16  }
0x67b: {  	v5 =	vor.u32 v2, v5;
	v14 =	vmul.f32 $5.000000000e+00, v14;
	v9 =	vadd.f32 $1.000000000e+00, v9  }
0x67c: {  	(erf) = vrcp.f32 v8;
	v3 =	vadd.f32 $2.876902220e-01, v3;
	v17 =	vpop (erf);
	v8 =	vadd.f32 $8.865566250e-01, v15  }
0x67d: {  	v15 =	vsub.f32 $1.000000000e+00, v17;
	(erf) = vrcp.f32 v9;
	v9 =	vtrunc.f32 v14  }
0x67e: {  	v3 =	vadd.f32 v3, v7;
	v7 =	vmul.f32 v8, v16;
	v8 =	vcvt.f32.s32 v9  }
0x67f: {  	v9 =	vld [tilespmem:s31+$0xBE80]  }
0x680: {  	v14 =	vpop (erf);
	v15 =	vmax.f32 v17, v15;
	[tilespmem:v5+s19+$0x0] =	vst.idx.add.f32.msk $0xffff, v3;
	v3 =	vadd.f32 $-1.333342670e+00, v7;
	vm13 =	vlt.s32 v8, $0x4  }
0x681: {  	v18 =	vsub.f32 $1.000000000e+00, v14;
	v15 =	vadd.f32 $-7.500000000e-01, v15;
	v7 =	vnsel vm13, $0x4, v8  }
0x682: {  	[tilespmem:v5+s20+$0x0] =	vst.idx.add.f32.msk $0xffff, v1;
	v8 =	vmul.f32 v6, v12;
	v3 =	vmul.f32 v3, v16;
	v7 =	vshll.u32 v7, $0x4  }
0x683: {  	v5 =	vld [tilespmem:s28+$0x7EC0];
	v12 =	vmul.f32 $9.538804880e-01, v15;
	v6 =	vmax.f32 v6, $0.0e+00;
	v19 =	vor.u32 v2, v7  }
0x684: {  	v16 =	vld [tilespmem:s29+$0xBEA0];
	v7 =	vmax.f32 v13, $0.0e+00;
	v6 =	vsub.f32 v6, v8;
	v3 =	vadd.f32 $2.876902220e-01, v3  }
0x685: {  	v20 =	vsub.f32 v14, v9;
	v8 =	vmul.f32 v13, v9;
	v21 =	vpop (erf);
	v9 =	vsub.f32 $8.869645600e-01, v12  }
0x686: {  	v13 =	vmax.f32 v14, v18;
	v12 =	vsub.f32 $1.000000000e+00, v21;
	v14 =	vpop (erf);
	v3 =	vadd.f32 v3, v6  }
0x687: {  	v22 =	vmax.f32 v11, $0.0e+00;
	v6 =	vmul.f32 v9, v15;
	v18 =	vsub.f32 $1.000000000e+00, v14  }
0x688: {  	v20 =	vand.u32 $0x7FFFFFFF, v20;
	v9 =	vsub.f32 $0.0e+00, v5;
	v12 =	vmax.f32 v21, v12;
	[tilespmem:v19+s19+$0x0] =	vst.idx.add.f32.msk $0xffff, v3  }
0x689: {  	v17 =	vsub.f32 v17, v16;
	v6 =	vadd.f32 $-7.874456040e-01, v6;
	v3 =	vmax.f32 v14, v18;
	[tilespmem:v19+s20+$0x0] =	vst.idx.add.f32.msk $0xffff, v1  }
0x68a: {  	v12 =	vadd.f32 $-7.500000000e-01, v12;
	v9 =	vmul.f32 $1.442695020e+00, v9;
	v19 =	vadd.f32 $-7.500000000e-01, v3;
	v3 =	vld [tilespmem:s25+$0x7EF0]  }
0x68b: {  	v23 =	vld [tilespmem:s26+$0xBED0];
	v11 =	vmul.f32 v11, v16;
	v17 =	vand.u32 $0x7FFFFFFF, v17;
	v6 =	vmul.f32 v6, v15  }
0x68c: {  	(erf) = vpow2.f32 v9;
	v9 =	vadd.f32 $-7.500000000e-01, v13;
	v13 =	vmul.f32 $5.000000000e+00, v17  }
0x68d: {  	v18 =	vmul.f32 $5.000000000e+00, v20;
	v17 =	vmul.f32 $9.538804880e-01, v19;
	v6 =	vadd.f32 $8.865566250e-01, v6  }
0x68e: {  	v20 =	vmul.f32 $9.538804880e-01, v12;
	v13 =	vtrunc.f32 v13  }
0x68f: {  	v16 =	vsub.f32 $8.869645600e-01, v17;
	v6 =	vmul.f32 v6, v15;
	v17 =	vsub.f32 $0.0e+00, v3  }
0x690: {  	v11 =	vsub.f32 v22, v11;
	v14 =	vsub.f32 v14, v23;
	v13 =	vcvt.f32.s32 v13  }
0x691: {  	v16 =	vmul.f32 v16, v19;
	v6 =	vadd.f32 $-1.333342670e+00, v6;
	v17 =	vmul.f32 $1.442695020e+00, v17  }
0x692: {  	v20 =	vsub.f32 $8.869645600e-01, v20;
	v14 =	vand.u32 $0x7FFFFFFF, v14;
	vm14 =	vlt.s32 v13, $0x4  }
0x693: {  	v13 =	vnsel vm14, $0x4, v13;
	v16 =	vadd.f32 $-7.874456040e-01, v16;
	v6 =	vmul.f32 v6, v15  }
0x694: {  	v14 =	vmul.f32 $5.000000000e+00, v14;
	v15 =	vshll.u32 v13, $0x4;
	(erf) = vpow2.f32 v17  }
0x695: {  	v13 =	vld [tilespmem:s30+$0xBE90];
	v15 =	vor.u32 v2, v15;
	v16 =	vmul.f32 v16, v19;
	v6 =	vadd.f32 $2.876902220e-01, v6;
	v17 =	vpop (erf)  }
0x696: {  	v20 =	vmul.f32 v20, v12;
	v17 =	vadd.f32 $1.000000000e+00, v17  }
0x697: {  	v16 =	vadd.f32 $8.865566250e-01, v16;
	v6 =	vadd.f32 v6, v11;
	v11 =	vtrunc.f32 v14  }
0x698: {  	v11 =	vcvt.f32.s32 v11  }
0x699: {  	v20 =	vadd.f32 $-7.874456040e-01, v20;
	(erf) = vrcp.f32 v17;
	v16 =	vmul.f32 v16, v19  }
0x69a: {  	v61 =	vmul.f32 $9.538804880e-01, v9;
	v14 =	vtrunc.f32 v18;
	v18 =	vsub.f32 v21, v13;
	[tilespmem:v15+s19+$0x0] =	vst.idx.add.f32.msk $0xffff, v6  }
0x69b: {  	v62 =	vmax.f32 v10, $0.0e+00;
	[tilespmem:v15+s20+$0x0] =	vst.idx.add.f32.msk $0xffff, v1;
	vm15 =	vlt.s32 v11, $0x4;
	v15 =	vadd.f32 $-1.333342670e+00, v16  }
0x69c: {  	v17 =	vsub.f32 $8.869645600e-01, v61;
	v16 =	vand.u32 $0x7FFFFFFF, v18;
	v11 =	vnsel vm15, $0x4, v11  }
0x69d: {  	v18 =	vmul.f32 v20, v12;
	v6 =	vld [tilespmem:s29+$0x7EB0];
	v11 =	vshll.u32 v11, $0x4;
	v15 =	vmul.f32 v15, v19;
	v20 =	vpop (erf)  }
0x69e: {  	v19 =	vmul.f32 v10, v23;
	v10 =	vor.u32 v2, v11;
	v11 =	vadd.f32 $1.000000000e+00, v20  }
0x69f: {  	v17 =	vmul.f32 v17, v9  }
0x6a0: {  	v20 =	vmul.f32 $5.000000000e+00, v16;
	v63 =	vadd.f32 $2.876902220e-01, v15;
	v19 =	vsub.f32 v62, v19  }
0x6a1: {  	v16 =	vadd.f32 $-7.874456040e-01, v17;
	v15 =	vadd.f32 $8.865566250e-01, v18;
	(erf) = vrcp.f32 v11  }
0x6a2: {  	s1 =	simm.s32 $0xC00;
	v17 =	vtrunc.f32 v20;
	v18 =	vsub.f32 $0.0e+00, v6;
	v19 =	vadd.f32 v63, v19;
	v11 =	vpop (erf)  }
.LBB2_7:
0x6a3: {  	p0 =	sne.s32 s1, $0xF800;
	v16 =	vmul.f32 v16, v9;
	v17 =	vcvt.f32.s32 v17;
	v20 =	vsub.f32 $1.000000000e+00, v11  }
0x6a4: {  	v8 =	vsub.f32 v7, v8;
	v7 =	vmul.f32 v15, v12;
	v15 =	vmul.f32 $1.442695020e+00, v18;
	[tilespmem:v10+s19+$0x0] =	vst.idx.add.f32.msk $0xffff, v19  }
0x6a5: {  	v16 =	vadd.f32 $8.865566250e-01, v16;
	vm0 =	vlt.s32 v17, $0x4;
	v18 =	vmax.f32 v11, v20;
	[tilespmem:v10+s20+$0x0] =	vst.idx.add.f32.msk $0xffff, v1  }
0x6a6: {  	v10 =	vadd.f32 $-1.333342670e+00, v7;
	(erf) = vpow2.f32 v15;
	v15 =	vadd.f32 $-7.500000000e-01, v18;
	v7 =	vld [tilespmem:s26+$0x7EE0]  }
0x6a7: {  	v18 =	vmax.f32 v4, $0.0e+00;
	v4 =	vmul.f32 v4, v13;
	v13 =	vnsel vm0, $0x4, v17  }
0x6a8: {  	v10 =	vmul.f32 v10, v12;
	v12 =	vshll.u32 v13, $0x4;
	v13 =	vmul.f32 $9.538804880e-01, v15  }
0x6a9: {  	v14 =	vcvt.f32.s32 v14;
	v4 =	vsub.f32 v18, v4;
	v12 =	vor.u32 v2, v12;
	v17 =	vld [tilespmem:s28+$0xBEC0]  }
0x6aa: {  	v16 =	vmul.f32 v16, v9;
	v10 =	vadd.f32 $2.876902220e-01, v10;
	v13 =	vsub.f32 $8.869645600e-01, v13;
	v18 =	vpop (erf)  }
0x6ab: {  	v19 =	vsub.f32 $0.0e+00, v7;
	v20 =	vsub.f32 $1.000000000e+00, v18  }
0x6ac: {  	vm0 =	vlt.s32 v14, $0x4;
	v16 =	vadd.f32 $-1.333342670e+00, v16;
	v4 =	vadd.f32 v10, v4  }
0x6ad: {  	v10 =	vmul.f32 v13, v15;
	v13 =	vmul.f32 $1.442695020e+00, v19;
	v19 =	vmax.f32 v18, v20  }
0x6ae: {  	v14 =	vnsel vm0, $0x4, v14;
	[tilespmem:v12+s19+$0x0] =	vst.idx.add.f32.msk $0xffff, v4;
	v4 =	vsub.f32 v11, v17;
	v11 =	vadd.f32 $-7.500000000e-01, v19  }
0x6af: {  	v9 =	vmul.f32 v16, v9;
	v16 =	vadd.f32 $-7.874456040e-01, v10;
	[tilespmem:v12+s20+$0x0] =	vst.idx.add.f32.msk $0xffff, v1;
	v12 =	vpop (erf);
	(erf) = vpow2.f32 v13  }
0x6b0: {  	v10 =	vld [tilespmem:s30+$0x7EA0];
	v12 =	vadd.f32 $1.000000000e+00, v12;
	v4 =	vand.u32 $0x7FFFFFFF, v4;
	v13 =	vmul.f32 $9.538804880e-01, v11  }
0x6b1: {  	v14 =	vshll.u32 v14, $0x4;
	v16 =	vmul.f32 v16, v15;
	v4 =	vmul.f32 $5.000000000e+00, v4;
	v19 =	vld [tilespmem:s25+$0xBEF0];
	s25 =	smov.u32 s26;
	s26 =	smov.u32 s28;
	s28 =	smov.u32 s29  }
0x6b2: {  	v9 =	vadd.f32 $2.876902220e-01, v9;
	s29 =	smov.u32 s30;
	s30 =	smov.u32 s31;
	(erf) = vrcp.f32 v12;
	v12 =	vsub.f32 $8.869645600e-01, v13  }
0x6b3: {  	v13 =	vor.u32 v2, v14;
	v14 =	vadd.f32 $8.865566250e-01, v16;
	v4 =	vtrunc.f32 v4  }
0x6b4: {  	v9 =	vadd.f32 v9, v8;
	v4 =	vcvt.f32.s32 v4;
	v8 =	vmul.f32 v12, v11  }
0x6b5: {  	v16 =	vmax.f32 v5, $0.0e+00;
	v14 =	vmul.f32 v14, v15;
	v12 =	vsub.f32 $0.0e+00, v10  }
0x6b6: {  	vm0 =	vlt.s32 v4, $0x4;
	v18 =	vsub.f32 v18, v19;
	v20 =	vadd.f32 $-7.874456040e-01, v8  }
0x6b7: {  	s31 =	sshra.s32 s1, $0x2;
	v5 =	vmul.f32 v5, v17;
	v14 =	vadd.f32 $-1.333342670e+00, v14;
	v4 =	vnsel vm0, $0x4, v4  }
0x6b8: {  	v8 =	vld [tilespmem:s31+$0x7E80];
	v4 =	vshll.u32 v4, $0x4;
	v17 =	vpop (erf);
	v18 =	vand.u32 $0x7FFFFFFF, v18;
	v20 =	vmul.f32 v20, v11  }
0x6b9: {  	v14 =	vmul.f32 v14, v15;
	v15 =	vadd.f32 $1.000000000e+00, v17;
	v17 =	vmul.f32 $5.000000000e+00, v18  }
0x6ba: {  	v5 =	vsub.f32 v16, v5;
	v16 =	vor.u32 v2, v4;
	v4 =	vadd.f32 $8.865566250e-01, v20  }
0x6bb: {  	v14 =	vadd.f32 $2.876902220e-01, v14;
	v18 =	vpop (erf);
	(erf) = vrcp.f32 v15;
	v15 =	vtrunc.f32 v17  }
0x6bc: {  	[tilespmem:v13+s19+$0x0] =	vst.idx.add.f32.msk $0xffff, v9;
	v9 =	vsub.f32 $1.000000000e+00, v18;
	v17 =	vmul.f32 v4, v11;
	v15 =	vcvt.f32.s32 v15  }
0x6bd: {  	v12 =	vmul.f32 $1.442695020e+00, v12;
	v5 =	vadd.f32 v14, v5;
	v20 =	vsub.f32 $0.0e+00, v8;
	[tilespmem:v13+s20+$0x0] =	vst.idx.add.f32.msk $0xffff, v1  }
0x6be: {  	v4 =	vld [tilespmem:s30+$0x7E90];
	v9 =	vmax.f32 v18, v9;
	v13 =	vadd.f32 $-1.333342670e+00, v17;
	vm0 =	vlt.s32 v15, $0x4  }
0x6bf: {  	(erf) = vpow2.f32 v12;
	v9 =	vadd.f32 $-7.500000000e-01, v9;
	[tilespmem:v16+s19+$0x0] =	vst.idx.add.f32.msk $0xffff, v5;
	v5 =	vnsel vm0, $0x4, v15  }
0x6c0: {  	[tilespmem:v16+s20+$0x0] =	vst.idx.add.f32.msk $0xffff, v1;
	v12 =	vmul.f32 v13, v11;
	v13 =	vmul.f32 v3, v19;
	v5 =	vshll.u32 v5, $0x4  }
0x6c1: {  	v14 =	vmul.f32 $1.442695020e+00, v20;
	v3 =	vmax.f32 v3, $0.0e+00;
	v11 =	vld [tilespmem:s26+$0x7ED0];
	v5 =	vor.u32 v2, v5  }
0x6c2: {  	v17 =	vmul.f32 $9.538804880e-01, v9;
	v15 =	vld [tilespmem:s28+$0xBEB0];
	v12 =	vadd.f32 $2.876902220e-01, v12;
	v3 =	vsub.f32 v3, v13  }
0x6c3: {  	(erf) = vpow2.f32 v14;
	v13 =	vsub.f32 $0.0e+00, v4  }
0x6c4: {  	v14 =	vsub.f32 $8.869645600e-01, v17;
	v16 =	vpop (erf);
	v3 =	vadd.f32 v12, v3  }
0x6c5: {  	v12 =	vmul.f32 $1.442695020e+00, v13  }
0x6c6: {  	v13 =	vmul.f32 v14, v9;
	v17 =	vsub.f32 $1.000000000e+00, v16;
	v14 =	vsub.f32 $0.0e+00, v11;
	[tilespmem:v5+s19+$0x0] =	vst.idx.add.f32.msk $0xffff, v3  }
0x6c7: {  	(erf) = vpow2.f32 v12;
	v3 =	vsub.f32 v18, v15;
	[tilespmem:v5+s20+$0x0] =	vst.idx.add.f32.msk $0xffff, v1  }
0x6c8: {  	v12 =	vadd.f32 $-7.874456040e-01, v13;
	v5 =	vpop (erf);
	v13 =	vmul.f32 $1.442695020e+00, v14;
	v14 =	vmax.f32 v16, v17  }
0x6c9: {  	v5 =	vadd.f32 $1.000000000e+00, v5;
	v14 =	vadd.f32 $-7.500000000e-01, v14  }
0x6ca: {  	v3 =	vand.u32 $0x7FFFFFFF, v3;
	v12 =	vmul.f32 v12, v9;
	(erf) = vpow2.f32 v13  }
0x6cb: {  	v3 =	vmul.f32 $5.000000000e+00, v3;
	v13 =	vmul.f32 $9.538804880e-01, v14  }
0x6cc: {  	v17 =	vpop (erf);
	(erf) = vrcp.f32 v5;
	v5 =	vadd.f32 $8.865566250e-01, v12;
	v12 =	vld [tilespmem:s25+$0xBEE0]  }
0x6cd: {  	v3 =	vtrunc.f32 v3;
	v17 =	vadd.f32 $1.000000000e+00, v17;
	v13 =	vsub.f32 $8.869645600e-01, v13  }
0x6ce: {  	v3 =	vcvt.f32.s32 v3;
	v5 =	vmul.f32 v5, v9  }
0x6cf: {  	(erf) = vrcp.f32 v17;
	v17 =	vmax.f32 v6, $0.0e+00;
	v13 =	vmul.f32 v13, v14  }
0x6d0: {  	v6 =	vmul.f32 v6, v15;
	vm0 =	vlt.s32 v3, $0x4;
	v18 =	vpop (erf);
	v5 =	vadd.f32 $-1.333342670e+00, v5  }
0x6d1: {  	v3 =	vnsel vm0, $0x4, v3;
	v15 =	vsub.f32 v16, v12;
	v13 =	vadd.f32 $-7.874456040e-01, v13  }
0x6d2: {  	v18 =	vadd.f32 $1.000000000e+00, v18;
	v6 =	vsub.f32 v17, v6;
	v3 =	vshll.u32 v3, $0x4  }
0x6d3: {  	v5 =	vmul.f32 v5, v9;
	v9 =	vpop (erf);
	v15 =	vand.u32 $0x7FFFFFFF, v15;
	v13 =	vmul.f32 v13, v14  }
0x6d4: {  	v3 =	vor.u32 v2, v3;
	v9 =	vadd.f32 $1.000000000e+00, v9;
	v15 =	vmul.f32 $5.000000000e+00, v15  }
0x6d5: {  	v5 =	vadd.f32 $2.876902220e-01, v5;
	(erf) = vrcp.f32 v18;
	v16 =	vpop (erf);
	v13 =	vadd.f32 $8.865566250e-01, v13  }
0x6d6: {  	v17 =	vsub.f32 $1.000000000e+00, v16;
	(erf) = vrcp.f32 v9;
	v9 =	vtrunc.f32 v15  }
0x6d7: {  	v5 =	vadd.f32 v5, v6;
	v6 =	vmul.f32 v13, v14;
	v9 =	vcvt.f32.s32 v9  }
0x6d8: {  	v13 =	vld [tilespmem:s31+$0xBE80];
	v15 =	vpop (erf)  }
0x6d9: {  	v17 =	vmax.f32 v16, v17;
	[tilespmem:v3+s19+$0x0] =	vst.idx.add.f32.msk $0xffff, v5;
	v6 =	vadd.f32 $-1.333342670e+00, v6;
	vm0 =	vlt.s32 v9, $0x4  }
0x6da: {  	v18 =	vsub.f32 $1.000000000e+00, v15;
	v17 =	vadd.f32 $-7.500000000e-01, v17;
	[tilespmem:v3+s20+$0x0] =	vst.idx.add.f32.msk $0xffff, v1;
	v3 =	vnsel vm0, $0x4, v9  }
0x6db: {  	v9 =	vmul.f32 v7, v12;
	v5 =	vld [tilespmem:s28+$0x7EC0];
	v6 =	vmul.f32 v6, v14;
	v3 =	vshll.u32 v3, $0x4  }
0x6dc: {  	v19 =	vmax.f32 v7, $0.0e+00;
	v12 =	vmul.f32 $9.538804880e-01, v17;
	v14 =	vld [tilespmem:s29+$0xBEA0];
	v3 =	vor.u32 v2, v3  }
0x6dd: {  	v7 =	vmax.f32 v8, $0.0e+00;
	v9 =	vsub.f32 v19, v9;
	v6 =	vadd.f32 $2.876902220e-01, v6  }
0x6de: {  	v19 =	vsub.f32 v15, v13;
	v8 =	vmul.f32 v8, v13;
	v12 =	vsub.f32 $8.869645600e-01, v12;
	v20 =	vpop (erf)  }
0x6df: {  	v13 =	vmax.f32 v15, v18;
	v15 =	vsub.f32 $1.000000000e+00, v20;
	v18 =	vpop (erf);
	v6 =	vadd.f32 v6, v9  }
0x6e0: {  	v9 =	vmul.f32 v12, v17;
	v12 =	vsub.f32 $0.0e+00, v5;
	v21 =	vsub.f32 $1.000000000e+00, v18  }
0x6e1: {  	v19 =	vand.u32 $0x7FFFFFFF, v19;
	v15 =	vmax.f32 v20, v15;
	v16 =	vsub.f32 v16, v14;
	[tilespmem:v3+s19+$0x0] =	vst.idx.add.f32.msk $0xffff, v6  }
0x6e2: {  	v6 =	vadd.f32 $-7.874456040e-01, v9;
	v9 =	vmul.f32 $1.442695020e+00, v12;
	v21 =	vmax.f32 v18, v21;
	[tilespmem:v3+s20+$0x0] =	vst.idx.add.f32.msk $0xffff, v1  }
0x6e3: {  	v19 =	vmul.f32 $5.000000000e+00, v19;
	v12 =	vadd.f32 $-7.500000000e-01, v15;
	v15 =	vadd.f32 $-7.500000000e-01, v21;
	v3 =	vld [tilespmem:s25+$0x7EF0]  }
0x6e4: {  	v16 =	vand.u32 $0x7FFFFFFF, v16;
	v6 =	vmul.f32 v6, v17;
	(erf) = vpow2.f32 v9  }
0x6e5: {  	v9 =	vadd.f32 $-7.500000000e-01, v13;
	v13 =	vmul.f32 $5.000000000e+00, v16;
	v16 =	vmul.f32 $9.538804880e-01, v15  }
0x6e6: {  	v22 =	vmax.f32 v10, $0.0e+00;
	v21 =	vmul.f32 $9.538804880e-01, v12;
	v6 =	vadd.f32 $8.865566250e-01, v6;
	v23 =	vld [tilespmem:s26+$0xBED0]  }
0x6e7: {  	v10 =	vmul.f32 v10, v14;
	v13 =	vtrunc.f32 v13;
	v14 =	vsub.f32 $8.869645600e-01, v16  }
0x6e8: {  	v6 =	vmul.f32 v6, v17;
	v13 =	vcvt.f32.s32 v13;
	v16 =	vsub.f32 $0.0e+00, v3  }
0x6e9: {  	v10 =	vsub.f32 v22, v10;
	v21 =	vsub.f32 $8.869645600e-01, v21;
	v14 =	vmul.f32 v14, v15  }
0x6ea: {  	v6 =	vadd.f32 $-1.333342670e+00, v6;
	vm0 =	vlt.s32 v13, $0x4;
	v16 =	vmul.f32 $1.442695020e+00, v16  }
0x6eb: {  	v13 =	vnsel vm0, $0x4, v13;
	v18 =	vsub.f32 v18, v23;
	v14 =	vadd.f32 $-7.874456040e-01, v14  }
0x6ec: {  	v6 =	vmul.f32 v6, v17;
	v22 =	vshll.u32 v13, $0x4;
	(erf) = vpow2.f32 v16  }
0x6ed: {  	v16 =	vor.u32 v2, v22;
	v13 =	vld [tilespmem:s30+$0xBE90];
	v17 =	vpop (erf);
	v18 =	vand.u32 $0x7FFFFFFF, v18;
	v14 =	vmul.f32 v14, v15  }
0x6ee: {  	v6 =	vadd.f32 $2.876902220e-01, v6;
	v17 =	vadd.f32 $1.000000000e+00, v17;
	v18 =	vmul.f32 $5.000000000e+00, v18  }
0x6ef: {  	v21 =	vmul.f32 v21, v12;
	v22 =	vmul.f32 $9.538804880e-01, v9;
	v14 =	vadd.f32 $8.865566250e-01, v14  }
0x6f0: {  	v6 =	vadd.f32 v6, v10;
	(erf) = vrcp.f32 v17;
	v10 =	vtrunc.f32 v18  }
0x6f1: {  	v17 =	vsub.f32 $8.869645600e-01, v22;
	v18 =	vmul.f32 v14, v15;
	v10 =	vcvt.f32.s32 v10  }
0x6f2: {  	v21 =	vadd.f32 $-7.874456040e-01, v21;
	v14 =	vtrunc.f32 v19;
	v19 =	vsub.f32 v20, v13;
	[tilespmem:v16+s19+$0x0] =	vst.idx.add.f32.msk $0xffff, v6  }
0x6f3: {  	v17 =	vmul.f32 v17, v9;
	[tilespmem:v16+s20+$0x0] =	vst.idx.add.f32.msk $0xffff, v1;
	v16 =	vadd.f32 $-1.333342670e+00, v18;
	vm0 =	vlt.s32 v10, $0x4  }
0x6f4: {  	v18 =	vand.u32 $0x7FFFFFFF, v19;
	v19 =	vmul.f32 v21, v12;
	v6 =	vld [tilespmem:s29+$0x7EB0];
	v10 =	vnsel vm0, $0x4, v10  }
.Ltmp7:
0x6f5: {  	v15 =	vmul.f32 v16, v15;
	v16 =	vmul.f32 v11, v23;
	v10 =	vshll.u32 v10, $0x4;
	v20 =	vpop (erf);
	(pc) =	sbr.rel @p0 .LBB2_7-.Ltmp7, $4  }
0x6f6: {  	v11 =	vmax.f32 v11, $0.0e+00;
	v10 =	vor.u32 v2, v10;
	v20 =	vadd.f32 $1.000000000e+00, v20  }
0x6f7: {  	v18 =	vmul.f32 $5.000000000e+00, v18;
	v21 =	vadd.f32 $2.876902220e-01, v15;
	v22 =	vsub.f32 v11, v16  }
0x6f8: {  	v16 =	vadd.f32 $-7.874456040e-01, v17;
	v15 =	vadd.f32 $8.865566250e-01, v19;
	(erf) = vrcp.f32 v20  }
0x6f9: {  	s1 =	sadd.s32 $0x200, s1;
	v17 =	vtrunc.f32 v18;
	v18 =	vsub.f32 $0.0e+00, v6;
	v11 =	vpop (erf);
	v19 =	vadd.f32 v21, v22  }
.Ltmp8:
0x6fa: {  	_ = 	snop;
	(pc) =	sbr.rel .LBB2_8-.Ltmp8, $1  }
0x6fb: {  	_ =	sdelay $0x3  }
.LBB2_11:
0x6fc: {  	_ =	sfence.sel $0x180000  }
0x6fd: {  	[bflag:$0x0] =	sbarrier.arrive $0xFFFF  }
0x6fe: {  	_ =	strace $0x90000047  }
0x6ff: {  	[bflag:$0x2] =	sbarrier.arrive $0xFFFF  }
0x700: {  	p0 =	sne.s32 s0, $0x0;
	s0 =	rddreg [dreg:$0x3]  }
0x701: {  	s0 =	sadd.s32 @!p0 $0x100000, s0  }
0x702: {  	[sflag:s0] =	ssyncadd.tile.s32 @!p0 $0x1;
	_ =	shalt  }
.Lfunc_end2:
_tile_overlayer_lowered:
.L_overlay_start_2:
0x703: {  	(tag) =	ssettag $0x2  }
0x704: {  	s0 =	rddreg [dreg:$0x0];
	s2 =	stileid.u32  }
0x705: {  	s1 =	rddreg [dreg:$0x1];
	p0 =	sne.s32 s2, $0x0  }
0x706: {  	s3 =	rddreg [dreg:$0x2];
	[bflag:$0x3] =	sbarrier.arrive $0xFFFF;
	s2 =	simm.s32 @!p0 $0x1C05  }
0x707: {  	[timem:s3], [sflag:s2] =	dma.local @!p0 [hbm:s0], s1  }
0x708: {  	s0 =	simm.s32 @!p0 $0x5  }
0x709: {  	_ =	swait.ge @!p0 [sflag:s0], s1  }
0x70a: {  	s1 =	ssub.s32 @!p0 $0x0, s1;
	[sflag:s0] =	ssyncset.done @!p0 $0x0  }
0x70b: {  	[sflag:s0] =	ssyncadd.s32 @!p0 s1  }
0x70c: {  	[bflag:$0x3] =	sbarrier.arrive $0xFFFF  }
0x70d: {  	_ =	shalt  }

</sc_bundles>
